<compile_context>
chip_gen: v7x
topology: tpu7x:2x2x1
jax: 0.10.2.dev20260603
libtpu: 0.0.44.dev20260713+nightly
codegen_flags: <defaults>
</compile_context>

<pallas_src>
import functools

import jax
import jax.numpy as jnp
from jax import lax
from jax.experimental import pallas as pl
from jax.experimental.pallas import tpu as pltpu
from jax.experimental.pallas import tpu_sc as plsc

DIM = 64
PTS = 65
LPAD = 208
CHUNK = 1024
RPG = 128
NC = 2
NS = 16
NW = NC * NS


def _embed_body(ids_hbm, pos_hbm, tab_hbm, m1_hbm, m2_hbm, out_hbm,
                m1_v, m2_v, pt_v, idx_v, pos_v, rows_v, gsem, wsem):
    wid = lax.axis_index("s") * NC + lax.axis_index("c")
    n = out_hbm.shape[0]
    n_per_w = n // NW
    n_chunks = n_per_w // CHUNK
    base = wid * n_per_w

    pltpu.sync_copy(m1_hbm, m1_v)
    pltpu.sync_copy(m2_hbm, m2_v)

    def build_grp(g, carry):
        p = lax.iota(jnp.int32, 16) + g * 16
        coff = lax.iota(jnp.int32, 16)
        i47 = lax.rem(p, 47)
        i11 = lax.rem(p, 11)
        pbase = p * PTS
        for c in range(DIM):
            colv = (coff + c) & 63
            v = plsc.load_gather(m1_v, [i47, colv]) + plsc.load_gather(m2_v, [i11, colv])
            plsc.store_scatter(pt_v, [pbase + colv], v)
        return carry

    lax.fori_loop(0, LPAD // 16, build_grp, 0)


    half = CHUNK // 2

    def chunk_body(k, carry):
        off = pl.multiple_of(base + k * CHUNK, CHUNK)
        row_off = pl.multiple_of(base // RPG + k * (CHUNK // RPG), CHUNK // RPG)
        pltpu.sync_copy(ids_hbm.at[pl.ds(row_off, CHUNK // RPG)], idx_v)
        gcps = [
            [pltpu.async_copy(tab_hbm.at[idx_v.at[h * (half // RPG) + r]],
                              rows_v.at[h].at[pl.ds(r * RPG, RPG)],
                              gsem[h])
             for r in range(half // RPG)]
            for h in range(2)
        ]
        pltpu.sync_copy(pos_hbm.at[pl.ds(off, CHUNK)], pos_v)
        wcps = []
        for h in range(2):
            for cp in gcps[h]:
                cp.wait()
            half_ref = rows_v.at[h]

            def grp(g, c2):
                p = pos_v[pl.ds(h * half + g * 16, 16)]
                coff = lax.iota(jnp.int32, 16)
                pidx = p * PTS
                ridx = coff + g * 16
                for c0 in range(0, DIM, 8):
                    cols = [(coff + (c0 + i)) & 63 for i in range(8)]
                    vs = [plsc.load_gather(pt_v, [pidx + cols[i]])
                          for i in range(8)]
                    for i in range(8):
                        plsc.addupdate_scatter(half_ref, [ridx, cols[i]], vs[i])
                return c2

            lax.fori_loop(0, half // 16, grp, 0)
            wcps.append(pltpu.async_copy(
                half_ref, out_hbm.at[pl.ds(off + h * half, half)], wsem))
        for cp in wcps:
            cp.wait()
        return carry

    lax.fori_loop(0, n_chunks, chunk_body, 0)


@jax.jit
def _sc_embed(ids2d, pos_flat, subword_table, m1_table, m2_table):
    n = pos_flat.shape[0]
    mesh = plsc.VectorSubcoreMesh(core_axis_name="c", subcore_axis_name="s")
    f = pl.kernel(
        _embed_body,
        out_type=jax.ShapeDtypeStruct((n, DIM), jnp.float32),
        mesh=mesh,
        compiler_params=pltpu.CompilerParams(
            needs_layout_passes=False, use_tc_tiling_on_sc=False),
        scratch_types=[
            pltpu.VMEM((47, DIM), jnp.float32),
            pltpu.VMEM((11, DIM), jnp.float32),
            pltpu.VMEM((LPAD * PTS,), jnp.float32),
            pltpu.VMEM((CHUNK // RPG, RPG), jnp.int32),
            pltpu.VMEM((CHUNK,), jnp.int32),
            pltpu.VMEM((2, CHUNK // 2, DIM), jnp.float32),
            [pltpu.SemaphoreType.DMA, pltpu.SemaphoreType.DMA],
            pltpu.SemaphoreType.DMA,
        ],
    )
    return f(ids2d, pos_flat, subword_table, m1_table, m2_table)


def kernel(input_ids, position_ids, subword_table, m1_table, m2_table):
    b, l = input_ids.shape
    n = b * l
    ids2d = input_ids.reshape(n // RPG, RPG)
    pos_flat = position_ids.reshape(n)
    out = _sc_embed(ids2d, pos_flat, subword_table, m1_table, m2_table)
    return out.reshape(b, l, DIM)

# --- scband reference (transcript-rebuilt; emitter-appended) ---
"""Pipeline reference for scband-subword-embedding-67688684585394 (READ-ONLY COPY).

The authoritative reference and input builder live on the scoring server;
editing this copy changes nothing except your own understanding.
"""

import jax, jax.numpy as jnp
import numpy as np

VOCAB = 100000
DIM = 64
B = 4096
L = 200

def setup_inputs(seed: int = 0) -> dict:
    key = jax.random.key(seed)
    k1, k2, k3, k4, k5 = jax.random.split(key, 5)
    input_ids = jax.random.randint(k1, (B, L), 0, VOCAB, dtype=jnp.int64 if jax.config.jax_enable_x64 else jnp.int32).astype(jnp.int32)
    position_ids = jax.random.randint(k2, (B, L), 0, L, dtype=jnp.int32)
    subword_table = jax.random.normal(k3, (VOCAB, DIM), dtype=jnp.float32) * 0.02
    m1_table = jax.random.normal(k4, (47, DIM), dtype=jnp.float32) * 0.02
    m2_table = jax.random.normal(k5, (11, DIM), dtype=jnp.float32) * 0.02
    return {"input_ids": input_ids, "position_ids": position_ids,
            "subword_table": subword_table, "m1_table": m1_table, "m2_table": m2_table}

def reference(input_ids, position_ids, subword_table, m1_table, m2_table):
    subword_embed = jnp.take(subword_table, input_ids, axis=0)
    m1_positional_embed = jnp.take(m1_table, jnp.mod(position_ids, 47), axis=0)
    m2_positional_embed = jnp.take(m2_table, jnp.mod(position_ids, 11), axis=0)
    embedding = subword_embed + m1_positional_embed + m2_positional_embed
    return embedding

if __name__ == "__main__":
    import jax
    _d = setup_inputs()
    print(jax.jit(kernel)(*tuple(_d.values())))

</pallas_src>

<mosaic_0001>
#map = affine_map<(d0, d1) -> (0, 0)>
#map1 = affine_map<(d0, d1) -> (0)>
module attributes {stable_mosaic.version = 14 : i64} {
  func.func @_embed_body(%arg0: i32, %arg1: i32, %arg2: memref<6400x128xi32, #tpu.memory_space<hbm>>, %arg3: memref<819200xi32, #tpu.memory_space<hbm>>, %arg4: memref<100000x64xf32, #tpu.memory_space<hbm>>, %arg5: memref<47x64xf32, #tpu.memory_space<hbm>>, %arg6: memref<11x64xf32, #tpu.memory_space<hbm>>, %arg7: memref<819200x64xf32, #tpu.memory_space<hbm>>, %arg8: memref<47x64xf32, #tpu.memory_space<vmem>>, %arg9: memref<11x64xf32, #tpu.memory_space<vmem>>, %arg10: memref<13520xf32, #tpu.memory_space<vmem>>, %arg11: memref<8x128xi32, #tpu.memory_space<vmem>>, %arg12: memref<1024xi32, #tpu.memory_space<vmem>>, %arg13: memref<2x512x64xf32, #tpu.memory_space<vmem>>, %arg14: memref<!tpu.dma_semaphore, #tpu.memory_space<semaphore_mem>>, %arg15: memref<!tpu.dma_semaphore, #tpu.memory_space<semaphore_mem>>, %arg16: memref<!tpu.dma_semaphore, #tpu.memory_space<semaphore_mem>>) attributes {dimension_semantics = [#tpu.dimension_semantics<core_parallel>, #tpu.dimension_semantics<subcore_parallel>], iteration_bounds = array<i64: 2, 16>, scalar_prefetch = 0 : i64, scratch_operands = 9 : i64, tpu.core_type = #tpu.core_type<sc_vector_subcore>, window_params = [{transform_indices = #map}, {transform_indices = #map1}, {transform_indices = #map}, {transform_indices = #map}, {transform_indices = #map}, {transform_indices = #map}]} {
    %mul3A = arith.constant 2 : i32
    %mul3A_0 = arith.muli %arg1, %mul3A : i32
    %add3A = arith.addi %mul3A_0, %arg0 : i32
    %mul3A_1 = arith.constant 25600 : i32
    %mul3A_2 = arith.muli %add3A, %mul3A_1 : i32
    "tpu.region"() ({
      %run_scoped3A = tpu.sem_alloc : memref<!tpu.dma_semaphore, #tpu.memory_space<semaphore_mem>>
      tpu.enqueue_dma source(%arg5 : memref<47x64xf32, #tpu.memory_space<hbm>>) target(%arg8 : memref<47x64xf32, #tpu.memory_space<vmem>>) target_semaphore(%run_scoped3A : memref<!tpu.dma_semaphore, #tpu.memory_space<semaphore_mem>>)
      tpu.wait_dma2 semaphore(%run_scoped3A : memref<!tpu.dma_semaphore, #tpu.memory_space<semaphore_mem>>) src(%arg5 : memref<47x64xf32, #tpu.memory_space<hbm>>) dst(%arg8 : memref<47x64xf32, #tpu.memory_space<vmem>>)
      tpu.yield
    }) : () -> ()
    "tpu.region"() ({
      %run_scoped3A = tpu.sem_alloc : memref<!tpu.dma_semaphore, #tpu.memory_space<semaphore_mem>>
      tpu.enqueue_dma source(%arg6 : memref<11x64xf32, #tpu.memory_space<hbm>>) target(%arg9 : memref<11x64xf32, #tpu.memory_space<vmem>>) target_semaphore(%run_scoped3A : memref<!tpu.dma_semaphore, #tpu.memory_space<semaphore_mem>>)
      tpu.wait_dma2 semaphore(%run_scoped3A : memref<!tpu.dma_semaphore, #tpu.memory_space<semaphore_mem>>) src(%arg6 : memref<11x64xf32, #tpu.memory_space<hbm>>) dst(%arg9 : memref<11x64xf32, #tpu.memory_space<vmem>>)
      tpu.yield
    }) : () -> ()
    %scan3A = arith.constant 0 : i32
    %scan3A_3 = arith.constant 0 : i32
    %scan3A_4 = arith.constant 13 : i32
    %scan3A_5 = arith.addi %scan3A_3, %scan3A_4 : i32
    %scan3A_6 = arith.constant 1 : i32
    scf.for %scan3A_14 = %scan3A_3 to %scan3A_5 step %scan3A_6  : i32 {
      %iota3A = tpu.iota {dimensions = array<i32: 0>} : vector<16xi32>
      %mul3A_15 = arith.constant 16 : i32
      %mul3A_16 = arith.muli %scan3A_14, %mul3A_15 : i32
      %add3A_17 = vector.broadcast %mul3A_16 : i32 to vector<16xi32>
      %add3A_18 = arith.addi %iota3A, %add3A_17 : vector<16xi32>
      %iota3A_19 = tpu.iota {dimensions = array<i32: 0>} : vector<16xi32>
      %rem3A = arith.constant 47 : i32
      %rem3A_20 = vector.broadcast %rem3A : i32 to vector<16xi32>
      %rem3A_21 = arith.remsi %add3A_18, %rem3A_20 : vector<16xi32>
      %rem3A_22 = arith.constant 11 : i32
      %rem3A_23 = vector.broadcast %rem3A_22 : i32 to vector<16xi32>
      %rem3A_24 = arith.remsi %add3A_18, %rem3A_23 : vector<16xi32>
      %mul3A_25 = arith.constant 65 : i32
      %mul3A_26 = vector.broadcast %mul3A_25 : i32 to vector<16xi32>
      %mul3A_27 = arith.muli %add3A_18, %mul3A_26 : vector<16xi32>
      %add3A_28 = arith.constant 0 : i32
      %add3A_29 = vector.broadcast %add3A_28 : i32 to vector<16xi32>
      %add3A_30 = arith.addi %iota3A_19, %add3A_29 : vector<16xi32>
      %and3A = arith.constant 63 : i32
      %and3A_31 = vector.broadcast %and3A : i32 to vector<16xi32>
      %and3A_32 = arith.andi %add3A_30, %and3A_31 : vector<16xi32>
      %gather3A = tpu.vector_load_idx %arg8[%rem3A_21, %and3A_32] : memref<47x64xf32, #tpu.memory_space<vmem>>[vector<16xi32>, vector<16xi32>], vector<16xf32>,
      %gather3A_33 = tpu.vector_load_idx %arg9[%rem3A_24, %and3A_32] : memref<11x64xf32, #tpu.memory_space<vmem>>[vector<16xi32>, vector<16xi32>], vector<16xf32>,
      %add3A_34 = arith.addf %gather3A, %gather3A_33 : vector<16xf32>
      %add3A_35 = arith.addi %mul3A_27, %and3A_32 : vector<16xi32>
      tpu.vector_store_idx %arg10[%add3A_35], %add3A_34 : memref<13520xf32, #tpu.memory_space<vmem>>[vector<16xi32>], vector<16xf32>,
      %add3A_36 = arith.constant 1 : i32
      %add3A_37 = vector.broadcast %add3A_36 : i32 to vector<16xi32>
      %add3A_38 = arith.addi %iota3A_19, %add3A_37 : vector<16xi32>
      %and3A_39 = arith.constant 63 : i32
      %and3A_40 = vector.broadcast %and3A_39 : i32 to vector<16xi32>
      %and3A_41 = arith.andi %add3A_38, %and3A_40 : vector<16xi32>
      %gather3A_42 = tpu.vector_load_idx %arg8[%rem3A_21, %and3A_41] : memref<47x64xf32, #tpu.memory_space<vmem>>[vector<16xi32>, vector<16xi32>], vector<16xf32>,
      %gather3A_43 = tpu.vector_load_idx %arg9[%rem3A_24, %and3A_41] : memref<11x64xf32, #tpu.memory_space<vmem>>[vector<16xi32>, vector<16xi32>], vector<16xf32>,
      %add3A_44 = arith.addf %gather3A_42, %gather3A_43 : vector<16xf32>
      %add3A_45 = arith.addi %mul3A_27, %and3A_41 : vector<16xi32>
      tpu.vector_store_idx %arg10[%add3A_45], %add3A_44 : memref<13520xf32, #tpu.memory_space<vmem>>[vector<16xi32>], vector<16xf32>,
      %add3A_46 = arith.constant 2 : i32
      %add3A_47 = vector.broadcast %add3A_46 : i32 to vector<16xi32>
      %add3A_48 = arith.addi %iota3A_19, %add3A_47 : vector<16xi32>
      %and3A_49 = arith.constant 63 : i32
      %and3A_50 = vector.broadcast %and3A_49 : i32 to vector<16xi32>
      %and3A_51 = arith.andi %add3A_48, %and3A_50 : vector<16xi32>
      %gather3A_52 = tpu.vector_load_idx %arg8[%rem3A_21, %and3A_51] : memref<47x64xf32, #tpu.memory_space<vmem>>[vector<16xi32>, vector<16xi32>], vector<16xf32>,
      %gather3A_53 = tpu.vector_load_idx %arg9[%rem3A_24, %and3A_51] : memref<11x64xf32, #tpu.memory_space<vmem>>[vector<16xi32>, vector<16xi32>], vector<16xf32>,
      %add3A_54 = arith.addf %gather3A_52, %gather3A_53 : vector<16xf32>
      %add3A_55 = arith.addi %mul3A_27, %and3A_51 : vector<16xi32>
      tpu.vector_store_idx %arg10[%add3A_55], %add3A_54 : memref<13520xf32, #tpu.memory_space<vmem>>[vector<16xi32>], vector<16xf32>,
      %add3A_56 = arith.constant 3 : i32
      %add3A_57 = vector.broadcast %add3A_56 : i32 to vector<16xi32>
      %add3A_58 = arith.addi %iota3A_19, %add3A_57 : vector<16xi32>
      %and3A_59 = arith.constant 63 : i32
      %and3A_60 = vector.broadcast %and3A_59 : i32 to vector<16xi32>
      %and3A_61 = arith.andi %add3A_58, %and3A_60 : vector<16xi32>
      %gather3A_62 = tpu.vector_load_idx %arg8[%rem3A_21, %and3A_61] : memref<47x64xf32, #tpu.memory_space<vmem>>[vector<16xi32>, vector<16xi32>], vector<16xf32>,
      %gather3A_63 = tpu.vector_load_idx %arg9[%rem3A_24, %and3A_61] : memref<11x64xf32, #tpu.memory_space<vmem>>[vector<16xi32>, vector<16xi32>], vector<16xf32>,
      %add3A_64 = arith.addf %gather3A_62, %gather3A_63 : vector<16xf32>
      %add3A_65 = arith.addi %mul3A_27, %and3A_61 : vector<16xi32>
      tpu.vector_store_idx %arg10[%add3A_65], %add3A_64 : memref<13520xf32, #tpu.memory_space<vmem>>[vector<16xi32>], vector<16xf32>,
      %add3A_66 = arith.constant 4 : i32
      %add3A_67 = vector.broadcast %add3A_66 : i32 to vector<16xi32>
      %add3A_68 = arith.addi %iota3A_19, %add3A_67 : vector<16xi32>
      %and3A_69 = arith.constant 63 : i32
      %and3A_70 = vector.broadcast %and3A_69 : i32 to vector<16xi32>
      %and3A_71 = arith.andi %add3A_68, %and3A_70 : vector<16xi32>
      %gather3A_72 = tpu.vector_load_idx %arg8[%rem3A_21, %and3A_71] : memref<47x64xf32, #tpu.memory_space<vmem>>[vector<16xi32>, vector<16xi32>], vector<16xf32>,
      %gather3A_73 = tpu.vector_load_idx %arg9[%rem3A_24, %and3A_71] : memref<11x64xf32, #tpu.memory_space<vmem>>[vector<16xi32>, vector<16xi32>], vector<16xf32>,
      %add3A_74 = arith.addf %gather3A_72, %gather3A_73 : vector<16xf32>
      %add3A_75 = arith.addi %mul3A_27, %and3A_71 : vector<16xi32>
      tpu.vector_store_idx %arg10[%add3A_75], %add3A_74 : memref<13520xf32, #tpu.memory_space<vmem>>[vector<16xi32>], vector<16xf32>,
      %add3A_76 = arith.constant 5 : i32
      %add3A_77 = vector.broadcast %add3A_76 : i32 to vector<16xi32>
      %add3A_78 = arith.addi %iota3A_19, %add3A_77 : vector<16xi32>
      %and3A_79 = arith.constant 63 : i32
      %and3A_80 = vector.broadcast %and3A_79 : i32 to vector<16xi32>
      %and3A_81 = arith.andi %add3A_78, %and3A_80 : vector<16xi32>
      %gather3A_82 = tpu.vector_load_idx %arg8[%rem3A_21, %and3A_81] : memref<47x64xf32, #tpu.memory_space<vmem>>[vector<16xi32>, vector<16xi32>], vector<16xf32>,
      %gather3A_83 = tpu.vector_load_idx %arg9[%rem3A_24, %and3A_81] : memref<11x64xf32, #tpu.memory_space<vmem>>[vector<16xi32>, vector<16xi32>], vector<16xf32>,
      %add3A_84 = arith.addf %gather3A_82, %gather3A_83 : vector<16xf32>
      %add3A_85 = arith.addi %mul3A_27, %and3A_81 : vector<16xi32>
      tpu.vector_store_idx %arg10[%add3A_85], %add3A_84 : memref<13520xf32, #tpu.memory_space<vmem>>[vector<16xi32>], vector<16xf32>,
      %add3A_86 = arith.constant 6 : i32
      %add3A_87 = vector.broadcast %add3A_86 : i32 to vector<16xi32>
      %add3A_88 = arith.addi %iota3A_19, %add3A_87 : vector<16xi32>
      %and3A_89 = arith.constant 63 : i32
      %and3A_90 = vector.broadcast %and3A_89 : i32 to vector<16xi32>
      %and3A_91 = arith.andi %add3A_88, %and3A_90 : vector<16xi32>
      %gather3A_92 = tpu.vector_load_idx %arg8[%rem3A_21, %and3A_91] : memref<47x64xf32, #tpu.memory_space<vmem>>[vector<16xi32>, vector<16xi32>], vector<16xf32>,
      %gather3A_93 = tpu.vector_load_idx %arg9[%rem3A_24, %and3A_91] : memref<11x64xf32, #tpu.memory_space<vmem>>[vector<16xi32>, vector<16xi32>], vector<16xf32>,
      %add3A_94 = arith.addf %gather3A_92, %gather3A_93 : vector<16xf32>
      %add3A_95 = arith.addi %mul3A_27, %and3A_91 : vector<16xi32>
      tpu.vector_store_idx %arg10[%add3A_95], %add3A_94 : memref<13520xf32, #tpu.memory_space<vmem>>[vector<16xi32>], vector<16xf32>,
      %add3A_96 = arith.constant 7 : i32
      %add3A_97 = vector.broadcast %add3A_96 : i32 to vector<16xi32>
      %add3A_98 = arith.addi %iota3A_19, %add3A_97 : vector<16xi32>
      %and3A_99 = arith.constant 63 : i32
      %and3A_100 = vector.broadcast %and3A_99 : i32 to vector<16xi32>
      %and3A_101 = arith.andi %add3A_98, %and3A_100 : vector<16xi32>
      %gather3A_102 = tpu.vector_load_idx %arg8[%rem3A_21, %and3A_101] : memref<47x64xf32, #tpu.memory_space<vmem>>[vector<16xi32>, vector<16xi32>], vector<16xf32>,
      %gather3A_103 = tpu.vector_load_idx %arg9[%rem3A_24, %and3A_101] : memref<11x64xf32, #tpu.memory_space<vmem>>[vector<16xi32>, vector<16xi32>], vector<16xf32>,
      %add3A_104 = arith.addf %gather3A_102, %gather3A_103 : vector<16xf32>
      %add3A_105 = arith.addi %mul3A_27, %and3A_101 : vector<16xi32>
      tpu.vector_store_idx %arg10[%add3A_105], %add3A_104 : memref<13520xf32, #tpu.memory_space<vmem>>[vector<16xi32>], vector<16xf32>,
      %add3A_106 = arith.constant 8 : i32
      %add3A_107 = vector.broadcast %add3A_106 : i32 to vector<16xi32>
      %add3A_108 = arith.addi %iota3A_19, %add3A_107 : vector<16xi32>
      %and3A_109 = arith.constant 63 : i32
      %and3A_110 = vector.broadcast %and3A_109 : i32 to vector<16xi32>
      %and3A_111 = arith.andi %add3A_108, %and3A_110 : vector<16xi32>
      %gather3A_112 = tpu.vector_load_idx %arg8[%rem3A_21, %and3A_111] : memref<47x64xf32, #tpu.memory_space<vmem>>[vector<16xi32>, vector<16xi32>], vector<16xf32>,
      %gather3A_113 = tpu.vector_load_idx %arg9[%rem3A_24, %and3A_111] : memref<11x64xf32, #tpu.memory_space<vmem>>[vector<16xi32>, vector<16xi32>], vector<16xf32>,
      %add3A_114 = arith.addf %gather3A_112, %gather3A_113 : vector<16xf32>
      %add3A_115 = arith.addi %mul3A_27, %and3A_111 : vector<16xi32>
      tpu.vector_store_idx %arg10[%add3A_115], %add3A_114 : memref<13520xf32, #tpu.memory_space<vmem>>[vector<16xi32>], vector<16xf32>,
      %add3A_116 = arith.constant 9 : i32
      %add3A_117 = vector.broadcast %add3A_116 : i32 to vector<16xi32>
      %add3A_118 = arith.addi %iota3A_19, %add3A_117 : vector<16xi32>
      %and3A_119 = arith.constant 63 : i32
      %and3A_120 = vector.broadcast %and3A_119 : i32 to vector<16xi32>
      %and3A_121 = arith.andi %add3A_118, %and3A_120 : vector<16xi32>
      %gather3A_122 = tpu.vector_load_idx %arg8[%rem3A_21, %and3A_121] : memref<47x64xf32, #tpu.memory_space<vmem>>[vector<16xi32>, vector<16xi32>], vector<16xf32>,
      %gather3A_123 = tpu.vector_load_idx %arg9[%rem3A_24, %and3A_121] : memref<11x64xf32, #tpu.memory_space<vmem>>[vector<16xi32>, vector<16xi32>], vector<16xf32>,
      %add3A_124 = arith.addf %gather3A_122, %gather3A_123 : vector<16xf32>
      %add3A_125 = arith.addi %mul3A_27, %and3A_121 : vector<16xi32>
      tpu.vector_store_idx %arg10[%add3A_125], %add3A_124 : memref<13520xf32, #tpu.memory_space<vmem>>[vector<16xi32>], vector<16xf32>,
      %add3A_126 = arith.constant 10 : i32
      %add3A_127 = vector.broadcast %add3A_126 : i32 to vector<16xi32>
      %add3A_128 = arith.addi %iota3A_19, %add3A_127 : vector<16xi32>
      %and3A_129 = arith.constant 63 : i32
      %and3A_130 = vector.broadcast %and3A_129 : i32 to vector<16xi32>
      %and3A_131 = arith.andi %add3A_128, %and3A_130 : vector<16xi32>
      %gather3A_132 = tpu.vector_load_idx %arg8[%rem3A_21, %and3A_131] : memref<47x64xf32, #tpu.memory_space<vmem>>[vector<16xi32>, vector<16xi32>], vector<16xf32>,
      %gather3A_133 = tpu.vector_load_idx %arg9[%rem3A_24, %and3A_131] : memref<11x64xf32, #tpu.memory_space<vmem>>[vector<16xi32>, vector<16xi32>], vector<16xf32>,
      %add3A_134 = arith.addf %gather3A_132, %gather3A_133 : vector<16xf32>
      %add3A_135 = arith.addi %mul3A_27, %and3A_131 : vector<16xi32>
      tpu.vector_store_idx %arg10[%add3A_135], %add3A_134 : memref<13520xf32, #tpu.memory_space<vmem>>[vector<16xi32>], vector<16xf32>,
      %add3A_136 = arith.constant 11 : i32
      %add3A_137 = vector.broadcast %add3A_136 : i32 to vector<16xi32>
      %add3A_138 = arith.addi %iota3A_19, %add3A_137 : vector<16xi32>
      %and3A_139 = arith.constant 63 : i32
      %and3A_140 = vector.broadcast %and3A_139 : i32 to vector<16xi32>
      %and3A_141 = arith.andi %add3A_138, %and3A_140 : vector<16xi32>
      %gather3A_142 = tpu.vector_load_idx %arg8[%rem3A_21, %and3A_141] : memref<47x64xf32, #tpu.memory_space<vmem>>[vector<16xi32>, vector<16xi32>], vector<16xf32>,
      %gather3A_143 = tpu.vector_load_idx %arg9[%rem3A_24, %and3A_141] : memref<11x64xf32, #tpu.memory_space<vmem>>[vector<16xi32>, vector<16xi32>], vector<16xf32>,
      %add3A_144 = arith.addf %gather3A_142, %gather3A_143 : vector<16xf32>
      %add3A_145 = arith.addi %mul3A_27, %and3A_141 : vector<16xi32>
      tpu.vector_store_idx %arg10[%add3A_145], %add3A_144 : memref<13520xf32, #tpu.memory_space<vmem>>[vector<16xi32>], vector<16xf32>,
      %add3A_146 = arith.constant 12 : i32
      %add3A_147 = vector.broadcast %add3A_146 : i32 to vector<16xi32>
      %add3A_148 = arith.addi %iota3A_19, %add3A_147 : vector<16xi32>
      %and3A_149 = arith.constant 63 : i32
      %and3A_150 = vector.broadcast %and3A_149 : i32 to vector<16xi32>
      %and3A_151 = arith.andi %add3A_148, %and3A_150 : vector<16xi32>
      %gather3A_152 = tpu.vector_load_idx %arg8[%rem3A_21, %and3A_151] : memref<47x64xf32, #tpu.memory_space<vmem>>[vector<16xi32>, vector<16xi32>], vector<16xf32>,
      %gather3A_153 = tpu.vector_load_idx %arg9[%rem3A_24, %and3A_151] : memref<11x64xf32, #tpu.memory_space<vmem>>[vector<16xi32>, vector<16xi32>], vector<16xf32>,
      %add3A_154 = arith.addf %gather3A_152, %gather3A_153 : vector<16xf32>
      %add3A_155 = arith.addi %mul3A_27, %and3A_151 : vector<16xi32>
      tpu.vector_store_idx %arg10[%add3A_155], %add3A_154 : memref<13520xf32, #tpu.memory_space<vmem>>[vector<16xi32>], vector<16xf32>,
      %add3A_156 = arith.constant 13 : i32
      %add3A_157 = vector.broadcast %add3A_156 : i32 to vector<16xi32>
      %add3A_158 = arith.addi %iota3A_19, %add3A_157 : vector<16xi32>
      %and3A_159 = arith.constant 63 : i32
      %and3A_160 = vector.broadcast %and3A_159 : i32 to vector<16xi32>
      %and3A_161 = arith.andi %add3A_158, %and3A_160 : vector<16xi32>
      %gather3A_162 = tpu.vector_load_idx %arg8[%rem3A_21, %and3A_161] : memref<47x64xf32, #tpu.memory_space<vmem>>[vector<16xi32>, vector<16xi32>], vector<16xf32>,
      %gather3A_163 = tpu.vector_load_idx %arg9[%rem3A_24, %and3A_161] : memref<11x64xf32, #tpu.memory_space<vmem>>[vector<16xi32>, vector<16xi32>], vector<16xf32>,
      %add3A_164 = arith.addf %gather3A_162, %gather3A_163 : vector<16xf32>
      %add3A_165 = arith.addi %mul3A_27, %and3A_161 : vector<16xi32>
      tpu.vector_store_idx %arg10[%add3A_165], %add3A_164 : memref<13520xf32, #tpu.memory_space<vmem>>[vector<16xi32>], vector<16xf32>,
      %add3A_166 = arith.constant 14 : i32
      %add3A_167 = vector.broadcast %add3A_166 : i32 to vector<16xi32>
      %add3A_168 = arith.addi %iota3A_19, %add3A_167 : vector<16xi32>
      %and3A_169 = arith.constant 63 : i32
      %and3A_170 = vector.broadcast %and3A_169 : i32 to vector<16xi32>
      %and3A_171 = arith.andi %add3A_168, %and3A_170 : vector<16xi32>
      %gather3A_172 = tpu.vector_load_idx %arg8[%rem3A_21, %and3A_171] : memref<47x64xf32, #tpu.memory_space<vmem>>[vector<16xi32>, vector<16xi32>], vector<16xf32>,
      %gather3A_173 = tpu.vector_load_idx %arg9[%rem3A_24, %and3A_171] : memref<11x64xf32, #tpu.memory_space<vmem>>[vector<16xi32>, vector<16xi32>], vector<16xf32>,
      %add3A_174 = arith.addf %gather3A_172, %gather3A_173 : vector<16xf32>
      %add3A_175 = arith.addi %mul3A_27, %and3A_171 : vector<16xi32>
      tpu.vector_store_idx %arg10[%add3A_175], %add3A_174 : memref<13520xf32, #tpu.memory_space<vmem>>[vector<16xi32>], vector<16xf32>,
      %add3A_176 = arith.constant 15 : i32
      %add3A_177 = vector.broadcast %add3A_176 : i32 to vector<16xi32>
      %add3A_178 = arith.addi %iota3A_19, %add3A_177 : vector<16xi32>
      %and3A_179 = arith.constant 63 : i32
      %and3A_180 = vector.broadcast %and3A_179 : i32 to vector<16xi32>
      %and3A_181 = arith.andi %add3A_178, %and3A_180 : vector<16xi32>
      %gather3A_182 = tpu.vector_load_idx %arg8[%rem3A_21, %and3A_181] : memref<47x64xf32, #tpu.memory_space<vmem>>[vector<16xi32>, vector<16xi32>], vector<16xf32>,
      %gather3A_183 = tpu.vector_load_idx %arg9[%rem3A_24, %and3A_181] : memref<11x64xf32, #tpu.memory_space<vmem>>[vector<16xi32>, vector<16xi32>], vector<16xf32>,
      %add3A_184 = arith.addf %gather3A_182, %gather3A_183 : vector<16xf32>
      %add3A_185 = arith.addi %mul3A_27, %and3A_181 : vector<16xi32>
      tpu.vector_store_idx %arg10[%add3A_185], %add3A_184 : memref<13520xf32, #tpu.memory_space<vmem>>[vector<16xi32>], vector<16xf32>,
      %add3A_186 = arith.constant 16 : i32
      %add3A_187 = vector.broadcast %add3A_186 : i32 to vector<16xi32>
      %add3A_188 = arith.addi %iota3A_19, %add3A_187 : vector<16xi32>
      %and3A_189 = arith.constant 63 : i32
      %and3A_190 = vector.broadcast %and3A_189 : i32 to vector<16xi32>
      %and3A_191 = arith.andi %add3A_188, %and3A_190 : vector<16xi32>
      %gather3A_192 = tpu.vector_load_idx %arg8[%rem3A_21, %and3A_191] : memref<47x64xf32, #tpu.memory_space<vmem>>[vector<16xi32>, vector<16xi32>], vector<16xf32>,
      %gather3A_193 = tpu.vector_load_idx %arg9[%rem3A_24, %and3A_191] : memref<11x64xf32, #tpu.memory_space<vmem>>[vector<16xi32>, vector<16xi32>], vector<16xf32>,
      %add3A_194 = arith.addf %gather3A_192, %gather3A_193 : vector<16xf32>
      %add3A_195 = arith.addi %mul3A_27, %and3A_191 : vector<16xi32>
      tpu.vector_store_idx %arg10[%add3A_195], %add3A_194 : memref<13520xf32, #tpu.memory_space<vmem>>[vector<16xi32>], vector<16xf32>,
      %add3A_196 = arith.constant 17 : i32
      %add3A_197 = vector.broadcast %add3A_196 : i32 to vector<16xi32>
      %add3A_198 = arith.addi %iota3A_19, %add3A_197 : vector<16xi32>
      %and3A_199 = arith.constant 63 : i32
      %and3A_200 = vector.broadcast %and3A_199 : i32 to vector<16xi32>
      %and3A_201 = arith.andi %add3A_198, %and3A_200 : vector<16xi32>
      %gather3A_202 = tpu.vector_load_idx %arg8[%rem3A_21, %and3A_201] : memref<47x64xf32, #tpu.memory_space<vmem>>[vector<16xi32>, vector<16xi32>], vector<16xf32>,
      %gather3A_203 = tpu.vector_load_idx %arg9[%rem3A_24, %and3A_201] : memref<11x64xf32, #tpu.memory_space<vmem>>[vector<16xi32>, vector<16xi32>], vector<16xf32>,
      %add3A_204 = arith.addf %gather3A_202, %gather3A_203 : vector<16xf32>
      %add3A_205 = arith.addi %mul3A_27, %and3A_201 : vector<16xi32>
      tpu.vector_store_idx %arg10[%add3A_205], %add3A_204 : memref<13520xf32, #tpu.memory_space<vmem>>[vector<16xi32>], vector<16xf32>,
      %add3A_206 = arith.constant 18 : i32
      %add3A_207 = vector.broadcast %add3A_206 : i32 to vector<16xi32>
      %add3A_208 = arith.addi %iota3A_19, %add3A_207 : vector<16xi32>
      %and3A_209 = arith.constant 63 : i32
      %and3A_210 = vector.broadcast %and3A_209 : i32 to vector<16xi32>
      %and3A_211 = arith.andi %add3A_208, %and3A_210 : vector<16xi32>
      %gather3A_212 = tpu.vector_load_idx %arg8[%rem3A_21, %and3A_211] : memref<47x64xf32, #tpu.memory_space<vmem>>[vector<16xi32>, vector<16xi32>], vector<16xf32>,
      %gather3A_213 = tpu.vector_load_idx %arg9[%rem3A_24, %and3A_211] : memref<11x64xf32, #tpu.memory_space<vmem>>[vector<16xi32>, vector<16xi32>], vector<16xf32>,
      %add3A_214 = arith.addf %gather3A_212, %gather3A_213 : vector<16xf32>
      %add3A_215 = arith.addi %mul3A_27, %and3A_211 : vector<16xi32>
      tpu.vector_store_idx %arg10[%add3A_215], %add3A_214 : memref<13520xf32, #tpu.memory_space<vmem>>[vector<16xi32>], vector<16xf32>,
      %add3A_216 = arith.constant 19 : i32
      %add3A_217 = vector.broadcast %add3A_216 : i32 to vector<16xi32>
      %add3A_218 = arith.addi %iota3A_19, %add3A_217 : vector<16xi32>
      %and3A_219 = arith.constant 63 : i32
      %and3A_220 = vector.broadcast %and3A_219 : i32 to vector<16xi32>
      %and3A_221 = arith.andi %add3A_218, %and3A_220 : vector<16xi32>
      %gather3A_222 = tpu.vector_load_idx %arg8[%rem3A_21, %and3A_221] : memref<47x64xf32, #tpu.memory_space<vmem>>[vector<16xi32>, vector<16xi32>], vector<16xf32>,
      %gather3A_223 = tpu.vector_load_idx %arg9[%rem3A_24, %and3A_221] : memref<11x64xf32, #tpu.memory_space<vmem>>[vector<16xi32>, vector<16xi32>], vector<16xf32>,
      %add3A_224 = arith.addf %gather3A_222, %gather3A_223 : vector<16xf32>
      %add3A_225 = arith.addi %mul3A_27, %and3A_221 : vector<16xi32>
      tpu.vector_store_idx %arg10[%add3A_225], %add3A_224 : memref<13520xf32, #tpu.memory_space<vmem>>[vector<16xi32>], vector<16xf32>,
      %add3A_226 = arith.constant 20 : i32
      %add3A_227 = vector.broadcast %add3A_226 : i32 to vector<16xi32>
      %add3A_228 = arith.addi %iota3A_19, %add3A_227 : vector<16xi32>
      %and3A_229 = arith.constant 63 : i32
      %and3A_230 = vector.broadcast %and3A_229 : i32 to vector<16xi32>
      %and3A_231 = arith.andi %add3A_228, %and3A_230 : vector<16xi32>
      %gather3A_232 = tpu.vector_load_idx %arg8[%rem3A_21, %and3A_231] : memref<47x64xf32, #tpu.memory_space<vmem>>[vector<16xi32>, vector<16xi32>], vector<16xf32>,
      %gather3A_233 = tpu.vector_load_idx %arg9[%rem3A_24, %and3A_231] : memref<11x64xf32, #tpu.memory_space<vmem>>[vector<16xi32>, vector<16xi32>], vector<16xf32>,
      %add3A_234 = arith.addf %gather3A_232, %gather3A_233 : vector<16xf32>
      %add3A_235 = arith.addi %mul3A_27, %and3A_231 : vector<16xi32>
      tpu.vector_store_idx %arg10[%add3A_235], %add3A_234 : memref<13520xf32, #tpu.memory_space<vmem>>[vector<16xi32>], vector<16xf32>,
      %add3A_236 = arith.constant 21 : i32
      %add3A_237 = vector.broadcast %add3A_236 : i32 to vector<16xi32>
      %add3A_238 = arith.addi %iota3A_19, %add3A_237 : vector<16xi32>
      %and3A_239 = arith.constant 63 : i32
      %and3A_240 = vector.broadcast %and3A_239 : i32 to vector<16xi32>
      %and3A_241 = arith.andi %add3A_238, %and3A_240 : vector<16xi32>
      %gather3A_242 = tpu.vector_load_idx %arg8[%rem3A_21, %and3A_241] : memref<47x64xf32, #tpu.memory_space<vmem>>[vector<16xi32>, vector<16xi32>], vector<16xf32>,
      %gather3A_243 = tpu.vector_load_idx %arg9[%rem3A_24, %and3A_241] : memref<11x64xf32, #tpu.memory_space<vmem>>[vector<16xi32>, vector<16xi32>], vector<16xf32>,
      %add3A_244 = arith.addf %gather3A_242, %gather3A_243 : vector<16xf32>
      %add3A_245 = arith.addi %mul3A_27, %and3A_241 : vector<16xi32>
      tpu.vector_store_idx %arg10[%add3A_245], %add3A_244 : memref<13520xf32, #tpu.memory_space<vmem>>[vector<16xi32>], vector<16xf32>,
      %add3A_246 = arith.constant 22 : i32
      %add3A_247 = vector.broadcast %add3A_246 : i32 to vector<16xi32>
      %add3A_248 = arith.addi %iota3A_19, %add3A_247 : vector<16xi32>
      %and3A_249 = arith.constant 63 : i32
      %and3A_250 = vector.broadcast %and3A_249 : i32 to vector<16xi32>
      %and3A_251 = arith.andi %add3A_248, %and3A_250 : vector<16xi32>
      %gather3A_252 = tpu.vector_load_idx %arg8[%rem3A_21, %and3A_251] : memref<47x64xf32, #tpu.memory_space<vmem>>[vector<16xi32>, vector<16xi32>], vector<16xf32>,
      %gather3A_253 = tpu.vector_load_idx %arg9[%rem3A_24, %and3A_251] : memref<11x64xf32, #tpu.memory_space<vmem>>[vector<16xi32>, vector<16xi32>], vector<16xf32>,
      %add3A_254 = arith.addf %gather3A_252, %gather3A_253 : vector<16xf32>
      %add3A_255 = arith.addi %mul3A_27, %and3A_251 : vector<16xi32>
      tpu.vector_store_idx %arg10[%add3A_255], %add3A_254 : memref<13520xf32, #tpu.memory_space<vmem>>[vector<16xi32>], vector<16xf32>,
      %add3A_256 = arith.constant 23 : i32
      %add3A_257 = vector.broadcast %add3A_256 : i32 to vector<16xi32>
      %add3A_258 = arith.addi %iota3A_19, %add3A_257 : vector<16xi32>
      %and3A_259 = arith.constant 63 : i32
      %and3A_260 = vector.broadcast %and3A_259 : i32 to vector<16xi32>
      %and3A_261 = arith.andi %add3A_258, %and3A_260 : vector<16xi32>
      %gather3A_262 = tpu.vector_load_idx %arg8[%rem3A_21, %and3A_261] : memref<47x64xf32, #tpu.memory_space<vmem>>[vector<16xi32>, vector<16xi32>], vector<16xf32>,
      %gather3A_263 = tpu.vector_load_idx %arg9[%rem3A_24, %and3A_261] : memref<11x64xf32, #tpu.memory_space<vmem>>[vector<16xi32>, vector<16xi32>], vector<16xf32>,
      %add3A_264 = arith.addf %gather3A_262, %gather3A_263 : vector<16xf32>
      %add3A_265 = arith.addi %mul3A_27, %and3A_261 : vector<16xi32>
      tpu.vector_store_idx %arg10[%add3A_265], %add3A_264 : memref<13520xf32, #tpu.memory_space<vmem>>[vector<16xi32>], vector<16xf32>,
      %add3A_266 = arith.constant 24 : i32
      %add3A_267 = vector.broadcast %add3A_266 : i32 to vector<16xi32>
      %add3A_268 = arith.addi %iota3A_19, %add3A_267 : vector<16xi32>
      %and3A_269 = arith.constant 63 : i32
      %and3A_270 = vector.broadcast %and3A_269 : i32 to vector<16xi32>
      %and3A_271 = arith.andi %add3A_268, %and3A_270 : vector<16xi32>
      %gather3A_272 = tpu.vector_load_idx %arg8[%rem3A_21, %and3A_271] : memref<47x64xf32, #tpu.memory_space<vmem>>[vector<16xi32>, vector<16xi32>], vector<16xf32>,
      %gather3A_273 = tpu.vector_load_idx %arg9[%rem3A_24, %and3A_271] : memref<11x64xf32, #tpu.memory_space<vmem>>[vector<16xi32>, vector<16xi32>], vector<16xf32>,
      %add3A_274 = arith.addf %gather3A_272, %gather3A_273 : vector<16xf32>
      %add3A_275 = arith.addi %mul3A_27, %and3A_271 : vector<16xi32>
      tpu.vector_store_idx %arg10[%add3A_275], %add3A_274 : memref<13520xf32, #tpu.memory_space<vmem>>[vector<16xi32>], vector<16xf32>,
      %add3A_276 = arith.constant 25 : i32
      %add3A_277 = vector.broadcast %add3A_276 : i32 to vector<16xi32>
      %add3A_278 = arith.addi %iota3A_19, %add3A_277 : vector<16xi32>
      %and3A_279 = arith.constant 63 : i32
      %and3A_280 = vector.broadcast %and3A_279 : i32 to vector<16xi32>
      %and3A_281 = arith.andi %add3A_278, %and3A_280 : vector<16xi32>
      %gather3A_282 = tpu.vector_load_idx %arg8[%rem3A_21, %and3A_281] : memref<47x64xf32, #tpu.memory_space<vmem>>[vector<16xi32>, vector<16xi32>], vector<16xf32>,
      %gather3A_283 = tpu.vector_load_idx %arg9[%rem3A_24, %and3A_281] : memref<11x64xf32, #tpu.memory_space<vmem>>[vector<16xi32>, vector<16xi32>], vector<16xf32>,
      %add3A_284 = arith.addf %gather3A_282, %gather3A_283 : vector<16xf32>
      %add3A_285 = arith.addi %mul3A_27, %and3A_281 : vector<16xi32>
      tpu.vector_store_idx %arg10[%add3A_285], %add3A_284 : memref<13520xf32, #tpu.memory_space<vmem>>[vector<16xi32>], vector<16xf32>,
      %add3A_286 = arith.constant 26 : i32
      %add3A_287 = vector.broadcast %add3A_286 : i32 to vector<16xi32>
      %add3A_288 = arith.addi %iota3A_19, %add3A_287 : vector<16xi32>
      %and3A_289 = arith.constant 63 : i32
      %and3A_290 = vector.broadcast %and3A_289 : i32 to vector<16xi32>
      %and3A_291 = arith.andi %add3A_288, %and3A_290 : vector<16xi32>
      %gather3A_292 = tpu.vector_load_idx %arg8[%rem3A_21, %and3A_291] : memref<47x64xf32, #tpu.memory_space<vmem>>[vector<16xi32>, vector<16xi32>], vector<16xf32>,
      %gather3A_293 = tpu.vector_load_idx %arg9[%rem3A_24, %and3A_291] : memref<11x64xf32, #tpu.memory_space<vmem>>[vector<16xi32>, vector<16xi32>], vector<16xf32>,
      %add3A_294 = arith.addf %gather3A_292, %gather3A_293 : vector<16xf32>
      %add3A_295 = arith.addi %mul3A_27, %and3A_291 : vector<16xi32>
      tpu.vector_store_idx %arg10[%add3A_295], %add3A_294 : memref<13520xf32, #tpu.memory_space<vmem>>[vector<16xi32>], vector<16xf32>,
      %add3A_296 = arith.constant 27 : i32
      %add3A_297 = vector.broadcast %add3A_296 : i32 to vector<16xi32>
      %add3A_298 = arith.addi %iota3A_19, %add3A_297 : vector<16xi32>
      %and3A_299 = arith.constant 63 : i32
      %and3A_300 = vector.broadcast %and3A_299 : i32 to vector<16xi32>
      %and3A_301 = arith.andi %add3A_298, %and3A_300 : vector<16xi32>
      %gather3A_302 = tpu.vector_load_idx %arg8[%rem3A_21, %and3A_301] : memref<47x64xf32, #tpu.memory_space<vmem>>[vector<16xi32>, vector<16xi32>], vector<16xf32>,
      %gather3A_303 = tpu.vector_load_idx %arg9[%rem3A_24, %and3A_301] : memref<11x64xf32, #tpu.memory_space<vmem>>[vector<16xi32>, vector<16xi32>], vector<16xf32>,
      %add3A_304 = arith.addf %gather3A_302, %gather3A_303 : vector<16xf32>
      %add3A_305 = arith.addi %mul3A_27, %and3A_301 : vector<16xi32>
      tpu.vector_store_idx %arg10[%add3A_305], %add3A_304 : memref<13520xf32, #tpu.memory_space<vmem>>[vector<16xi32>], vector<16xf32>,
      %add3A_306 = arith.constant 28 : i32
      %add3A_307 = vector.broadcast %add3A_306 : i32 to vector<16xi32>
      %add3A_308 = arith.addi %iota3A_19, %add3A_307 : vector<16xi32>
      %and3A_309 = arith.constant 63 : i32
      %and3A_310 = vector.broadcast %and3A_309 : i32 to vector<16xi32>
      %and3A_311 = arith.andi %add3A_308, %and3A_310 : vector<16xi32>
      %gather3A_312 = tpu.vector_load_idx %arg8[%rem3A_21, %and3A_311] : memref<47x64xf32, #tpu.memory_space<vmem>>[vector<16xi32>, vector<16xi32>], vector<16xf32>,
      %gather3A_313 = tpu.vector_load_idx %arg9[%rem3A_24, %and3A_311] : memref<11x64xf32, #tpu.memory_space<vmem>>[vector<16xi32>, vector<16xi32>], vector<16xf32>,
      %add3A_314 = arith.addf %gather3A_312, %gather3A_313 : vector<16xf32>
      %add3A_315 = arith.addi %mul3A_27, %and3A_311 : vector<16xi32>
      tpu.vector_store_idx %arg10[%add3A_315], %add3A_314 : memref<13520xf32, #tpu.memory_space<vmem>>[vector<16xi32>], vector<16xf32>,
      %add3A_316 = arith.constant 29 : i32
      %add3A_317 = vector.broadcast %add3A_316 : i32 to vector<16xi32>
      %add3A_318 = arith.addi %iota3A_19, %add3A_317 : vector<16xi32>
      %and3A_319 = arith.constant 63 : i32
      %and3A_320 = vector.broadcast %and3A_319 : i32 to vector<16xi32>
      %and3A_321 = arith.andi %add3A_318, %and3A_320 : vector<16xi32>
      %gather3A_322 = tpu.vector_load_idx %arg8[%rem3A_21, %and3A_321] : memref<47x64xf32, #tpu.memory_space<vmem>>[vector<16xi32>, vector<16xi32>], vector<16xf32>,
      %gather3A_323 = tpu.vector_load_idx %arg9[%rem3A_24, %and3A_321] : memref<11x64xf32, #tpu.memory_space<vmem>>[vector<16xi32>, vector<16xi32>], vector<16xf32>,
      %add3A_324 = arith.addf %gather3A_322, %gather3A_323 : vector<16xf32>
      %add3A_325 = arith.addi %mul3A_27, %and3A_321 : vector<16xi32>
      tpu.vector_store_idx %arg10[%add3A_325], %add3A_324 : memref<13520xf32, #tpu.memory_space<vmem>>[vector<16xi32>], vector<16xf32>,
      %add3A_326 = arith.constant 30 : i32
      %add3A_327 = vector.broadcast %add3A_326 : i32 to vector<16xi32>
      %add3A_328 = arith.addi %iota3A_19, %add3A_327 : vector<16xi32>
      %and3A_329 = arith.constant 63 : i32
      %and3A_330 = vector.broadcast %and3A_329 : i32 to vector<16xi32>
      %and3A_331 = arith.andi %add3A_328, %and3A_330 : vector<16xi32>
      %gather3A_332 = tpu.vector_load_idx %arg8[%rem3A_21, %and3A_331] : memref<47x64xf32, #tpu.memory_space<vmem>>[vector<16xi32>, vector<16xi32>], vector<16xf32>,
      %gather3A_333 = tpu.vector_load_idx %arg9[%rem3A_24, %and3A_331] : memref<11x64xf32, #tpu.memory_space<vmem>>[vector<16xi32>, vector<16xi32>], vector<16xf32>,
      %add3A_334 = arith.addf %gather3A_332, %gather3A_333 : vector<16xf32>
      %add3A_335 = arith.addi %mul3A_27, %and3A_331 : vector<16xi32>
      tpu.vector_store_idx %arg10[%add3A_335], %add3A_334 : memref<13520xf32, #tpu.memory_space<vmem>>[vector<16xi32>], vector<16xf32>,
      %add3A_336 = arith.constant 31 : i32
      %add3A_337 = vector.broadcast %add3A_336 : i32 to vector<16xi32>
      %add3A_338 = arith.addi %iota3A_19, %add3A_337 : vector<16xi32>
      %and3A_339 = arith.constant 63 : i32
      %and3A_340 = vector.broadcast %and3A_339 : i32 to vector<16xi32>
      %and3A_341 = arith.andi %add3A_338, %and3A_340 : vector<16xi32>
      %gather3A_342 = tpu.vector_load_idx %arg8[%rem3A_21, %and3A_341] : memref<47x64xf32, #tpu.memory_space<vmem>>[vector<16xi32>, vector<16xi32>], vector<16xf32>,
      %gather3A_343 = tpu.vector_load_idx %arg9[%rem3A_24, %and3A_341] : memref<11x64xf32, #tpu.memory_space<vmem>>[vector<16xi32>, vector<16xi32>], vector<16xf32>,
      %add3A_344 = arith.addf %gather3A_342, %gather3A_343 : vector<16xf32>
      %add3A_345 = arith.addi %mul3A_27, %and3A_341 : vector<16xi32>
      tpu.vector_store_idx %arg10[%add3A_345], %add3A_344 : memref<13520xf32, #tpu.memory_space<vmem>>[vector<16xi32>], vector<16xf32>,
      %add3A_346 = arith.constant 32 : i32
      %add3A_347 = vector.broadcast %add3A_346 : i32 to vector<16xi32>
      %add3A_348 = arith.addi %iota3A_19, %add3A_347 : vector<16xi32>
      %and3A_349 = arith.constant 63 : i32
      %and3A_350 = vector.broadcast %and3A_349 : i32 to vector<16xi32>
      %and3A_351 = arith.andi %add3A_348, %and3A_350 : vector<16xi32>
      %gather3A_352 = tpu.vector_load_idx %arg8[%rem3A_21, %and3A_351] : memref<47x64xf32, #tpu.memory_space<vmem>>[vector<16xi32>, vector<16xi32>], vector<16xf32>,
      %gather3A_353 = tpu.vector_load_idx %arg9[%rem3A_24, %and3A_351] : memref<11x64xf32, #tpu.memory_space<vmem>>[vector<16xi32>, vector<16xi32>], vector<16xf32>,
      %add3A_354 = arith.addf %gather3A_352, %gather3A_353 : vector<16xf32>
      %add3A_355 = arith.addi %mul3A_27, %and3A_351 : vector<16xi32>
      tpu.vector_store_idx %arg10[%add3A_355], %add3A_354 : memref<13520xf32, #tpu.memory_space<vmem>>[vector<16xi32>], vector<16xf32>,
      %add3A_356 = arith.constant 33 : i32
      %add3A_357 = vector.broadcast %add3A_356 : i32 to vector<16xi32>
      %add3A_358 = arith.addi %iota3A_19, %add3A_357 : vector<16xi32>
      %and3A_359 = arith.constant 63 : i32
      %and3A_360 = vector.broadcast %and3A_359 : i32 to vector<16xi32>
      %and3A_361 = arith.andi %add3A_358, %and3A_360 : vector<16xi32>
      %gather3A_362 = tpu.vector_load_idx %arg8[%rem3A_21, %and3A_361] : memref<47x64xf32, #tpu.memory_space<vmem>>[vector<16xi32>, vector<16xi32>], vector<16xf32>,
      %gather3A_363 = tpu.vector_load_idx %arg9[%rem3A_24, %and3A_361] : memref<11x64xf32, #tpu.memory_space<vmem>>[vector<16xi32>, vector<16xi32>], vector<16xf32>,
      %add3A_364 = arith.addf %gather3A_362, %gather3A_363 : vector<16xf32>
      %add3A_365 = arith.addi %mul3A_27, %and3A_361 : vector<16xi32>
      tpu.vector_store_idx %arg10[%add3A_365], %add3A_364 : memref<13520xf32, #tpu.memory_space<vmem>>[vector<16xi32>], vector<16xf32>,
      %add3A_366 = arith.constant 34 : i32
      %add3A_367 = vector.broadcast %add3A_366 : i32 to vector<16xi32>
      %add3A_368 = arith.addi %iota3A_19, %add3A_367 : vector<16xi32>
      %and3A_369 = arith.constant 63 : i32
      %and3A_370 = vector.broadcast %and3A_369 : i32 to vector<16xi32>
      %and3A_371 = arith.andi %add3A_368, %and3A_370 : vector<16xi32>
      %gather3A_372 = tpu.vector_load_idx %arg8[%rem3A_21, %and3A_371] : memref<47x64xf32, #tpu.memory_space<vmem>>[vector<16xi32>, vector<16xi32>], vector<16xf32>,
      %gather3A_373 = tpu.vector_load_idx %arg9[%rem3A_24, %and3A_371] : memref<11x64xf32, #tpu.memory_space<vmem>>[vector<16xi32>, vector<16xi32>], vector<16xf32>,
      %add3A_374 = arith.addf %gather3A_372, %gather3A_373 : vector<16xf32>
      %add3A_375 = arith.addi %mul3A_27, %and3A_371 : vector<16xi32>
      tpu.vector_store_idx %arg10[%add3A_375], %add3A_374 : memref<13520xf32, #tpu.memory_space<vmem>>[vector<16xi32>], vector<16xf32>,
      %add3A_376 = arith.constant 35 : i32
      %add3A_377 = vector.broadcast %add3A_376 : i32 to vector<16xi32>
      %add3A_378 = arith.addi %iota3A_19, %add3A_377 : vector<16xi32>
      %and3A_379 = arith.constant 63 : i32
      %and3A_380 = vector.broadcast %and3A_379 : i32 to vector<16xi32>
      %and3A_381 = arith.andi %add3A_378, %and3A_380 : vector<16xi32>
      %gather3A_382 = tpu.vector_load_idx %arg8[%rem3A_21, %and3A_381] : memref<47x64xf32, #tpu.memory_space<vmem>>[vector<16xi32>, vector<16xi32>], vector<16xf32>,
      %gather3A_383 = tpu.vector_load_idx %arg9[%rem3A_24, %and3A_381] : memref<11x64xf32, #tpu.memory_space<vmem>>[vector<16xi32>, vector<16xi32>], vector<16xf32>,
      %add3A_384 = arith.addf %gather3A_382, %gather3A_383 : vector<16xf32>
      %add3A_385 = arith.addi %mul3A_27, %and3A_381 : vector<16xi32>
      tpu.vector_store_idx %arg10[%add3A_385], %add3A_384 : memref<13520xf32, #tpu.memory_space<vmem>>[vector<16xi32>], vector<16xf32>,
      %add3A_386 = arith.constant 36 : i32
      %add3A_387 = vector.broadcast %add3A_386 : i32 to vector<16xi32>
      %add3A_388 = arith.addi %iota3A_19, %add3A_387 : vector<16xi32>
      %and3A_389 = arith.constant 63 : i32
      %and3A_390 = vector.broadcast %and3A_389 : i32 to vector<16xi32>
      %and3A_391 = arith.andi %add3A_388, %and3A_390 : vector<16xi32>
      %gather3A_392 = tpu.vector_load_idx %arg8[%rem3A_21, %and3A_391] : memref<47x64xf32, #tpu.memory_space<vmem>>[vector<16xi32>, vector<16xi32>], vector<16xf32>,
      %gather3A_393 = tpu.vector_load_idx %arg9[%rem3A_24, %and3A_391] : memref<11x64xf32, #tpu.memory_space<vmem>>[vector<16xi32>, vector<16xi32>], vector<16xf32>,
      %add3A_394 = arith.addf %gather3A_392, %gather3A_393 : vector<16xf32>
      %add3A_395 = arith.addi %mul3A_27, %and3A_391 : vector<16xi32>
      tpu.vector_store_idx %arg10[%add3A_395], %add3A_394 : memref<13520xf32, #tpu.memory_space<vmem>>[vector<16xi32>], vector<16xf32>,
      %add3A_396 = arith.constant 37 : i32
      %add3A_397 = vector.broadcast %add3A_396 : i32 to vector<16xi32>
      %add3A_398 = arith.addi %iota3A_19, %add3A_397 : vector<16xi32>
      %and3A_399 = arith.constant 63 : i32
      %and3A_400 = vector.broadcast %and3A_399 : i32 to vector<16xi32>
      %and3A_401 = arith.andi %add3A_398, %and3A_400 : vector<16xi32>
      %gather3A_402 = tpu.vector_load_idx %arg8[%rem3A_21, %and3A_401] : memref<47x64xf32, #tpu.memory_space<vmem>>[vector<16xi32>, vector<16xi32>], vector<16xf32>,
      %gather3A_403 = tpu.vector_load_idx %arg9[%rem3A_24, %and3A_401] : memref<11x64xf32, #tpu.memory_space<vmem>>[vector<16xi32>, vector<16xi32>], vector<16xf32>,
      %add3A_404 = arith.addf %gather3A_402, %gather3A_403 : vector<16xf32>
      %add3A_405 = arith.addi %mul3A_27, %and3A_401 : vector<16xi32>
      tpu.vector_store_idx %arg10[%add3A_405], %add3A_404 : memref<13520xf32, #tpu.memory_space<vmem>>[vector<16xi32>], vector<16xf32>,
      %add3A_406 = arith.constant 38 : i32
      %add3A_407 = vector.broadcast %add3A_406 : i32 to vector<16xi32>
      %add3A_408 = arith.addi %iota3A_19, %add3A_407 : vector<16xi32>
      %and3A_409 = arith.constant 63 : i32
      %and3A_410 = vector.broadcast %and3A_409 : i32 to vector<16xi32>
      %and3A_411 = arith.andi %add3A_408, %and3A_410 : vector<16xi32>
      %gather3A_412 = tpu.vector_load_idx %arg8[%rem3A_21, %and3A_411] : memref<47x64xf32, #tpu.memory_space<vmem>>[vector<16xi32>, vector<16xi32>], vector<16xf32>,
      %gather3A_413 = tpu.vector_load_idx %arg9[%rem3A_24, %and3A_411] : memref<11x64xf32, #tpu.memory_space<vmem>>[vector<16xi32>, vector<16xi32>], vector<16xf32>,
      %add3A_414 = arith.addf %gather3A_412, %gather3A_413 : vector<16xf32>
      %add3A_415 = arith.addi %mul3A_27, %and3A_411 : vector<16xi32>
      tpu.vector_store_idx %arg10[%add3A_415], %add3A_414 : memref<13520xf32, #tpu.memory_space<vmem>>[vector<16xi32>], vector<16xf32>,
      %add3A_416 = arith.constant 39 : i32
      %add3A_417 = vector.broadcast %add3A_416 : i32 to vector<16xi32>
      %add3A_418 = arith.addi %iota3A_19, %add3A_417 : vector<16xi32>
      %and3A_419 = arith.constant 63 : i32
      %and3A_420 = vector.broadcast %and3A_419 : i32 to vector<16xi32>
      %and3A_421 = arith.andi %add3A_418, %and3A_420 : vector<16xi32>
      %gather3A_422 = tpu.vector_load_idx %arg8[%rem3A_21, %and3A_421] : memref<47x64xf32, #tpu.memory_space<vmem>>[vector<16xi32>, vector<16xi32>], vector<16xf32>,
      %gather3A_423 = tpu.vector_load_idx %arg9[%rem3A_24, %and3A_421] : memref<11x64xf32, #tpu.memory_space<vmem>>[vector<16xi32>, vector<16xi32>], vector<16xf32>,
      %add3A_424 = arith.addf %gather3A_422, %gather3A_423 : vector<16xf32>
      %add3A_425 = arith.addi %mul3A_27, %and3A_421 : vector<16xi32>
      tpu.vector_store_idx %arg10[%add3A_425], %add3A_424 : memref<13520xf32, #tpu.memory_space<vmem>>[vector<16xi32>], vector<16xf32>,
      %add3A_426 = arith.constant 40 : i32
      %add3A_427 = vector.broadcast %add3A_426 : i32 to vector<16xi32>
      %add3A_428 = arith.addi %iota3A_19, %add3A_427 : vector<16xi32>
      %and3A_429 = arith.constant 63 : i32
      %and3A_430 = vector.broadcast %and3A_429 : i32 to vector<16xi32>
      %and3A_431 = arith.andi %add3A_428, %and3A_430 : vector<16xi32>
      %gather3A_432 = tpu.vector_load_idx %arg8[%rem3A_21, %and3A_431] : memref<47x64xf32, #tpu.memory_space<vmem>>[vector<16xi32>, vector<16xi32>], vector<16xf32>,
      %gather3A_433 = tpu.vector_load_idx %arg9[%rem3A_24, %and3A_431] : memref<11x64xf32, #tpu.memory_space<vmem>>[vector<16xi32>, vector<16xi32>], vector<16xf32>,
      %add3A_434 = arith.addf %gather3A_432, %gather3A_433 : vector<16xf32>
      %add3A_435 = arith.addi %mul3A_27, %and3A_431 : vector<16xi32>
      tpu.vector_store_idx %arg10[%add3A_435], %add3A_434 : memref<13520xf32, #tpu.memory_space<vmem>>[vector<16xi32>], vector<16xf32>,
      %add3A_436 = arith.constant 41 : i32
      %add3A_437 = vector.broadcast %add3A_436 : i32 to vector<16xi32>
      %add3A_438 = arith.addi %iota3A_19, %add3A_437 : vector<16xi32>
      %and3A_439 = arith.constant 63 : i32
      %and3A_440 = vector.broadcast %and3A_439 : i32 to vector<16xi32>
      %and3A_441 = arith.andi %add3A_438, %and3A_440 : vector<16xi32>
      %gather3A_442 = tpu.vector_load_idx %arg8[%rem3A_21, %and3A_441] : memref<47x64xf32, #tpu.memory_space<vmem>>[vector<16xi32>, vector<16xi32>], vector<16xf32>,
      %gather3A_443 = tpu.vector_load_idx %arg9[%rem3A_24, %and3A_441] : memref<11x64xf32, #tpu.memory_space<vmem>>[vector<16xi32>, vector<16xi32>], vector<16xf32>,
      %add3A_444 = arith.addf %gather3A_442, %gather3A_443 : vector<16xf32>
      %add3A_445 = arith.addi %mul3A_27, %and3A_441 : vector<16xi32>
      tpu.vector_store_idx %arg10[%add3A_445], %add3A_444 : memref<13520xf32, #tpu.memory_space<vmem>>[vector<16xi32>], vector<16xf32>,
      %add3A_446 = arith.constant 42 : i32
      %add3A_447 = vector.broadcast %add3A_446 : i32 to vector<16xi32>
      %add3A_448 = arith.addi %iota3A_19, %add3A_447 : vector<16xi32>
      %and3A_449 = arith.constant 63 : i32
      %and3A_450 = vector.broadcast %and3A_449 : i32 to vector<16xi32>
      %and3A_451 = arith.andi %add3A_448, %and3A_450 : vector<16xi32>
      %gather3A_452 = tpu.vector_load_idx %arg8[%rem3A_21, %and3A_451] : memref<47x64xf32, #tpu.memory_space<vmem>>[vector<16xi32>, vector<16xi32>], vector<16xf32>,
      %gather3A_453 = tpu.vector_load_idx %arg9[%rem3A_24, %and3A_451] : memref<11x64xf32, #tpu.memory_space<vmem>>[vector<16xi32>, vector<16xi32>], vector<16xf32>,
      %add3A_454 = arith.addf %gather3A_452, %gather3A_453 : vector<16xf32>
      %add3A_455 = arith.addi %mul3A_27, %and3A_451 : vector<16xi32>
      tpu.vector_store_idx %arg10[%add3A_455], %add3A_454 : memref<13520xf32, #tpu.memory_space<vmem>>[vector<16xi32>], vector<16xf32>,
      %add3A_456 = arith.constant 43 : i32
      %add3A_457 = vector.broadcast %add3A_456 : i32 to vector<16xi32>
      %add3A_458 = arith.addi %iota3A_19, %add3A_457 : vector<16xi32>
      %and3A_459 = arith.constant 63 : i32
      %and3A_460 = vector.broadcast %and3A_459 : i32 to vector<16xi32>
      %and3A_461 = arith.andi %add3A_458, %and3A_460 : vector<16xi32>
      %gather3A_462 = tpu.vector_load_idx %arg8[%rem3A_21, %and3A_461] : memref<47x64xf32, #tpu.memory_space<vmem>>[vector<16xi32>, vector<16xi32>], vector<16xf32>,
      %gather3A_463 = tpu.vector_load_idx %arg9[%rem3A_24, %and3A_461] : memref<11x64xf32, #tpu.memory_space<vmem>>[vector<16xi32>, vector<16xi32>], vector<16xf32>,
      %add3A_464 = arith.addf %gather3A_462, %gather3A_463 : vector<16xf32>
      %add3A_465 = arith.addi %mul3A_27, %and3A_461 : vector<16xi32>
      tpu.vector_store_idx %arg10[%add3A_465], %add3A_464 : memref<13520xf32, #tpu.memory_space<vmem>>[vector<16xi32>], vector<16xf32>,
      %add3A_466 = arith.constant 44 : i32
      %add3A_467 = vector.broadcast %add3A_466 : i32 to vector<16xi32>
      %add3A_468 = arith.addi %iota3A_19, %add3A_467 : vector<16xi32>
      %and3A_469 = arith.constant 63 : i32
      %and3A_470 = vector.broadcast %and3A_469 : i32 to vector<16xi32>
      %and3A_471 = arith.andi %add3A_468, %and3A_470 : vector<16xi32>
      %gather3A_472 = tpu.vector_load_idx %arg8[%rem3A_21, %and3A_471] : memref<47x64xf32, #tpu.memory_space<vmem>>[vector<16xi32>, vector<16xi32>], vector<16xf32>,
      %gather3A_473 = tpu.vector_load_idx %arg9[%rem3A_24, %and3A_471] : memref<11x64xf32, #tpu.memory_space<vmem>>[vector<16xi32>, vector<16xi32>], vector<16xf32>,
      %add3A_474 = arith.addf %gather3A_472, %gather3A_473 : vector<16xf32>
      %add3A_475 = arith.addi %mul3A_27, %and3A_471 : vector<16xi32>
      tpu.vector_store_idx %arg10[%add3A_475], %add3A_474 : memref<13520xf32, #tpu.memory_space<vmem>>[vector<16xi32>], vector<16xf32>,
      %add3A_476 = arith.constant 45 : i32
      %add3A_477 = vector.broadcast %add3A_476 : i32 to vector<16xi32>
      %add3A_478 = arith.addi %iota3A_19, %add3A_477 : vector<16xi32>
      %and3A_479 = arith.constant 63 : i32
      %and3A_480 = vector.broadcast %and3A_479 : i32 to vector<16xi32>
      %and3A_481 = arith.andi %add3A_478, %and3A_480 : vector<16xi32>
      %gather3A_482 = tpu.vector_load_idx %arg8[%rem3A_21, %and3A_481] : memref<47x64xf32, #tpu.memory_space<vmem>>[vector<16xi32>, vector<16xi32>], vector<16xf32>,
      %gather3A_483 = tpu.vector_load_idx %arg9[%rem3A_24, %and3A_481] : memref<11x64xf32, #tpu.memory_space<vmem>>[vector<16xi32>, vector<16xi32>], vector<16xf32>,
      %add3A_484 = arith.addf %gather3A_482, %gather3A_483 : vector<16xf32>
      %add3A_485 = arith.addi %mul3A_27, %and3A_481 : vector<16xi32>
      tpu.vector_store_idx %arg10[%add3A_485], %add3A_484 : memref<13520xf32, #tpu.memory_space<vmem>>[vector<16xi32>], vector<16xf32>,
      %add3A_486 = arith.constant 46 : i32
      %add3A_487 = vector.broadcast %add3A_486 : i32 to vector<16xi32>
      %add3A_488 = arith.addi %iota3A_19, %add3A_487 : vector<16xi32>
      %and3A_489 = arith.constant 63 : i32
      %and3A_490 = vector.broadcast %and3A_489 : i32 to vector<16xi32>
      %and3A_491 = arith.andi %add3A_488, %and3A_490 : vector<16xi32>
      %gather3A_492 = tpu.vector_load_idx %arg8[%rem3A_21, %and3A_491] : memref<47x64xf32, #tpu.memory_space<vmem>>[vector<16xi32>, vector<16xi32>], vector<16xf32>,
      %gather3A_493 = tpu.vector_load_idx %arg9[%rem3A_24, %and3A_491] : memref<11x64xf32, #tpu.memory_space<vmem>>[vector<16xi32>, vector<16xi32>], vector<16xf32>,
      %add3A_494 = arith.addf %gather3A_492, %gather3A_493 : vector<16xf32>
      %add3A_495 = arith.addi %mul3A_27, %and3A_491 : vector<16xi32>
      tpu.vector_store_idx %arg10[%add3A_495], %add3A_494 : memref<13520xf32, #tpu.memory_space<vmem>>[vector<16xi32>], vector<16xf32>,
      %add3A_496 = arith.constant 47 : i32
      %add3A_497 = vector.broadcast %add3A_496 : i32 to vector<16xi32>
      %add3A_498 = arith.addi %iota3A_19, %add3A_497 : vector<16xi32>
      %and3A_499 = arith.constant 63 : i32
      %and3A_500 = vector.broadcast %and3A_499 : i32 to vector<16xi32>
      %and3A_501 = arith.andi %add3A_498, %and3A_500 : vector<16xi32>
      %gather3A_502 = tpu.vector_load_idx %arg8[%rem3A_21, %and3A_501] : memref<47x64xf32, #tpu.memory_space<vmem>>[vector<16xi32>, vector<16xi32>], vector<16xf32>,
      %gather3A_503 = tpu.vector_load_idx %arg9[%rem3A_24, %and3A_501] : memref<11x64xf32, #tpu.memory_space<vmem>>[vector<16xi32>, vector<16xi32>], vector<16xf32>,
      %add3A_504 = arith.addf %gather3A_502, %gather3A_503 : vector<16xf32>
      %add3A_505 = arith.addi %mul3A_27, %and3A_501 : vector<16xi32>
      tpu.vector_store_idx %arg10[%add3A_505], %add3A_504 : memref<13520xf32, #tpu.memory_space<vmem>>[vector<16xi32>], vector<16xf32>,
      %add3A_506 = arith.constant 48 : i32
      %add3A_507 = vector.broadcast %add3A_506 : i32 to vector<16xi32>
      %add3A_508 = arith.addi %iota3A_19, %add3A_507 : vector<16xi32>
      %and3A_509 = arith.constant 63 : i32
      %and3A_510 = vector.broadcast %and3A_509 : i32 to vector<16xi32>
      %and3A_511 = arith.andi %add3A_508, %and3A_510 : vector<16xi32>
      %gather3A_512 = tpu.vector_load_idx %arg8[%rem3A_21, %and3A_511] : memref<47x64xf32, #tpu.memory_space<vmem>>[vector<16xi32>, vector<16xi32>], vector<16xf32>,
      %gather3A_513 = tpu.vector_load_idx %arg9[%rem3A_24, %and3A_511] : memref<11x64xf32, #tpu.memory_space<vmem>>[vector<16xi32>, vector<16xi32>], vector<16xf32>,
      %add3A_514 = arith.addf %gather3A_512, %gather3A_513 : vector<16xf32>
      %add3A_515 = arith.addi %mul3A_27, %and3A_511 : vector<16xi32>
      tpu.vector_store_idx %arg10[%add3A_515], %add3A_514 : memref<13520xf32, #tpu.memory_space<vmem>>[vector<16xi32>], vector<16xf32>,
      %add3A_516 = arith.constant 49 : i32
      %add3A_517 = vector.broadcast %add3A_516 : i32 to vector<16xi32>
      %add3A_518 = arith.addi %iota3A_19, %add3A_517 : vector<16xi32>
      %and3A_519 = arith.constant 63 : i32
      %and3A_520 = vector.broadcast %and3A_519 : i32 to vector<16xi32>
      %and3A_521 = arith.andi %add3A_518, %and3A_520 : vector<16xi32>
      %gather3A_522 = tpu.vector_load_idx %arg8[%rem3A_21, %and3A_521] : memref<47x64xf32, #tpu.memory_space<vmem>>[vector<16xi32>, vector<16xi32>], vector<16xf32>,
      %gather3A_523 = tpu.vector_load_idx %arg9[%rem3A_24, %and3A_521] : memref<11x64xf32, #tpu.memory_space<vmem>>[vector<16xi32>, vector<16xi32>], vector<16xf32>,
      %add3A_524 = arith.addf %gather3A_522, %gather3A_523 : vector<16xf32>
      %add3A_525 = arith.addi %mul3A_27, %and3A_521 : vector<16xi32>
      tpu.vector_store_idx %arg10[%add3A_525], %add3A_524 : memref<13520xf32, #tpu.memory_space<vmem>>[vector<16xi32>], vector<16xf32>,
      %add3A_526 = arith.constant 50 : i32
      %add3A_527 = vector.broadcast %add3A_526 : i32 to vector<16xi32>
      %add3A_528 = arith.addi %iota3A_19, %add3A_527 : vector<16xi32>
      %and3A_529 = arith.constant 63 : i32
      %and3A_530 = vector.broadcast %and3A_529 : i32 to vector<16xi32>
      %and3A_531 = arith.andi %add3A_528, %and3A_530 : vector<16xi32>
      %gather3A_532 = tpu.vector_load_idx %arg8[%rem3A_21, %and3A_531] : memref<47x64xf32, #tpu.memory_space<vmem>>[vector<16xi32>, vector<16xi32>], vector<16xf32>,
      %gather3A_533 = tpu.vector_load_idx %arg9[%rem3A_24, %and3A_531] : memref<11x64xf32, #tpu.memory_space<vmem>>[vector<16xi32>, vector<16xi32>], vector<16xf32>,
      %add3A_534 = arith.addf %gather3A_532, %gather3A_533 : vector<16xf32>
      %add3A_535 = arith.addi %mul3A_27, %and3A_531 : vector<16xi32>
      tpu.vector_store_idx %arg10[%add3A_535], %add3A_534 : memref<13520xf32, #tpu.memory_space<vmem>>[vector<16xi32>], vector<16xf32>,
      %add3A_536 = arith.constant 51 : i32
      %add3A_537 = vector.broadcast %add3A_536 : i32 to vector<16xi32>
      %add3A_538 = arith.addi %iota3A_19, %add3A_537 : vector<16xi32>
      %and3A_539 = arith.constant 63 : i32
      %and3A_540 = vector.broadcast %and3A_539 : i32 to vector<16xi32>
      %and3A_541 = arith.andi %add3A_538, %and3A_540 : vector<16xi32>
      %gather3A_542 = tpu.vector_load_idx %arg8[%rem3A_21, %and3A_541] : memref<47x64xf32, #tpu.memory_space<vmem>>[vector<16xi32>, vector<16xi32>], vector<16xf32>,
      %gather3A_543 = tpu.vector_load_idx %arg9[%rem3A_24, %and3A_541] : memref<11x64xf32, #tpu.memory_space<vmem>>[vector<16xi32>, vector<16xi32>], vector<16xf32>,
      %add3A_544 = arith.addf %gather3A_542, %gather3A_543 : vector<16xf32>
      %add3A_545 = arith.addi %mul3A_27, %and3A_541 : vector<16xi32>
      tpu.vector_store_idx %arg10[%add3A_545], %add3A_544 : memref<13520xf32, #tpu.memory_space<vmem>>[vector<16xi32>], vector<16xf32>,
      %add3A_546 = arith.constant 52 : i32
      %add3A_547 = vector.broadcast %add3A_546 : i32 to vector<16xi32>
      %add3A_548 = arith.addi %iota3A_19, %add3A_547 : vector<16xi32>
      %and3A_549 = arith.constant 63 : i32
      %and3A_550 = vector.broadcast %and3A_549 : i32 to vector<16xi32>
      %and3A_551 = arith.andi %add3A_548, %and3A_550 : vector<16xi32>
      %gather3A_552 = tpu.vector_load_idx %arg8[%rem3A_21, %and3A_551] : memref<47x64xf32, #tpu.memory_space<vmem>>[vector<16xi32>, vector<16xi32>], vector<16xf32>,
      %gather3A_553 = tpu.vector_load_idx %arg9[%rem3A_24, %and3A_551] : memref<11x64xf32, #tpu.memory_space<vmem>>[vector<16xi32>, vector<16xi32>], vector<16xf32>,
      %add3A_554 = arith.addf %gather3A_552, %gather3A_553 : vector<16xf32>
      %add3A_555 = arith.addi %mul3A_27, %and3A_551 : vector<16xi32>
      tpu.vector_store_idx %arg10[%add3A_555], %add3A_554 : memref<13520xf32, #tpu.memory_space<vmem>>[vector<16xi32>], vector<16xf32>,
      %add3A_556 = arith.constant 53 : i32
      %add3A_557 = vector.broadcast %add3A_556 : i32 to vector<16xi32>
      %add3A_558 = arith.addi %iota3A_19, %add3A_557 : vector<16xi32>
      %and3A_559 = arith.constant 63 : i32
      %and3A_560 = vector.broadcast %and3A_559 : i32 to vector<16xi32>
      %and3A_561 = arith.andi %add3A_558, %and3A_560 : vector<16xi32>
      %gather3A_562 = tpu.vector_load_idx %arg8[%rem3A_21, %and3A_561] : memref<47x64xf32, #tpu.memory_space<vmem>>[vector<16xi32>, vector<16xi32>], vector<16xf32>,
      %gather3A_563 = tpu.vector_load_idx %arg9[%rem3A_24, %and3A_561] : memref<11x64xf32, #tpu.memory_space<vmem>>[vector<16xi32>, vector<16xi32>], vector<16xf32>,
      %add3A_564 = arith.addf %gather3A_562, %gather3A_563 : vector<16xf32>
      %add3A_565 = arith.addi %mul3A_27, %and3A_561 : vector<16xi32>
      tpu.vector_store_idx %arg10[%add3A_565], %add3A_564 : memref<13520xf32, #tpu.memory_space<vmem>>[vector<16xi32>], vector<16xf32>,
      %add3A_566 = arith.constant 54 : i32
      %add3A_567 = vector.broadcast %add3A_566 : i32 to vector<16xi32>
      %add3A_568 = arith.addi %iota3A_19, %add3A_567 : vector<16xi32>
      %and3A_569 = arith.constant 63 : i32
      %and3A_570 = vector.broadcast %and3A_569 : i32 to vector<16xi32>
      %and3A_571 = arith.andi %add3A_568, %and3A_570 : vector<16xi32>
      %gather3A_572 = tpu.vector_load_idx %arg8[%rem3A_21, %and3A_571] : memref<47x64xf32, #tpu.memory_space<vmem>>[vector<16xi32>, vector<16xi32>], vector<16xf32>,
      %gather3A_573 = tpu.vector_load_idx %arg9[%rem3A_24, %and3A_571] : memref<11x64xf32, #tpu.memory_space<vmem>>[vector<16xi32>, vector<16xi32>], vector<16xf32>,
      %add3A_574 = arith.addf %gather3A_572, %gather3A_573 : vector<16xf32>
      %add3A_575 = arith.addi %mul3A_27, %and3A_571 : vector<16xi32>
      tpu.vector_store_idx %arg10[%add3A_575], %add3A_574 : memref<13520xf32, #tpu.memory_space<vmem>>[vector<16xi32>], vector<16xf32>,
      %add3A_576 = arith.constant 55 : i32
      %add3A_577 = vector.broadcast %add3A_576 : i32 to vector<16xi32>
      %add3A_578 = arith.addi %iota3A_19, %add3A_577 : vector<16xi32>
      %and3A_579 = arith.constant 63 : i32
      %and3A_580 = vector.broadcast %and3A_579 : i32 to vector<16xi32>
      %and3A_581 = arith.andi %add3A_578, %and3A_580 : vector<16xi32>
      %gather3A_582 = tpu.vector_load_idx %arg8[%rem3A_21, %and3A_581] : memref<47x64xf32, #tpu.memory_space<vmem>>[vector<16xi32>, vector<16xi32>], vector<16xf32>,
      %gather3A_583 = tpu.vector_load_idx %arg9[%rem3A_24, %and3A_581] : memref<11x64xf32, #tpu.memory_space<vmem>>[vector<16xi32>, vector<16xi32>], vector<16xf32>,
      %add3A_584 = arith.addf %gather3A_582, %gather3A_583 : vector<16xf32>
      %add3A_585 = arith.addi %mul3A_27, %and3A_581 : vector<16xi32>
      tpu.vector_store_idx %arg10[%add3A_585], %add3A_584 : memref<13520xf32, #tpu.memory_space<vmem>>[vector<16xi32>], vector<16xf32>,
      %add3A_586 = arith.constant 56 : i32
      %add3A_587 = vector.broadcast %add3A_586 : i32 to vector<16xi32>
      %add3A_588 = arith.addi %iota3A_19, %add3A_587 : vector<16xi32>
      %and3A_589 = arith.constant 63 : i32
      %and3A_590 = vector.broadcast %and3A_589 : i32 to vector<16xi32>
      %and3A_591 = arith.andi %add3A_588, %and3A_590 : vector<16xi32>
      %gather3A_592 = tpu.vector_load_idx %arg8[%rem3A_21, %and3A_591] : memref<47x64xf32, #tpu.memory_space<vmem>>[vector<16xi32>, vector<16xi32>], vector<16xf32>,
      %gather3A_593 = tpu.vector_load_idx %arg9[%rem3A_24, %and3A_591] : memref<11x64xf32, #tpu.memory_space<vmem>>[vector<16xi32>, vector<16xi32>], vector<16xf32>,
      %add3A_594 = arith.addf %gather3A_592, %gather3A_593 : vector<16xf32>
      %add3A_595 = arith.addi %mul3A_27, %and3A_591 : vector<16xi32>
      tpu.vector_store_idx %arg10[%add3A_595], %add3A_594 : memref<13520xf32, #tpu.memory_space<vmem>>[vector<16xi32>], vector<16xf32>,
      %add3A_596 = arith.constant 57 : i32
      %add3A_597 = vector.broadcast %add3A_596 : i32 to vector<16xi32>
      %add3A_598 = arith.addi %iota3A_19, %add3A_597 : vector<16xi32>
      %and3A_599 = arith.constant 63 : i32
      %and3A_600 = vector.broadcast %and3A_599 : i32 to vector<16xi32>
      %and3A_601 = arith.andi %add3A_598, %and3A_600 : vector<16xi32>
      %gather3A_602 = tpu.vector_load_idx %arg8[%rem3A_21, %and3A_601] : memref<47x64xf32, #tpu.memory_space<vmem>>[vector<16xi32>, vector<16xi32>], vector<16xf32>,
      %gather3A_603 = tpu.vector_load_idx %arg9[%rem3A_24, %and3A_601] : memref<11x64xf32, #tpu.memory_space<vmem>>[vector<16xi32>, vector<16xi32>], vector<16xf32>,
      %add3A_604 = arith.addf %gather3A_602, %gather3A_603 : vector<16xf32>
      %add3A_605 = arith.addi %mul3A_27, %and3A_601 : vector<16xi32>
      tpu.vector_store_idx %arg10[%add3A_605], %add3A_604 : memref<13520xf32, #tpu.memory_space<vmem>>[vector<16xi32>], vector<16xf32>,
      %add3A_606 = arith.constant 58 : i32
      %add3A_607 = vector.broadcast %add3A_606 : i32 to vector<16xi32>
      %add3A_608 = arith.addi %iota3A_19, %add3A_607 : vector<16xi32>
      %and3A_609 = arith.constant 63 : i32
      %and3A_610 = vector.broadcast %and3A_609 : i32 to vector<16xi32>
      %and3A_611 = arith.andi %add3A_608, %and3A_610 : vector<16xi32>
      %gather3A_612 = tpu.vector_load_idx %arg8[%rem3A_21, %and3A_611] : memref<47x64xf32, #tpu.memory_space<vmem>>[vector<16xi32>, vector<16xi32>], vector<16xf32>,
      %gather3A_613 = tpu.vector_load_idx %arg9[%rem3A_24, %and3A_611] : memref<11x64xf32, #tpu.memory_space<vmem>>[vector<16xi32>, vector<16xi32>], vector<16xf32>,
      %add3A_614 = arith.addf %gather3A_612, %gather3A_613 : vector<16xf32>
      %add3A_615 = arith.addi %mul3A_27, %and3A_611 : vector<16xi32>
      tpu.vector_store_idx %arg10[%add3A_615], %add3A_614 : memref<13520xf32, #tpu.memory_space<vmem>>[vector<16xi32>], vector<16xf32>,
      %add3A_616 = arith.constant 59 : i32
      %add3A_617 = vector.broadcast %add3A_616 : i32 to vector<16xi32>
      %add3A_618 = arith.addi %iota3A_19, %add3A_617 : vector<16xi32>
      %and3A_619 = arith.constant 63 : i32
      %and3A_620 = vector.broadcast %and3A_619 : i32 to vector<16xi32>
      %and3A_621 = arith.andi %add3A_618, %and3A_620 : vector<16xi32>
      %gather3A_622 = tpu.vector_load_idx %arg8[%rem3A_21, %and3A_621] : memref<47x64xf32, #tpu.memory_space<vmem>>[vector<16xi32>, vector<16xi32>], vector<16xf32>,
      %gather3A_623 = tpu.vector_load_idx %arg9[%rem3A_24, %and3A_621] : memref<11x64xf32, #tpu.memory_space<vmem>>[vector<16xi32>, vector<16xi32>], vector<16xf32>,
      %add3A_624 = arith.addf %gather3A_622, %gather3A_623 : vector<16xf32>
      %add3A_625 = arith.addi %mul3A_27, %and3A_621 : vector<16xi32>
      tpu.vector_store_idx %arg10[%add3A_625], %add3A_624 : memref<13520xf32, #tpu.memory_space<vmem>>[vector<16xi32>], vector<16xf32>,
      %add3A_626 = arith.constant 60 : i32
      %add3A_627 = vector.broadcast %add3A_626 : i32 to vector<16xi32>
      %add3A_628 = arith.addi %iota3A_19, %add3A_627 : vector<16xi32>
      %and3A_629 = arith.constant 63 : i32
      %and3A_630 = vector.broadcast %and3A_629 : i32 to vector<16xi32>
      %and3A_631 = arith.andi %add3A_628, %and3A_630 : vector<16xi32>
      %gather3A_632 = tpu.vector_load_idx %arg8[%rem3A_21, %and3A_631] : memref<47x64xf32, #tpu.memory_space<vmem>>[vector<16xi32>, vector<16xi32>], vector<16xf32>,
      %gather3A_633 = tpu.vector_load_idx %arg9[%rem3A_24, %and3A_631] : memref<11x64xf32, #tpu.memory_space<vmem>>[vector<16xi32>, vector<16xi32>], vector<16xf32>,
      %add3A_634 = arith.addf %gather3A_632, %gather3A_633 : vector<16xf32>
      %add3A_635 = arith.addi %mul3A_27, %and3A_631 : vector<16xi32>
      tpu.vector_store_idx %arg10[%add3A_635], %add3A_634 : memref<13520xf32, #tpu.memory_space<vmem>>[vector<16xi32>], vector<16xf32>,
      %add3A_636 = arith.constant 61 : i32
      %add3A_637 = vector.broadcast %add3A_636 : i32 to vector<16xi32>
      %add3A_638 = arith.addi %iota3A_19, %add3A_637 : vector<16xi32>
      %and3A_639 = arith.constant 63 : i32
      %and3A_640 = vector.broadcast %and3A_639 : i32 to vector<16xi32>
      %and3A_641 = arith.andi %add3A_638, %and3A_640 : vector<16xi32>
      %gather3A_642 = tpu.vector_load_idx %arg8[%rem3A_21, %and3A_641] : memref<47x64xf32, #tpu.memory_space<vmem>>[vector<16xi32>, vector<16xi32>], vector<16xf32>,
      %gather3A_643 = tpu.vector_load_idx %arg9[%rem3A_24, %and3A_641] : memref<11x64xf32, #tpu.memory_space<vmem>>[vector<16xi32>, vector<16xi32>], vector<16xf32>,
      %add3A_644 = arith.addf %gather3A_642, %gather3A_643 : vector<16xf32>
      %add3A_645 = arith.addi %mul3A_27, %and3A_641 : vector<16xi32>
      tpu.vector_store_idx %arg10[%add3A_645], %add3A_644 : memref<13520xf32, #tpu.memory_space<vmem>>[vector<16xi32>], vector<16xf32>,
      %add3A_646 = arith.constant 62 : i32
      %add3A_647 = vector.broadcast %add3A_646 : i32 to vector<16xi32>
      %add3A_648 = arith.addi %iota3A_19, %add3A_647 : vector<16xi32>
      %and3A_649 = arith.constant 63 : i32
      %and3A_650 = vector.broadcast %and3A_649 : i32 to vector<16xi32>
      %and3A_651 = arith.andi %add3A_648, %and3A_650 : vector<16xi32>
      %gather3A_652 = tpu.vector_load_idx %arg8[%rem3A_21, %and3A_651] : memref<47x64xf32, #tpu.memory_space<vmem>>[vector<16xi32>, vector<16xi32>], vector<16xf32>,
      %gather3A_653 = tpu.vector_load_idx %arg9[%rem3A_24, %and3A_651] : memref<11x64xf32, #tpu.memory_space<vmem>>[vector<16xi32>, vector<16xi32>], vector<16xf32>,
      %add3A_654 = arith.addf %gather3A_652, %gather3A_653 : vector<16xf32>
      %add3A_655 = arith.addi %mul3A_27, %and3A_651 : vector<16xi32>
      tpu.vector_store_idx %arg10[%add3A_655], %add3A_654 : memref<13520xf32, #tpu.memory_space<vmem>>[vector<16xi32>], vector<16xf32>,
      %add3A_656 = arith.constant 63 : i32
      %add3A_657 = vector.broadcast %add3A_656 : i32 to vector<16xi32>
      %add3A_658 = arith.addi %iota3A_19, %add3A_657 : vector<16xi32>
      %and3A_659 = arith.constant 63 : i32
      %and3A_660 = vector.broadcast %and3A_659 : i32 to vector<16xi32>
      %and3A_661 = arith.andi %add3A_658, %and3A_660 : vector<16xi32>
      %gather3A_662 = tpu.vector_load_idx %arg8[%rem3A_21, %and3A_661] : memref<47x64xf32, #tpu.memory_space<vmem>>[vector<16xi32>, vector<16xi32>], vector<16xf32>,
      %gather3A_663 = tpu.vector_load_idx %arg9[%rem3A_24, %and3A_661] : memref<11x64xf32, #tpu.memory_space<vmem>>[vector<16xi32>, vector<16xi32>], vector<16xf32>,
      %add3A_664 = arith.addf %gather3A_662, %gather3A_663 : vector<16xf32>
      %add3A_665 = arith.addi %mul3A_27, %and3A_661 : vector<16xi32>
      tpu.vector_store_idx %arg10[%add3A_665], %add3A_664 : memref<13520xf32, #tpu.memory_space<vmem>>[vector<16xi32>], vector<16xf32>,
    }
    %scan3A_7 = arith.constant 13 : i32
    %scan3A_8 = arith.constant 0 : i32
    %scan3A_9 = arith.constant 0 : i32
    %scan3A_10 = arith.constant 25 : i32
    %scan3A_11 = arith.addi %scan3A_9, %scan3A_10 : i32
    %scan3A_12 = arith.constant 1 : i32
    scf.for %scan3A_14 = %scan3A_9 to %scan3A_11 step %scan3A_12  : i32 {
      %mul3A_15 = arith.constant 1024 : i32
      %mul3A_16 = arith.muli %scan3A_14, %mul3A_15 : i32
      %add3A_17 = arith.addi %mul3A_2, %mul3A_16 : i32
      %multiple_of3A = tpu.assume_multiple %add3A_17, 1024 : i32
      %jit3A = arith.constant 128 : i32
      %div3A = arith.divsi %mul3A_2, %jit3A : i32
      %sign3A = arith.constant 0 : i32
      %sign3A_18 = arith.cmpi sgt, %mul3A_2, %sign3A : i32
      %sign3A_19 = arith.extui %sign3A_18 : i1 to i32
      %sign3A_20 = arith.constant 0 : i32
      %sign3A_21 = arith.cmpi slt, %mul3A_2, %sign3A_20 : i32
      %sign3A_22 = arith.extui %sign3A_21 : i1 to i32
      %sign3A_23 = arith.subi %sign3A_19, %sign3A_22 : i32
      %sign3A_24 = arith.constant 0 : i32
      %sign3A_25 = arith.cmpi sgt, %jit3A, %sign3A_24 : i32
      %sign3A_26 = arith.extui %sign3A_25 : i1 to i32
      %sign3A_27 = arith.constant 0 : i32
      %sign3A_28 = arith.cmpi slt, %jit3A, %sign3A_27 : i32
      %sign3A_29 = arith.extui %sign3A_28 : i1 to i32
      %sign3A_30 = arith.subi %sign3A_26, %sign3A_29 : i32
      %ne3A = arith.cmpi ne, %sign3A_23, %sign3A_30 : i32
      %rem3A = arith.remsi %mul3A_2, %jit3A : i32
      %ne3A_31 = arith.constant 0 : i32
      %ne3A_32 = arith.cmpi ne, %rem3A, %ne3A_31 : i32
      %and3A = arith.andi %ne3A, %ne3A_32 : i1
      %sub3A = arith.constant 1 : i32
      %sub3A_33 = arith.subi %div3A, %sub3A : i32
      %select_n3A = arith.select %and3A, %sub3A_33, %div3A : i32
      %mul3A_34 = arith.constant 8 : i32
      %mul3A_35 = arith.muli %scan3A_14, %mul3A_34 : i32
      %add3A_36 = arith.addi %select_n3A, %mul3A_35 : i32
      %multiple_of3A_37 = tpu.assume_multiple %add3A_36, 8 : i32
      "tpu.region"() ({
        %run_scoped3A = tpu.sem_alloc : memref<!tpu.dma_semaphore, #tpu.memory_space<semaphore_mem>>
        %dma_start3A_346 = arith.constant 0 : i32
        %dma_start3A_347 = tpu.memref_slice %arg2[%multiple_of3A_37, %dma_start3A_346] : memref<6400x128xi32, #tpu.memory_space<hbm>> -> memref<8x128xi32, #tpu.memory_space<hbm>>
        %dma_start3A_348 = arith.constant 0 : i32
        %dma_start3A_349 = tpu.memref_slice %arg2[%multiple_of3A_37, %dma_start3A_348] : memref<6400x128xi32, #tpu.memory_space<hbm>> -> memref<8x128xi32, #tpu.memory_space<hbm>>
        tpu.enqueue_dma source(%dma_start3A_349 : memref<8x128xi32, #tpu.memory_space<hbm>>) target(%arg11 : memref<8x128xi32, #tpu.memory_space<vmem>>) target_semaphore(%run_scoped3A : memref<!tpu.dma_semaphore, #tpu.memory_space<semaphore_mem>>)
        %dma_wait3A_350 = arith.constant 0 : i32
        %dma_wait3A_351 = tpu.memref_slice %arg2[%multiple_of3A_37, %dma_wait3A_350] : memref<6400x128xi32, #tpu.memory_space<hbm>> -> memref<8x128xi32, #tpu.memory_space<hbm>>
        %dma_wait3A_352 = arith.constant 0 : i32
        %dma_wait3A_353 = tpu.memref_slice %arg2[%multiple_of3A_37, %dma_wait3A_352] : memref<6400x128xi32, #tpu.memory_space<hbm>> -> memref<8x128xi32, #tpu.memory_space<hbm>>
        tpu.wait_dma2 semaphore(%run_scoped3A : memref<!tpu.dma_semaphore, #tpu.memory_space<semaphore_mem>>) src(%dma_wait3A_353 : memref<8x128xi32, #tpu.memory_space<hbm>>) dst(%arg11 : memref<8x128xi32, #tpu.memory_space<vmem>>)
        tpu.yield
      }) : () -> ()
      %dma_start3A = arith.constant 0 : i32
      %dma_start3A_38 = arith.constant 0 : i32
      %dma_start3A_39 = arith.constant 0 : i32
      %dma_start3A_40 = arith.constant 0 : i32
      %dma_start3A_41 = tpu.memref_slice %arg13[%dma_start3A_38, %dma_start3A_39, %dma_start3A_40] : memref<2x512x64xf32, #tpu.memory_space<vmem>> -> memref<1x512x64xf32, #tpu.memory_space<vmem>>
      %dma_start3A_42 = tpu.memref_squeeze %dma_start3A_41 : memref<1x512x64xf32, #tpu.memory_space<vmem>> -> memref<512x64xf32, #tpu.memory_space<vmem>>
      %dma_start3A_43 = arith.constant 0 : i32
      %dma_start3A_44 = arith.constant 0 : i32
      %dma_start3A_45 = tpu.memref_slice %dma_start3A_42[%dma_start3A_43, %dma_start3A_44] : memref<512x64xf32, #tpu.memory_space<vmem>> -> memref<128x64xf32, #tpu.memory_space<vmem>>
      %dma_start3A_46 = arith.constant 0 : i32
      %dma_start3A_47 = tpu.memref_slice %arg11[%dma_start3A, %dma_start3A_46] : memref<8x128xi32, #tpu.memory_space<vmem>> -> memref<1x128xi32, #tpu.memory_space<vmem>>
      %dma_start3A_48 = tpu.memref_squeeze %dma_start3A_47 : memref<1x128xi32, #tpu.memory_space<vmem>> -> memref<128xi32, #tpu.memory_space<vmem>>
      %dma_start3A_49 = arith.constant 0 : i32
      %dma_start3A_50 = arith.constant 0 : i32
      %dma_start3A_51 = tpu.memref_slice %arg4[%dma_start3A_49, %dma_start3A_50] : memref<100000x64xf32, #tpu.memory_space<hbm>> -> memref<100000x64xf32, #tpu.memory_space<hbm>>
      tpu.enqueue_indirect_dma source(%dma_start3A_51 : memref<100000x64xf32, #tpu.memory_space<hbm>>) target(%dma_start3A_45 : memref<128x64xf32, #tpu.memory_space<vmem>>) offsets(%dma_start3A_48 : memref<128xi32, #tpu.memory_space<vmem>>) semaphore(%arg14 : memref<!tpu.dma_semaphore, #tpu.memory_space<semaphore_mem>>)
      %dma_start3A_52 = arith.constant 1 : i32
      %dma_start3A_53 = arith.constant 0 : i32
      %dma_start3A_54 = arith.constant 0 : i32
      %dma_start3A_55 = arith.constant 0 : i32
      %dma_start3A_56 = tpu.memref_slice %arg13[%dma_start3A_53, %dma_start3A_54, %dma_start3A_55] : memref<2x512x64xf32, #tpu.memory_space<vmem>> -> memref<1x512x64xf32, #tpu.memory_space<vmem>>
      %dma_start3A_57 = tpu.memref_squeeze %dma_start3A_56 : memref<1x512x64xf32, #tpu.memory_space<vmem>> -> memref<512x64xf32, #tpu.memory_space<vmem>>
      %dma_start3A_58 = arith.constant 128 : i32
      %dma_start3A_59 = arith.constant 0 : i32
      %dma_start3A_60 = tpu.memref_slice %dma_start3A_57[%dma_start3A_58, %dma_start3A_59] : memref<512x64xf32, #tpu.memory_space<vmem>> -> memref<128x64xf32, #tpu.memory_space<vmem>>
      %dma_start3A_61 = arith.constant 0 : i32
      %dma_start3A_62 = tpu.memref_slice %arg11[%dma_start3A_52, %dma_start3A_61] : memref<8x128xi32, #tpu.memory_space<vmem>> -> memref<1x128xi32, #tpu.memory_space<vmem>>
      %dma_start3A_63 = tpu.memref_squeeze %dma_start3A_62 : memref<1x128xi32, #tpu.memory_space<vmem>> -> memref<128xi32, #tpu.memory_space<vmem>>
      %dma_start3A_64 = arith.constant 0 : i32
      %dma_start3A_65 = arith.constant 0 : i32
      %dma_start3A_66 = tpu.memref_slice %arg4[%dma_start3A_64, %dma_start3A_65] : memref<100000x64xf32, #tpu.memory_space<hbm>> -> memref<100000x64xf32, #tpu.memory_space<hbm>>
      tpu.enqueue_indirect_dma source(%dma_start3A_66 : memref<100000x64xf32, #tpu.memory_space<hbm>>) target(%dma_start3A_60 : memref<128x64xf32, #tpu.memory_space<vmem>>) offsets(%dma_start3A_63 : memref<128xi32, #tpu.memory_space<vmem>>) semaphore(%arg14 : memref<!tpu.dma_semaphore, #tpu.memory_space<semaphore_mem>>)
      %dma_start3A_67 = arith.constant 2 : i32
      %dma_start3A_68 = arith.constant 0 : i32
      %dma_start3A_69 = arith.constant 0 : i32
      %dma_start3A_70 = arith.constant 0 : i32
      %dma_start3A_71 = tpu.memref_slice %arg13[%dma_start3A_68, %dma_start3A_69, %dma_start3A_70] : memref<2x512x64xf32, #tpu.memory_space<vmem>> -> memref<1x512x64xf32, #tpu.memory_space<vmem>>
      %dma_start3A_72 = tpu.memref_squeeze %dma_start3A_71 : memref<1x512x64xf32, #tpu.memory_space<vmem>> -> memref<512x64xf32, #tpu.memory_space<vmem>>
      %dma_start3A_73 = arith.constant 256 : i32
      %dma_start3A_74 = arith.constant 0 : i32
      %dma_start3A_75 = tpu.memref_slice %dma_start3A_72[%dma_start3A_73, %dma_start3A_74] : memref<512x64xf32, #tpu.memory_space<vmem>> -> memref<128x64xf32, #tpu.memory_space<vmem>>
      %dma_start3A_76 = arith.constant 0 : i32
      %dma_start3A_77 = tpu.memref_slice %arg11[%dma_start3A_67, %dma_start3A_76] : memref<8x128xi32, #tpu.memory_space<vmem>> -> memref<1x128xi32, #tpu.memory_space<vmem>>
      %dma_start3A_78 = tpu.memref_squeeze %dma_start3A_77 : memref<1x128xi32, #tpu.memory_space<vmem>> -> memref<128xi32, #tpu.memory_space<vmem>>
      %dma_start3A_79 = arith.constant 0 : i32
      %dma_start3A_80 = arith.constant 0 : i32
      %dma_start3A_81 = tpu.memref_slice %arg4[%dma_start3A_79, %dma_start3A_80] : memref<100000x64xf32, #tpu.memory_space<hbm>> -> memref<100000x64xf32, #tpu.memory_space<hbm>>
      tpu.enqueue_indirect_dma source(%dma_start3A_81 : memref<100000x64xf32, #tpu.memory_space<hbm>>) target(%dma_start3A_75 : memref<128x64xf32, #tpu.memory_space<vmem>>) offsets(%dma_start3A_78 : memref<128xi32, #tpu.memory_space<vmem>>) semaphore(%arg14 : memref<!tpu.dma_semaphore, #tpu.memory_space<semaphore_mem>>)
      %dma_start3A_82 = arith.constant 3 : i32
      %dma_start3A_83 = arith.constant 0 : i32
      %dma_start3A_84 = arith.constant 0 : i32
      %dma_start3A_85 = arith.constant 0 : i32
      %dma_start3A_86 = tpu.memref_slice %arg13[%dma_start3A_83, %dma_start3A_84, %dma_start3A_85] : memref<2x512x64xf32, #tpu.memory_space<vmem>> -> memref<1x512x64xf32, #tpu.memory_space<vmem>>
      %dma_start3A_87 = tpu.memref_squeeze %dma_start3A_86 : memref<1x512x64xf32, #tpu.memory_space<vmem>> -> memref<512x64xf32, #tpu.memory_space<vmem>>
      %dma_start3A_88 = arith.constant 384 : i32
      %dma_start3A_89 = arith.constant 0 : i32
      %dma_start3A_90 = tpu.memref_slice %dma_start3A_87[%dma_start3A_88, %dma_start3A_89] : memref<512x64xf32, #tpu.memory_space<vmem>> -> memref<128x64xf32, #tpu.memory_space<vmem>>
      %dma_start3A_91 = arith.constant 0 : i32
      %dma_start3A_92 = tpu.memref_slice %arg11[%dma_start3A_82, %dma_start3A_91] : memref<8x128xi32, #tpu.memory_space<vmem>> -> memref<1x128xi32, #tpu.memory_space<vmem>>
      %dma_start3A_93 = tpu.memref_squeeze %dma_start3A_92 : memref<1x128xi32, #tpu.memory_space<vmem>> -> memref<128xi32, #tpu.memory_space<vmem>>
      %dma_start3A_94 = arith.constant 0 : i32
      %dma_start3A_95 = arith.constant 0 : i32
      %dma_start3A_96 = tpu.memref_slice %arg4[%dma_start3A_94, %dma_start3A_95] : memref<100000x64xf32, #tpu.memory_space<hbm>> -> memref<100000x64xf32, #tpu.memory_space<hbm>>
      tpu.enqueue_indirect_dma source(%dma_start3A_96 : memref<100000x64xf32, #tpu.memory_space<hbm>>) target(%dma_start3A_90 : memref<128x64xf32, #tpu.memory_space<vmem>>) offsets(%dma_start3A_93 : memref<128xi32, #tpu.memory_space<vmem>>) semaphore(%arg14 : memref<!tpu.dma_semaphore, #tpu.memory_space<semaphore_mem>>)
      %dma_start3A_97 = arith.constant 4 : i32
      %dma_start3A_98 = arith.constant 1 : i32
      %dma_start3A_99 = arith.constant 0 : i32
      %dma_start3A_100 = arith.constant 0 : i32
      %dma_start3A_101 = tpu.memref_slice %arg13[%dma_start3A_98, %dma_start3A_99, %dma_start3A_100] : memref<2x512x64xf32, #tpu.memory_space<vmem>> -> memref<1x512x64xf32, #tpu.memory_space<vmem>>
      %dma_start3A_102 = tpu.memref_squeeze %dma_start3A_101 : memref<1x512x64xf32, #tpu.memory_space<vmem>> -> memref<512x64xf32, #tpu.memory_space<vmem>>
      %dma_start3A_103 = arith.constant 0 : i32
      %dma_start3A_104 = arith.constant 0 : i32
      %dma_start3A_105 = tpu.memref_slice %dma_start3A_102[%dma_start3A_103, %dma_start3A_104] : memref<512x64xf32, #tpu.memory_space<vmem>> -> memref<128x64xf32, #tpu.memory_space<vmem>>
      %dma_start3A_106 = arith.constant 0 : i32
      %dma_start3A_107 = tpu.memref_slice %arg11[%dma_start3A_97, %dma_start3A_106] : memref<8x128xi32, #tpu.memory_space<vmem>> -> memref<1x128xi32, #tpu.memory_space<vmem>>
      %dma_start3A_108 = tpu.memref_squeeze %dma_start3A_107 : memref<1x128xi32, #tpu.memory_space<vmem>> -> memref<128xi32, #tpu.memory_space<vmem>>
      %dma_start3A_109 = arith.constant 0 : i32
      %dma_start3A_110 = arith.constant 0 : i32
      %dma_start3A_111 = tpu.memref_slice %arg4[%dma_start3A_109, %dma_start3A_110] : memref<100000x64xf32, #tpu.memory_space<hbm>> -> memref<100000x64xf32, #tpu.memory_space<hbm>>
      tpu.enqueue_indirect_dma source(%dma_start3A_111 : memref<100000x64xf32, #tpu.memory_space<hbm>>) target(%dma_start3A_105 : memref<128x64xf32, #tpu.memory_space<vmem>>) offsets(%dma_start3A_108 : memref<128xi32, #tpu.memory_space<vmem>>) semaphore(%arg15 : memref<!tpu.dma_semaphore, #tpu.memory_space<semaphore_mem>>)
      %dma_start3A_112 = arith.constant 5 : i32
      %dma_start3A_113 = arith.constant 1 : i32
      %dma_start3A_114 = arith.constant 0 : i32
      %dma_start3A_115 = arith.constant 0 : i32
      %dma_start3A_116 = tpu.memref_slice %arg13[%dma_start3A_113, %dma_start3A_114, %dma_start3A_115] : memref<2x512x64xf32, #tpu.memory_space<vmem>> -> memref<1x512x64xf32, #tpu.memory_space<vmem>>
      %dma_start3A_117 = tpu.memref_squeeze %dma_start3A_116 : memref<1x512x64xf32, #tpu.memory_space<vmem>> -> memref<512x64xf32, #tpu.memory_space<vmem>>
      %dma_start3A_118 = arith.constant 128 : i32
      %dma_start3A_119 = arith.constant 0 : i32
      %dma_start3A_120 = tpu.memref_slice %dma_start3A_117[%dma_start3A_118, %dma_start3A_119] : memref<512x64xf32, #tpu.memory_space<vmem>> -> memref<128x64xf32, #tpu.memory_space<vmem>>
      %dma_start3A_121 = arith.constant 0 : i32
      %dma_start3A_122 = tpu.memref_slice %arg11[%dma_start3A_112, %dma_start3A_121] : memref<8x128xi32, #tpu.memory_space<vmem>> -> memref<1x128xi32, #tpu.memory_space<vmem>>
      %dma_start3A_123 = tpu.memref_squeeze %dma_start3A_122 : memref<1x128xi32, #tpu.memory_space<vmem>> -> memref<128xi32, #tpu.memory_space<vmem>>
      %dma_start3A_124 = arith.constant 0 : i32
      %dma_start3A_125 = arith.constant 0 : i32
      %dma_start3A_126 = tpu.memref_slice %arg4[%dma_start3A_124, %dma_start3A_125] : memref<100000x64xf32, #tpu.memory_space<hbm>> -> memref<100000x64xf32, #tpu.memory_space<hbm>>
      tpu.enqueue_indirect_dma source(%dma_start3A_126 : memref<100000x64xf32, #tpu.memory_space<hbm>>) target(%dma_start3A_120 : memref<128x64xf32, #tpu.memory_space<vmem>>) offsets(%dma_start3A_123 : memref<128xi32, #tpu.memory_space<vmem>>) semaphore(%arg15 : memref<!tpu.dma_semaphore, #tpu.memory_space<semaphore_mem>>)
      %dma_start3A_127 = arith.constant 6 : i32
      %dma_start3A_128 = arith.constant 1 : i32
      %dma_start3A_129 = arith.constant 0 : i32
      %dma_start3A_130 = arith.constant 0 : i32
      %dma_start3A_131 = tpu.memref_slice %arg13[%dma_start3A_128, %dma_start3A_129, %dma_start3A_130] : memref<2x512x64xf32, #tpu.memory_space<vmem>> -> memref<1x512x64xf32, #tpu.memory_space<vmem>>
      %dma_start3A_132 = tpu.memref_squeeze %dma_start3A_131 : memref<1x512x64xf32, #tpu.memory_space<vmem>> -> memref<512x64xf32, #tpu.memory_space<vmem>>
      %dma_start3A_133 = arith.constant 256 : i32
      %dma_start3A_134 = arith.constant 0 : i32
      %dma_start3A_135 = tpu.memref_slice %dma_start3A_132[%dma_start3A_133, %dma_start3A_134] : memref<512x64xf32, #tpu.memory_space<vmem>> -> memref<128x64xf32, #tpu.memory_space<vmem>>
      %dma_start3A_136 = arith.constant 0 : i32
      %dma_start3A_137 = tpu.memref_slice %arg11[%dma_start3A_127, %dma_start3A_136] : memref<8x128xi32, #tpu.memory_space<vmem>> -> memref<1x128xi32, #tpu.memory_space<vmem>>
      %dma_start3A_138 = tpu.memref_squeeze %dma_start3A_137 : memref<1x128xi32, #tpu.memory_space<vmem>> -> memref<128xi32, #tpu.memory_space<vmem>>
      %dma_start3A_139 = arith.constant 0 : i32
      %dma_start3A_140 = arith.constant 0 : i32
      %dma_start3A_141 = tpu.memref_slice %arg4[%dma_start3A_139, %dma_start3A_140] : memref<100000x64xf32, #tpu.memory_space<hbm>> -> memref<100000x64xf32, #tpu.memory_space<hbm>>
      tpu.enqueue_indirect_dma source(%dma_start3A_141 : memref<100000x64xf32, #tpu.memory_space<hbm>>) target(%dma_start3A_135 : memref<128x64xf32, #tpu.memory_space<vmem>>) offsets(%dma_start3A_138 : memref<128xi32, #tpu.memory_space<vmem>>) semaphore(%arg15 : memref<!tpu.dma_semaphore, #tpu.memory_space<semaphore_mem>>)
      %dma_start3A_142 = arith.constant 7 : i32
      %dma_start3A_143 = arith.constant 1 : i32
      %dma_start3A_144 = arith.constant 0 : i32
      %dma_start3A_145 = arith.constant 0 : i32
      %dma_start3A_146 = tpu.memref_slice %arg13[%dma_start3A_143, %dma_start3A_144, %dma_start3A_145] : memref<2x512x64xf32, #tpu.memory_space<vmem>> -> memref<1x512x64xf32, #tpu.memory_space<vmem>>
      %dma_start3A_147 = tpu.memref_squeeze %dma_start3A_146 : memref<1x512x64xf32, #tpu.memory_space<vmem>> -> memref<512x64xf32, #tpu.memory_space<vmem>>
      %dma_start3A_148 = arith.constant 384 : i32
      %dma_start3A_149 = arith.constant 0 : i32
      %dma_start3A_150 = tpu.memref_slice %dma_start3A_147[%dma_start3A_148, %dma_start3A_149] : memref<512x64xf32, #tpu.memory_space<vmem>> -> memref<128x64xf32, #tpu.memory_space<vmem>>
      %dma_start3A_151 = arith.constant 0 : i32
      %dma_start3A_152 = tpu.memref_slice %arg11[%dma_start3A_142, %dma_start3A_151] : memref<8x128xi32, #tpu.memory_space<vmem>> -> memref<1x128xi32, #tpu.memory_space<vmem>>
      %dma_start3A_153 = tpu.memref_squeeze %dma_start3A_152 : memref<1x128xi32, #tpu.memory_space<vmem>> -> memref<128xi32, #tpu.memory_space<vmem>>
      %dma_start3A_154 = arith.constant 0 : i32
      %dma_start3A_155 = arith.constant 0 : i32
      %dma_start3A_156 = tpu.memref_slice %arg4[%dma_start3A_154, %dma_start3A_155] : memref<100000x64xf32, #tpu.memory_space<hbm>> -> memref<100000x64xf32, #tpu.memory_space<hbm>>
      tpu.enqueue_indirect_dma source(%dma_start3A_156 : memref<100000x64xf32, #tpu.memory_space<hbm>>) target(%dma_start3A_150 : memref<128x64xf32, #tpu.memory_space<vmem>>) offsets(%dma_start3A_153 : memref<128xi32, #tpu.memory_space<vmem>>) semaphore(%arg15 : memref<!tpu.dma_semaphore, #tpu.memory_space<semaphore_mem>>)
      "tpu.region"() ({
        %run_scoped3A = tpu.sem_alloc : memref<!tpu.dma_semaphore, #tpu.memory_space<semaphore_mem>>
        %dma_start3A_346 = tpu.memref_slice %arg3[%multiple_of3A] : memref<819200xi32, #tpu.memory_space<hbm>> -> memref<1024xi32, #tpu.memory_space<hbm>>
        %dma_start3A_347 = tpu.memref_slice %arg3[%multiple_of3A] : memref<819200xi32, #tpu.memory_space<hbm>> -> memref<1024xi32, #tpu.memory_space<hbm>>
        tpu.enqueue_dma source(%dma_start3A_347 : memref<1024xi32, #tpu.memory_space<hbm>>) target(%arg12 : memref<1024xi32, #tpu.memory_space<vmem>>) target_semaphore(%run_scoped3A : memref<!tpu.dma_semaphore, #tpu.memory_space<semaphore_mem>>)
        %dma_wait3A_348 = tpu.memref_slice %arg3[%multiple_of3A] : memref<819200xi32, #tpu.memory_space<hbm>> -> memref<1024xi32, #tpu.memory_space<hbm>>
        %dma_wait3A_349 = tpu.memref_slice %arg3[%multiple_of3A] : memref<819200xi32, #tpu.memory_space<hbm>> -> memref<1024xi32, #tpu.memory_space<hbm>>
        tpu.wait_dma2 semaphore(%run_scoped3A : memref<!tpu.dma_semaphore, #tpu.memory_space<semaphore_mem>>) src(%dma_wait3A_349 : memref<1024xi32, #tpu.memory_space<hbm>>) dst(%arg12 : memref<1024xi32, #tpu.memory_space<vmem>>)
        tpu.yield
      }) : () -> ()
      %dma_wait3A = arith.constant 0 : i32
      %dma_wait3A_157 = arith.constant 0 : i32
      %dma_wait3A_158 = arith.constant 0 : i32
      %dma_wait3A_159 = arith.constant 0 : i32
      %dma_wait3A_160 = tpu.memref_slice %arg13[%dma_wait3A_157, %dma_wait3A_158, %dma_wait3A_159] : memref<2x512x64xf32, #tpu.memory_space<vmem>> -> memref<1x512x64xf32, #tpu.memory_space<vmem>>
      %dma_wait3A_161 = tpu.memref_squeeze %dma_wait3A_160 : memref<1x512x64xf32, #tpu.memory_space<vmem>> -> memref<512x64xf32, #tpu.memory_space<vmem>>
      %dma_wait3A_162 = arith.constant 0 : i32
      %dma_wait3A_163 = arith.constant 0 : i32
      %dma_wait3A_164 = tpu.memref_slice %dma_wait3A_161[%dma_wait3A_162, %dma_wait3A_163] : memref<512x64xf32, #tpu.memory_space<vmem>> -> memref<128x64xf32, #tpu.memory_space<vmem>>
      %dma_wait3A_165 = arith.constant 0 : i32
      %dma_wait3A_166 = tpu.memref_slice %arg11[%dma_wait3A, %dma_wait3A_165] : memref<8x128xi32, #tpu.memory_space<vmem>> -> memref<1x128xi32, #tpu.memory_space<vmem>>
      %dma_wait3A_167 = tpu.memref_squeeze %dma_wait3A_166 : memref<1x128xi32, #tpu.memory_space<vmem>> -> memref<128xi32, #tpu.memory_space<vmem>>
      %dma_wait3A_168 = arith.constant 0 : i32
      %dma_wait3A_169 = arith.constant 0 : i32
      %dma_wait3A_170 = tpu.memref_slice %arg4[%dma_wait3A_168, %dma_wait3A_169] : memref<100000x64xf32, #tpu.memory_space<hbm>> -> memref<100000x64xf32, #tpu.memory_space<hbm>>
      tpu.wait_indirect_dma semaphore(%arg14 : memref<!tpu.dma_semaphore, #tpu.memory_space<semaphore_mem>>) src(%dma_wait3A_170 : memref<100000x64xf32, #tpu.memory_space<hbm>>) dst(%dma_wait3A_164 : memref<128x64xf32, #tpu.memory_space<vmem>>)
      %dma_wait3A_171 = arith.constant 1 : i32
      %dma_wait3A_172 = arith.constant 0 : i32
      %dma_wait3A_173 = arith.constant 0 : i32
      %dma_wait3A_174 = arith.constant 0 : i32
      %dma_wait3A_175 = tpu.memref_slice %arg13[%dma_wait3A_172, %dma_wait3A_173, %dma_wait3A_174] : memref<2x512x64xf32, #tpu.memory_space<vmem>> -> memref<1x512x64xf32, #tpu.memory_space<vmem>>
      %dma_wait3A_176 = tpu.memref_squeeze %dma_wait3A_175 : memref<1x512x64xf32, #tpu.memory_space<vmem>> -> memref<512x64xf32, #tpu.memory_space<vmem>>
      %dma_wait3A_177 = arith.constant 128 : i32
      %dma_wait3A_178 = arith.constant 0 : i32
      %dma_wait3A_179 = tpu.memref_slice %dma_wait3A_176[%dma_wait3A_177, %dma_wait3A_178] : memref<512x64xf32, #tpu.memory_space<vmem>> -> memref<128x64xf32, #tpu.memory_space<vmem>>
      %dma_wait3A_180 = arith.constant 0 : i32
      %dma_wait3A_181 = tpu.memref_slice %arg11[%dma_wait3A_171, %dma_wait3A_180] : memref<8x128xi32, #tpu.memory_space<vmem>> -> memref<1x128xi32, #tpu.memory_space<vmem>>
      %dma_wait3A_182 = tpu.memref_squeeze %dma_wait3A_181 : memref<1x128xi32, #tpu.memory_space<vmem>> -> memref<128xi32, #tpu.memory_space<vmem>>
      %dma_wait3A_183 = arith.constant 0 : i32
      %dma_wait3A_184 = arith.constant 0 : i32
      %dma_wait3A_185 = tpu.memref_slice %arg4[%dma_wait3A_183, %dma_wait3A_184] : memref<100000x64xf32, #tpu.memory_space<hbm>> -> memref<100000x64xf32, #tpu.memory_space<hbm>>
      tpu.wait_indirect_dma semaphore(%arg14 : memref<!tpu.dma_semaphore, #tpu.memory_space<semaphore_mem>>) src(%dma_wait3A_185 : memref<100000x64xf32, #tpu.memory_space<hbm>>) dst(%dma_wait3A_179 : memref<128x64xf32, #tpu.memory_space<vmem>>)
      %dma_wait3A_186 = arith.constant 2 : i32
      %dma_wait3A_187 = arith.constant 0 : i32
      %dma_wait3A_188 = arith.constant 0 : i32
      %dma_wait3A_189 = arith.constant 0 : i32
      %dma_wait3A_190 = tpu.memref_slice %arg13[%dma_wait3A_187, %dma_wait3A_188, %dma_wait3A_189] : memref<2x512x64xf32, #tpu.memory_space<vmem>> -> memref<1x512x64xf32, #tpu.memory_space<vmem>>
      %dma_wait3A_191 = tpu.memref_squeeze %dma_wait3A_190 : memref<1x512x64xf32, #tpu.memory_space<vmem>> -> memref<512x64xf32, #tpu.memory_space<vmem>>
      %dma_wait3A_192 = arith.constant 256 : i32
      %dma_wait3A_193 = arith.constant 0 : i32
      %dma_wait3A_194 = tpu.memref_slice %dma_wait3A_191[%dma_wait3A_192, %dma_wait3A_193] : memref<512x64xf32, #tpu.memory_space<vmem>> -> memref<128x64xf32, #tpu.memory_space<vmem>>
      %dma_wait3A_195 = arith.constant 0 : i32
      %dma_wait3A_196 = tpu.memref_slice %arg11[%dma_wait3A_186, %dma_wait3A_195] : memref<8x128xi32, #tpu.memory_space<vmem>> -> memref<1x128xi32, #tpu.memory_space<vmem>>
      %dma_wait3A_197 = tpu.memref_squeeze %dma_wait3A_196 : memref<1x128xi32, #tpu.memory_space<vmem>> -> memref<128xi32, #tpu.memory_space<vmem>>
      %dma_wait3A_198 = arith.constant 0 : i32
      %dma_wait3A_199 = arith.constant 0 : i32
      %dma_wait3A_200 = tpu.memref_slice %arg4[%dma_wait3A_198, %dma_wait3A_199] : memref<100000x64xf32, #tpu.memory_space<hbm>> -> memref<100000x64xf32, #tpu.memory_space<hbm>>
      tpu.wait_indirect_dma semaphore(%arg14 : memref<!tpu.dma_semaphore, #tpu.memory_space<semaphore_mem>>) src(%dma_wait3A_200 : memref<100000x64xf32, #tpu.memory_space<hbm>>) dst(%dma_wait3A_194 : memref<128x64xf32, #tpu.memory_space<vmem>>)
      %dma_wait3A_201 = arith.constant 3 : i32
      %dma_wait3A_202 = arith.constant 0 : i32
      %dma_wait3A_203 = arith.constant 0 : i32
      %dma_wait3A_204 = arith.constant 0 : i32
      %dma_wait3A_205 = tpu.memref_slice %arg13[%dma_wait3A_202, %dma_wait3A_203, %dma_wait3A_204] : memref<2x512x64xf32, #tpu.memory_space<vmem>> -> memref<1x512x64xf32, #tpu.memory_space<vmem>>
      %dma_wait3A_206 = tpu.memref_squeeze %dma_wait3A_205 : memref<1x512x64xf32, #tpu.memory_space<vmem>> -> memref<512x64xf32, #tpu.memory_space<vmem>>
      %dma_wait3A_207 = arith.constant 384 : i32
      %dma_wait3A_208 = arith.constant 0 : i32
      %dma_wait3A_209 = tpu.memref_slice %dma_wait3A_206[%dma_wait3A_207, %dma_wait3A_208] : memref<512x64xf32, #tpu.memory_space<vmem>> -> memref<128x64xf32, #tpu.memory_space<vmem>>
      %dma_wait3A_210 = arith.constant 0 : i32
      %dma_wait3A_211 = tpu.memref_slice %arg11[%dma_wait3A_201, %dma_wait3A_210] : memref<8x128xi32, #tpu.memory_space<vmem>> -> memref<1x128xi32, #tpu.memory_space<vmem>>
      %dma_wait3A_212 = tpu.memref_squeeze %dma_wait3A_211 : memref<1x128xi32, #tpu.memory_space<vmem>> -> memref<128xi32, #tpu.memory_space<vmem>>
      %dma_wait3A_213 = arith.constant 0 : i32
      %dma_wait3A_214 = arith.constant 0 : i32
      %dma_wait3A_215 = tpu.memref_slice %arg4[%dma_wait3A_213, %dma_wait3A_214] : memref<100000x64xf32, #tpu.memory_space<hbm>> -> memref<100000x64xf32, #tpu.memory_space<hbm>>
      tpu.wait_indirect_dma semaphore(%arg14 : memref<!tpu.dma_semaphore, #tpu.memory_space<semaphore_mem>>) src(%dma_wait3A_215 : memref<100000x64xf32, #tpu.memory_space<hbm>>) dst(%dma_wait3A_209 : memref<128x64xf32, #tpu.memory_space<vmem>>)
      %scan3A_216 = arith.constant 0 : i32
      %scan3A_217 = arith.constant 0 : i32
      %scan3A_218 = arith.constant 0 : i32
      %scan3A_219 = arith.constant 32 : i32
      %scan3A_220 = arith.addi %scan3A_218, %scan3A_219 : i32
      %scan3A_221 = arith.constant 1 : i32
      scf.for %scan3A_346 = %scan3A_218 to %scan3A_220 step %scan3A_221  : i32 {
        %mul3A_347 = arith.constant 16 : i32
        %mul3A_348 = arith.muli %scan3A_346, %mul3A_347 : i32
        %add3A_349 = arith.constant 0 : i32
        %add3A_350 = arith.addi %add3A_349, %mul3A_348 : i32
        %get3A = arith.index_cast %add3A_350 : i32 to index
        %get3A_351 = tpu.vector_load %arg12[%get3A] {strides = array<i32>} : memref<1024xi32, #tpu.memory_space<vmem>>, vector<16xi32>,
        %iota3A = tpu.iota {dimensions = array<i32: 0>} : vector<16xi32>
        %mul3A_352 = arith.constant 65 : i32
        %mul3A_353 = vector.broadcast %mul3A_352 : i32 to vector<16xi32>
        %mul3A_354 = arith.muli %get3A_351, %mul3A_353 : vector<16xi32>
        %mul3A_355 = arith.constant 16 : i32
        %mul3A_356 = arith.muli %scan3A_346, %mul3A_355 : i32
        %add3A_357 = vector.broadcast %mul3A_356 : i32 to vector<16xi32>
        %add3A_358 = arith.addi %iota3A, %add3A_357 : vector<16xi32>
        %add3A_359 = arith.constant 0 : i32
        %add3A_360 = vector.broadcast %add3A_359 : i32 to vector<16xi32>
        %add3A_361 = arith.addi %iota3A, %add3A_360 : vector<16xi32>
        %and3A_362 = arith.constant 63 : i32
        %and3A_363 = vector.broadcast %and3A_362 : i32 to vector<16xi32>
        %and3A_364 = arith.andi %add3A_361, %and3A_363 : vector<16xi32>
        %add3A_365 = arith.constant 1 : i32
        %add3A_366 = vector.broadcast %add3A_365 : i32 to vector<16xi32>
        %add3A_367 = arith.addi %iota3A, %add3A_366 : vector<16xi32>
        %and3A_368 = arith.constant 63 : i32
        %and3A_369 = vector.broadcast %and3A_368 : i32 to vector<16xi32>
        %and3A_370 = arith.andi %add3A_367, %and3A_369 : vector<16xi32>
        %add3A_371 = arith.constant 2 : i32
        %add3A_372 = vector.broadcast %add3A_371 : i32 to vector<16xi32>
        %add3A_373 = arith.addi %iota3A, %add3A_372 : vector<16xi32>
        %and3A_374 = arith.constant 63 : i32
        %and3A_375 = vector.broadcast %and3A_374 : i32 to vector<16xi32>
        %and3A_376 = arith.andi %add3A_373, %and3A_375 : vector<16xi32>
        %add3A_377 = arith.constant 3 : i32
        %add3A_378 = vector.broadcast %add3A_377 : i32 to vector<16xi32>
        %add3A_379 = arith.addi %iota3A, %add3A_378 : vector<16xi32>
        %and3A_380 = arith.constant 63 : i32
        %and3A_381 = vector.broadcast %and3A_380 : i32 to vector<16xi32>
        %and3A_382 = arith.andi %add3A_379, %and3A_381 : vector<16xi32>
        %add3A_383 = arith.constant 4 : i32
        %add3A_384 = vector.broadcast %add3A_383 : i32 to vector<16xi32>
        %add3A_385 = arith.addi %iota3A, %add3A_384 : vector<16xi32>
        %and3A_386 = arith.constant 63 : i32
        %and3A_387 = vector.broadcast %and3A_386 : i32 to vector<16xi32>
        %and3A_388 = arith.andi %add3A_385, %and3A_387 : vector<16xi32>
        %add3A_389 = arith.constant 5 : i32
        %add3A_390 = vector.broadcast %add3A_389 : i32 to vector<16xi32>
        %add3A_391 = arith.addi %iota3A, %add3A_390 : vector<16xi32>
        %and3A_392 = arith.constant 63 : i32
        %and3A_393 = vector.broadcast %and3A_392 : i32 to vector<16xi32>
        %and3A_394 = arith.andi %add3A_391, %and3A_393 : vector<16xi32>
        %add3A_395 = arith.constant 6 : i32
        %add3A_396 = vector.broadcast %add3A_395 : i32 to vector<16xi32>
        %add3A_397 = arith.addi %iota3A, %add3A_396 : vector<16xi32>
        %and3A_398 = arith.constant 63 : i32
        %and3A_399 = vector.broadcast %and3A_398 : i32 to vector<16xi32>
        %and3A_400 = arith.andi %add3A_397, %and3A_399 : vector<16xi32>
        %add3A_401 = arith.constant 7 : i32
        %add3A_402 = vector.broadcast %add3A_401 : i32 to vector<16xi32>
        %add3A_403 = arith.addi %iota3A, %add3A_402 : vector<16xi32>
        %and3A_404 = arith.constant 63 : i32
        %and3A_405 = vector.broadcast %and3A_404 : i32 to vector<16xi32>
        %and3A_406 = arith.andi %add3A_403, %and3A_405 : vector<16xi32>
        %add3A_407 = arith.addi %mul3A_354, %and3A_364 : vector<16xi32>
        %gather3A = tpu.vector_load_idx %arg10[%add3A_407] : memref<13520xf32, #tpu.memory_space<vmem>>[vector<16xi32>], vector<16xf32>,
        %add3A_408 = arith.addi %mul3A_354, %and3A_370 : vector<16xi32>
        %gather3A_409 = tpu.vector_load_idx %arg10[%add3A_408] : memref<13520xf32, #tpu.memory_space<vmem>>[vector<16xi32>], vector<16xf32>,
        %add3A_410 = arith.addi %mul3A_354, %and3A_376 : vector<16xi32>
        %gather3A_411 = tpu.vector_load_idx %arg10[%add3A_410] : memref<13520xf32, #tpu.memory_space<vmem>>[vector<16xi32>], vector<16xf32>,
        %add3A_412 = arith.addi %mul3A_354, %and3A_382 : vector<16xi32>
        %gather3A_413 = tpu.vector_load_idx %arg10[%add3A_412] : memref<13520xf32, #tpu.memory_space<vmem>>[vector<16xi32>], vector<16xf32>,
        %add3A_414 = arith.addi %mul3A_354, %and3A_388 : vector<16xi32>
        %gather3A_415 = tpu.vector_load_idx %arg10[%add3A_414] : memref<13520xf32, #tpu.memory_space<vmem>>[vector<16xi32>], vector<16xf32>,
        %add3A_416 = arith.addi %mul3A_354, %and3A_394 : vector<16xi32>
        %gather3A_417 = tpu.vector_load_idx %arg10[%add3A_416] : memref<13520xf32, #tpu.memory_space<vmem>>[vector<16xi32>], vector<16xf32>,
        %add3A_418 = arith.addi %mul3A_354, %and3A_400 : vector<16xi32>
        %gather3A_419 = tpu.vector_load_idx %arg10[%add3A_418] : memref<13520xf32, #tpu.memory_space<vmem>>[vector<16xi32>], vector<16xf32>,
        %add3A_420 = arith.addi %mul3A_354, %and3A_406 : vector<16xi32>
        %gather3A_421 = tpu.vector_load_idx %arg10[%add3A_420] : memref<13520xf32, #tpu.memory_space<vmem>>[vector<16xi32>], vector<16xf32>,
        %scatter3A = arith.constant 0 : i32
        %scatter3A_422 = arith.constant 0 : i32
        %scatter3A_423 = tpu.memref_slice %arg13[%scan3A_217, %scatter3A, %scatter3A_422] : memref<2x512x64xf32, #tpu.memory_space<vmem>> -> memref<1x512x64xf32, #tpu.memory_space<vmem>>
        %scatter3A_424 = tpu.memref_squeeze %scatter3A_423 : memref<1x512x64xf32, #tpu.memory_space<vmem>> -> memref<512x64xf32, #tpu.memory_space<vmem>>
        tpu.vector_store_idx %scatter3A_424[%add3A_358, %and3A_364], %gather3A {add = true} : memref<512x64xf32, #tpu.memory_space<vmem>>[vector<16xi32>, vector<16xi32>], vector<16xf32>,
        %scatter3A_425 = arith.constant 0 : i32
        %scatter3A_426 = arith.constant 0 : i32
        %scatter3A_427 = tpu.memref_slice %arg13[%scan3A_217, %scatter3A_425, %scatter3A_426] : memref<2x512x64xf32, #tpu.memory_space<vmem>> -> memref<1x512x64xf32, #tpu.memory_space<vmem>>
        %scatter3A_428 = tpu.memref_squeeze %scatter3A_427 : memref<1x512x64xf32, #tpu.memory_space<vmem>> -> memref<512x64xf32, #tpu.memory_space<vmem>>
        tpu.vector_store_idx %scatter3A_428[%add3A_358, %and3A_370], %gather3A_409 {add = true} : memref<512x64xf32, #tpu.memory_space<vmem>>[vector<16xi32>, vector<16xi32>], vector<16xf32>,
        %scatter3A_429 = arith.constant 0 : i32
        %scatter3A_430 = arith.constant 0 : i32
        %scatter3A_431 = tpu.memref_slice %arg13[%scan3A_217, %scatter3A_429, %scatter3A_430] : memref<2x512x64xf32, #tpu.memory_space<vmem>> -> memref<1x512x64xf32, #tpu.memory_space<vmem>>
        %scatter3A_432 = tpu.memref_squeeze %scatter3A_431 : memref<1x512x64xf32, #tpu.memory_space<vmem>> -> memref<512x64xf32, #tpu.memory_space<vmem>>
        tpu.vector_store_idx %scatter3A_432[%add3A_358, %and3A_376], %gather3A_411 {add = true} : memref<512x64xf32, #tpu.memory_space<vmem>>[vector<16xi32>, vector<16xi32>], vector<16xf32>,
        %scatter3A_433 = arith.constant 0 : i32
        %scatter3A_434 = arith.constant 0 : i32
        %scatter3A_435 = tpu.memref_slice %arg13[%scan3A_217, %scatter3A_433, %scatter3A_434] : memref<2x512x64xf32, #tpu.memory_space<vmem>> -> memref<1x512x64xf32, #tpu.memory_space<vmem>>
        %scatter3A_436 = tpu.memref_squeeze %scatter3A_435 : memref<1x512x64xf32, #tpu.memory_space<vmem>> -> memref<512x64xf32, #tpu.memory_space<vmem>>
        tpu.vector_store_idx %scatter3A_436[%add3A_358, %and3A_382], %gather3A_413 {add = true} : memref<512x64xf32, #tpu.memory_space<vmem>>[vector<16xi32>, vector<16xi32>], vector<16xf32>,
        %scatter3A_437 = arith.constant 0 : i32
        %scatter3A_438 = arith.constant 0 : i32
        %scatter3A_439 = tpu.memref_slice %arg13[%scan3A_217, %scatter3A_437, %scatter3A_438] : memref<2x512x64xf32, #tpu.memory_space<vmem>> -> memref<1x512x64xf32, #tpu.memory_space<vmem>>
        %scatter3A_440 = tpu.memref_squeeze %scatter3A_439 : memref<1x512x64xf32, #tpu.memory_space<vmem>> -> memref<512x64xf32, #tpu.memory_space<vmem>>
        tpu.vector_store_idx %scatter3A_440[%add3A_358, %and3A_388], %gather3A_415 {add = true} : memref<512x64xf32, #tpu.memory_space<vmem>>[vector<16xi32>, vector<16xi32>], vector<16xf32>,
        %scatter3A_441 = arith.constant 0 : i32
        %scatter3A_442 = arith.constant 0 : i32
        %scatter3A_443 = tpu.memref_slice %arg13[%scan3A_217, %scatter3A_441, %scatter3A_442] : memref<2x512x64xf32, #tpu.memory_space<vmem>> -> memref<1x512x64xf32, #tpu.memory_space<vmem>>
        %scatter3A_444 = tpu.memref_squeeze %scatter3A_443 : memref<1x512x64xf32, #tpu.memory_space<vmem>> -> memref<512x64xf32, #tpu.memory_space<vmem>>
        tpu.vector_store_idx %scatter3A_444[%add3A_358, %and3A_394], %gather3A_417 {add = true} : memref<512x64xf32, #tpu.memory_space<vmem>>[vector<16xi32>, vector<16xi32>], vector<16xf32>,
        %scatter3A_445 = arith.constant 0 : i32
        %scatter3A_446 = arith.constant 0 : i32
        %scatter3A_447 = tpu.memref_slice %arg13[%scan3A_217, %scatter3A_445, %scatter3A_446] : memref<2x512x64xf32, #tpu.memory_space<vmem>> -> memref<1x512x64xf32, #tpu.memory_space<vmem>>
        %scatter3A_448 = tpu.memref_squeeze %scatter3A_447 : memref<1x512x64xf32, #tpu.memory_space<vmem>> -> memref<512x64xf32, #tpu.memory_space<vmem>>
        tpu.vector_store_idx %scatter3A_448[%add3A_358, %and3A_400], %gather3A_419 {add = true} : memref<512x64xf32, #tpu.memory_space<vmem>>[vector<16xi32>, vector<16xi32>], vector<16xf32>,
        %scatter3A_449 = arith.constant 0 : i32
        %scatter3A_450 = arith.constant 0 : i32
        %scatter3A_451 = tpu.memref_slice %arg13[%scan3A_217, %scatter3A_449, %scatter3A_450] : memref<2x512x64xf32, #tpu.memory_space<vmem>> -> memref<1x512x64xf32, #tpu.memory_space<vmem>>
        %scatter3A_452 = tpu.memref_squeeze %scatter3A_451 : memref<1x512x64xf32, #tpu.memory_space<vmem>> -> memref<512x64xf32, #tpu.memory_space<vmem>>
        tpu.vector_store_idx %scatter3A_452[%add3A_358, %and3A_406], %gather3A_421 {add = true} : memref<512x64xf32, #tpu.memory_space<vmem>>[vector<16xi32>, vector<16xi32>], vector<16xf32>,
        %add3A_453 = arith.constant 8 : i32
        %add3A_454 = vector.broadcast %add3A_453 : i32 to vector<16xi32>
        %add3A_455 = arith.addi %iota3A, %add3A_454 : vector<16xi32>
        %and3A_456 = arith.constant 63 : i32
        %and3A_457 = vector.broadcast %and3A_456 : i32 to vector<16xi32>
        %and3A_458 = arith.andi %add3A_455, %and3A_457 : vector<16xi32>
        %add3A_459 = arith.constant 9 : i32
        %add3A_460 = vector.broadcast %add3A_459 : i32 to vector<16xi32>
        %add3A_461 = arith.addi %iota3A, %add3A_460 : vector<16xi32>
        %and3A_462 = arith.constant 63 : i32
        %and3A_463 = vector.broadcast %and3A_462 : i32 to vector<16xi32>
        %and3A_464 = arith.andi %add3A_461, %and3A_463 : vector<16xi32>
        %add3A_465 = arith.constant 10 : i32
        %add3A_466 = vector.broadcast %add3A_465 : i32 to vector<16xi32>
        %add3A_467 = arith.addi %iota3A, %add3A_466 : vector<16xi32>
        %and3A_468 = arith.constant 63 : i32
        %and3A_469 = vector.broadcast %and3A_468 : i32 to vector<16xi32>
        %and3A_470 = arith.andi %add3A_467, %and3A_469 : vector<16xi32>
        %add3A_471 = arith.constant 11 : i32
        %add3A_472 = vector.broadcast %add3A_471 : i32 to vector<16xi32>
        %add3A_473 = arith.addi %iota3A, %add3A_472 : vector<16xi32>
        %and3A_474 = arith.constant 63 : i32
        %and3A_475 = vector.broadcast %and3A_474 : i32 to vector<16xi32>
        %and3A_476 = arith.andi %add3A_473, %and3A_475 : vector<16xi32>
        %add3A_477 = arith.constant 12 : i32
        %add3A_478 = vector.broadcast %add3A_477 : i32 to vector<16xi32>
        %add3A_479 = arith.addi %iota3A, %add3A_478 : vector<16xi32>
        %and3A_480 = arith.constant 63 : i32
        %and3A_481 = vector.broadcast %and3A_480 : i32 to vector<16xi32>
        %and3A_482 = arith.andi %add3A_479, %and3A_481 : vector<16xi32>
        %add3A_483 = arith.constant 13 : i32
        %add3A_484 = vector.broadcast %add3A_483 : i32 to vector<16xi32>
        %add3A_485 = arith.addi %iota3A, %add3A_484 : vector<16xi32>
        %and3A_486 = arith.constant 63 : i32
        %and3A_487 = vector.broadcast %and3A_486 : i32 to vector<16xi32>
        %and3A_488 = arith.andi %add3A_485, %and3A_487 : vector<16xi32>
        %add3A_489 = arith.constant 14 : i32
        %add3A_490 = vector.broadcast %add3A_489 : i32 to vector<16xi32>
        %add3A_491 = arith.addi %iota3A, %add3A_490 : vector<16xi32>
        %and3A_492 = arith.constant 63 : i32
        %and3A_493 = vector.broadcast %and3A_492 : i32 to vector<16xi32>
        %and3A_494 = arith.andi %add3A_491, %and3A_493 : vector<16xi32>
        %add3A_495 = arith.constant 15 : i32
        %add3A_496 = vector.broadcast %add3A_495 : i32 to vector<16xi32>
        %add3A_497 = arith.addi %iota3A, %add3A_496 : vector<16xi32>
        %and3A_498 = arith.constant 63 : i32
        %and3A_499 = vector.broadcast %and3A_498 : i32 to vector<16xi32>
        %and3A_500 = arith.andi %add3A_497, %and3A_499 : vector<16xi32>
        %add3A_501 = arith.addi %mul3A_354, %and3A_458 : vector<16xi32>
        %gather3A_502 = tpu.vector_load_idx %arg10[%add3A_501] : memref<13520xf32, #tpu.memory_space<vmem>>[vector<16xi32>], vector<16xf32>,
        %add3A_503 = arith.addi %mul3A_354, %and3A_464 : vector<16xi32>
        %gather3A_504 = tpu.vector_load_idx %arg10[%add3A_503] : memref<13520xf32, #tpu.memory_space<vmem>>[vector<16xi32>], vector<16xf32>,
        %add3A_505 = arith.addi %mul3A_354, %and3A_470 : vector<16xi32>
        %gather3A_506 = tpu.vector_load_idx %arg10[%add3A_505] : memref<13520xf32, #tpu.memory_space<vmem>>[vector<16xi32>], vector<16xf32>,
        %add3A_507 = arith.addi %mul3A_354, %and3A_476 : vector<16xi32>
        %gather3A_508 = tpu.vector_load_idx %arg10[%add3A_507] : memref<13520xf32, #tpu.memory_space<vmem>>[vector<16xi32>], vector<16xf32>,
        %add3A_509 = arith.addi %mul3A_354, %and3A_482 : vector<16xi32>
        %gather3A_510 = tpu.vector_load_idx %arg10[%add3A_509] : memref<13520xf32, #tpu.memory_space<vmem>>[vector<16xi32>], vector<16xf32>,
        %add3A_511 = arith.addi %mul3A_354, %and3A_488 : vector<16xi32>
        %gather3A_512 = tpu.vector_load_idx %arg10[%add3A_511] : memref<13520xf32, #tpu.memory_space<vmem>>[vector<16xi32>], vector<16xf32>,
        %add3A_513 = arith.addi %mul3A_354, %and3A_494 : vector<16xi32>
        %gather3A_514 = tpu.vector_load_idx %arg10[%add3A_513] : memref<13520xf32, #tpu.memory_space<vmem>>[vector<16xi32>], vector<16xf32>,
        %add3A_515 = arith.addi %mul3A_354, %and3A_500 : vector<16xi32>
        %gather3A_516 = tpu.vector_load_idx %arg10[%add3A_515] : memref<13520xf32, #tpu.memory_space<vmem>>[vector<16xi32>], vector<16xf32>,
        %scatter3A_517 = arith.constant 0 : i32
        %scatter3A_518 = arith.constant 0 : i32
        %scatter3A_519 = tpu.memref_slice %arg13[%scan3A_217, %scatter3A_517, %scatter3A_518] : memref<2x512x64xf32, #tpu.memory_space<vmem>> -> memref<1x512x64xf32, #tpu.memory_space<vmem>>
        %scatter3A_520 = tpu.memref_squeeze %scatter3A_519 : memref<1x512x64xf32, #tpu.memory_space<vmem>> -> memref<512x64xf32, #tpu.memory_space<vmem>>
        tpu.vector_store_idx %scatter3A_520[%add3A_358, %and3A_458], %gather3A_502 {add = true} : memref<512x64xf32, #tpu.memory_space<vmem>>[vector<16xi32>, vector<16xi32>], vector<16xf32>,
        %scatter3A_521 = arith.constant 0 : i32
        %scatter3A_522 = arith.constant 0 : i32
        %scatter3A_523 = tpu.memref_slice %arg13[%scan3A_217, %scatter3A_521, %scatter3A_522] : memref<2x512x64xf32, #tpu.memory_space<vmem>> -> memref<1x512x64xf32, #tpu.memory_space<vmem>>
        %scatter3A_524 = tpu.memref_squeeze %scatter3A_523 : memref<1x512x64xf32, #tpu.memory_space<vmem>> -> memref<512x64xf32, #tpu.memory_space<vmem>>
        tpu.vector_store_idx %scatter3A_524[%add3A_358, %and3A_464], %gather3A_504 {add = true} : memref<512x64xf32, #tpu.memory_space<vmem>>[vector<16xi32>, vector<16xi32>], vector<16xf32>,
        %scatter3A_525 = arith.constant 0 : i32
        %scatter3A_526 = arith.constant 0 : i32
        %scatter3A_527 = tpu.memref_slice %arg13[%scan3A_217, %scatter3A_525, %scatter3A_526] : memref<2x512x64xf32, #tpu.memory_space<vmem>> -> memref<1x512x64xf32, #tpu.memory_space<vmem>>
        %scatter3A_528 = tpu.memref_squeeze %scatter3A_527 : memref<1x512x64xf32, #tpu.memory_space<vmem>> -> memref<512x64xf32, #tpu.memory_space<vmem>>
        tpu.vector_store_idx %scatter3A_528[%add3A_358, %and3A_470], %gather3A_506 {add = true} : memref<512x64xf32, #tpu.memory_space<vmem>>[vector<16xi32>, vector<16xi32>], vector<16xf32>,
        %scatter3A_529 = arith.constant 0 : i32
        %scatter3A_530 = arith.constant 0 : i32
        %scatter3A_531 = tpu.memref_slice %arg13[%scan3A_217, %scatter3A_529, %scatter3A_530] : memref<2x512x64xf32, #tpu.memory_space<vmem>> -> memref<1x512x64xf32, #tpu.memory_space<vmem>>
        %scatter3A_532 = tpu.memref_squeeze %scatter3A_531 : memref<1x512x64xf32, #tpu.memory_space<vmem>> -> memref<512x64xf32, #tpu.memory_space<vmem>>
        tpu.vector_store_idx %scatter3A_532[%add3A_358, %and3A_476], %gather3A_508 {add = true} : memref<512x64xf32, #tpu.memory_space<vmem>>[vector<16xi32>, vector<16xi32>], vector<16xf32>,
        %scatter3A_533 = arith.constant 0 : i32
        %scatter3A_534 = arith.constant 0 : i32
        %scatter3A_535 = tpu.memref_slice %arg13[%scan3A_217, %scatter3A_533, %scatter3A_534] : memref<2x512x64xf32, #tpu.memory_space<vmem>> -> memref<1x512x64xf32, #tpu.memory_space<vmem>>
        %scatter3A_536 = tpu.memref_squeeze %scatter3A_535 : memref<1x512x64xf32, #tpu.memory_space<vmem>> -> memref<512x64xf32, #tpu.memory_space<vmem>>
        tpu.vector_store_idx %scatter3A_536[%add3A_358, %and3A_482], %gather3A_510 {add = true} : memref<512x64xf32, #tpu.memory_space<vmem>>[vector<16xi32>, vector<16xi32>], vector<16xf32>,
        %scatter3A_537 = arith.constant 0 : i32
        %scatter3A_538 = arith.constant 0 : i32
        %scatter3A_539 = tpu.memref_slice %arg13[%scan3A_217, %scatter3A_537, %scatter3A_538] : memref<2x512x64xf32, #tpu.memory_space<vmem>> -> memref<1x512x64xf32, #tpu.memory_space<vmem>>
        %scatter3A_540 = tpu.memref_squeeze %scatter3A_539 : memref<1x512x64xf32, #tpu.memory_space<vmem>> -> memref<512x64xf32, #tpu.memory_space<vmem>>
        tpu.vector_store_idx %scatter3A_540[%add3A_358, %and3A_488], %gather3A_512 {add = true} : memref<512x64xf32, #tpu.memory_space<vmem>>[vector<16xi32>, vector<16xi32>], vector<16xf32>,
        %scatter3A_541 = arith.constant 0 : i32
        %scatter3A_542 = arith.constant 0 : i32
        %scatter3A_543 = tpu.memref_slice %arg13[%scan3A_217, %scatter3A_541, %scatter3A_542] : memref<2x512x64xf32, #tpu.memory_space<vmem>> -> memref<1x512x64xf32, #tpu.memory_space<vmem>>
        %scatter3A_544 = tpu.memref_squeeze %scatter3A_543 : memref<1x512x64xf32, #tpu.memory_space<vmem>> -> memref<512x64xf32, #tpu.memory_space<vmem>>
        tpu.vector_store_idx %scatter3A_544[%add3A_358, %and3A_494], %gather3A_514 {add = true} : memref<512x64xf32, #tpu.memory_space<vmem>>[vector<16xi32>, vector<16xi32>], vector<16xf32>,
        %scatter3A_545 = arith.constant 0 : i32
        %scatter3A_546 = arith.constant 0 : i32
        %scatter3A_547 = tpu.memref_slice %arg13[%scan3A_217, %scatter3A_545, %scatter3A_546] : memref<2x512x64xf32, #tpu.memory_space<vmem>> -> memref<1x512x64xf32, #tpu.memory_space<vmem>>
        %scatter3A_548 = tpu.memref_squeeze %scatter3A_547 : memref<1x512x64xf32, #tpu.memory_space<vmem>> -> memref<512x64xf32, #tpu.memory_space<vmem>>
        tpu.vector_store_idx %scatter3A_548[%add3A_358, %and3A_500], %gather3A_516 {add = true} : memref<512x64xf32, #tpu.memory_space<vmem>>[vector<16xi32>, vector<16xi32>], vector<16xf32>,
        %add3A_549 = arith.constant 16 : i32
        %add3A_550 = vector.broadcast %add3A_549 : i32 to vector<16xi32>
        %add3A_551 = arith.addi %iota3A, %add3A_550 : vector<16xi32>
        %and3A_552 = arith.constant 63 : i32
        %and3A_553 = vector.broadcast %and3A_552 : i32 to vector<16xi32>
        %and3A_554 = arith.andi %add3A_551, %and3A_553 : vector<16xi32>
        %add3A_555 = arith.constant 17 : i32
        %add3A_556 = vector.broadcast %add3A_555 : i32 to vector<16xi32>
        %add3A_557 = arith.addi %iota3A, %add3A_556 : vector<16xi32>
        %and3A_558 = arith.constant 63 : i32
        %and3A_559 = vector.broadcast %and3A_558 : i32 to vector<16xi32>
        %and3A_560 = arith.andi %add3A_557, %and3A_559 : vector<16xi32>
        %add3A_561 = arith.constant 18 : i32
        %add3A_562 = vector.broadcast %add3A_561 : i32 to vector<16xi32>
        %add3A_563 = arith.addi %iota3A, %add3A_562 : vector<16xi32>
        %and3A_564 = arith.constant 63 : i32
        %and3A_565 = vector.broadcast %and3A_564 : i32 to vector<16xi32>
        %and3A_566 = arith.andi %add3A_563, %and3A_565 : vector<16xi32>
        %add3A_567 = arith.constant 19 : i32
        %add3A_568 = vector.broadcast %add3A_567 : i32 to vector<16xi32>
        %add3A_569 = arith.addi %iota3A, %add3A_568 : vector<16xi32>
        %and3A_570 = arith.constant 63 : i32
        %and3A_571 = vector.broadcast %and3A_570 : i32 to vector<16xi32>
        %and3A_572 = arith.andi %add3A_569, %and3A_571 : vector<16xi32>
        %add3A_573 = arith.constant 20 : i32
        %add3A_574 = vector.broadcast %add3A_573 : i32 to vector<16xi32>
        %add3A_575 = arith.addi %iota3A, %add3A_574 : vector<16xi32>
        %and3A_576 = arith.constant 63 : i32
        %and3A_577 = vector.broadcast %and3A_576 : i32 to vector<16xi32>
        %and3A_578 = arith.andi %add3A_575, %and3A_577 : vector<16xi32>
        %add3A_579 = arith.constant 21 : i32
        %add3A_580 = vector.broadcast %add3A_579 : i32 to vector<16xi32>
        %add3A_581 = arith.addi %iota3A, %add3A_580 : vector<16xi32>
        %and3A_582 = arith.constant 63 : i32
        %and3A_583 = vector.broadcast %and3A_582 : i32 to vector<16xi32>
        %and3A_584 = arith.andi %add3A_581, %and3A_583 : vector<16xi32>
        %add3A_585 = arith.constant 22 : i32
        %add3A_586 = vector.broadcast %add3A_585 : i32 to vector<16xi32>
        %add3A_587 = arith.addi %iota3A, %add3A_586 : vector<16xi32>
        %and3A_588 = arith.constant 63 : i32
        %and3A_589 = vector.broadcast %and3A_588 : i32 to vector<16xi32>
        %and3A_590 = arith.andi %add3A_587, %and3A_589 : vector<16xi32>
        %add3A_591 = arith.constant 23 : i32
        %add3A_592 = vector.broadcast %add3A_591 : i32 to vector<16xi32>
        %add3A_593 = arith.addi %iota3A, %add3A_592 : vector<16xi32>
        %and3A_594 = arith.constant 63 : i32
        %and3A_595 = vector.broadcast %and3A_594 : i32 to vector<16xi32>
        %and3A_596 = arith.andi %add3A_593, %and3A_595 : vector<16xi32>
        %add3A_597 = arith.addi %mul3A_354, %and3A_554 : vector<16xi32>
        %gather3A_598 = tpu.vector_load_idx %arg10[%add3A_597] : memref<13520xf32, #tpu.memory_space<vmem>>[vector<16xi32>], vector<16xf32>,
        %add3A_599 = arith.addi %mul3A_354, %and3A_560 : vector<16xi32>
        %gather3A_600 = tpu.vector_load_idx %arg10[%add3A_599] : memref<13520xf32, #tpu.memory_space<vmem>>[vector<16xi32>], vector<16xf32>,
        %add3A_601 = arith.addi %mul3A_354, %and3A_566 : vector<16xi32>
        %gather3A_602 = tpu.vector_load_idx %arg10[%add3A_601] : memref<13520xf32, #tpu.memory_space<vmem>>[vector<16xi32>], vector<16xf32>,
        %add3A_603 = arith.addi %mul3A_354, %and3A_572 : vector<16xi32>
        %gather3A_604 = tpu.vector_load_idx %arg10[%add3A_603] : memref<13520xf32, #tpu.memory_space<vmem>>[vector<16xi32>], vector<16xf32>,
        %add3A_605 = arith.addi %mul3A_354, %and3A_578 : vector<16xi32>
        %gather3A_606 = tpu.vector_load_idx %arg10[%add3A_605] : memref<13520xf32, #tpu.memory_space<vmem>>[vector<16xi32>], vector<16xf32>,
        %add3A_607 = arith.addi %mul3A_354, %and3A_584 : vector<16xi32>
        %gather3A_608 = tpu.vector_load_idx %arg10[%add3A_607] : memref<13520xf32, #tpu.memory_space<vmem>>[vector<16xi32>], vector<16xf32>,
        %add3A_609 = arith.addi %mul3A_354, %and3A_590 : vector<16xi32>
        %gather3A_610 = tpu.vector_load_idx %arg10[%add3A_609] : memref<13520xf32, #tpu.memory_space<vmem>>[vector<16xi32>], vector<16xf32>,
        %add3A_611 = arith.addi %mul3A_354, %and3A_596 : vector<16xi32>
        %gather3A_612 = tpu.vector_load_idx %arg10[%add3A_611] : memref<13520xf32, #tpu.memory_space<vmem>>[vector<16xi32>], vector<16xf32>,
        %scatter3A_613 = arith.constant 0 : i32
        %scatter3A_614 = arith.constant 0 : i32
        %scatter3A_615 = tpu.memref_slice %arg13[%scan3A_217, %scatter3A_613, %scatter3A_614] : memref<2x512x64xf32, #tpu.memory_space<vmem>> -> memref<1x512x64xf32, #tpu.memory_space<vmem>>
        %scatter3A_616 = tpu.memref_squeeze %scatter3A_615 : memref<1x512x64xf32, #tpu.memory_space<vmem>> -> memref<512x64xf32, #tpu.memory_space<vmem>>
        tpu.vector_store_idx %scatter3A_616[%add3A_358, %and3A_554], %gather3A_598 {add = true} : memref<512x64xf32, #tpu.memory_space<vmem>>[vector<16xi32>, vector<16xi32>], vector<16xf32>,
        %scatter3A_617 = arith.constant 0 : i32
        %scatter3A_618 = arith.constant 0 : i32
        %scatter3A_619 = tpu.memref_slice %arg13[%scan3A_217, %scatter3A_617, %scatter3A_618] : memref<2x512x64xf32, #tpu.memory_space<vmem>> -> memref<1x512x64xf32, #tpu.memory_space<vmem>>
        %scatter3A_620 = tpu.memref_squeeze %scatter3A_619 : memref<1x512x64xf32, #tpu.memory_space<vmem>> -> memref<512x64xf32, #tpu.memory_space<vmem>>
        tpu.vector_store_idx %scatter3A_620[%add3A_358, %and3A_560], %gather3A_600 {add = true} : memref<512x64xf32, #tpu.memory_space<vmem>>[vector<16xi32>, vector<16xi32>], vector<16xf32>,
        %scatter3A_621 = arith.constant 0 : i32
        %scatter3A_622 = arith.constant 0 : i32
        %scatter3A_623 = tpu.memref_slice %arg13[%scan3A_217, %scatter3A_621, %scatter3A_622] : memref<2x512x64xf32, #tpu.memory_space<vmem>> -> memref<1x512x64xf32, #tpu.memory_space<vmem>>
        %scatter3A_624 = tpu.memref_squeeze %scatter3A_623 : memref<1x512x64xf32, #tpu.memory_space<vmem>> -> memref<512x64xf32, #tpu.memory_space<vmem>>
        tpu.vector_store_idx %scatter3A_624[%add3A_358, %and3A_566], %gather3A_602 {add = true} : memref<512x64xf32, #tpu.memory_space<vmem>>[vector<16xi32>, vector<16xi32>], vector<16xf32>,
        %scatter3A_625 = arith.constant 0 : i32
        %scatter3A_626 = arith.constant 0 : i32
        %scatter3A_627 = tpu.memref_slice %arg13[%scan3A_217, %scatter3A_625, %scatter3A_626] : memref<2x512x64xf32, #tpu.memory_space<vmem>> -> memref<1x512x64xf32, #tpu.memory_space<vmem>>
        %scatter3A_628 = tpu.memref_squeeze %scatter3A_627 : memref<1x512x64xf32, #tpu.memory_space<vmem>> -> memref<512x64xf32, #tpu.memory_space<vmem>>
        tpu.vector_store_idx %scatter3A_628[%add3A_358, %and3A_572], %gather3A_604 {add = true} : memref<512x64xf32, #tpu.memory_space<vmem>>[vector<16xi32>, vector<16xi32>], vector<16xf32>,
        %scatter3A_629 = arith.constant 0 : i32
        %scatter3A_630 = arith.constant 0 : i32
        %scatter3A_631 = tpu.memref_slice %arg13[%scan3A_217, %scatter3A_629, %scatter3A_630] : memref<2x512x64xf32, #tpu.memory_space<vmem>> -> memref<1x512x64xf32, #tpu.memory_space<vmem>>
        %scatter3A_632 = tpu.memref_squeeze %scatter3A_631 : memref<1x512x64xf32, #tpu.memory_space<vmem>> -> memref<512x64xf32, #tpu.memory_space<vmem>>
        tpu.vector_store_idx %scatter3A_632[%add3A_358, %and3A_578], %gather3A_606 {add = true} : memref<512x64xf32, #tpu.memory_space<vmem>>[vector<16xi32>, vector<16xi32>], vector<16xf32>,
        %scatter3A_633 = arith.constant 0 : i32
        %scatter3A_634 = arith.constant 0 : i32
        %scatter3A_635 = tpu.memref_slice %arg13[%scan3A_217, %scatter3A_633, %scatter3A_634] : memref<2x512x64xf32, #tpu.memory_space<vmem>> -> memref<1x512x64xf32, #tpu.memory_space<vmem>>
        %scatter3A_636 = tpu.memref_squeeze %scatter3A_635 : memref<1x512x64xf32, #tpu.memory_space<vmem>> -> memref<512x64xf32, #tpu.memory_space<vmem>>
        tpu.vector_store_idx %scatter3A_636[%add3A_358, %and3A_584], %gather3A_608 {add = true} : memref<512x64xf32, #tpu.memory_space<vmem>>[vector<16xi32>, vector<16xi32>], vector<16xf32>,
        %scatter3A_637 = arith.constant 0 : i32
        %scatter3A_638 = arith.constant 0 : i32
        %scatter3A_639 = tpu.memref_slice %arg13[%scan3A_217, %scatter3A_637, %scatter3A_638] : memref<2x512x64xf32, #tpu.memory_space<vmem>> -> memref<1x512x64xf32, #tpu.memory_space<vmem>>
        %scatter3A_640 = tpu.memref_squeeze %scatter3A_639 : memref<1x512x64xf32, #tpu.memory_space<vmem>> -> memref<512x64xf32, #tpu.memory_space<vmem>>
        tpu.vector_store_idx %scatter3A_640[%add3A_358, %and3A_590], %gather3A_610 {add = true} : memref<512x64xf32, #tpu.memory_space<vmem>>[vector<16xi32>, vector<16xi32>], vector<16xf32>,
        %scatter3A_641 = arith.constant 0 : i32
        %scatter3A_642 = arith.constant 0 : i32
        %scatter3A_643 = tpu.memref_slice %arg13[%scan3A_217, %scatter3A_641, %scatter3A_642] : memref<2x512x64xf32, #tpu.memory_space<vmem>> -> memref<1x512x64xf32, #tpu.memory_space<vmem>>
        %scatter3A_644 = tpu.memref_squeeze %scatter3A_643 : memref<1x512x64xf32, #tpu.memory_space<vmem>> -> memref<512x64xf32, #tpu.memory_space<vmem>>
        tpu.vector_store_idx %scatter3A_644[%add3A_358, %and3A_596], %gather3A_612 {add = true} : memref<512x64xf32, #tpu.memory_space<vmem>>[vector<16xi32>, vector<16xi32>], vector<16xf32>,
        %add3A_645 = arith.constant 24 : i32
        %add3A_646 = vector.broadcast %add3A_645 : i32 to vector<16xi32>
        %add3A_647 = arith.addi %iota3A, %add3A_646 : vector<16xi32>
        %and3A_648 = arith.constant 63 : i32
        %and3A_649 = vector.broadcast %and3A_648 : i32 to vector<16xi32>
        %and3A_650 = arith.andi %add3A_647, %and3A_649 : vector<16xi32>
        %add3A_651 = arith.constant 25 : i32
        %add3A_652 = vector.broadcast %add3A_651 : i32 to vector<16xi32>
        %add3A_653 = arith.addi %iota3A, %add3A_652 : vector<16xi32>
        %and3A_654 = arith.constant 63 : i32
        %and3A_655 = vector.broadcast %and3A_654 : i32 to vector<16xi32>
        %and3A_656 = arith.andi %add3A_653, %and3A_655 : vector<16xi32>
        %add3A_657 = arith.constant 26 : i32
        %add3A_658 = vector.broadcast %add3A_657 : i32 to vector<16xi32>
        %add3A_659 = arith.addi %iota3A, %add3A_658 : vector<16xi32>
        %and3A_660 = arith.constant 63 : i32
        %and3A_661 = vector.broadcast %and3A_660 : i32 to vector<16xi32>
        %and3A_662 = arith.andi %add3A_659, %and3A_661 : vector<16xi32>
        %add3A_663 = arith.constant 27 : i32
        %add3A_664 = vector.broadcast %add3A_663 : i32 to vector<16xi32>
        %add3A_665 = arith.addi %iota3A, %add3A_664 : vector<16xi32>
        %and3A_666 = arith.constant 63 : i32
        %and3A_667 = vector.broadcast %and3A_666 : i32 to vector<16xi32>
        %and3A_668 = arith.andi %add3A_665, %and3A_667 : vector<16xi32>
        %add3A_669 = arith.constant 28 : i32
        %add3A_670 = vector.broadcast %add3A_669 : i32 to vector<16xi32>
        %add3A_671 = arith.addi %iota3A, %add3A_670 : vector<16xi32>
        %and3A_672 = arith.constant 63 : i32
        %and3A_673 = vector.broadcast %and3A_672 : i32 to vector<16xi32>
        %and3A_674 = arith.andi %add3A_671, %and3A_673 : vector<16xi32>
        %add3A_675 = arith.constant 29 : i32
        %add3A_676 = vector.broadcast %add3A_675 : i32 to vector<16xi32>
        %add3A_677 = arith.addi %iota3A, %add3A_676 : vector<16xi32>
        %and3A_678 = arith.constant 63 : i32
        %and3A_679 = vector.broadcast %and3A_678 : i32 to vector<16xi32>
        %and3A_680 = arith.andi %add3A_677, %and3A_679 : vector<16xi32>
        %add3A_681 = arith.constant 30 : i32
        %add3A_682 = vector.broadcast %add3A_681 : i32 to vector<16xi32>
        %add3A_683 = arith.addi %iota3A, %add3A_682 : vector<16xi32>
        %and3A_684 = arith.constant 63 : i32
        %and3A_685 = vector.broadcast %and3A_684 : i32 to vector<16xi32>
        %and3A_686 = arith.andi %add3A_683, %and3A_685 : vector<16xi32>
        %add3A_687 = arith.constant 31 : i32
        %add3A_688 = vector.broadcast %add3A_687 : i32 to vector<16xi32>
        %add3A_689 = arith.addi %iota3A, %add3A_688 : vector<16xi32>
        %and3A_690 = arith.constant 63 : i32
        %and3A_691 = vector.broadcast %and3A_690 : i32 to vector<16xi32>
        %and3A_692 = arith.andi %add3A_689, %and3A_691 : vector<16xi32>
        %add3A_693 = arith.addi %mul3A_354, %and3A_650 : vector<16xi32>
        %gather3A_694 = tpu.vector_load_idx %arg10[%add3A_693] : memref<13520xf32, #tpu.memory_space<vmem>>[vector<16xi32>], vector<16xf32>,
        %add3A_695 = arith.addi %mul3A_354, %and3A_656 : vector<16xi32>
        %gather3A_696 = tpu.vector_load_idx %arg10[%add3A_695] : memref<13520xf32, #tpu.memory_space<vmem>>[vector<16xi32>], vector<16xf32>,
        %add3A_697 = arith.addi %mul3A_354, %and3A_662 : vector<16xi32>
        %gather3A_698 = tpu.vector_load_idx %arg10[%add3A_697] : memref<13520xf32, #tpu.memory_space<vmem>>[vector<16xi32>], vector<16xf32>,
        %add3A_699 = arith.addi %mul3A_354, %and3A_668 : vector<16xi32>
        %gather3A_700 = tpu.vector_load_idx %arg10[%add3A_699] : memref<13520xf32, #tpu.memory_space<vmem>>[vector<16xi32>], vector<16xf32>,
        %add3A_701 = arith.addi %mul3A_354, %and3A_674 : vector<16xi32>
        %gather3A_702 = tpu.vector_load_idx %arg10[%add3A_701] : memref<13520xf32, #tpu.memory_space<vmem>>[vector<16xi32>], vector<16xf32>,
        %add3A_703 = arith.addi %mul3A_354, %and3A_680 : vector<16xi32>
        %gather3A_704 = tpu.vector_load_idx %arg10[%add3A_703] : memref<13520xf32, #tpu.memory_space<vmem>>[vector<16xi32>], vector<16xf32>,
        %add3A_705 = arith.addi %mul3A_354, %and3A_686 : vector<16xi32>
        %gather3A_706 = tpu.vector_load_idx %arg10[%add3A_705] : memref<13520xf32, #tpu.memory_space<vmem>>[vector<16xi32>], vector<16xf32>,
        %add3A_707 = arith.addi %mul3A_354, %and3A_692 : vector<16xi32>
        %gather3A_708 = tpu.vector_load_idx %arg10[%add3A_707] : memref<13520xf32, #tpu.memory_space<vmem>>[vector<16xi32>], vector<16xf32>,
        %scatter3A_709 = arith.constant 0 : i32
        %scatter3A_710 = arith.constant 0 : i32
        %scatter3A_711 = tpu.memref_slice %arg13[%scan3A_217, %scatter3A_709, %scatter3A_710] : memref<2x512x64xf32, #tpu.memory_space<vmem>> -> memref<1x512x64xf32, #tpu.memory_space<vmem>>
        %scatter3A_712 = tpu.memref_squeeze %scatter3A_711 : memref<1x512x64xf32, #tpu.memory_space<vmem>> -> memref<512x64xf32, #tpu.memory_space<vmem>>
        tpu.vector_store_idx %scatter3A_712[%add3A_358, %and3A_650], %gather3A_694 {add = true} : memref<512x64xf32, #tpu.memory_space<vmem>>[vector<16xi32>, vector<16xi32>], vector<16xf32>,
        %scatter3A_713 = arith.constant 0 : i32
        %scatter3A_714 = arith.constant 0 : i32
        %scatter3A_715 = tpu.memref_slice %arg13[%scan3A_217, %scatter3A_713, %scatter3A_714] : memref<2x512x64xf32, #tpu.memory_space<vmem>> -> memref<1x512x64xf32, #tpu.memory_space<vmem>>
        %scatter3A_716 = tpu.memref_squeeze %scatter3A_715 : memref<1x512x64xf32, #tpu.memory_space<vmem>> -> memref<512x64xf32, #tpu.memory_space<vmem>>
        tpu.vector_store_idx %scatter3A_716[%add3A_358, %and3A_656], %gather3A_696 {add = true} : memref<512x64xf32, #tpu.memory_space<vmem>>[vector<16xi32>, vector<16xi32>], vector<16xf32>,
        %scatter3A_717 = arith.constant 0 : i32
        %scatter3A_718 = arith.constant 0 : i32
        %scatter3A_719 = tpu.memref_slice %arg13[%scan3A_217, %scatter3A_717, %scatter3A_718] : memref<2x512x64xf32, #tpu.memory_space<vmem>> -> memref<1x512x64xf32, #tpu.memory_space<vmem>>
        %scatter3A_720 = tpu.memref_squeeze %scatter3A_719 : memref<1x512x64xf32, #tpu.memory_space<vmem>> -> memref<512x64xf32, #tpu.memory_space<vmem>>
        tpu.vector_store_idx %scatter3A_720[%add3A_358, %and3A_662], %gather3A_698 {add = true} : memref<512x64xf32, #tpu.memory_space<vmem>>[vector<16xi32>, vector<16xi32>], vector<16xf32>,
        %scatter3A_721 = arith.constant 0 : i32
        %scatter3A_722 = arith.constant 0 : i32
        %scatter3A_723 = tpu.memref_slice %arg13[%scan3A_217, %scatter3A_721, %scatter3A_722] : memref<2x512x64xf32, #tpu.memory_space<vmem>> -> memref<1x512x64xf32, #tpu.memory_space<vmem>>
        %scatter3A_724 = tpu.memref_squeeze %scatter3A_723 : memref<1x512x64xf32, #tpu.memory_space<vmem>> -> memref<512x64xf32, #tpu.memory_space<vmem>>
        tpu.vector_store_idx %scatter3A_724[%add3A_358, %and3A_668], %gather3A_700 {add = true} : memref<512x64xf32, #tpu.memory_space<vmem>>[vector<16xi32>, vector<16xi32>], vector<16xf32>,
        %scatter3A_725 = arith.constant 0 : i32
        %scatter3A_726 = arith.constant 0 : i32
        %scatter3A_727 = tpu.memref_slice %arg13[%scan3A_217, %scatter3A_725, %scatter3A_726] : memref<2x512x64xf32, #tpu.memory_space<vmem>> -> memref<1x512x64xf32, #tpu.memory_space<vmem>>
        %scatter3A_728 = tpu.memref_squeeze %scatter3A_727 : memref<1x512x64xf32, #tpu.memory_space<vmem>> -> memref<512x64xf32, #tpu.memory_space<vmem>>
        tpu.vector_store_idx %scatter3A_728[%add3A_358, %and3A_674], %gather3A_702 {add = true} : memref<512x64xf32, #tpu.memory_space<vmem>>[vector<16xi32>, vector<16xi32>], vector<16xf32>,
        %scatter3A_729 = arith.constant 0 : i32
        %scatter3A_730 = arith.constant 0 : i32
        %scatter3A_731 = tpu.memref_slice %arg13[%scan3A_217, %scatter3A_729, %scatter3A_730] : memref<2x512x64xf32, #tpu.memory_space<vmem>> -> memref<1x512x64xf32, #tpu.memory_space<vmem>>
        %scatter3A_732 = tpu.memref_squeeze %scatter3A_731 : memref<1x512x64xf32, #tpu.memory_space<vmem>> -> memref<512x64xf32, #tpu.memory_space<vmem>>
        tpu.vector_store_idx %scatter3A_732[%add3A_358, %and3A_680], %gather3A_704 {add = true} : memref<512x64xf32, #tpu.memory_space<vmem>>[vector<16xi32>, vector<16xi32>], vector<16xf32>,
        %scatter3A_733 = arith.constant 0 : i32
        %scatter3A_734 = arith.constant 0 : i32
        %scatter3A_735 = tpu.memref_slice %arg13[%scan3A_217, %scatter3A_733, %scatter3A_734] : memref<2x512x64xf32, #tpu.memory_space<vmem>> -> memref<1x512x64xf32, #tpu.memory_space<vmem>>
        %scatter3A_736 = tpu.memref_squeeze %scatter3A_735 : memref<1x512x64xf32, #tpu.memory_space<vmem>> -> memref<512x64xf32, #tpu.memory_space<vmem>>
        tpu.vector_store_idx %scatter3A_736[%add3A_358, %and3A_686], %gather3A_706 {add = true} : memref<512x64xf32, #tpu.memory_space<vmem>>[vector<16xi32>, vector<16xi32>], vector<16xf32>,
        %scatter3A_737 = arith.constant 0 : i32
        %scatter3A_738 = arith.constant 0 : i32
        %scatter3A_739 = tpu.memref_slice %arg13[%scan3A_217, %scatter3A_737, %scatter3A_738] : memref<2x512x64xf32, #tpu.memory_space<vmem>> -> memref<1x512x64xf32, #tpu.memory_space<vmem>>
        %scatter3A_740 = tpu.memref_squeeze %scatter3A_739 : memref<1x512x64xf32, #tpu.memory_space<vmem>> -> memref<512x64xf32, #tpu.memory_space<vmem>>
        tpu.vector_store_idx %scatter3A_740[%add3A_358, %and3A_692], %gather3A_708 {add = true} : memref<512x64xf32, #tpu.memory_space<vmem>>[vector<16xi32>, vector<16xi32>], vector<16xf32>,
        %add3A_741 = arith.constant 32 : i32
        %add3A_742 = vector.broadcast %add3A_741 : i32 to vector<16xi32>
        %add3A_743 = arith.addi %iota3A, %add3A_742 : vector<16xi32>
        %and3A_744 = arith.constant 63 : i32
        %and3A_745 = vector.broadcast %and3A_744 : i32 to vector<16xi32>
        %and3A_746 = arith.andi %add3A_743, %and3A_745 : vector<16xi32>
        %add3A_747 = arith.constant 33 : i32
        %add3A_748 = vector.broadcast %add3A_747 : i32 to vector<16xi32>
        %add3A_749 = arith.addi %iota3A, %add3A_748 : vector<16xi32>
        %and3A_750 = arith.constant 63 : i32
        %and3A_751 = vector.broadcast %and3A_750 : i32 to vector<16xi32>
        %and3A_752 = arith.andi %add3A_749, %and3A_751 : vector<16xi32>
        %add3A_753 = arith.constant 34 : i32
        %add3A_754 = vector.broadcast %add3A_753 : i32 to vector<16xi32>
        %add3A_755 = arith.addi %iota3A, %add3A_754 : vector<16xi32>
        %and3A_756 = arith.constant 63 : i32
        %and3A_757 = vector.broadcast %and3A_756 : i32 to vector<16xi32>
        %and3A_758 = arith.andi %add3A_755, %and3A_757 : vector<16xi32>
        %add3A_759 = arith.constant 35 : i32
        %add3A_760 = vector.broadcast %add3A_759 : i32 to vector<16xi32>
        %add3A_761 = arith.addi %iota3A, %add3A_760 : vector<16xi32>
        %and3A_762 = arith.constant 63 : i32
        %and3A_763 = vector.broadcast %and3A_762 : i32 to vector<16xi32>
        %and3A_764 = arith.andi %add3A_761, %and3A_763 : vector<16xi32>
        %add3A_765 = arith.constant 36 : i32
        %add3A_766 = vector.broadcast %add3A_765 : i32 to vector<16xi32>
        %add3A_767 = arith.addi %iota3A, %add3A_766 : vector<16xi32>
        %and3A_768 = arith.constant 63 : i32
        %and3A_769 = vector.broadcast %and3A_768 : i32 to vector<16xi32>
        %and3A_770 = arith.andi %add3A_767, %and3A_769 : vector<16xi32>
        %add3A_771 = arith.constant 37 : i32
        %add3A_772 = vector.broadcast %add3A_771 : i32 to vector<16xi32>
        %add3A_773 = arith.addi %iota3A, %add3A_772 : vector<16xi32>
        %and3A_774 = arith.constant 63 : i32
        %and3A_775 = vector.broadcast %and3A_774 : i32 to vector<16xi32>
        %and3A_776 = arith.andi %add3A_773, %and3A_775 : vector<16xi32>
        %add3A_777 = arith.constant 38 : i32
        %add3A_778 = vector.broadcast %add3A_777 : i32 to vector<16xi32>
        %add3A_779 = arith.addi %iota3A, %add3A_778 : vector<16xi32>
        %and3A_780 = arith.constant 63 : i32
        %and3A_781 = vector.broadcast %and3A_780 : i32 to vector<16xi32>
        %and3A_782 = arith.andi %add3A_779, %and3A_781 : vector<16xi32>
        %add3A_783 = arith.constant 39 : i32
        %add3A_784 = vector.broadcast %add3A_783 : i32 to vector<16xi32>
        %add3A_785 = arith.addi %iota3A, %add3A_784 : vector<16xi32>
        %and3A_786 = arith.constant 63 : i32
        %and3A_787 = vector.broadcast %and3A_786 : i32 to vector<16xi32>
        %and3A_788 = arith.andi %add3A_785, %and3A_787 : vector<16xi32>
        %add3A_789 = arith.addi %mul3A_354, %and3A_746 : vector<16xi32>
        %gather3A_790 = tpu.vector_load_idx %arg10[%add3A_789] : memref<13520xf32, #tpu.memory_space<vmem>>[vector<16xi32>], vector<16xf32>,
        %add3A_791 = arith.addi %mul3A_354, %and3A_752 : vector<16xi32>
        %gather3A_792 = tpu.vector_load_idx %arg10[%add3A_791] : memref<13520xf32, #tpu.memory_space<vmem>>[vector<16xi32>], vector<16xf32>,
        %add3A_793 = arith.addi %mul3A_354, %and3A_758 : vector<16xi32>
        %gather3A_794 = tpu.vector_load_idx %arg10[%add3A_793] : memref<13520xf32, #tpu.memory_space<vmem>>[vector<16xi32>], vector<16xf32>,
        %add3A_795 = arith.addi %mul3A_354, %and3A_764 : vector<16xi32>
        %gather3A_796 = tpu.vector_load_idx %arg10[%add3A_795] : memref<13520xf32, #tpu.memory_space<vmem>>[vector<16xi32>], vector<16xf32>,
        %add3A_797 = arith.addi %mul3A_354, %and3A_770 : vector<16xi32>
        %gather3A_798 = tpu.vector_load_idx %arg10[%add3A_797] : memref<13520xf32, #tpu.memory_space<vmem>>[vector<16xi32>], vector<16xf32>,
        %add3A_799 = arith.addi %mul3A_354, %and3A_776 : vector<16xi32>
        %gather3A_800 = tpu.vector_load_idx %arg10[%add3A_799] : memref<13520xf32, #tpu.memory_space<vmem>>[vector<16xi32>], vector<16xf32>,
        %add3A_801 = arith.addi %mul3A_354, %and3A_782 : vector<16xi32>
        %gather3A_802 = tpu.vector_load_idx %arg10[%add3A_801] : memref<13520xf32, #tpu.memory_space<vmem>>[vector<16xi32>], vector<16xf32>,
        %add3A_803 = arith.addi %mul3A_354, %and3A_788 : vector<16xi32>
        %gather3A_804 = tpu.vector_load_idx %arg10[%add3A_803] : memref<13520xf32, #tpu.memory_space<vmem>>[vector<16xi32>], vector<16xf32>,
        %scatter3A_805 = arith.constant 0 : i32
        %scatter3A_806 = arith.constant 0 : i32
        %scatter3A_807 = tpu.memref_slice %arg13[%scan3A_217, %scatter3A_805, %scatter3A_806] : memref<2x512x64xf32, #tpu.memory_space<vmem>> -> memref<1x512x64xf32, #tpu.memory_space<vmem>>
        %scatter3A_808 = tpu.memref_squeeze %scatter3A_807 : memref<1x512x64xf32, #tpu.memory_space<vmem>> -> memref<512x64xf32, #tpu.memory_space<vmem>>
        tpu.vector_store_idx %scatter3A_808[%add3A_358, %and3A_746], %gather3A_790 {add = true} : memref<512x64xf32, #tpu.memory_space<vmem>>[vector<16xi32>, vector<16xi32>], vector<16xf32>,
        %scatter3A_809 = arith.constant 0 : i32
        %scatter3A_810 = arith.constant 0 : i32
        %scatter3A_811 = tpu.memref_slice %arg13[%scan3A_217, %scatter3A_809, %scatter3A_810] : memref<2x512x64xf32, #tpu.memory_space<vmem>> -> memref<1x512x64xf32, #tpu.memory_space<vmem>>
        %scatter3A_812 = tpu.memref_squeeze %scatter3A_811 : memref<1x512x64xf32, #tpu.memory_space<vmem>> -> memref<512x64xf32, #tpu.memory_space<vmem>>
        tpu.vector_store_idx %scatter3A_812[%add3A_358, %and3A_752], %gather3A_792 {add = true} : memref<512x64xf32, #tpu.memory_space<vmem>>[vector<16xi32>, vector<16xi32>], vector<16xf32>,
        %scatter3A_813 = arith.constant 0 : i32
        %scatter3A_814 = arith.constant 0 : i32
        %scatter3A_815 = tpu.memref_slice %arg13[%scan3A_217, %scatter3A_813, %scatter3A_814] : memref<2x512x64xf32, #tpu.memory_space<vmem>> -> memref<1x512x64xf32, #tpu.memory_space<vmem>>
        %scatter3A_816 = tpu.memref_squeeze %scatter3A_815 : memref<1x512x64xf32, #tpu.memory_space<vmem>> -> memref<512x64xf32, #tpu.memory_space<vmem>>
        tpu.vector_store_idx %scatter3A_816[%add3A_358, %and3A_758], %gather3A_794 {add = true} : memref<512x64xf32, #tpu.memory_space<vmem>>[vector<16xi32>, vector<16xi32>], vector<16xf32>,
        %scatter3A_817 = arith.constant 0 : i32
        %scatter3A_818 = arith.constant 0 : i32
        %scatter3A_819 = tpu.memref_slice %arg13[%scan3A_217, %scatter3A_817, %scatter3A_818] : memref<2x512x64xf32, #tpu.memory_space<vmem>> -> memref<1x512x64xf32, #tpu.memory_space<vmem>>
        %scatter3A_820 = tpu.memref_squeeze %scatter3A_819 : memref<1x512x64xf32, #tpu.memory_space<vmem>> -> memref<512x64xf32, #tpu.memory_space<vmem>>
        tpu.vector_store_idx %scatter3A_820[%add3A_358, %and3A_764], %gather3A_796 {add = true} : memref<512x64xf32, #tpu.memory_space<vmem>>[vector<16xi32>, vector<16xi32>], vector<16xf32>,
        %scatter3A_821 = arith.constant 0 : i32
        %scatter3A_822 = arith.constant 0 : i32
        %scatter3A_823 = tpu.memref_slice %arg13[%scan3A_217, %scatter3A_821, %scatter3A_822] : memref<2x512x64xf32, #tpu.memory_space<vmem>> -> memref<1x512x64xf32, #tpu.memory_space<vmem>>
        %scatter3A_824 = tpu.memref_squeeze %scatter3A_823 : memref<1x512x64xf32, #tpu.memory_space<vmem>> -> memref<512x64xf32, #tpu.memory_space<vmem>>
        tpu.vector_store_idx %scatter3A_824[%add3A_358, %and3A_770], %gather3A_798 {add = true} : memref<512x64xf32, #tpu.memory_space<vmem>>[vector<16xi32>, vector<16xi32>], vector<16xf32>,
        %scatter3A_825 = arith.constant 0 : i32
        %scatter3A_826 = arith.constant 0 : i32
        %scatter3A_827 = tpu.memref_slice %arg13[%scan3A_217, %scatter3A_825, %scatter3A_826] : memref<2x512x64xf32, #tpu.memory_space<vmem>> -> memref<1x512x64xf32, #tpu.memory_space<vmem>>
        %scatter3A_828 = tpu.memref_squeeze %scatter3A_827 : memref<1x512x64xf32, #tpu.memory_space<vmem>> -> memref<512x64xf32, #tpu.memory_space<vmem>>
        tpu.vector_store_idx %scatter3A_828[%add3A_358, %and3A_776], %gather3A_800 {add = true} : memref<512x64xf32, #tpu.memory_space<vmem>>[vector<16xi32>, vector<16xi32>], vector<16xf32>,
        %scatter3A_829 = arith.constant 0 : i32
        %scatter3A_830 = arith.constant 0 : i32
        %scatter3A_831 = tpu.memref_slice %arg13[%scan3A_217, %scatter3A_829, %scatter3A_830] : memref<2x512x64xf32, #tpu.memory_space<vmem>> -> memref<1x512x64xf32, #tpu.memory_space<vmem>>
        %scatter3A_832 = tpu.memref_squeeze %scatter3A_831 : memref<1x512x64xf32, #tpu.memory_space<vmem>> -> memref<512x64xf32, #tpu.memory_space<vmem>>
        tpu.vector_store_idx %scatter3A_832[%add3A_358, %and3A_782], %gather3A_802 {add = true} : memref<512x64xf32, #tpu.memory_space<vmem>>[vector<16xi32>, vector<16xi32>], vector<16xf32>,
        %scatter3A_833 = arith.constant 0 : i32
        %scatter3A_834 = arith.constant 0 : i32
        %scatter3A_835 = tpu.memref_slice %arg13[%scan3A_217, %scatter3A_833, %scatter3A_834] : memref<2x512x64xf32, #tpu.memory_space<vmem>> -> memref<1x512x64xf32, #tpu.memory_space<vmem>>
        %scatter3A_836 = tpu.memref_squeeze %scatter3A_835 : memref<1x512x64xf32, #tpu.memory_space<vmem>> -> memref<512x64xf32, #tpu.memory_space<vmem>>
        tpu.vector_store_idx %scatter3A_836[%add3A_358, %and3A_788], %gather3A_804 {add = true} : memref<512x64xf32, #tpu.memory_space<vmem>>[vector<16xi32>, vector<16xi32>], vector<16xf32>,
        %add3A_837 = arith.constant 40 : i32
        %add3A_838 = vector.broadcast %add3A_837 : i32 to vector<16xi32>
        %add3A_839 = arith.addi %iota3A, %add3A_838 : vector<16xi32>
        %and3A_840 = arith.constant 63 : i32
        %and3A_841 = vector.broadcast %and3A_840 : i32 to vector<16xi32>
        %and3A_842 = arith.andi %add3A_839, %and3A_841 : vector<16xi32>
        %add3A_843 = arith.constant 41 : i32
        %add3A_844 = vector.broadcast %add3A_843 : i32 to vector<16xi32>
        %add3A_845 = arith.addi %iota3A, %add3A_844 : vector<16xi32>
        %and3A_846 = arith.constant 63 : i32
        %and3A_847 = vector.broadcast %and3A_846 : i32 to vector<16xi32>
        %and3A_848 = arith.andi %add3A_845, %and3A_847 : vector<16xi32>
        %add3A_849 = arith.constant 42 : i32
        %add3A_850 = vector.broadcast %add3A_849 : i32 to vector<16xi32>
        %add3A_851 = arith.addi %iota3A, %add3A_850 : vector<16xi32>
        %and3A_852 = arith.constant 63 : i32
        %and3A_853 = vector.broadcast %and3A_852 : i32 to vector<16xi32>
        %and3A_854 = arith.andi %add3A_851, %and3A_853 : vector<16xi32>
        %add3A_855 = arith.constant 43 : i32
        %add3A_856 = vector.broadcast %add3A_855 : i32 to vector<16xi32>
        %add3A_857 = arith.addi %iota3A, %add3A_856 : vector<16xi32>
        %and3A_858 = arith.constant 63 : i32
        %and3A_859 = vector.broadcast %and3A_858 : i32 to vector<16xi32>
        %and3A_860 = arith.andi %add3A_857, %and3A_859 : vector<16xi32>
        %add3A_861 = arith.constant 44 : i32
        %add3A_862 = vector.broadcast %add3A_861 : i32 to vector<16xi32>
        %add3A_863 = arith.addi %iota3A, %add3A_862 : vector<16xi32>
        %and3A_864 = arith.constant 63 : i32
        %and3A_865 = vector.broadcast %and3A_864 : i32 to vector<16xi32>
        %and3A_866 = arith.andi %add3A_863, %and3A_865 : vector<16xi32>
        %add3A_867 = arith.constant 45 : i32
        %add3A_868 = vector.broadcast %add3A_867 : i32 to vector<16xi32>
        %add3A_869 = arith.addi %iota3A, %add3A_868 : vector<16xi32>
        %and3A_870 = arith.constant 63 : i32
        %and3A_871 = vector.broadcast %and3A_870 : i32 to vector<16xi32>
        %and3A_872 = arith.andi %add3A_869, %and3A_871 : vector<16xi32>
        %add3A_873 = arith.constant 46 : i32
        %add3A_874 = vector.broadcast %add3A_873 : i32 to vector<16xi32>
        %add3A_875 = arith.addi %iota3A, %add3A_874 : vector<16xi32>
        %and3A_876 = arith.constant 63 : i32
        %and3A_877 = vector.broadcast %and3A_876 : i32 to vector<16xi32>
        %and3A_878 = arith.andi %add3A_875, %and3A_877 : vector<16xi32>
        %add3A_879 = arith.constant 47 : i32
        %add3A_880 = vector.broadcast %add3A_879 : i32 to vector<16xi32>
        %add3A_881 = arith.addi %iota3A, %add3A_880 : vector<16xi32>
        %and3A_882 = arith.constant 63 : i32
        %and3A_883 = vector.broadcast %and3A_882 : i32 to vector<16xi32>
        %and3A_884 = arith.andi %add3A_881, %and3A_883 : vector<16xi32>
        %add3A_885 = arith.addi %mul3A_354, %and3A_842 : vector<16xi32>
        %gather3A_886 = tpu.vector_load_idx %arg10[%add3A_885] : memref<13520xf32, #tpu.memory_space<vmem>>[vector<16xi32>], vector<16xf32>,
        %add3A_887 = arith.addi %mul3A_354, %and3A_848 : vector<16xi32>
        %gather3A_888 = tpu.vector_load_idx %arg10[%add3A_887] : memref<13520xf32, #tpu.memory_space<vmem>>[vector<16xi32>], vector<16xf32>,
        %add3A_889 = arith.addi %mul3A_354, %and3A_854 : vector<16xi32>
        %gather3A_890 = tpu.vector_load_idx %arg10[%add3A_889] : memref<13520xf32, #tpu.memory_space<vmem>>[vector<16xi32>], vector<16xf32>,
        %add3A_891 = arith.addi %mul3A_354, %and3A_860 : vector<16xi32>
        %gather3A_892 = tpu.vector_load_idx %arg10[%add3A_891] : memref<13520xf32, #tpu.memory_space<vmem>>[vector<16xi32>], vector<16xf32>,
        %add3A_893 = arith.addi %mul3A_354, %and3A_866 : vector<16xi32>
        %gather3A_894 = tpu.vector_load_idx %arg10[%add3A_893] : memref<13520xf32, #tpu.memory_space<vmem>>[vector<16xi32>], vector<16xf32>,
        %add3A_895 = arith.addi %mul3A_354, %and3A_872 : vector<16xi32>
        %gather3A_896 = tpu.vector_load_idx %arg10[%add3A_895] : memref<13520xf32, #tpu.memory_space<vmem>>[vector<16xi32>], vector<16xf32>,
        %add3A_897 = arith.addi %mul3A_354, %and3A_878 : vector<16xi32>
        %gather3A_898 = tpu.vector_load_idx %arg10[%add3A_897] : memref<13520xf32, #tpu.memory_space<vmem>>[vector<16xi32>], vector<16xf32>,
        %add3A_899 = arith.addi %mul3A_354, %and3A_884 : vector<16xi32>
        %gather3A_900 = tpu.vector_load_idx %arg10[%add3A_899] : memref<13520xf32, #tpu.memory_space<vmem>>[vector<16xi32>], vector<16xf32>,
        %scatter3A_901 = arith.constant 0 : i32
        %scatter3A_902 = arith.constant 0 : i32
        %scatter3A_903 = tpu.memref_slice %arg13[%scan3A_217, %scatter3A_901, %scatter3A_902] : memref<2x512x64xf32, #tpu.memory_space<vmem>> -> memref<1x512x64xf32, #tpu.memory_space<vmem>>
        %scatter3A_904 = tpu.memref_squeeze %scatter3A_903 : memref<1x512x64xf32, #tpu.memory_space<vmem>> -> memref<512x64xf32, #tpu.memory_space<vmem>>
        tpu.vector_store_idx %scatter3A_904[%add3A_358, %and3A_842], %gather3A_886 {add = true} : memref<512x64xf32, #tpu.memory_space<vmem>>[vector<16xi32>, vector<16xi32>], vector<16xf32>,
        %scatter3A_905 = arith.constant 0 : i32
        %scatter3A_906 = arith.constant 0 : i32
        %scatter3A_907 = tpu.memref_slice %arg13[%scan3A_217, %scatter3A_905, %scatter3A_906] : memref<2x512x64xf32, #tpu.memory_space<vmem>> -> memref<1x512x64xf32, #tpu.memory_space<vmem>>
        %scatter3A_908 = tpu.memref_squeeze %scatter3A_907 : memref<1x512x64xf32, #tpu.memory_space<vmem>> -> memref<512x64xf32, #tpu.memory_space<vmem>>
        tpu.vector_store_idx %scatter3A_908[%add3A_358, %and3A_848], %gather3A_888 {add = true} : memref<512x64xf32, #tpu.memory_space<vmem>>[vector<16xi32>, vector<16xi32>], vector<16xf32>,
        %scatter3A_909 = arith.constant 0 : i32
        %scatter3A_910 = arith.constant 0 : i32
        %scatter3A_911 = tpu.memref_slice %arg13[%scan3A_217, %scatter3A_909, %scatter3A_910] : memref<2x512x64xf32, #tpu.memory_space<vmem>> -> memref<1x512x64xf32, #tpu.memory_space<vmem>>
        %scatter3A_912 = tpu.memref_squeeze %scatter3A_911 : memref<1x512x64xf32, #tpu.memory_space<vmem>> -> memref<512x64xf32, #tpu.memory_space<vmem>>
        tpu.vector_store_idx %scatter3A_912[%add3A_358, %and3A_854], %gather3A_890 {add = true} : memref<512x64xf32, #tpu.memory_space<vmem>>[vector<16xi32>, vector<16xi32>], vector<16xf32>,
        %scatter3A_913 = arith.constant 0 : i32
        %scatter3A_914 = arith.constant 0 : i32
        %scatter3A_915 = tpu.memref_slice %arg13[%scan3A_217, %scatter3A_913, %scatter3A_914] : memref<2x512x64xf32, #tpu.memory_space<vmem>> -> memref<1x512x64xf32, #tpu.memory_space<vmem>>
        %scatter3A_916 = tpu.memref_squeeze %scatter3A_915 : memref<1x512x64xf32, #tpu.memory_space<vmem>> -> memref<512x64xf32, #tpu.memory_space<vmem>>
        tpu.vector_store_idx %scatter3A_916[%add3A_358, %and3A_860], %gather3A_892 {add = true} : memref<512x64xf32, #tpu.memory_space<vmem>>[vector<16xi32>, vector<16xi32>], vector<16xf32>,
        %scatter3A_917 = arith.constant 0 : i32
        %scatter3A_918 = arith.constant 0 : i32
        %scatter3A_919 = tpu.memref_slice %arg13[%scan3A_217, %scatter3A_917, %scatter3A_918] : memref<2x512x64xf32, #tpu.memory_space<vmem>> -> memref<1x512x64xf32, #tpu.memory_space<vmem>>
        %scatter3A_920 = tpu.memref_squeeze %scatter3A_919 : memref<1x512x64xf32, #tpu.memory_space<vmem>> -> memref<512x64xf32, #tpu.memory_space<vmem>>
        tpu.vector_store_idx %scatter3A_920[%add3A_358, %and3A_866], %gather3A_894 {add = true} : memref<512x64xf32, #tpu.memory_space<vmem>>[vector<16xi32>, vector<16xi32>], vector<16xf32>,
        %scatter3A_921 = arith.constant 0 : i32
        %scatter3A_922 = arith.constant 0 : i32
        %scatter3A_923 = tpu.memref_slice %arg13[%scan3A_217, %scatter3A_921, %scatter3A_922] : memref<2x512x64xf32, #tpu.memory_space<vmem>> -> memref<1x512x64xf32, #tpu.memory_space<vmem>>
        %scatter3A_924 = tpu.memref_squeeze %scatter3A_923 : memref<1x512x64xf32, #tpu.memory_space<vmem>> -> memref<512x64xf32, #tpu.memory_space<vmem>>
        tpu.vector_store_idx %scatter3A_924[%add3A_358, %and3A_872], %gather3A_896 {add = true} : memref<512x64xf32, #tpu.memory_space<vmem>>[vector<16xi32>, vector<16xi32>], vector<16xf32>,
        %scatter3A_925 = arith.constant 0 : i32
        %scatter3A_926 = arith.constant 0 : i32
        %scatter3A_927 = tpu.memref_slice %arg13[%scan3A_217, %scatter3A_925, %scatter3A_926] : memref<2x512x64xf32, #tpu.memory_space<vmem>> -> memref<1x512x64xf32, #tpu.memory_space<vmem>>
        %scatter3A_928 = tpu.memref_squeeze %scatter3A_927 : memref<1x512x64xf32, #tpu.memory_space<vmem>> -> memref<512x64xf32, #tpu.memory_space<vmem>>
        tpu.vector_store_idx %scatter3A_928[%add3A_358, %and3A_878], %gather3A_898 {add = true} : memref<512x64xf32, #tpu.memory_space<vmem>>[vector<16xi32>, vector<16xi32>], vector<16xf32>,
        %scatter3A_929 = arith.constant 0 : i32
        %scatter3A_930 = arith.constant 0 : i32
        %scatter3A_931 = tpu.memref_slice %arg13[%scan3A_217, %scatter3A_929, %scatter3A_930] : memref<2x512x64xf32, #tpu.memory_space<vmem>> -> memref<1x512x64xf32, #tpu.memory_space<vmem>>
        %scatter3A_932 = tpu.memref_squeeze %scatter3A_931 : memref<1x512x64xf32, #tpu.memory_space<vmem>> -> memref<512x64xf32, #tpu.memory_space<vmem>>
        tpu.vector_store_idx %scatter3A_932[%add3A_358, %and3A_884], %gather3A_900 {add = true} : memref<512x64xf32, #tpu.memory_space<vmem>>[vector<16xi32>, vector<16xi32>], vector<16xf32>,
        %add3A_933 = arith.constant 48 : i32
        %add3A_934 = vector.broadcast %add3A_933 : i32 to vector<16xi32>
        %add3A_935 = arith.addi %iota3A, %add3A_934 : vector<16xi32>
        %and3A_936 = arith.constant 63 : i32
        %and3A_937 = vector.broadcast %and3A_936 : i32 to vector<16xi32>
        %and3A_938 = arith.andi %add3A_935, %and3A_937 : vector<16xi32>
        %add3A_939 = arith.constant 49 : i32
        %add3A_940 = vector.broadcast %add3A_939 : i32 to vector<16xi32>
        %add3A_941 = arith.addi %iota3A, %add3A_940 : vector<16xi32>
        %and3A_942 = arith.constant 63 : i32
        %and3A_943 = vector.broadcast %and3A_942 : i32 to vector<16xi32>
        %and3A_944 = arith.andi %add3A_941, %and3A_943 : vector<16xi32>
        %add3A_945 = arith.constant 50 : i32
        %add3A_946 = vector.broadcast %add3A_945 : i32 to vector<16xi32>
        %add3A_947 = arith.addi %iota3A, %add3A_946 : vector<16xi32>
        %and3A_948 = arith.constant 63 : i32
        %and3A_949 = vector.broadcast %and3A_948 : i32 to vector<16xi32>
        %and3A_950 = arith.andi %add3A_947, %and3A_949 : vector<16xi32>
        %add3A_951 = arith.constant 51 : i32
        %add3A_952 = vector.broadcast %add3A_951 : i32 to vector<16xi32>
        %add3A_953 = arith.addi %iota3A, %add3A_952 : vector<16xi32>
        %and3A_954 = arith.constant 63 : i32
        %and3A_955 = vector.broadcast %and3A_954 : i32 to vector<16xi32>
        %and3A_956 = arith.andi %add3A_953, %and3A_955 : vector<16xi32>
        %add3A_957 = arith.constant 52 : i32
        %add3A_958 = vector.broadcast %add3A_957 : i32 to vector<16xi32>
        %add3A_959 = arith.addi %iota3A, %add3A_958 : vector<16xi32>
        %and3A_960 = arith.constant 63 : i32
        %and3A_961 = vector.broadcast %and3A_960 : i32 to vector<16xi32>
        %and3A_962 = arith.andi %add3A_959, %and3A_961 : vector<16xi32>
        %add3A_963 = arith.constant 53 : i32
        %add3A_964 = vector.broadcast %add3A_963 : i32 to vector<16xi32>
        %add3A_965 = arith.addi %iota3A, %add3A_964 : vector<16xi32>
        %and3A_966 = arith.constant 63 : i32
        %and3A_967 = vector.broadcast %and3A_966 : i32 to vector<16xi32>
        %and3A_968 = arith.andi %add3A_965, %and3A_967 : vector<16xi32>
        %add3A_969 = arith.constant 54 : i32
        %add3A_970 = vector.broadcast %add3A_969 : i32 to vector<16xi32>
        %add3A_971 = arith.addi %iota3A, %add3A_970 : vector<16xi32>
        %and3A_972 = arith.constant 63 : i32
        %and3A_973 = vector.broadcast %and3A_972 : i32 to vector<16xi32>
        %and3A_974 = arith.andi %add3A_971, %and3A_973 : vector<16xi32>
        %add3A_975 = arith.constant 55 : i32
        %add3A_976 = vector.broadcast %add3A_975 : i32 to vector<16xi32>
        %add3A_977 = arith.addi %iota3A, %add3A_976 : vector<16xi32>
        %and3A_978 = arith.constant 63 : i32
        %and3A_979 = vector.broadcast %and3A_978 : i32 to vector<16xi32>
        %and3A_980 = arith.andi %add3A_977, %and3A_979 : vector<16xi32>
        %add3A_981 = arith.addi %mul3A_354, %and3A_938 : vector<16xi32>
        %gather3A_982 = tpu.vector_load_idx %arg10[%add3A_981] : memref<13520xf32, #tpu.memory_space<vmem>>[vector<16xi32>], vector<16xf32>,
        %add3A_983 = arith.addi %mul3A_354, %and3A_944 : vector<16xi32>
        %gather3A_984 = tpu.vector_load_idx %arg10[%add3A_983] : memref<13520xf32, #tpu.memory_space<vmem>>[vector<16xi32>], vector<16xf32>,
        %add3A_985 = arith.addi %mul3A_354, %and3A_950 : vector<16xi32>
        %gather3A_986 = tpu.vector_load_idx %arg10[%add3A_985] : memref<13520xf32, #tpu.memory_space<vmem>>[vector<16xi32>], vector<16xf32>,
        %add3A_987 = arith.addi %mul3A_354, %and3A_956 : vector<16xi32>
        %gather3A_988 = tpu.vector_load_idx %arg10[%add3A_987] : memref<13520xf32, #tpu.memory_space<vmem>>[vector<16xi32>], vector<16xf32>,
        %add3A_989 = arith.addi %mul3A_354, %and3A_962 : vector<16xi32>
        %gather3A_990 = tpu.vector_load_idx %arg10[%add3A_989] : memref<13520xf32, #tpu.memory_space<vmem>>[vector<16xi32>], vector<16xf32>,
        %add3A_991 = arith.addi %mul3A_354, %and3A_968 : vector<16xi32>
        %gather3A_992 = tpu.vector_load_idx %arg10[%add3A_991] : memref<13520xf32, #tpu.memory_space<vmem>>[vector<16xi32>], vector<16xf32>,
        %add3A_993 = arith.addi %mul3A_354, %and3A_974 : vector<16xi32>
        %gather3A_994 = tpu.vector_load_idx %arg10[%add3A_993] : memref<13520xf32, #tpu.memory_space<vmem>>[vector<16xi32>], vector<16xf32>,
        %add3A_995 = arith.addi %mul3A_354, %and3A_980 : vector<16xi32>
        %gather3A_996 = tpu.vector_load_idx %arg10[%add3A_995] : memref<13520xf32, #tpu.memory_space<vmem>>[vector<16xi32>], vector<16xf32>,
        %scatter3A_997 = arith.constant 0 : i32
        %scatter3A_998 = arith.constant 0 : i32
        %scatter3A_999 = tpu.memref_slice %arg13[%scan3A_217, %scatter3A_997, %scatter3A_998] : memref<2x512x64xf32, #tpu.memory_space<vmem>> -> memref<1x512x64xf32, #tpu.memory_space<vmem>>
        %scatter3A_1000 = tpu.memref_squeeze %scatter3A_999 : memref<1x512x64xf32, #tpu.memory_space<vmem>> -> memref<512x64xf32, #tpu.memory_space<vmem>>
        tpu.vector_store_idx %scatter3A_1000[%add3A_358, %and3A_938], %gather3A_982 {add = true} : memref<512x64xf32, #tpu.memory_space<vmem>>[vector<16xi32>, vector<16xi32>], vector<16xf32>,
        %scatter3A_1001 = arith.constant 0 : i32
        %scatter3A_1002 = arith.constant 0 : i32
        %scatter3A_1003 = tpu.memref_slice %arg13[%scan3A_217, %scatter3A_1001, %scatter3A_1002] : memref<2x512x64xf32, #tpu.memory_space<vmem>> -> memref<1x512x64xf32, #tpu.memory_space<vmem>>
        %scatter3A_1004 = tpu.memref_squeeze %scatter3A_1003 : memref<1x512x64xf32, #tpu.memory_space<vmem>> -> memref<512x64xf32, #tpu.memory_space<vmem>>
        tpu.vector_store_idx %scatter3A_1004[%add3A_358, %and3A_944], %gather3A_984 {add = true} : memref<512x64xf32, #tpu.memory_space<vmem>>[vector<16xi32>, vector<16xi32>], vector<16xf32>,
        %scatter3A_1005 = arith.constant 0 : i32
        %scatter3A_1006 = arith.constant 0 : i32
        %scatter3A_1007 = tpu.memref_slice %arg13[%scan3A_217, %scatter3A_1005, %scatter3A_1006] : memref<2x512x64xf32, #tpu.memory_space<vmem>> -> memref<1x512x64xf32, #tpu.memory_space<vmem>>
        %scatter3A_1008 = tpu.memref_squeeze %scatter3A_1007 : memref<1x512x64xf32, #tpu.memory_space<vmem>> -> memref<512x64xf32, #tpu.memory_space<vmem>>
        tpu.vector_store_idx %scatter3A_1008[%add3A_358, %and3A_950], %gather3A_986 {add = true} : memref<512x64xf32, #tpu.memory_space<vmem>>[vector<16xi32>, vector<16xi32>], vector<16xf32>,
        %scatter3A_1009 = arith.constant 0 : i32
        %scatter3A_1010 = arith.constant 0 : i32
        %scatter3A_1011 = tpu.memref_slice %arg13[%scan3A_217, %scatter3A_1009, %scatter3A_1010] : memref<2x512x64xf32, #tpu.memory_space<vmem>> -> memref<1x512x64xf32, #tpu.memory_space<vmem>>
        %scatter3A_1012 = tpu.memref_squeeze %scatter3A_1011 : memref<1x512x64xf32, #tpu.memory_space<vmem>> -> memref<512x64xf32, #tpu.memory_space<vmem>>
        tpu.vector_store_idx %scatter3A_1012[%add3A_358, %and3A_956], %gather3A_988 {add = true} : memref<512x64xf32, #tpu.memory_space<vmem>>[vector<16xi32>, vector<16xi32>], vector<16xf32>,
        %scatter3A_1013 = arith.constant 0 : i32
        %scatter3A_1014 = arith.constant 0 : i32
        %scatter3A_1015 = tpu.memref_slice %arg13[%scan3A_217, %scatter3A_1013, %scatter3A_1014] : memref<2x512x64xf32, #tpu.memory_space<vmem>> -> memref<1x512x64xf32, #tpu.memory_space<vmem>>
        %scatter3A_1016 = tpu.memref_squeeze %scatter3A_1015 : memref<1x512x64xf32, #tpu.memory_space<vmem>> -> memref<512x64xf32, #tpu.memory_space<vmem>>
        tpu.vector_store_idx %scatter3A_1016[%add3A_358, %and3A_962], %gather3A_990 {add = true} : memref<512x64xf32, #tpu.memory_space<vmem>>[vector<16xi32>, vector<16xi32>], vector<16xf32>,
        %scatter3A_1017 = arith.constant 0 : i32
        %scatter3A_1018 = arith.constant 0 : i32
        %scatter3A_1019 = tpu.memref_slice %arg13[%scan3A_217, %scatter3A_1017, %scatter3A_1018] : memref<2x512x64xf32, #tpu.memory_space<vmem>> -> memref<1x512x64xf32, #tpu.memory_space<vmem>>
        %scatter3A_1020 = tpu.memref_squeeze %scatter3A_1019 : memref<1x512x64xf32, #tpu.memory_space<vmem>> -> memref<512x64xf32, #tpu.memory_space<vmem>>
        tpu.vector_store_idx %scatter3A_1020[%add3A_358, %and3A_968], %gather3A_992 {add = true} : memref<512x64xf32, #tpu.memory_space<vmem>>[vector<16xi32>, vector<16xi32>], vector<16xf32>,
        %scatter3A_1021 = arith.constant 0 : i32
        %scatter3A_1022 = arith.constant 0 : i32
        %scatter3A_1023 = tpu.memref_slice %arg13[%scan3A_217, %scatter3A_1021, %scatter3A_1022] : memref<2x512x64xf32, #tpu.memory_space<vmem>> -> memref<1x512x64xf32, #tpu.memory_space<vmem>>
        %scatter3A_1024 = tpu.memref_squeeze %scatter3A_1023 : memref<1x512x64xf32, #tpu.memory_space<vmem>> -> memref<512x64xf32, #tpu.memory_space<vmem>>
        tpu.vector_store_idx %scatter3A_1024[%add3A_358, %and3A_974], %gather3A_994 {add = true} : memref<512x64xf32, #tpu.memory_space<vmem>>[vector<16xi32>, vector<16xi32>], vector<16xf32>,
        %scatter3A_1025 = arith.constant 0 : i32
        %scatter3A_1026 = arith.constant 0 : i32
        %scatter3A_1027 = tpu.memref_slice %arg13[%scan3A_217, %scatter3A_1025, %scatter3A_1026] : memref<2x512x64xf32, #tpu.memory_space<vmem>> -> memref<1x512x64xf32, #tpu.memory_space<vmem>>
        %scatter3A_1028 = tpu.memref_squeeze %scatter3A_1027 : memref<1x512x64xf32, #tpu.memory_space<vmem>> -> memref<512x64xf32, #tpu.memory_space<vmem>>
        tpu.vector_store_idx %scatter3A_1028[%add3A_358, %and3A_980], %gather3A_996 {add = true} : memref<512x64xf32, #tpu.memory_space<vmem>>[vector<16xi32>, vector<16xi32>], vector<16xf32>,
        %add3A_1029 = arith.constant 56 : i32
        %add3A_1030 = vector.broadcast %add3A_1029 : i32 to vector<16xi32>
        %add3A_1031 = arith.addi %iota3A, %add3A_1030 : vector<16xi32>
        %and3A_1032 = arith.constant 63 : i32
        %and3A_1033 = vector.broadcast %and3A_1032 : i32 to vector<16xi32>
        %and3A_1034 = arith.andi %add3A_1031, %and3A_1033 : vector<16xi32>
        %add3A_1035 = arith.constant 57 : i32
        %add3A_1036 = vector.broadcast %add3A_1035 : i32 to vector<16xi32>
        %add3A_1037 = arith.addi %iota3A, %add3A_1036 : vector<16xi32>
        %and3A_1038 = arith.constant 63 : i32
        %and3A_1039 = vector.broadcast %and3A_1038 : i32 to vector<16xi32>
        %and3A_1040 = arith.andi %add3A_1037, %and3A_1039 : vector<16xi32>
        %add3A_1041 = arith.constant 58 : i32
        %add3A_1042 = vector.broadcast %add3A_1041 : i32 to vector<16xi32>
        %add3A_1043 = arith.addi %iota3A, %add3A_1042 : vector<16xi32>
        %and3A_1044 = arith.constant 63 : i32
        %and3A_1045 = vector.broadcast %and3A_1044 : i32 to vector<16xi32>
        %and3A_1046 = arith.andi %add3A_1043, %and3A_1045 : vector<16xi32>
        %add3A_1047 = arith.constant 59 : i32
        %add3A_1048 = vector.broadcast %add3A_1047 : i32 to vector<16xi32>
        %add3A_1049 = arith.addi %iota3A, %add3A_1048 : vector<16xi32>
        %and3A_1050 = arith.constant 63 : i32
        %and3A_1051 = vector.broadcast %and3A_1050 : i32 to vector<16xi32>
        %and3A_1052 = arith.andi %add3A_1049, %and3A_1051 : vector<16xi32>
        %add3A_1053 = arith.constant 60 : i32
        %add3A_1054 = vector.broadcast %add3A_1053 : i32 to vector<16xi32>
        %add3A_1055 = arith.addi %iota3A, %add3A_1054 : vector<16xi32>
        %and3A_1056 = arith.constant 63 : i32
        %and3A_1057 = vector.broadcast %and3A_1056 : i32 to vector<16xi32>
        %and3A_1058 = arith.andi %add3A_1055, %and3A_1057 : vector<16xi32>
        %add3A_1059 = arith.constant 61 : i32
        %add3A_1060 = vector.broadcast %add3A_1059 : i32 to vector<16xi32>
        %add3A_1061 = arith.addi %iota3A, %add3A_1060 : vector<16xi32>
        %and3A_1062 = arith.constant 63 : i32
        %and3A_1063 = vector.broadcast %and3A_1062 : i32 to vector<16xi32>
        %and3A_1064 = arith.andi %add3A_1061, %and3A_1063 : vector<16xi32>
        %add3A_1065 = arith.constant 62 : i32
        %add3A_1066 = vector.broadcast %add3A_1065 : i32 to vector<16xi32>
        %add3A_1067 = arith.addi %iota3A, %add3A_1066 : vector<16xi32>
        %and3A_1068 = arith.constant 63 : i32
        %and3A_1069 = vector.broadcast %and3A_1068 : i32 to vector<16xi32>
        %and3A_1070 = arith.andi %add3A_1067, %and3A_1069 : vector<16xi32>
        %add3A_1071 = arith.constant 63 : i32
        %add3A_1072 = vector.broadcast %add3A_1071 : i32 to vector<16xi32>
        %add3A_1073 = arith.addi %iota3A, %add3A_1072 : vector<16xi32>
        %and3A_1074 = arith.constant 63 : i32
        %and3A_1075 = vector.broadcast %and3A_1074 : i32 to vector<16xi32>
        %and3A_1076 = arith.andi %add3A_1073, %and3A_1075 : vector<16xi32>
        %add3A_1077 = arith.addi %mul3A_354, %and3A_1034 : vector<16xi32>
        %gather3A_1078 = tpu.vector_load_idx %arg10[%add3A_1077] : memref<13520xf32, #tpu.memory_space<vmem>>[vector<16xi32>], vector<16xf32>,
        %add3A_1079 = arith.addi %mul3A_354, %and3A_1040 : vector<16xi32>
        %gather3A_1080 = tpu.vector_load_idx %arg10[%add3A_1079] : memref<13520xf32, #tpu.memory_space<vmem>>[vector<16xi32>], vector<16xf32>,
        %add3A_1081 = arith.addi %mul3A_354, %and3A_1046 : vector<16xi32>
        %gather3A_1082 = tpu.vector_load_idx %arg10[%add3A_1081] : memref<13520xf32, #tpu.memory_space<vmem>>[vector<16xi32>], vector<16xf32>,
        %add3A_1083 = arith.addi %mul3A_354, %and3A_1052 : vector<16xi32>
        %gather3A_1084 = tpu.vector_load_idx %arg10[%add3A_1083] : memref<13520xf32, #tpu.memory_space<vmem>>[vector<16xi32>], vector<16xf32>,
        %add3A_1085 = arith.addi %mul3A_354, %and3A_1058 : vector<16xi32>
        %gather3A_1086 = tpu.vector_load_idx %arg10[%add3A_1085] : memref<13520xf32, #tpu.memory_space<vmem>>[vector<16xi32>], vector<16xf32>,
        %add3A_1087 = arith.addi %mul3A_354, %and3A_1064 : vector<16xi32>
        %gather3A_1088 = tpu.vector_load_idx %arg10[%add3A_1087] : memref<13520xf32, #tpu.memory_space<vmem>>[vector<16xi32>], vector<16xf32>,
        %add3A_1089 = arith.addi %mul3A_354, %and3A_1070 : vector<16xi32>
        %gather3A_1090 = tpu.vector_load_idx %arg10[%add3A_1089] : memref<13520xf32, #tpu.memory_space<vmem>>[vector<16xi32>], vector<16xf32>,
        %add3A_1091 = arith.addi %mul3A_354, %and3A_1076 : vector<16xi32>
        %gather3A_1092 = tpu.vector_load_idx %arg10[%add3A_1091] : memref<13520xf32, #tpu.memory_space<vmem>>[vector<16xi32>], vector<16xf32>,
        %scatter3A_1093 = arith.constant 0 : i32
        %scatter3A_1094 = arith.constant 0 : i32
        %scatter3A_1095 = tpu.memref_slice %arg13[%scan3A_217, %scatter3A_1093, %scatter3A_1094] : memref<2x512x64xf32, #tpu.memory_space<vmem>> -> memref<1x512x64xf32, #tpu.memory_space<vmem>>
        %scatter3A_1096 = tpu.memref_squeeze %scatter3A_1095 : memref<1x512x64xf32, #tpu.memory_space<vmem>> -> memref<512x64xf32, #tpu.memory_space<vmem>>
        tpu.vector_store_idx %scatter3A_1096[%add3A_358, %and3A_1034], %gather3A_1078 {add = true} : memref<512x64xf32, #tpu.memory_space<vmem>>[vector<16xi32>, vector<16xi32>], vector<16xf32>,
        %scatter3A_1097 = arith.constant 0 : i32
        %scatter3A_1098 = arith.constant 0 : i32
        %scatter3A_1099 = tpu.memref_slice %arg13[%scan3A_217, %scatter3A_1097, %scatter3A_1098] : memref<2x512x64xf32, #tpu.memory_space<vmem>> -> memref<1x512x64xf32, #tpu.memory_space<vmem>>
        %scatter3A_1100 = tpu.memref_squeeze %scatter3A_1099 : memref<1x512x64xf32, #tpu.memory_space<vmem>> -> memref<512x64xf32, #tpu.memory_space<vmem>>
        tpu.vector_store_idx %scatter3A_1100[%add3A_358, %and3A_1040], %gather3A_1080 {add = true} : memref<512x64xf32, #tpu.memory_space<vmem>>[vector<16xi32>, vector<16xi32>], vector<16xf32>,
        %scatter3A_1101 = arith.constant 0 : i32
        %scatter3A_1102 = arith.constant 0 : i32
        %scatter3A_1103 = tpu.memref_slice %arg13[%scan3A_217, %scatter3A_1101, %scatter3A_1102] : memref<2x512x64xf32, #tpu.memory_space<vmem>> -> memref<1x512x64xf32, #tpu.memory_space<vmem>>
        %scatter3A_1104 = tpu.memref_squeeze %scatter3A_1103 : memref<1x512x64xf32, #tpu.memory_space<vmem>> -> memref<512x64xf32, #tpu.memory_space<vmem>>
        tpu.vector_store_idx %scatter3A_1104[%add3A_358, %and3A_1046], %gather3A_1082 {add = true} : memref<512x64xf32, #tpu.memory_space<vmem>>[vector<16xi32>, vector<16xi32>], vector<16xf32>,
        %scatter3A_1105 = arith.constant 0 : i32
        %scatter3A_1106 = arith.constant 0 : i32
        %scatter3A_1107 = tpu.memref_slice %arg13[%scan3A_217, %scatter3A_1105, %scatter3A_1106] : memref<2x512x64xf32, #tpu.memory_space<vmem>> -> memref<1x512x64xf32, #tpu.memory_space<vmem>>
        %scatter3A_1108 = tpu.memref_squeeze %scatter3A_1107 : memref<1x512x64xf32, #tpu.memory_space<vmem>> -> memref<512x64xf32, #tpu.memory_space<vmem>>
        tpu.vector_store_idx %scatter3A_1108[%add3A_358, %and3A_1052], %gather3A_1084 {add = true} : memref<512x64xf32, #tpu.memory_space<vmem>>[vector<16xi32>, vector<16xi32>], vector<16xf32>,
        %scatter3A_1109 = arith.constant 0 : i32
        %scatter3A_1110 = arith.constant 0 : i32
        %scatter3A_1111 = tpu.memref_slice %arg13[%scan3A_217, %scatter3A_1109, %scatter3A_1110] : memref<2x512x64xf32, #tpu.memory_space<vmem>> -> memref<1x512x64xf32, #tpu.memory_space<vmem>>
        %scatter3A_1112 = tpu.memref_squeeze %scatter3A_1111 : memref<1x512x64xf32, #tpu.memory_space<vmem>> -> memref<512x64xf32, #tpu.memory_space<vmem>>
        tpu.vector_store_idx %scatter3A_1112[%add3A_358, %and3A_1058], %gather3A_1086 {add = true} : memref<512x64xf32, #tpu.memory_space<vmem>>[vector<16xi32>, vector<16xi32>], vector<16xf32>,
        %scatter3A_1113 = arith.constant 0 : i32
        %scatter3A_1114 = arith.constant 0 : i32
        %scatter3A_1115 = tpu.memref_slice %arg13[%scan3A_217, %scatter3A_1113, %scatter3A_1114] : memref<2x512x64xf32, #tpu.memory_space<vmem>> -> memref<1x512x64xf32, #tpu.memory_space<vmem>>
        %scatter3A_1116 = tpu.memref_squeeze %scatter3A_1115 : memref<1x512x64xf32, #tpu.memory_space<vmem>> -> memref<512x64xf32, #tpu.memory_space<vmem>>
        tpu.vector_store_idx %scatter3A_1116[%add3A_358, %and3A_1064], %gather3A_1088 {add = true} : memref<512x64xf32, #tpu.memory_space<vmem>>[vector<16xi32>, vector<16xi32>], vector<16xf32>,
        %scatter3A_1117 = arith.constant 0 : i32
        %scatter3A_1118 = arith.constant 0 : i32
        %scatter3A_1119 = tpu.memref_slice %arg13[%scan3A_217, %scatter3A_1117, %scatter3A_1118] : memref<2x512x64xf32, #tpu.memory_space<vmem>> -> memref<1x512x64xf32, #tpu.memory_space<vmem>>
        %scatter3A_1120 = tpu.memref_squeeze %scatter3A_1119 : memref<1x512x64xf32, #tpu.memory_space<vmem>> -> memref<512x64xf32, #tpu.memory_space<vmem>>
        tpu.vector_store_idx %scatter3A_1120[%add3A_358, %and3A_1070], %gather3A_1090 {add = true} : memref<512x64xf32, #tpu.memory_space<vmem>>[vector<16xi32>, vector<16xi32>], vector<16xf32>,
        %scatter3A_1121 = arith.constant 0 : i32
        %scatter3A_1122 = arith.constant 0 : i32
        %scatter3A_1123 = tpu.memref_slice %arg13[%scan3A_217, %scatter3A_1121, %scatter3A_1122] : memref<2x512x64xf32, #tpu.memory_space<vmem>> -> memref<1x512x64xf32, #tpu.memory_space<vmem>>
        %scatter3A_1124 = tpu.memref_squeeze %scatter3A_1123 : memref<1x512x64xf32, #tpu.memory_space<vmem>> -> memref<512x64xf32, #tpu.memory_space<vmem>>
        tpu.vector_store_idx %scatter3A_1124[%add3A_358, %and3A_1076], %gather3A_1092 {add = true} : memref<512x64xf32, #tpu.memory_space<vmem>>[vector<16xi32>, vector<16xi32>], vector<16xf32>,
      }
      %scan3A_222 = arith.constant 32 : i32
      %add3A_223 = arith.constant 0 : i32
      %add3A_224 = arith.addi %multiple_of3A, %add3A_223 : i32
      %dma_start3A_225 = arith.constant 0 : i32
      %dma_start3A_226 = arith.constant 0 : i32
      %dma_start3A_227 = arith.constant 0 : i32
      %dma_start3A_228 = tpu.memref_slice %arg13[%dma_start3A_225, %dma_start3A_226, %dma_start3A_227] : memref<2x512x64xf32, #tpu.memory_space<vmem>> -> memref<1x512x64xf32, #tpu.memory_space<vmem>>
      %dma_start3A_229 = tpu.memref_squeeze %dma_start3A_228 : memref<1x512x64xf32, #tpu.memory_space<vmem>> -> memref<512x64xf32, #tpu.memory_space<vmem>>
      %dma_start3A_230 = arith.constant 0 : i32
      %dma_start3A_231 = tpu.memref_slice %arg7[%add3A_224, %dma_start3A_230] : memref<819200x64xf32, #tpu.memory_space<hbm>> -> memref<512x64xf32, #tpu.memory_space<hbm>>
      %dma_start3A_232 = arith.constant 0 : i32
      %dma_start3A_233 = tpu.memref_slice %arg7[%add3A_224, %dma_start3A_232] : memref<819200x64xf32, #tpu.memory_space<hbm>> -> memref<512x64xf32, #tpu.memory_space<hbm>>
      %dma_start3A_234 = arith.constant 0 : i32
      %dma_start3A_235 = arith.constant 0 : i32
      %dma_start3A_236 = tpu.memref_slice %arg13[%dma_start3A_225, %dma_start3A_234, %dma_start3A_235] : memref<2x512x64xf32, #tpu.memory_space<vmem>> -> memref<1x512x64xf32, #tpu.memory_space<vmem>>
      %dma_start3A_237 = tpu.memref_squeeze %dma_start3A_236 : memref<1x512x64xf32, #tpu.memory_space<vmem>> -> memref<512x64xf32, #tpu.memory_space<vmem>>
      tpu.enqueue_dma source(%dma_start3A_237 : memref<512x64xf32, #tpu.memory_space<vmem>>) target(%dma_start3A_233 : memref<512x64xf32, #tpu.memory_space<hbm>>) target_semaphore(%arg16 : memref<!tpu.dma_semaphore, #tpu.memory_space<semaphore_mem>>)
      %dma_wait3A_238 = arith.constant 4 : i32
      %dma_wait3A_239 = arith.constant 1 : i32
      %dma_wait3A_240 = arith.constant 0 : i32
      %dma_wait3A_241 = arith.constant 0 : i32
      %dma_wait3A_242 = tpu.memref_slice %arg13[%dma_wait3A_239, %dma_wait3A_240, %dma_wait3A_241] : memref<2x512x64xf32, #tpu.memory_space<vmem>> -> memref<1x512x64xf32, #tpu.memory_space<vmem>>
      %dma_wait3A_243 = tpu.memref_squeeze %dma_wait3A_242 : memref<1x512x64xf32, #tpu.memory_space<vmem>> -> memref<512x64xf32, #tpu.memory_space<vmem>>
      %dma_wait3A_244 = arith.constant 0 : i32
      %dma_wait3A_245 = arith.constant 0 : i32
      %dma_wait3A_246 = tpu.memref_slice %dma_wait3A_243[%dma_wait3A_244, %dma_wait3A_245] : memref<512x64xf32, #tpu.memory_space<vmem>> -> memref<128x64xf32, #tpu.memory_space<vmem>>
      %dma_wait3A_247 = arith.constant 0 : i32
      %dma_wait3A_248 = tpu.memref_slice %arg11[%dma_wait3A_238, %dma_wait3A_247] : memref<8x128xi32, #tpu.memory_space<vmem>> -> memref<1x128xi32, #tpu.memory_space<vmem>>
      %dma_wait3A_249 = tpu.memref_squeeze %dma_wait3A_248 : memref<1x128xi32, #tpu.memory_space<vmem>> -> memref<128xi32, #tpu.memory_space<vmem>>
      %dma_wait3A_250 = arith.constant 0 : i32
      %dma_wait3A_251 = arith.constant 0 : i32
      %dma_wait3A_252 = tpu.memref_slice %arg4[%dma_wait3A_250, %dma_wait3A_251] : memref<100000x64xf32, #tpu.memory_space<hbm>> -> memref<100000x64xf32, #tpu.memory_space<hbm>>
      tpu.wait_indirect_dma semaphore(%arg15 : memref<!tpu.dma_semaphore, #tpu.memory_space<semaphore_mem>>) src(%dma_wait3A_252 : memref<100000x64xf32, #tpu.memory_space<hbm>>) dst(%dma_wait3A_246 : memref<128x64xf32, #tpu.memory_space<vmem>>)
      %dma_wait3A_253 = arith.constant 5 : i32
      %dma_wait3A_254 = arith.constant 1 : i32
      %dma_wait3A_255 = arith.constant 0 : i32
      %dma_wait3A_256 = arith.constant 0 : i32
      %dma_wait3A_257 = tpu.memref_slice %arg13[%dma_wait3A_254, %dma_wait3A_255, %dma_wait3A_256] : memref<2x512x64xf32, #tpu.memory_space<vmem>> -> memref<1x512x64xf32, #tpu.memory_space<vmem>>
      %dma_wait3A_258 = tpu.memref_squeeze %dma_wait3A_257 : memref<1x512x64xf32, #tpu.memory_space<vmem>> -> memref<512x64xf32, #tpu.memory_space<vmem>>
      %dma_wait3A_259 = arith.constant 128 : i32
      %dma_wait3A_260 = arith.constant 0 : i32
      %dma_wait3A_261 = tpu.memref_slice %dma_wait3A_258[%dma_wait3A_259, %dma_wait3A_260] : memref<512x64xf32, #tpu.memory_space<vmem>> -> memref<128x64xf32, #tpu.memory_space<vmem>>
      %dma_wait3A_262 = arith.constant 0 : i32
      %dma_wait3A_263 = tpu.memref_slice %arg11[%dma_wait3A_253, %dma_wait3A_262] : memref<8x128xi32, #tpu.memory_space<vmem>> -> memref<1x128xi32, #tpu.memory_space<vmem>>
      %dma_wait3A_264 = tpu.memref_squeeze %dma_wait3A_263 : memref<1x128xi32, #tpu.memory_space<vmem>> -> memref<128xi32, #tpu.memory_space<vmem>>
      %dma_wait3A_265 = arith.constant 0 : i32
      %dma_wait3A_266 = arith.constant 0 : i32
      %dma_wait3A_267 = tpu.memref_slice %arg4[%dma_wait3A_265, %dma_wait3A_266] : memref<100000x64xf32, #tpu.memory_space<hbm>> -> memref<100000x64xf32, #tpu.memory_space<hbm>>
      tpu.wait_indirect_dma semaphore(%arg15 : memref<!tpu.dma_semaphore, #tpu.memory_space<semaphore_mem>>) src(%dma_wait3A_267 : memref<100000x64xf32, #tpu.memory_space<hbm>>) dst(%dma_wait3A_261 : memref<128x64xf32, #tpu.memory_space<vmem>>)
      %dma_wait3A_268 = arith.constant 6 : i32
      %dma_wait3A_269 = arith.constant 1 : i32
      %dma_wait3A_270 = arith.constant 0 : i32
      %dma_wait3A_271 = arith.constant 0 : i32
      %dma_wait3A_272 = tpu.memref_slice %arg13[%dma_wait3A_269, %dma_wait3A_270, %dma_wait3A_271] : memref<2x512x64xf32, #tpu.memory_space<vmem>> -> memref<1x512x64xf32, #tpu.memory_space<vmem>>
      %dma_wait3A_273 = tpu.memref_squeeze %dma_wait3A_272 : memref<1x512x64xf32, #tpu.memory_space<vmem>> -> memref<512x64xf32, #tpu.memory_space<vmem>>
      %dma_wait3A_274 = arith.constant 256 : i32
      %dma_wait3A_275 = arith.constant 0 : i32
      %dma_wait3A_276 = tpu.memref_slice %dma_wait3A_273[%dma_wait3A_274, %dma_wait3A_275] : memref<512x64xf32, #tpu.memory_space<vmem>> -> memref<128x64xf32, #tpu.memory_space<vmem>>
      %dma_wait3A_277 = arith.constant 0 : i32
      %dma_wait3A_278 = tpu.memref_slice %arg11[%dma_wait3A_268, %dma_wait3A_277] : memref<8x128xi32, #tpu.memory_space<vmem>> -> memref<1x128xi32, #tpu.memory_space<vmem>>
      %dma_wait3A_279 = tpu.memref_squeeze %dma_wait3A_278 : memref<1x128xi32, #tpu.memory_space<vmem>> -> memref<128xi32, #tpu.memory_space<vmem>>
      %dma_wait3A_280 = arith.constant 0 : i32
      %dma_wait3A_281 = arith.constant 0 : i32
      %dma_wait3A_282 = tpu.memref_slice %arg4[%dma_wait3A_280, %dma_wait3A_281] : memref<100000x64xf32, #tpu.memory_space<hbm>> -> memref<100000x64xf32, #tpu.memory_space<hbm>>
      tpu.wait_indirect_dma semaphore(%arg15 : memref<!tpu.dma_semaphore, #tpu.memory_space<semaphore_mem>>) src(%dma_wait3A_282 : memref<100000x64xf32, #tpu.memory_space<hbm>>) dst(%dma_wait3A_276 : memref<128x64xf32, #tpu.memory_space<vmem>>)
      %dma_wait3A_283 = arith.constant 7 : i32
      %dma_wait3A_284 = arith.constant 1 : i32
      %dma_wait3A_285 = arith.constant 0 : i32
      %dma_wait3A_286 = arith.constant 0 : i32
      %dma_wait3A_287 = tpu.memref_slice %arg13[%dma_wait3A_284, %dma_wait3A_285, %dma_wait3A_286] : memref<2x512x64xf32, #tpu.memory_space<vmem>> -> memref<1x512x64xf32, #tpu.memory_space<vmem>>
      %dma_wait3A_288 = tpu.memref_squeeze %dma_wait3A_287 : memref<1x512x64xf32, #tpu.memory_space<vmem>> -> memref<512x64xf32, #tpu.memory_space<vmem>>
      %dma_wait3A_289 = arith.constant 384 : i32
      %dma_wait3A_290 = arith.constant 0 : i32
      %dma_wait3A_291 = tpu.memref_slice %dma_wait3A_288[%dma_wait3A_289, %dma_wait3A_290] : memref<512x64xf32, #tpu.memory_space<vmem>> -> memref<128x64xf32, #tpu.memory_space<vmem>>
      %dma_wait3A_292 = arith.constant 0 : i32
      %dma_wait3A_293 = tpu.memref_slice %arg11[%dma_wait3A_283, %dma_wait3A_292] : memref<8x128xi32, #tpu.memory_space<vmem>> -> memref<1x128xi32, #tpu.memory_space<vmem>>
      %dma_wait3A_294 = tpu.memref_squeeze %dma_wait3A_293 : memref<1x128xi32, #tpu.memory_space<vmem>> -> memref<128xi32, #tpu.memory_space<vmem>>
      %dma_wait3A_295 = arith.constant 0 : i32
      %dma_wait3A_296 = arith.constant 0 : i32
      %dma_wait3A_297 = tpu.memref_slice %arg4[%dma_wait3A_295, %dma_wait3A_296] : memref<100000x64xf32, #tpu.memory_space<hbm>> -> memref<100000x64xf32, #tpu.memory_space<hbm>>
      tpu.wait_indirect_dma semaphore(%arg15 : memref<!tpu.dma_semaphore, #tpu.memory_space<semaphore_mem>>) src(%dma_wait3A_297 : memref<100000x64xf32, #tpu.memory_space<hbm>>) dst(%dma_wait3A_291 : memref<128x64xf32, #tpu.memory_space<vmem>>)
      %scan3A_298 = arith.constant 0 : i32
      %scan3A_299 = arith.constant 1 : i32
      %scan3A_300 = arith.constant 0 : i32
      %scan3A_301 = arith.constant 32 : i32
      %scan3A_302 = arith.addi %scan3A_300, %scan3A_301 : i32
      %scan3A_303 = arith.constant 1 : i32
      scf.for %scan3A_346 = %scan3A_300 to %scan3A_302 step %scan3A_303  : i32 {
        %mul3A_347 = arith.constant 16 : i32
        %mul3A_348 = arith.muli %scan3A_346, %mul3A_347 : i32
        %add3A_349 = arith.constant 512 : i32
        %add3A_350 = arith.addi %add3A_349, %mul3A_348 : i32
        %get3A = arith.index_cast %add3A_350 : i32 to index
        %get3A_351 = tpu.vector_load %arg12[%get3A] {strides = array<i32>} : memref<1024xi32, #tpu.memory_space<vmem>>, vector<16xi32>,
        %iota3A = tpu.iota {dimensions = array<i32: 0>} : vector<16xi32>
        %mul3A_352 = arith.constant 65 : i32
        %mul3A_353 = vector.broadcast %mul3A_352 : i32 to vector<16xi32>
        %mul3A_354 = arith.muli %get3A_351, %mul3A_353 : vector<16xi32>
        %mul3A_355 = arith.constant 16 : i32
        %mul3A_356 = arith.muli %scan3A_346, %mul3A_355 : i32
        %add3A_357 = vector.broadcast %mul3A_356 : i32 to vector<16xi32>
        %add3A_358 = arith.addi %iota3A, %add3A_357 : vector<16xi32>
        %add3A_359 = arith.constant 0 : i32
        %add3A_360 = vector.broadcast %add3A_359 : i32 to vector<16xi32>
        %add3A_361 = arith.addi %iota3A, %add3A_360 : vector<16xi32>
        %and3A_362 = arith.constant 63 : i32
        %and3A_363 = vector.broadcast %and3A_362 : i32 to vector<16xi32>
        %and3A_364 = arith.andi %add3A_361, %and3A_363 : vector<16xi32>
        %add3A_365 = arith.constant 1 : i32
        %add3A_366 = vector.broadcast %add3A_365 : i32 to vector<16xi32>
        %add3A_367 = arith.addi %iota3A, %add3A_366 : vector<16xi32>
        %and3A_368 = arith.constant 63 : i32
        %and3A_369 = vector.broadcast %and3A_368 : i32 to vector<16xi32>
        %and3A_370 = arith.andi %add3A_367, %and3A_369 : vector<16xi32>
        %add3A_371 = arith.constant 2 : i32
        %add3A_372 = vector.broadcast %add3A_371 : i32 to vector<16xi32>
        %add3A_373 = arith.addi %iota3A, %add3A_372 : vector<16xi32>
        %and3A_374 = arith.constant 63 : i32
        %and3A_375 = vector.broadcast %and3A_374 : i32 to vector<16xi32>
        %and3A_376 = arith.andi %add3A_373, %and3A_375 : vector<16xi32>
        %add3A_377 = arith.constant 3 : i32
        %add3A_378 = vector.broadcast %add3A_377 : i32 to vector<16xi32>
        %add3A_379 = arith.addi %iota3A, %add3A_378 : vector<16xi32>
        %and3A_380 = arith.constant 63 : i32
        %and3A_381 = vector.broadcast %and3A_380 : i32 to vector<16xi32>
        %and3A_382 = arith.andi %add3A_379, %and3A_381 : vector<16xi32>
        %add3A_383 = arith.constant 4 : i32
        %add3A_384 = vector.broadcast %add3A_383 : i32 to vector<16xi32>
        %add3A_385 = arith.addi %iota3A, %add3A_384 : vector<16xi32>
        %and3A_386 = arith.constant 63 : i32
        %and3A_387 = vector.broadcast %and3A_386 : i32 to vector<16xi32>
        %and3A_388 = arith.andi %add3A_385, %and3A_387 : vector<16xi32>
        %add3A_389 = arith.constant 5 : i32
        %add3A_390 = vector.broadcast %add3A_389 : i32 to vector<16xi32>
        %add3A_391 = arith.addi %iota3A, %add3A_390 : vector<16xi32>
        %and3A_392 = arith.constant 63 : i32
        %and3A_393 = vector.broadcast %and3A_392 : i32 to vector<16xi32>
        %and3A_394 = arith.andi %add3A_391, %and3A_393 : vector<16xi32>
        %add3A_395 = arith.constant 6 : i32
        %add3A_396 = vector.broadcast %add3A_395 : i32 to vector<16xi32>
        %add3A_397 = arith.addi %iota3A, %add3A_396 : vector<16xi32>
        %and3A_398 = arith.constant 63 : i32
        %and3A_399 = vector.broadcast %and3A_398 : i32 to vector<16xi32>
        %and3A_400 = arith.andi %add3A_397, %and3A_399 : vector<16xi32>
        %add3A_401 = arith.constant 7 : i32
        %add3A_402 = vector.broadcast %add3A_401 : i32 to vector<16xi32>
        %add3A_403 = arith.addi %iota3A, %add3A_402 : vector<16xi32>
        %and3A_404 = arith.constant 63 : i32
        %and3A_405 = vector.broadcast %and3A_404 : i32 to vector<16xi32>
        %and3A_406 = arith.andi %add3A_403, %and3A_405 : vector<16xi32>
        %add3A_407 = arith.addi %mul3A_354, %and3A_364 : vector<16xi32>
        %gather3A = tpu.vector_load_idx %arg10[%add3A_407] : memref<13520xf32, #tpu.memory_space<vmem>>[vector<16xi32>], vector<16xf32>,
        %add3A_408 = arith.addi %mul3A_354, %and3A_370 : vector<16xi32>
        %gather3A_409 = tpu.vector_load_idx %arg10[%add3A_408] : memref<13520xf32, #tpu.memory_space<vmem>>[vector<16xi32>], vector<16xf32>,
        %add3A_410 = arith.addi %mul3A_354, %and3A_376 : vector<16xi32>
        %gather3A_411 = tpu.vector_load_idx %arg10[%add3A_410] : memref<13520xf32, #tpu.memory_space<vmem>>[vector<16xi32>], vector<16xf32>,
        %add3A_412 = arith.addi %mul3A_354, %and3A_382 : vector<16xi32>
        %gather3A_413 = tpu.vector_load_idx %arg10[%add3A_412] : memref<13520xf32, #tpu.memory_space<vmem>>[vector<16xi32>], vector<16xf32>,
        %add3A_414 = arith.addi %mul3A_354, %and3A_388 : vector<16xi32>
        %gather3A_415 = tpu.vector_load_idx %arg10[%add3A_414] : memref<13520xf32, #tpu.memory_space<vmem>>[vector<16xi32>], vector<16xf32>,
        %add3A_416 = arith.addi %mul3A_354, %and3A_394 : vector<16xi32>
        %gather3A_417 = tpu.vector_load_idx %arg10[%add3A_416] : memref<13520xf32, #tpu.memory_space<vmem>>[vector<16xi32>], vector<16xf32>,
        %add3A_418 = arith.addi %mul3A_354, %and3A_400 : vector<16xi32>
        %gather3A_419 = tpu.vector_load_idx %arg10[%add3A_418] : memref<13520xf32, #tpu.memory_space<vmem>>[vector<16xi32>], vector<16xf32>,
        %add3A_420 = arith.addi %mul3A_354, %and3A_406 : vector<16xi32>
        %gather3A_421 = tpu.vector_load_idx %arg10[%add3A_420] : memref<13520xf32, #tpu.memory_space<vmem>>[vector<16xi32>], vector<16xf32>,
        %scatter3A = arith.constant 0 : i32
        %scatter3A_422 = arith.constant 0 : i32
        %scatter3A_423 = tpu.memref_slice %arg13[%scan3A_299, %scatter3A, %scatter3A_422] : memref<2x512x64xf32, #tpu.memory_space<vmem>> -> memref<1x512x64xf32, #tpu.memory_space<vmem>>
        %scatter3A_424 = tpu.memref_squeeze %scatter3A_423 : memref<1x512x64xf32, #tpu.memory_space<vmem>> -> memref<512x64xf32, #tpu.memory_space<vmem>>
        tpu.vector_store_idx %scatter3A_424[%add3A_358, %and3A_364], %gather3A {add = true} : memref<512x64xf32, #tpu.memory_space<vmem>>[vector<16xi32>, vector<16xi32>], vector<16xf32>,
        %scatter3A_425 = arith.constant 0 : i32
        %scatter3A_426 = arith.constant 0 : i32
        %scatter3A_427 = tpu.memref_slice %arg13[%scan3A_299, %scatter3A_425, %scatter3A_426] : memref<2x512x64xf32, #tpu.memory_space<vmem>> -> memref<1x512x64xf32, #tpu.memory_space<vmem>>
        %scatter3A_428 = tpu.memref_squeeze %scatter3A_427 : memref<1x512x64xf32, #tpu.memory_space<vmem>> -> memref<512x64xf32, #tpu.memory_space<vmem>>
        tpu.vector_store_idx %scatter3A_428[%add3A_358, %and3A_370], %gather3A_409 {add = true} : memref<512x64xf32, #tpu.memory_space<vmem>>[vector<16xi32>, vector<16xi32>], vector<16xf32>,
        %scatter3A_429 = arith.constant 0 : i32
        %scatter3A_430 = arith.constant 0 : i32
        %scatter3A_431 = tpu.memref_slice %arg13[%scan3A_299, %scatter3A_429, %scatter3A_430] : memref<2x512x64xf32, #tpu.memory_space<vmem>> -> memref<1x512x64xf32, #tpu.memory_space<vmem>>
        %scatter3A_432 = tpu.memref_squeeze %scatter3A_431 : memref<1x512x64xf32, #tpu.memory_space<vmem>> -> memref<512x64xf32, #tpu.memory_space<vmem>>
        tpu.vector_store_idx %scatter3A_432[%add3A_358, %and3A_376], %gather3A_411 {add = true} : memref<512x64xf32, #tpu.memory_space<vmem>>[vector<16xi32>, vector<16xi32>], vector<16xf32>,
        %scatter3A_433 = arith.constant 0 : i32
        %scatter3A_434 = arith.constant 0 : i32
        %scatter3A_435 = tpu.memref_slice %arg13[%scan3A_299, %scatter3A_433, %scatter3A_434] : memref<2x512x64xf32, #tpu.memory_space<vmem>> -> memref<1x512x64xf32, #tpu.memory_space<vmem>>
        %scatter3A_436 = tpu.memref_squeeze %scatter3A_435 : memref<1x512x64xf32, #tpu.memory_space<vmem>> -> memref<512x64xf32, #tpu.memory_space<vmem>>
        tpu.vector_store_idx %scatter3A_436[%add3A_358, %and3A_382], %gather3A_413 {add = true} : memref<512x64xf32, #tpu.memory_space<vmem>>[vector<16xi32>, vector<16xi32>], vector<16xf32>,
        %scatter3A_437 = arith.constant 0 : i32
        %scatter3A_438 = arith.constant 0 : i32
        %scatter3A_439 = tpu.memref_slice %arg13[%scan3A_299, %scatter3A_437, %scatter3A_438] : memref<2x512x64xf32, #tpu.memory_space<vmem>> -> memref<1x512x64xf32, #tpu.memory_space<vmem>>
        %scatter3A_440 = tpu.memref_squeeze %scatter3A_439 : memref<1x512x64xf32, #tpu.memory_space<vmem>> -> memref<512x64xf32, #tpu.memory_space<vmem>>
        tpu.vector_store_idx %scatter3A_440[%add3A_358, %and3A_388], %gather3A_415 {add = true} : memref<512x64xf32, #tpu.memory_space<vmem>>[vector<16xi32>, vector<16xi32>], vector<16xf32>,
        %scatter3A_441 = arith.constant 0 : i32
        %scatter3A_442 = arith.constant 0 : i32
        %scatter3A_443 = tpu.memref_slice %arg13[%scan3A_299, %scatter3A_441, %scatter3A_442] : memref<2x512x64xf32, #tpu.memory_space<vmem>> -> memref<1x512x64xf32, #tpu.memory_space<vmem>>
        %scatter3A_444 = tpu.memref_squeeze %scatter3A_443 : memref<1x512x64xf32, #tpu.memory_space<vmem>> -> memref<512x64xf32, #tpu.memory_space<vmem>>
        tpu.vector_store_idx %scatter3A_444[%add3A_358, %and3A_394], %gather3A_417 {add = true} : memref<512x64xf32, #tpu.memory_space<vmem>>[vector<16xi32>, vector<16xi32>], vector<16xf32>,
        %scatter3A_445 = arith.constant 0 : i32
        %scatter3A_446 = arith.constant 0 : i32
        %scatter3A_447 = tpu.memref_slice %arg13[%scan3A_299, %scatter3A_445, %scatter3A_446] : memref<2x512x64xf32, #tpu.memory_space<vmem>> -> memref<1x512x64xf32, #tpu.memory_space<vmem>>
        %scatter3A_448 = tpu.memref_squeeze %scatter3A_447 : memref<1x512x64xf32, #tpu.memory_space<vmem>> -> memref<512x64xf32, #tpu.memory_space<vmem>>
        tpu.vector_store_idx %scatter3A_448[%add3A_358, %and3A_400], %gather3A_419 {add = true} : memref<512x64xf32, #tpu.memory_space<vmem>>[vector<16xi32>, vector<16xi32>], vector<16xf32>,
        %scatter3A_449 = arith.constant 0 : i32
        %scatter3A_450 = arith.constant 0 : i32
        %scatter3A_451 = tpu.memref_slice %arg13[%scan3A_299, %scatter3A_449, %scatter3A_450] : memref<2x512x64xf32, #tpu.memory_space<vmem>> -> memref<1x512x64xf32, #tpu.memory_space<vmem>>
        %scatter3A_452 = tpu.memref_squeeze %scatter3A_451 : memref<1x512x64xf32, #tpu.memory_space<vmem>> -> memref<512x64xf32, #tpu.memory_space<vmem>>
        tpu.vector_store_idx %scatter3A_452[%add3A_358, %and3A_406], %gather3A_421 {add = true} : memref<512x64xf32, #tpu.memory_space<vmem>>[vector<16xi32>, vector<16xi32>], vector<16xf32>,
        %add3A_453 = arith.constant 8 : i32
        %add3A_454 = vector.broadcast %add3A_453 : i32 to vector<16xi32>
        %add3A_455 = arith.addi %iota3A, %add3A_454 : vector<16xi32>
        %and3A_456 = arith.constant 63 : i32
        %and3A_457 = vector.broadcast %and3A_456 : i32 to vector<16xi32>
        %and3A_458 = arith.andi %add3A_455, %and3A_457 : vector<16xi32>
        %add3A_459 = arith.constant 9 : i32
        %add3A_460 = vector.broadcast %add3A_459 : i32 to vector<16xi32>
        %add3A_461 = arith.addi %iota3A, %add3A_460 : vector<16xi32>
        %and3A_462 = arith.constant 63 : i32
        %and3A_463 = vector.broadcast %and3A_462 : i32 to vector<16xi32>
        %and3A_464 = arith.andi %add3A_461, %and3A_463 : vector<16xi32>
        %add3A_465 = arith.constant 10 : i32
        %add3A_466 = vector.broadcast %add3A_465 : i32 to vector<16xi32>
        %add3A_467 = arith.addi %iota3A, %add3A_466 : vector<16xi32>
        %and3A_468 = arith.constant 63 : i32
        %and3A_469 = vector.broadcast %and3A_468 : i32 to vector<16xi32>
        %and3A_470 = arith.andi %add3A_467, %and3A_469 : vector<16xi32>
        %add3A_471 = arith.constant 11 : i32
        %add3A_472 = vector.broadcast %add3A_471 : i32 to vector<16xi32>
        %add3A_473 = arith.addi %iota3A, %add3A_472 : vector<16xi32>
        %and3A_474 = arith.constant 63 : i32
        %and3A_475 = vector.broadcast %and3A_474 : i32 to vector<16xi32>
        %and3A_476 = arith.andi %add3A_473, %and3A_475 : vector<16xi32>
        %add3A_477 = arith.constant 12 : i32
        %add3A_478 = vector.broadcast %add3A_477 : i32 to vector<16xi32>
        %add3A_479 = arith.addi %iota3A, %add3A_478 : vector<16xi32>
        %and3A_480 = arith.constant 63 : i32
        %and3A_481 = vector.broadcast %and3A_480 : i32 to vector<16xi32>
        %and3A_482 = arith.andi %add3A_479, %and3A_481 : vector<16xi32>
        %add3A_483 = arith.constant 13 : i32
        %add3A_484 = vector.broadcast %add3A_483 : i32 to vector<16xi32>
        %add3A_485 = arith.addi %iota3A, %add3A_484 : vector<16xi32>
        %and3A_486 = arith.constant 63 : i32
        %and3A_487 = vector.broadcast %and3A_486 : i32 to vector<16xi32>
        %and3A_488 = arith.andi %add3A_485, %and3A_487 : vector<16xi32>
        %add3A_489 = arith.constant 14 : i32
        %add3A_490 = vector.broadcast %add3A_489 : i32 to vector<16xi32>
        %add3A_491 = arith.addi %iota3A, %add3A_490 : vector<16xi32>
        %and3A_492 = arith.constant 63 : i32
        %and3A_493 = vector.broadcast %and3A_492 : i32 to vector<16xi32>
        %and3A_494 = arith.andi %add3A_491, %and3A_493 : vector<16xi32>
        %add3A_495 = arith.constant 15 : i32
        %add3A_496 = vector.broadcast %add3A_495 : i32 to vector<16xi32>
        %add3A_497 = arith.addi %iota3A, %add3A_496 : vector<16xi32>
        %and3A_498 = arith.constant 63 : i32
        %and3A_499 = vector.broadcast %and3A_498 : i32 to vector<16xi32>
        %and3A_500 = arith.andi %add3A_497, %and3A_499 : vector<16xi32>
        %add3A_501 = arith.addi %mul3A_354, %and3A_458 : vector<16xi32>
        %gather3A_502 = tpu.vector_load_idx %arg10[%add3A_501] : memref<13520xf32, #tpu.memory_space<vmem>>[vector<16xi32>], vector<16xf32>,
        %add3A_503 = arith.addi %mul3A_354, %and3A_464 : vector<16xi32>
        %gather3A_504 = tpu.vector_load_idx %arg10[%add3A_503] : memref<13520xf32, #tpu.memory_space<vmem>>[vector<16xi32>], vector<16xf32>,
        %add3A_505 = arith.addi %mul3A_354, %and3A_470 : vector<16xi32>
        %gather3A_506 = tpu.vector_load_idx %arg10[%add3A_505] : memref<13520xf32, #tpu.memory_space<vmem>>[vector<16xi32>], vector<16xf32>,
        %add3A_507 = arith.addi %mul3A_354, %and3A_476 : vector<16xi32>
        %gather3A_508 = tpu.vector_load_idx %arg10[%add3A_507] : memref<13520xf32, #tpu.memory_space<vmem>>[vector<16xi32>], vector<16xf32>,
        %add3A_509 = arith.addi %mul3A_354, %and3A_482 : vector<16xi32>
        %gather3A_510 = tpu.vector_load_idx %arg10[%add3A_509] : memref<13520xf32, #tpu.memory_space<vmem>>[vector<16xi32>], vector<16xf32>,
        %add3A_511 = arith.addi %mul3A_354, %and3A_488 : vector<16xi32>
        %gather3A_512 = tpu.vector_load_idx %arg10[%add3A_511] : memref<13520xf32, #tpu.memory_space<vmem>>[vector<16xi32>], vector<16xf32>,
        %add3A_513 = arith.addi %mul3A_354, %and3A_494 : vector<16xi32>
        %gather3A_514 = tpu.vector_load_idx %arg10[%add3A_513] : memref<13520xf32, #tpu.memory_space<vmem>>[vector<16xi32>], vector<16xf32>,
        %add3A_515 = arith.addi %mul3A_354, %and3A_500 : vector<16xi32>
        %gather3A_516 = tpu.vector_load_idx %arg10[%add3A_515] : memref<13520xf32, #tpu.memory_space<vmem>>[vector<16xi32>], vector<16xf32>,
        %scatter3A_517 = arith.constant 0 : i32
        %scatter3A_518 = arith.constant 0 : i32
        %scatter3A_519 = tpu.memref_slice %arg13[%scan3A_299, %scatter3A_517, %scatter3A_518] : memref<2x512x64xf32, #tpu.memory_space<vmem>> -> memref<1x512x64xf32, #tpu.memory_space<vmem>>
        %scatter3A_520 = tpu.memref_squeeze %scatter3A_519 : memref<1x512x64xf32, #tpu.memory_space<vmem>> -> memref<512x64xf32, #tpu.memory_space<vmem>>
        tpu.vector_store_idx %scatter3A_520[%add3A_358, %and3A_458], %gather3A_502 {add = true} : memref<512x64xf32, #tpu.memory_space<vmem>>[vector<16xi32>, vector<16xi32>], vector<16xf32>,
        %scatter3A_521 = arith.constant 0 : i32
        %scatter3A_522 = arith.constant 0 : i32
        %scatter3A_523 = tpu.memref_slice %arg13[%scan3A_299, %scatter3A_521, %scatter3A_522] : memref<2x512x64xf32, #tpu.memory_space<vmem>> -> memref<1x512x64xf32, #tpu.memory_space<vmem>>
        %scatter3A_524 = tpu.memref_squeeze %scatter3A_523 : memref<1x512x64xf32, #tpu.memory_space<vmem>> -> memref<512x64xf32, #tpu.memory_space<vmem>>
        tpu.vector_store_idx %scatter3A_524[%add3A_358, %and3A_464], %gather3A_504 {add = true} : memref<512x64xf32, #tpu.memory_space<vmem>>[vector<16xi32>, vector<16xi32>], vector<16xf32>,
        %scatter3A_525 = arith.constant 0 : i32
        %scatter3A_526 = arith.constant 0 : i32
        %scatter3A_527 = tpu.memref_slice %arg13[%scan3A_299, %scatter3A_525, %scatter3A_526] : memref<2x512x64xf32, #tpu.memory_space<vmem>> -> memref<1x512x64xf32, #tpu.memory_space<vmem>>
        %scatter3A_528 = tpu.memref_squeeze %scatter3A_527 : memref<1x512x64xf32, #tpu.memory_space<vmem>> -> memref<512x64xf32, #tpu.memory_space<vmem>>
        tpu.vector_store_idx %scatter3A_528[%add3A_358, %and3A_470], %gather3A_506 {add = true} : memref<512x64xf32, #tpu.memory_space<vmem>>[vector<16xi32>, vector<16xi32>], vector<16xf32>,
        %scatter3A_529 = arith.constant 0 : i32
        %scatter3A_530 = arith.constant 0 : i32
        %scatter3A_531 = tpu.memref_slice %arg13[%scan3A_299, %scatter3A_529, %scatter3A_530] : memref<2x512x64xf32, #tpu.memory_space<vmem>> -> memref<1x512x64xf32, #tpu.memory_space<vmem>>
        %scatter3A_532 = tpu.memref_squeeze %scatter3A_531 : memref<1x512x64xf32, #tpu.memory_space<vmem>> -> memref<512x64xf32, #tpu.memory_space<vmem>>
        tpu.vector_store_idx %scatter3A_532[%add3A_358, %and3A_476], %gather3A_508 {add = true} : memref<512x64xf32, #tpu.memory_space<vmem>>[vector<16xi32>, vector<16xi32>], vector<16xf32>,
        %scatter3A_533 = arith.constant 0 : i32
        %scatter3A_534 = arith.constant 0 : i32
        %scatter3A_535 = tpu.memref_slice %arg13[%scan3A_299, %scatter3A_533, %scatter3A_534] : memref<2x512x64xf32, #tpu.memory_space<vmem>> -> memref<1x512x64xf32, #tpu.memory_space<vmem>>
        %scatter3A_536 = tpu.memref_squeeze %scatter3A_535 : memref<1x512x64xf32, #tpu.memory_space<vmem>> -> memref<512x64xf32, #tpu.memory_space<vmem>>
        tpu.vector_store_idx %scatter3A_536[%add3A_358, %and3A_482], %gather3A_510 {add = true} : memref<512x64xf32, #tpu.memory_space<vmem>>[vector<16xi32>, vector<16xi32>], vector<16xf32>,
        %scatter3A_537 = arith.constant 0 : i32
        %scatter3A_538 = arith.constant 0 : i32
        %scatter3A_539 = tpu.memref_slice %arg13[%scan3A_299, %scatter3A_537, %scatter3A_538] : memref<2x512x64xf32, #tpu.memory_space<vmem>> -> memref<1x512x64xf32, #tpu.memory_space<vmem>>
        %scatter3A_540 = tpu.memref_squeeze %scatter3A_539 : memref<1x512x64xf32, #tpu.memory_space<vmem>> -> memref<512x64xf32, #tpu.memory_space<vmem>>
        tpu.vector_store_idx %scatter3A_540[%add3A_358, %and3A_488], %gather3A_512 {add = true} : memref<512x64xf32, #tpu.memory_space<vmem>>[vector<16xi32>, vector<16xi32>], vector<16xf32>,
        %scatter3A_541 = arith.constant 0 : i32
        %scatter3A_542 = arith.constant 0 : i32
        %scatter3A_543 = tpu.memref_slice %arg13[%scan3A_299, %scatter3A_541, %scatter3A_542] : memref<2x512x64xf32, #tpu.memory_space<vmem>> -> memref<1x512x64xf32, #tpu.memory_space<vmem>>
        %scatter3A_544 = tpu.memref_squeeze %scatter3A_543 : memref<1x512x64xf32, #tpu.memory_space<vmem>> -> memref<512x64xf32, #tpu.memory_space<vmem>>
        tpu.vector_store_idx %scatter3A_544[%add3A_358, %and3A_494], %gather3A_514 {add = true} : memref<512x64xf32, #tpu.memory_space<vmem>>[vector<16xi32>, vector<16xi32>], vector<16xf32>,
        %scatter3A_545 = arith.constant 0 : i32
        %scatter3A_546 = arith.constant 0 : i32
        %scatter3A_547 = tpu.memref_slice %arg13[%scan3A_299, %scatter3A_545, %scatter3A_546] : memref<2x512x64xf32, #tpu.memory_space<vmem>> -> memref<1x512x64xf32, #tpu.memory_space<vmem>>
        %scatter3A_548 = tpu.memref_squeeze %scatter3A_547 : memref<1x512x64xf32, #tpu.memory_space<vmem>> -> memref<512x64xf32, #tpu.memory_space<vmem>>
        tpu.vector_store_idx %scatter3A_548[%add3A_358, %and3A_500], %gather3A_516 {add = true} : memref<512x64xf32, #tpu.memory_space<vmem>>[vector<16xi32>, vector<16xi32>], vector<16xf32>,
        %add3A_549 = arith.constant 16 : i32
        %add3A_550 = vector.broadcast %add3A_549 : i32 to vector<16xi32>
        %add3A_551 = arith.addi %iota3A, %add3A_550 : vector<16xi32>
        %and3A_552 = arith.constant 63 : i32
        %and3A_553 = vector.broadcast %and3A_552 : i32 to vector<16xi32>
        %and3A_554 = arith.andi %add3A_551, %and3A_553 : vector<16xi32>
        %add3A_555 = arith.constant 17 : i32
        %add3A_556 = vector.broadcast %add3A_555 : i32 to vector<16xi32>
        %add3A_557 = arith.addi %iota3A, %add3A_556 : vector<16xi32>
        %and3A_558 = arith.constant 63 : i32
        %and3A_559 = vector.broadcast %and3A_558 : i32 to vector<16xi32>
        %and3A_560 = arith.andi %add3A_557, %and3A_559 : vector<16xi32>
        %add3A_561 = arith.constant 18 : i32
        %add3A_562 = vector.broadcast %add3A_561 : i32 to vector<16xi32>
        %add3A_563 = arith.addi %iota3A, %add3A_562 : vector<16xi32>
        %and3A_564 = arith.constant 63 : i32
        %and3A_565 = vector.broadcast %and3A_564 : i32 to vector<16xi32>
        %and3A_566 = arith.andi %add3A_563, %and3A_565 : vector<16xi32>
        %add3A_567 = arith.constant 19 : i32
        %add3A_568 = vector.broadcast %add3A_567 : i32 to vector<16xi32>
        %add3A_569 = arith.addi %iota3A, %add3A_568 : vector<16xi32>
        %and3A_570 = arith.constant 63 : i32
        %and3A_571 = vector.broadcast %and3A_570 : i32 to vector<16xi32>
        %and3A_572 = arith.andi %add3A_569, %and3A_571 : vector<16xi32>
        %add3A_573 = arith.constant 20 : i32
        %add3A_574 = vector.broadcast %add3A_573 : i32 to vector<16xi32>
        %add3A_575 = arith.addi %iota3A, %add3A_574 : vector<16xi32>
        %and3A_576 = arith.constant 63 : i32
        %and3A_577 = vector.broadcast %and3A_576 : i32 to vector<16xi32>
        %and3A_578 = arith.andi %add3A_575, %and3A_577 : vector<16xi32>
        %add3A_579 = arith.constant 21 : i32
        %add3A_580 = vector.broadcast %add3A_579 : i32 to vector<16xi32>
        %add3A_581 = arith.addi %iota3A, %add3A_580 : vector<16xi32>
        %and3A_582 = arith.constant 63 : i32
        %and3A_583 = vector.broadcast %and3A_582 : i32 to vector<16xi32>
        %and3A_584 = arith.andi %add3A_581, %and3A_583 : vector<16xi32>
        %add3A_585 = arith.constant 22 : i32
        %add3A_586 = vector.broadcast %add3A_585 : i32 to vector<16xi32>
        %add3A_587 = arith.addi %iota3A, %add3A_586 : vector<16xi32>
        %and3A_588 = arith.constant 63 : i32
        %and3A_589 = vector.broadcast %and3A_588 : i32 to vector<16xi32>
        %and3A_590 = arith.andi %add3A_587, %and3A_589 : vector<16xi32>
        %add3A_591 = arith.constant 23 : i32
        %add3A_592 = vector.broadcast %add3A_591 : i32 to vector<16xi32>
        %add3A_593 = arith.addi %iota3A, %add3A_592 : vector<16xi32>
        %and3A_594 = arith.constant 63 : i32
        %and3A_595 = vector.broadcast %and3A_594 : i32 to vector<16xi32>
        %and3A_596 = arith.andi %add3A_593, %and3A_595 : vector<16xi32>
        %add3A_597 = arith.addi %mul3A_354, %and3A_554 : vector<16xi32>
        %gather3A_598 = tpu.vector_load_idx %arg10[%add3A_597] : memref<13520xf32, #tpu.memory_space<vmem>>[vector<16xi32>], vector<16xf32>,
        %add3A_599 = arith.addi %mul3A_354, %and3A_560 : vector<16xi32>
        %gather3A_600 = tpu.vector_load_idx %arg10[%add3A_599] : memref<13520xf32, #tpu.memory_space<vmem>>[vector<16xi32>], vector<16xf32>,
        %add3A_601 = arith.addi %mul3A_354, %and3A_566 : vector<16xi32>
        %gather3A_602 = tpu.vector_load_idx %arg10[%add3A_601] : memref<13520xf32, #tpu.memory_space<vmem>>[vector<16xi32>], vector<16xf32>,
        %add3A_603 = arith.addi %mul3A_354, %and3A_572 : vector<16xi32>
        %gather3A_604 = tpu.vector_load_idx %arg10[%add3A_603] : memref<13520xf32, #tpu.memory_space<vmem>>[vector<16xi32>], vector<16xf32>,
        %add3A_605 = arith.addi %mul3A_354, %and3A_578 : vector<16xi32>
        %gather3A_606 = tpu.vector_load_idx %arg10[%add3A_605] : memref<13520xf32, #tpu.memory_space<vmem>>[vector<16xi32>], vector<16xf32>,
        %add3A_607 = arith.addi %mul3A_354, %and3A_584 : vector<16xi32>
        %gather3A_608 = tpu.vector_load_idx %arg10[%add3A_607] : memref<13520xf32, #tpu.memory_space<vmem>>[vector<16xi32>], vector<16xf32>,
        %add3A_609 = arith.addi %mul3A_354, %and3A_590 : vector<16xi32>
        %gather3A_610 = tpu.vector_load_idx %arg10[%add3A_609] : memref<13520xf32, #tpu.memory_space<vmem>>[vector<16xi32>], vector<16xf32>,
        %add3A_611 = arith.addi %mul3A_354, %and3A_596 : vector<16xi32>
        %gather3A_612 = tpu.vector_load_idx %arg10[%add3A_611] : memref<13520xf32, #tpu.memory_space<vmem>>[vector<16xi32>], vector<16xf32>,
        %scatter3A_613 = arith.constant 0 : i32
        %scatter3A_614 = arith.constant 0 : i32
        %scatter3A_615 = tpu.memref_slice %arg13[%scan3A_299, %scatter3A_613, %scatter3A_614] : memref<2x512x64xf32, #tpu.memory_space<vmem>> -> memref<1x512x64xf32, #tpu.memory_space<vmem>>
        %scatter3A_616 = tpu.memref_squeeze %scatter3A_615 : memref<1x512x64xf32, #tpu.memory_space<vmem>> -> memref<512x64xf32, #tpu.memory_space<vmem>>
        tpu.vector_store_idx %scatter3A_616[%add3A_358, %and3A_554], %gather3A_598 {add = true} : memref<512x64xf32, #tpu.memory_space<vmem>>[vector<16xi32>, vector<16xi32>], vector<16xf32>,
        %scatter3A_617 = arith.constant 0 : i32
        %scatter3A_618 = arith.constant 0 : i32
        %scatter3A_619 = tpu.memref_slice %arg13[%scan3A_299, %scatter3A_617, %scatter3A_618] : memref<2x512x64xf32, #tpu.memory_space<vmem>> -> memref<1x512x64xf32, #tpu.memory_space<vmem>>
        %scatter3A_620 = tpu.memref_squeeze %scatter3A_619 : memref<1x512x64xf32, #tpu.memory_space<vmem>> -> memref<512x64xf32, #tpu.memory_space<vmem>>
        tpu.vector_store_idx %scatter3A_620[%add3A_358, %and3A_560], %gather3A_600 {add = true} : memref<512x64xf32, #tpu.memory_space<vmem>>[vector<16xi32>, vector<16xi32>], vector<16xf32>,
        %scatter3A_621 = arith.constant 0 : i32
        %scatter3A_622 = arith.constant 0 : i32
        %scatter3A_623 = tpu.memref_slice %arg13[%scan3A_299, %scatter3A_621, %scatter3A_622] : memref<2x512x64xf32, #tpu.memory_space<vmem>> -> memref<1x512x64xf32, #tpu.memory_space<vmem>>
        %scatter3A_624 = tpu.memref_squeeze %scatter3A_623 : memref<1x512x64xf32, #tpu.memory_space<vmem>> -> memref<512x64xf32, #tpu.memory_space<vmem>>
        tpu.vector_store_idx %scatter3A_624[%add3A_358, %and3A_566], %gather3A_602 {add = true} : memref<512x64xf32, #tpu.memory_space<vmem>>[vector<16xi32>, vector<16xi32>], vector<16xf32>,
        %scatter3A_625 = arith.constant 0 : i32
        %scatter3A_626 = arith.constant 0 : i32
        %scatter3A_627 = tpu.memref_slice %arg13[%scan3A_299, %scatter3A_625, %scatter3A_626] : memref<2x512x64xf32, #tpu.memory_space<vmem>> -> memref<1x512x64xf32, #tpu.memory_space<vmem>>
        %scatter3A_628 = tpu.memref_squeeze %scatter3A_627 : memref<1x512x64xf32, #tpu.memory_space<vmem>> -> memref<512x64xf32, #tpu.memory_space<vmem>>
        tpu.vector_store_idx %scatter3A_628[%add3A_358, %and3A_572], %gather3A_604 {add = true} : memref<512x64xf32, #tpu.memory_space<vmem>>[vector<16xi32>, vector<16xi32>], vector<16xf32>,
        %scatter3A_629 = arith.constant 0 : i32
        %scatter3A_630 = arith.constant 0 : i32
        %scatter3A_631 = tpu.memref_slice %arg13[%scan3A_299, %scatter3A_629, %scatter3A_630] : memref<2x512x64xf32, #tpu.memory_space<vmem>> -> memref<1x512x64xf32, #tpu.memory_space<vmem>>
        %scatter3A_632 = tpu.memref_squeeze %scatter3A_631 : memref<1x512x64xf32, #tpu.memory_space<vmem>> -> memref<512x64xf32, #tpu.memory_space<vmem>>
        tpu.vector_store_idx %scatter3A_632[%add3A_358, %and3A_578], %gather3A_606 {add = true} : memref<512x64xf32, #tpu.memory_space<vmem>>[vector<16xi32>, vector<16xi32>], vector<16xf32>,
        %scatter3A_633 = arith.constant 0 : i32
        %scatter3A_634 = arith.constant 0 : i32
        %scatter3A_635 = tpu.memref_slice %arg13[%scan3A_299, %scatter3A_633, %scatter3A_634] : memref<2x512x64xf32, #tpu.memory_space<vmem>> -> memref<1x512x64xf32, #tpu.memory_space<vmem>>
        %scatter3A_636 = tpu.memref_squeeze %scatter3A_635 : memref<1x512x64xf32, #tpu.memory_space<vmem>> -> memref<512x64xf32, #tpu.memory_space<vmem>>
        tpu.vector_store_idx %scatter3A_636[%add3A_358, %and3A_584], %gather3A_608 {add = true} : memref<512x64xf32, #tpu.memory_space<vmem>>[vector<16xi32>, vector<16xi32>], vector<16xf32>,
        %scatter3A_637 = arith.constant 0 : i32
        %scatter3A_638 = arith.constant 0 : i32
        %scatter3A_639 = tpu.memref_slice %arg13[%scan3A_299, %scatter3A_637, %scatter3A_638] : memref<2x512x64xf32, #tpu.memory_space<vmem>> -> memref<1x512x64xf32, #tpu.memory_space<vmem>>
        %scatter3A_640 = tpu.memref_squeeze %scatter3A_639 : memref<1x512x64xf32, #tpu.memory_space<vmem>> -> memref<512x64xf32, #tpu.memory_space<vmem>>
        tpu.vector_store_idx %scatter3A_640[%add3A_358, %and3A_590], %gather3A_610 {add = true} : memref<512x64xf32, #tpu.memory_space<vmem>>[vector<16xi32>, vector<16xi32>], vector<16xf32>,
        %scatter3A_641 = arith.constant 0 : i32
        %scatter3A_642 = arith.constant 0 : i32
        %scatter3A_643 = tpu.memref_slice %arg13[%scan3A_299, %scatter3A_641, %scatter3A_642] : memref<2x512x64xf32, #tpu.memory_space<vmem>> -> memref<1x512x64xf32, #tpu.memory_space<vmem>>
        %scatter3A_644 = tpu.memref_squeeze %scatter3A_643 : memref<1x512x64xf32, #tpu.memory_space<vmem>> -> memref<512x64xf32, #tpu.memory_space<vmem>>
        tpu.vector_store_idx %scatter3A_644[%add3A_358, %and3A_596], %gather3A_612 {add = true} : memref<512x64xf32, #tpu.memory_space<vmem>>[vector<16xi32>, vector<16xi32>], vector<16xf32>,
        %add3A_645 = arith.constant 24 : i32
        %add3A_646 = vector.broadcast %add3A_645 : i32 to vector<16xi32>
        %add3A_647 = arith.addi %iota3A, %add3A_646 : vector<16xi32>
        %and3A_648 = arith.constant 63 : i32
        %and3A_649 = vector.broadcast %and3A_648 : i32 to vector<16xi32>
        %and3A_650 = arith.andi %add3A_647, %and3A_649 : vector<16xi32>
        %add3A_651 = arith.constant 25 : i32
        %add3A_652 = vector.broadcast %add3A_651 : i32 to vector<16xi32>
        %add3A_653 = arith.addi %iota3A, %add3A_652 : vector<16xi32>
        %and3A_654 = arith.constant 63 : i32
        %and3A_655 = vector.broadcast %and3A_654 : i32 to vector<16xi32>
        %and3A_656 = arith.andi %add3A_653, %and3A_655 : vector<16xi32>
        %add3A_657 = arith.constant 26 : i32
        %add3A_658 = vector.broadcast %add3A_657 : i32 to vector<16xi32>
        %add3A_659 = arith.addi %iota3A, %add3A_658 : vector<16xi32>
        %and3A_660 = arith.constant 63 : i32
        %and3A_661 = vector.broadcast %and3A_660 : i32 to vector<16xi32>
        %and3A_662 = arith.andi %add3A_659, %and3A_661 : vector<16xi32>
        %add3A_663 = arith.constant 27 : i32
        %add3A_664 = vector.broadcast %add3A_663 : i32 to vector<16xi32>
        %add3A_665 = arith.addi %iota3A, %add3A_664 : vector<16xi32>
        %and3A_666 = arith.constant 63 : i32
        %and3A_667 = vector.broadcast %and3A_666 : i32 to vector<16xi32>
        %and3A_668 = arith.andi %add3A_665, %and3A_667 : vector<16xi32>
        %add3A_669 = arith.constant 28 : i32
        %add3A_670 = vector.broadcast %add3A_669 : i32 to vector<16xi32>
        %add3A_671 = arith.addi %iota3A, %add3A_670 : vector<16xi32>
        %and3A_672 = arith.constant 63 : i32
        %and3A_673 = vector.broadcast %and3A_672 : i32 to vector<16xi32>
        %and3A_674 = arith.andi %add3A_671, %and3A_673 : vector<16xi32>
        %add3A_675 = arith.constant 29 : i32
        %add3A_676 = vector.broadcast %add3A_675 : i32 to vector<16xi32>
        %add3A_677 = arith.addi %iota3A, %add3A_676 : vector<16xi32>
        %and3A_678 = arith.constant 63 : i32
        %and3A_679 = vector.broadcast %and3A_678 : i32 to vector<16xi32>
        %and3A_680 = arith.andi %add3A_677, %and3A_679 : vector<16xi32>
        %add3A_681 = arith.constant 30 : i32
        %add3A_682 = vector.broadcast %add3A_681 : i32 to vector<16xi32>
        %add3A_683 = arith.addi %iota3A, %add3A_682 : vector<16xi32>
        %and3A_684 = arith.constant 63 : i32
        %and3A_685 = vector.broadcast %and3A_684 : i32 to vector<16xi32>
        %and3A_686 = arith.andi %add3A_683, %and3A_685 : vector<16xi32>
        %add3A_687 = arith.constant 31 : i32
        %add3A_688 = vector.broadcast %add3A_687 : i32 to vector<16xi32>
        %add3A_689 = arith.addi %iota3A, %add3A_688 : vector<16xi32>
        %and3A_690 = arith.constant 63 : i32
        %and3A_691 = vector.broadcast %and3A_690 : i32 to vector<16xi32>
        %and3A_692 = arith.andi %add3A_689, %and3A_691 : vector<16xi32>
        %add3A_693 = arith.addi %mul3A_354, %and3A_650 : vector<16xi32>
        %gather3A_694 = tpu.vector_load_idx %arg10[%add3A_693] : memref<13520xf32, #tpu.memory_space<vmem>>[vector<16xi32>], vector<16xf32>,
        %add3A_695 = arith.addi %mul3A_354, %and3A_656 : vector<16xi32>
        %gather3A_696 = tpu.vector_load_idx %arg10[%add3A_695] : memref<13520xf32, #tpu.memory_space<vmem>>[vector<16xi32>], vector<16xf32>,
        %add3A_697 = arith.addi %mul3A_354, %and3A_662 : vector<16xi32>
        %gather3A_698 = tpu.vector_load_idx %arg10[%add3A_697] : memref<13520xf32, #tpu.memory_space<vmem>>[vector<16xi32>], vector<16xf32>,
        %add3A_699 = arith.addi %mul3A_354, %and3A_668 : vector<16xi32>
        %gather3A_700 = tpu.vector_load_idx %arg10[%add3A_699] : memref<13520xf32, #tpu.memory_space<vmem>>[vector<16xi32>], vector<16xf32>,
        %add3A_701 = arith.addi %mul3A_354, %and3A_674 : vector<16xi32>
        %gather3A_702 = tpu.vector_load_idx %arg10[%add3A_701] : memref<13520xf32, #tpu.memory_space<vmem>>[vector<16xi32>], vector<16xf32>,
        %add3A_703 = arith.addi %mul3A_354, %and3A_680 : vector<16xi32>
        %gather3A_704 = tpu.vector_load_idx %arg10[%add3A_703] : memref<13520xf32, #tpu.memory_space<vmem>>[vector<16xi32>], vector<16xf32>,
        %add3A_705 = arith.addi %mul3A_354, %and3A_686 : vector<16xi32>
        %gather3A_706 = tpu.vector_load_idx %arg10[%add3A_705] : memref<13520xf32, #tpu.memory_space<vmem>>[vector<16xi32>], vector<16xf32>,
        %add3A_707 = arith.addi %mul3A_354, %and3A_692 : vector<16xi32>
        %gather3A_708 = tpu.vector_load_idx %arg10[%add3A_707] : memref<13520xf32, #tpu.memory_space<vmem>>[vector<16xi32>], vector<16xf32>,
        %scatter3A_709 = arith.constant 0 : i32
        %scatter3A_710 = arith.constant 0 : i32
        %scatter3A_711 = tpu.memref_slice %arg13[%scan3A_299, %scatter3A_709, %scatter3A_710] : memref<2x512x64xf32, #tpu.memory_space<vmem>> -> memref<1x512x64xf32, #tpu.memory_space<vmem>>
        %scatter3A_712 = tpu.memref_squeeze %scatter3A_711 : memref<1x512x64xf32, #tpu.memory_space<vmem>> -> memref<512x64xf32, #tpu.memory_space<vmem>>
        tpu.vector_store_idx %scatter3A_712[%add3A_358, %and3A_650], %gather3A_694 {add = true} : memref<512x64xf32, #tpu.memory_space<vmem>>[vector<16xi32>, vector<16xi32>], vector<16xf32>,
        %scatter3A_713 = arith.constant 0 : i32
        %scatter3A_714 = arith.constant 0 : i32
        %scatter3A_715 = tpu.memref_slice %arg13[%scan3A_299, %scatter3A_713, %scatter3A_714] : memref<2x512x64xf32, #tpu.memory_space<vmem>> -> memref<1x512x64xf32, #tpu.memory_space<vmem>>
        %scatter3A_716 = tpu.memref_squeeze %scatter3A_715 : memref<1x512x64xf32, #tpu.memory_space<vmem>> -> memref<512x64xf32, #tpu.memory_space<vmem>>
        tpu.vector_store_idx %scatter3A_716[%add3A_358, %and3A_656], %gather3A_696 {add = true} : memref<512x64xf32, #tpu.memory_space<vmem>>[vector<16xi32>, vector<16xi32>], vector<16xf32>,
        %scatter3A_717 = arith.constant 0 : i32
        %scatter3A_718 = arith.constant 0 : i32
        %scatter3A_719 = tpu.memref_slice %arg13[%scan3A_299, %scatter3A_717, %scatter3A_718] : memref<2x512x64xf32, #tpu.memory_space<vmem>> -> memref<1x512x64xf32, #tpu.memory_space<vmem>>
        %scatter3A_720 = tpu.memref_squeeze %scatter3A_719 : memref<1x512x64xf32, #tpu.memory_space<vmem>> -> memref<512x64xf32, #tpu.memory_space<vmem>>
        tpu.vector_store_idx %scatter3A_720[%add3A_358, %and3A_662], %gather3A_698 {add = true} : memref<512x64xf32, #tpu.memory_space<vmem>>[vector<16xi32>, vector<16xi32>], vector<16xf32>,
        %scatter3A_721 = arith.constant 0 : i32
        %scatter3A_722 = arith.constant 0 : i32
        %scatter3A_723 = tpu.memref_slice %arg13[%scan3A_299, %scatter3A_721, %scatter3A_722] : memref<2x512x64xf32, #tpu.memory_space<vmem>> -> memref<1x512x64xf32, #tpu.memory_space<vmem>>
        %scatter3A_724 = tpu.memref_squeeze %scatter3A_723 : memref<1x512x64xf32, #tpu.memory_space<vmem>> -> memref<512x64xf32, #tpu.memory_space<vmem>>
        tpu.vector_store_idx %scatter3A_724[%add3A_358, %and3A_668], %gather3A_700 {add = true} : memref<512x64xf32, #tpu.memory_space<vmem>>[vector<16xi32>, vector<16xi32>], vector<16xf32>,
        %scatter3A_725 = arith.constant 0 : i32
        %scatter3A_726 = arith.constant 0 : i32
        %scatter3A_727 = tpu.memref_slice %arg13[%scan3A_299, %scatter3A_725, %scatter3A_726] : memref<2x512x64xf32, #tpu.memory_space<vmem>> -> memref<1x512x64xf32, #tpu.memory_space<vmem>>
        %scatter3A_728 = tpu.memref_squeeze %scatter3A_727 : memref<1x512x64xf32, #tpu.memory_space<vmem>> -> memref<512x64xf32, #tpu.memory_space<vmem>>
        tpu.vector_store_idx %scatter3A_728[%add3A_358, %and3A_674], %gather3A_702 {add = true} : memref<512x64xf32, #tpu.memory_space<vmem>>[vector<16xi32>, vector<16xi32>], vector<16xf32>,
        %scatter3A_729 = arith.constant 0 : i32
        %scatter3A_730 = arith.constant 0 : i32
        %scatter3A_731 = tpu.memref_slice %arg13[%scan3A_299, %scatter3A_729, %scatter3A_730] : memref<2x512x64xf32, #tpu.memory_space<vmem>> -> memref<1x512x64xf32, #tpu.memory_space<vmem>>
        %scatter3A_732 = tpu.memref_squeeze %scatter3A_731 : memref<1x512x64xf32, #tpu.memory_space<vmem>> -> memref<512x64xf32, #tpu.memory_space<vmem>>
        tpu.vector_store_idx %scatter3A_732[%add3A_358, %and3A_680], %gather3A_704 {add = true} : memref<512x64xf32, #tpu.memory_space<vmem>>[vector<16xi32>, vector<16xi32>], vector<16xf32>,
        %scatter3A_733 = arith.constant 0 : i32
        %scatter3A_734 = arith.constant 0 : i32
        %scatter3A_735 = tpu.memref_slice %arg13[%scan3A_299, %scatter3A_733, %scatter3A_734] : memref<2x512x64xf32, #tpu.memory_space<vmem>> -> memref<1x512x64xf32, #tpu.memory_space<vmem>>
        %scatter3A_736 = tpu.memref_squeeze %scatter3A_735 : memref<1x512x64xf32, #tpu.memory_space<vmem>> -> memref<512x64xf32, #tpu.memory_space<vmem>>
        tpu.vector_store_idx %scatter3A_736[%add3A_358, %and3A_686], %gather3A_706 {add = true} : memref<512x64xf32, #tpu.memory_space<vmem>>[vector<16xi32>, vector<16xi32>], vector<16xf32>,
        %scatter3A_737 = arith.constant 0 : i32
        %scatter3A_738 = arith.constant 0 : i32
        %scatter3A_739 = tpu.memref_slice %arg13[%scan3A_299, %scatter3A_737, %scatter3A_738] : memref<2x512x64xf32, #tpu.memory_space<vmem>> -> memref<1x512x64xf32, #tpu.memory_space<vmem>>
        %scatter3A_740 = tpu.memref_squeeze %scatter3A_739 : memref<1x512x64xf32, #tpu.memory_space<vmem>> -> memref<512x64xf32, #tpu.memory_space<vmem>>
        tpu.vector_store_idx %scatter3A_740[%add3A_358, %and3A_692], %gather3A_708 {add = true} : memref<512x64xf32, #tpu.memory_space<vmem>>[vector<16xi32>, vector<16xi32>], vector<16xf32>,
        %add3A_741 = arith.constant 32 : i32
        %add3A_742 = vector.broadcast %add3A_741 : i32 to vector<16xi32>
        %add3A_743 = arith.addi %iota3A, %add3A_742 : vector<16xi32>
        %and3A_744 = arith.constant 63 : i32
        %and3A_745 = vector.broadcast %and3A_744 : i32 to vector<16xi32>
        %and3A_746 = arith.andi %add3A_743, %and3A_745 : vector<16xi32>
        %add3A_747 = arith.constant 33 : i32
        %add3A_748 = vector.broadcast %add3A_747 : i32 to vector<16xi32>
        %add3A_749 = arith.addi %iota3A, %add3A_748 : vector<16xi32>
        %and3A_750 = arith.constant 63 : i32
        %and3A_751 = vector.broadcast %and3A_750 : i32 to vector<16xi32>
        %and3A_752 = arith.andi %add3A_749, %and3A_751 : vector<16xi32>
        %add3A_753 = arith.constant 34 : i32
        %add3A_754 = vector.broadcast %add3A_753 : i32 to vector<16xi32>
        %add3A_755 = arith.addi %iota3A, %add3A_754 : vector<16xi32>
        %and3A_756 = arith.constant 63 : i32
        %and3A_757 = vector.broadcast %and3A_756 : i32 to vector<16xi32>
        %and3A_758 = arith.andi %add3A_755, %and3A_757 : vector<16xi32>
        %add3A_759 = arith.constant 35 : i32
        %add3A_760 = vector.broadcast %add3A_759 : i32 to vector<16xi32>
        %add3A_761 = arith.addi %iota3A, %add3A_760 : vector<16xi32>
        %and3A_762 = arith.constant 63 : i32
        %and3A_763 = vector.broadcast %and3A_762 : i32 to vector<16xi32>
        %and3A_764 = arith.andi %add3A_761, %and3A_763 : vector<16xi32>
        %add3A_765 = arith.constant 36 : i32
        %add3A_766 = vector.broadcast %add3A_765 : i32 to vector<16xi32>
        %add3A_767 = arith.addi %iota3A, %add3A_766 : vector<16xi32>
        %and3A_768 = arith.constant 63 : i32
        %and3A_769 = vector.broadcast %and3A_768 : i32 to vector<16xi32>
        %and3A_770 = arith.andi %add3A_767, %and3A_769 : vector<16xi32>
        %add3A_771 = arith.constant 37 : i32
        %add3A_772 = vector.broadcast %add3A_771 : i32 to vector<16xi32>
        %add3A_773 = arith.addi %iota3A, %add3A_772 : vector<16xi32>
        %and3A_774 = arith.constant 63 : i32
        %and3A_775 = vector.broadcast %and3A_774 : i32 to vector<16xi32>
        %and3A_776 = arith.andi %add3A_773, %and3A_775 : vector<16xi32>
        %add3A_777 = arith.constant 38 : i32
        %add3A_778 = vector.broadcast %add3A_777 : i32 to vector<16xi32>
        %add3A_779 = arith.addi %iota3A, %add3A_778 : vector<16xi32>
        %and3A_780 = arith.constant 63 : i32
        %and3A_781 = vector.broadcast %and3A_780 : i32 to vector<16xi32>
        %and3A_782 = arith.andi %add3A_779, %and3A_781 : vector<16xi32>
        %add3A_783 = arith.constant 39 : i32
        %add3A_784 = vector.broadcast %add3A_783 : i32 to vector<16xi32>
        %add3A_785 = arith.addi %iota3A, %add3A_784 : vector<16xi32>
        %and3A_786 = arith.constant 63 : i32
        %and3A_787 = vector.broadcast %and3A_786 : i32 to vector<16xi32>
        %and3A_788 = arith.andi %add3A_785, %and3A_787 : vector<16xi32>
        %add3A_789 = arith.addi %mul3A_354, %and3A_746 : vector<16xi32>
        %gather3A_790 = tpu.vector_load_idx %arg10[%add3A_789] : memref<13520xf32, #tpu.memory_space<vmem>>[vector<16xi32>], vector<16xf32>,
        %add3A_791 = arith.addi %mul3A_354, %and3A_752 : vector<16xi32>
        %gather3A_792 = tpu.vector_load_idx %arg10[%add3A_791] : memref<13520xf32, #tpu.memory_space<vmem>>[vector<16xi32>], vector<16xf32>,
        %add3A_793 = arith.addi %mul3A_354, %and3A_758 : vector<16xi32>
        %gather3A_794 = tpu.vector_load_idx %arg10[%add3A_793] : memref<13520xf32, #tpu.memory_space<vmem>>[vector<16xi32>], vector<16xf32>,
        %add3A_795 = arith.addi %mul3A_354, %and3A_764 : vector<16xi32>
        %gather3A_796 = tpu.vector_load_idx %arg10[%add3A_795] : memref<13520xf32, #tpu.memory_space<vmem>>[vector<16xi32>], vector<16xf32>,
        %add3A_797 = arith.addi %mul3A_354, %and3A_770 : vector<16xi32>
        %gather3A_798 = tpu.vector_load_idx %arg10[%add3A_797] : memref<13520xf32, #tpu.memory_space<vmem>>[vector<16xi32>], vector<16xf32>,
        %add3A_799 = arith.addi %mul3A_354, %and3A_776 : vector<16xi32>
        %gather3A_800 = tpu.vector_load_idx %arg10[%add3A_799] : memref<13520xf32, #tpu.memory_space<vmem>>[vector<16xi32>], vector<16xf32>,
        %add3A_801 = arith.addi %mul3A_354, %and3A_782 : vector<16xi32>
        %gather3A_802 = tpu.vector_load_idx %arg10[%add3A_801] : memref<13520xf32, #tpu.memory_space<vmem>>[vector<16xi32>], vector<16xf32>,
        %add3A_803 = arith.addi %mul3A_354, %and3A_788 : vector<16xi32>
        %gather3A_804 = tpu.vector_load_idx %arg10[%add3A_803] : memref<13520xf32, #tpu.memory_space<vmem>>[vector<16xi32>], vector<16xf32>,
        %scatter3A_805 = arith.constant 0 : i32
        %scatter3A_806 = arith.constant 0 : i32
        %scatter3A_807 = tpu.memref_slice %arg13[%scan3A_299, %scatter3A_805, %scatter3A_806] : memref<2x512x64xf32, #tpu.memory_space<vmem>> -> memref<1x512x64xf32, #tpu.memory_space<vmem>>
        %scatter3A_808 = tpu.memref_squeeze %scatter3A_807 : memref<1x512x64xf32, #tpu.memory_space<vmem>> -> memref<512x64xf32, #tpu.memory_space<vmem>>
        tpu.vector_store_idx %scatter3A_808[%add3A_358, %and3A_746], %gather3A_790 {add = true} : memref<512x64xf32, #tpu.memory_space<vmem>>[vector<16xi32>, vector<16xi32>], vector<16xf32>,
        %scatter3A_809 = arith.constant 0 : i32
        %scatter3A_810 = arith.constant 0 : i32
        %scatter3A_811 = tpu.memref_slice %arg13[%scan3A_299, %scatter3A_809, %scatter3A_810] : memref<2x512x64xf32, #tpu.memory_space<vmem>> -> memref<1x512x64xf32, #tpu.memory_space<vmem>>
        %scatter3A_812 = tpu.memref_squeeze %scatter3A_811 : memref<1x512x64xf32, #tpu.memory_space<vmem>> -> memref<512x64xf32, #tpu.memory_space<vmem>>
        tpu.vector_store_idx %scatter3A_812[%add3A_358, %and3A_752], %gather3A_792 {add = true} : memref<512x64xf32, #tpu.memory_space<vmem>>[vector<16xi32>, vector<16xi32>], vector<16xf32>,
        %scatter3A_813 = arith.constant 0 : i32
        %scatter3A_814 = arith.constant 0 : i32
        %scatter3A_815 = tpu.memref_slice %arg13[%scan3A_299, %scatter3A_813, %scatter3A_814] : memref<2x512x64xf32, #tpu.memory_space<vmem>> -> memref<1x512x64xf32, #tpu.memory_space<vmem>>
        %scatter3A_816 = tpu.memref_squeeze %scatter3A_815 : memref<1x512x64xf32, #tpu.memory_space<vmem>> -> memref<512x64xf32, #tpu.memory_space<vmem>>
        tpu.vector_store_idx %scatter3A_816[%add3A_358, %and3A_758], %gather3A_794 {add = true} : memref<512x64xf32, #tpu.memory_space<vmem>>[vector<16xi32>, vector<16xi32>], vector<16xf32>,
        %scatter3A_817 = arith.constant 0 : i32
        %scatter3A_818 = arith.constant 0 : i32
        %scatter3A_819 = tpu.memref_slice %arg13[%scan3A_299, %scatter3A_817, %scatter3A_818] : memref<2x512x64xf32, #tpu.memory_space<vmem>> -> memref<1x512x64xf32, #tpu.memory_space<vmem>>
        %scatter3A_820 = tpu.memref_squeeze %scatter3A_819 : memref<1x512x64xf32, #tpu.memory_space<vmem>> -> memref<512x64xf32, #tpu.memory_space<vmem>>
        tpu.vector_store_idx %scatter3A_820[%add3A_358, %and3A_764], %gather3A_796 {add = true} : memref<512x64xf32, #tpu.memory_space<vmem>>[vector<16xi32>, vector<16xi32>], vector<16xf32>,
        %scatter3A_821 = arith.constant 0 : i32
        %scatter3A_822 = arith.constant 0 : i32
        %scatter3A_823 = tpu.memref_slice %arg13[%scan3A_299, %scatter3A_821, %scatter3A_822] : memref<2x512x64xf32, #tpu.memory_space<vmem>> -> memref<1x512x64xf32, #tpu.memory_space<vmem>>
        %scatter3A_824 = tpu.memref_squeeze %scatter3A_823 : memref<1x512x64xf32, #tpu.memory_space<vmem>> -> memref<512x64xf32, #tpu.memory_space<vmem>>
        tpu.vector_store_idx %scatter3A_824[%add3A_358, %and3A_770], %gather3A_798 {add = true} : memref<512x64xf32, #tpu.memory_space<vmem>>[vector<16xi32>, vector<16xi32>], vector<16xf32>,
        %scatter3A_825 = arith.constant 0 : i32
        %scatter3A_826 = arith.constant 0 : i32
        %scatter3A_827 = tpu.memref_slice %arg13[%scan3A_299, %scatter3A_825, %scatter3A_826] : memref<2x512x64xf32, #tpu.memory_space<vmem>> -> memref<1x512x64xf32, #tpu.memory_space<vmem>>
        %scatter3A_828 = tpu.memref_squeeze %scatter3A_827 : memref<1x512x64xf32, #tpu.memory_space<vmem>> -> memref<512x64xf32, #tpu.memory_space<vmem>>
        tpu.vector_store_idx %scatter3A_828[%add3A_358, %and3A_776], %gather3A_800 {add = true} : memref<512x64xf32, #tpu.memory_space<vmem>>[vector<16xi32>, vector<16xi32>], vector<16xf32>,
        %scatter3A_829 = arith.constant 0 : i32
        %scatter3A_830 = arith.constant 0 : i32
        %scatter3A_831 = tpu.memref_slice %arg13[%scan3A_299, %scatter3A_829, %scatter3A_830] : memref<2x512x64xf32, #tpu.memory_space<vmem>> -> memref<1x512x64xf32, #tpu.memory_space<vmem>>
        %scatter3A_832 = tpu.memref_squeeze %scatter3A_831 : memref<1x512x64xf32, #tpu.memory_space<vmem>> -> memref<512x64xf32, #tpu.memory_space<vmem>>
        tpu.vector_store_idx %scatter3A_832[%add3A_358, %and3A_782], %gather3A_802 {add = true} : memref<512x64xf32, #tpu.memory_space<vmem>>[vector<16xi32>, vector<16xi32>], vector<16xf32>,
        %scatter3A_833 = arith.constant 0 : i32
        %scatter3A_834 = arith.constant 0 : i32
        %scatter3A_835 = tpu.memref_slice %arg13[%scan3A_299, %scatter3A_833, %scatter3A_834] : memref<2x512x64xf32, #tpu.memory_space<vmem>> -> memref<1x512x64xf32, #tpu.memory_space<vmem>>
        %scatter3A_836 = tpu.memref_squeeze %scatter3A_835 : memref<1x512x64xf32, #tpu.memory_space<vmem>> -> memref<512x64xf32, #tpu.memory_space<vmem>>
        tpu.vector_store_idx %scatter3A_836[%add3A_358, %and3A_788], %gather3A_804 {add = true} : memref<512x64xf32, #tpu.memory_space<vmem>>[vector<16xi32>, vector<16xi32>], vector<16xf32>,
        %add3A_837 = arith.constant 40 : i32
        %add3A_838 = vector.broadcast %add3A_837 : i32 to vector<16xi32>
        %add3A_839 = arith.addi %iota3A, %add3A_838 : vector<16xi32>
        %and3A_840 = arith.constant 63 : i32
        %and3A_841 = vector.broadcast %and3A_840 : i32 to vector<16xi32>
        %and3A_842 = arith.andi %add3A_839, %and3A_841 : vector<16xi32>
        %add3A_843 = arith.constant 41 : i32
        %add3A_844 = vector.broadcast %add3A_843 : i32 to vector<16xi32>
        %add3A_845 = arith.addi %iota3A, %add3A_844 : vector<16xi32>
        %and3A_846 = arith.constant 63 : i32
        %and3A_847 = vector.broadcast %and3A_846 : i32 to vector<16xi32>
        %and3A_848 = arith.andi %add3A_845, %and3A_847 : vector<16xi32>
        %add3A_849 = arith.constant 42 : i32
        %add3A_850 = vector.broadcast %add3A_849 : i32 to vector<16xi32>
        %add3A_851 = arith.addi %iota3A, %add3A_850 : vector<16xi32>
        %and3A_852 = arith.constant 63 : i32
        %and3A_853 = vector.broadcast %and3A_852 : i32 to vector<16xi32>
        %and3A_854 = arith.andi %add3A_851, %and3A_853 : vector<16xi32>
        %add3A_855 = arith.constant 43 : i32
        %add3A_856 = vector.broadcast %add3A_855 : i32 to vector<16xi32>
        %add3A_857 = arith.addi %iota3A, %add3A_856 : vector<16xi32>
        %and3A_858 = arith.constant 63 : i32
        %and3A_859 = vector.broadcast %and3A_858 : i32 to vector<16xi32>
        %and3A_860 = arith.andi %add3A_857, %and3A_859 : vector<16xi32>
        %add3A_861 = arith.constant 44 : i32
        %add3A_862 = vector.broadcast %add3A_861 : i32 to vector<16xi32>
        %add3A_863 = arith.addi %iota3A, %add3A_862 : vector<16xi32>
        %and3A_864 = arith.constant 63 : i32
        %and3A_865 = vector.broadcast %and3A_864 : i32 to vector<16xi32>
        %and3A_866 = arith.andi %add3A_863, %and3A_865 : vector<16xi32>
        %add3A_867 = arith.constant 45 : i32
        %add3A_868 = vector.broadcast %add3A_867 : i32 to vector<16xi32>
        %add3A_869 = arith.addi %iota3A, %add3A_868 : vector<16xi32>
        %and3A_870 = arith.constant 63 : i32
        %and3A_871 = vector.broadcast %and3A_870 : i32 to vector<16xi32>
        %and3A_872 = arith.andi %add3A_869, %and3A_871 : vector<16xi32>
        %add3A_873 = arith.constant 46 : i32
        %add3A_874 = vector.broadcast %add3A_873 : i32 to vector<16xi32>
        %add3A_875 = arith.addi %iota3A, %add3A_874 : vector<16xi32>
        %and3A_876 = arith.constant 63 : i32
        %and3A_877 = vector.broadcast %and3A_876 : i32 to vector<16xi32>
        %and3A_878 = arith.andi %add3A_875, %and3A_877 : vector<16xi32>
        %add3A_879 = arith.constant 47 : i32
        %add3A_880 = vector.broadcast %add3A_879 : i32 to vector<16xi32>
        %add3A_881 = arith.addi %iota3A, %add3A_880 : vector<16xi32>
        %and3A_882 = arith.constant 63 : i32
        %and3A_883 = vector.broadcast %and3A_882 : i32 to vector<16xi32>
        %and3A_884 = arith.andi %add3A_881, %and3A_883 : vector<16xi32>
        %add3A_885 = arith.addi %mul3A_354, %and3A_842 : vector<16xi32>
        %gather3A_886 = tpu.vector_load_idx %arg10[%add3A_885] : memref<13520xf32, #tpu.memory_space<vmem>>[vector<16xi32>], vector<16xf32>,
        %add3A_887 = arith.addi %mul3A_354, %and3A_848 : vector<16xi32>
        %gather3A_888 = tpu.vector_load_idx %arg10[%add3A_887] : memref<13520xf32, #tpu.memory_space<vmem>>[vector<16xi32>], vector<16xf32>,
        %add3A_889 = arith.addi %mul3A_354, %and3A_854 : vector<16xi32>
        %gather3A_890 = tpu.vector_load_idx %arg10[%add3A_889] : memref<13520xf32, #tpu.memory_space<vmem>>[vector<16xi32>], vector<16xf32>,
        %add3A_891 = arith.addi %mul3A_354, %and3A_860 : vector<16xi32>
        %gather3A_892 = tpu.vector_load_idx %arg10[%add3A_891] : memref<13520xf32, #tpu.memory_space<vmem>>[vector<16xi32>], vector<16xf32>,
        %add3A_893 = arith.addi %mul3A_354, %and3A_866 : vector<16xi32>
        %gather3A_894 = tpu.vector_load_idx %arg10[%add3A_893] : memref<13520xf32, #tpu.memory_space<vmem>>[vector<16xi32>], vector<16xf32>,
        %add3A_895 = arith.addi %mul3A_354, %and3A_872 : vector<16xi32>
        %gather3A_896 = tpu.vector_load_idx %arg10[%add3A_895] : memref<13520xf32, #tpu.memory_space<vmem>>[vector<16xi32>], vector<16xf32>,
        %add3A_897 = arith.addi %mul3A_354, %and3A_878 : vector<16xi32>
        %gather3A_898 = tpu.vector_load_idx %arg10[%add3A_897] : memref<13520xf32, #tpu.memory_space<vmem>>[vector<16xi32>], vector<16xf32>,
        %add3A_899 = arith.addi %mul3A_354, %and3A_884 : vector<16xi32>
        %gather3A_900 = tpu.vector_load_idx %arg10[%add3A_899] : memref<13520xf32, #tpu.memory_space<vmem>>[vector<16xi32>], vector<16xf32>,
        %scatter3A_901 = arith.constant 0 : i32
        %scatter3A_902 = arith.constant 0 : i32
        %scatter3A_903 = tpu.memref_slice %arg13[%scan3A_299, %scatter3A_901, %scatter3A_902] : memref<2x512x64xf32, #tpu.memory_space<vmem>> -> memref<1x512x64xf32, #tpu.memory_space<vmem>>
        %scatter3A_904 = tpu.memref_squeeze %scatter3A_903 : memref<1x512x64xf32, #tpu.memory_space<vmem>> -> memref<512x64xf32, #tpu.memory_space<vmem>>
        tpu.vector_store_idx %scatter3A_904[%add3A_358, %and3A_842], %gather3A_886 {add = true} : memref<512x64xf32, #tpu.memory_space<vmem>>[vector<16xi32>, vector<16xi32>], vector<16xf32>,
        %scatter3A_905 = arith.constant 0 : i32
        %scatter3A_906 = arith.constant 0 : i32
        %scatter3A_907 = tpu.memref_slice %arg13[%scan3A_299, %scatter3A_905, %scatter3A_906] : memref<2x512x64xf32, #tpu.memory_space<vmem>> -> memref<1x512x64xf32, #tpu.memory_space<vmem>>
        %scatter3A_908 = tpu.memref_squeeze %scatter3A_907 : memref<1x512x64xf32, #tpu.memory_space<vmem>> -> memref<512x64xf32, #tpu.memory_space<vmem>>
        tpu.vector_store_idx %scatter3A_908[%add3A_358, %and3A_848], %gather3A_888 {add = true} : memref<512x64xf32, #tpu.memory_space<vmem>>[vector<16xi32>, vector<16xi32>], vector<16xf32>,
        %scatter3A_909 = arith.constant 0 : i32
        %scatter3A_910 = arith.constant 0 : i32
        %scatter3A_911 = tpu.memref_slice %arg13[%scan3A_299, %scatter3A_909, %scatter3A_910] : memref<2x512x64xf32, #tpu.memory_space<vmem>> -> memref<1x512x64xf32, #tpu.memory_space<vmem>>
        %scatter3A_912 = tpu.memref_squeeze %scatter3A_911 : memref<1x512x64xf32, #tpu.memory_space<vmem>> -> memref<512x64xf32, #tpu.memory_space<vmem>>
        tpu.vector_store_idx %scatter3A_912[%add3A_358, %and3A_854], %gather3A_890 {add = true} : memref<512x64xf32, #tpu.memory_space<vmem>>[vector<16xi32>, vector<16xi32>], vector<16xf32>,
        %scatter3A_913 = arith.constant 0 : i32
        %scatter3A_914 = arith.constant 0 : i32
        %scatter3A_915 = tpu.memref_slice %arg13[%scan3A_299, %scatter3A_913, %scatter3A_914] : memref<2x512x64xf32, #tpu.memory_space<vmem>> -> memref<1x512x64xf32, #tpu.memory_space<vmem>>
        %scatter3A_916 = tpu.memref_squeeze %scatter3A_915 : memref<1x512x64xf32, #tpu.memory_space<vmem>> -> memref<512x64xf32, #tpu.memory_space<vmem>>
        tpu.vector_store_idx %scatter3A_916[%add3A_358, %and3A_860], %gather3A_892 {add = true} : memref<512x64xf32, #tpu.memory_space<vmem>>[vector<16xi32>, vector<16xi32>], vector<16xf32>,
        %scatter3A_917 = arith.constant 0 : i32
        %scatter3A_918 = arith.constant 0 : i32
        %scatter3A_919 = tpu.memref_slice %arg13[%scan3A_299, %scatter3A_917, %scatter3A_918] : memref<2x512x64xf32, #tpu.memory_space<vmem>> -> memref<1x512x64xf32, #tpu.memory_space<vmem>>
        %scatter3A_920 = tpu.memref_squeeze %scatter3A_919 : memref<1x512x64xf32, #tpu.memory_space<vmem>> -> memref<512x64xf32, #tpu.memory_space<vmem>>
        tpu.vector_store_idx %scatter3A_920[%add3A_358, %and3A_866], %gather3A_894 {add = true} : memref<512x64xf32, #tpu.memory_space<vmem>>[vector<16xi32>, vector<16xi32>], vector<16xf32>,
        %scatter3A_921 = arith.constant 0 : i32
        %scatter3A_922 = arith.constant 0 : i32
        %scatter3A_923 = tpu.memref_slice %arg13[%scan3A_299, %scatter3A_921, %scatter3A_922] : memref<2x512x64xf32, #tpu.memory_space<vmem>> -> memref<1x512x64xf32, #tpu.memory_space<vmem>>
        %scatter3A_924 = tpu.memref_squeeze %scatter3A_923 : memref<1x512x64xf32, #tpu.memory_space<vmem>> -> memref<512x64xf32, #tpu.memory_space<vmem>>
        tpu.vector_store_idx %scatter3A_924[%add3A_358, %and3A_872], %gather3A_896 {add = true} : memref<512x64xf32, #tpu.memory_space<vmem>>[vector<16xi32>, vector<16xi32>], vector<16xf32>,
        %scatter3A_925 = arith.constant 0 : i32
        %scatter3A_926 = arith.constant 0 : i32
        %scatter3A_927 = tpu.memref_slice %arg13[%scan3A_299, %scatter3A_925, %scatter3A_926] : memref<2x512x64xf32, #tpu.memory_space<vmem>> -> memref<1x512x64xf32, #tpu.memory_space<vmem>>
        %scatter3A_928 = tpu.memref_squeeze %scatter3A_927 : memref<1x512x64xf32, #tpu.memory_space<vmem>> -> memref<512x64xf32, #tpu.memory_space<vmem>>
        tpu.vector_store_idx %scatter3A_928[%add3A_358, %and3A_878], %gather3A_898 {add = true} : memref<512x64xf32, #tpu.memory_space<vmem>>[vector<16xi32>, vector<16xi32>], vector<16xf32>,
        %scatter3A_929 = arith.constant 0 : i32
        %scatter3A_930 = arith.constant 0 : i32
        %scatter3A_931 = tpu.memref_slice %arg13[%scan3A_299, %scatter3A_929, %scatter3A_930] : memref<2x512x64xf32, #tpu.memory_space<vmem>> -> memref<1x512x64xf32, #tpu.memory_space<vmem>>
        %scatter3A_932 = tpu.memref_squeeze %scatter3A_931 : memref<1x512x64xf32, #tpu.memory_space<vmem>> -> memref<512x64xf32, #tpu.memory_space<vmem>>
        tpu.vector_store_idx %scatter3A_932[%add3A_358, %and3A_884], %gather3A_900 {add = true} : memref<512x64xf32, #tpu.memory_space<vmem>>[vector<16xi32>, vector<16xi32>], vector<16xf32>,
        %add3A_933 = arith.constant 48 : i32
        %add3A_934 = vector.broadcast %add3A_933 : i32 to vector<16xi32>
        %add3A_935 = arith.addi %iota3A, %add3A_934 : vector<16xi32>
        %and3A_936 = arith.constant 63 : i32
        %and3A_937 = vector.broadcast %and3A_936 : i32 to vector<16xi32>
        %and3A_938 = arith.andi %add3A_935, %and3A_937 : vector<16xi32>
        %add3A_939 = arith.constant 49 : i32
        %add3A_940 = vector.broadcast %add3A_939 : i32 to vector<16xi32>
        %add3A_941 = arith.addi %iota3A, %add3A_940 : vector<16xi32>
        %and3A_942 = arith.constant 63 : i32
        %and3A_943 = vector.broadcast %and3A_942 : i32 to vector<16xi32>
        %and3A_944 = arith.andi %add3A_941, %and3A_943 : vector<16xi32>
        %add3A_945 = arith.constant 50 : i32
        %add3A_946 = vector.broadcast %add3A_945 : i32 to vector<16xi32>
        %add3A_947 = arith.addi %iota3A, %add3A_946 : vector<16xi32>
        %and3A_948 = arith.constant 63 : i32
        %and3A_949 = vector.broadcast %and3A_948 : i32 to vector<16xi32>
        %and3A_950 = arith.andi %add3A_947, %and3A_949 : vector<16xi32>
        %add3A_951 = arith.constant 51 : i32
        %add3A_952 = vector.broadcast %add3A_951 : i32 to vector<16xi32>
        %add3A_953 = arith.addi %iota3A, %add3A_952 : vector<16xi32>
        %and3A_954 = arith.constant 63 : i32
        %and3A_955 = vector.broadcast %and3A_954 : i32 to vector<16xi32>
        %and3A_956 = arith.andi %add3A_953, %and3A_955 : vector<16xi32>
        %add3A_957 = arith.constant 52 : i32
        %add3A_958 = vector.broadcast %add3A_957 : i32 to vector<16xi32>
        %add3A_959 = arith.addi %iota3A, %add3A_958 : vector<16xi32>
        %and3A_960 = arith.constant 63 : i32
        %and3A_961 = vector.broadcast %and3A_960 : i32 to vector<16xi32>
        %and3A_962 = arith.andi %add3A_959, %and3A_961 : vector<16xi32>
        %add3A_963 = arith.constant 53 : i32
        %add3A_964 = vector.broadcast %add3A_963 : i32 to vector<16xi32>
        %add3A_965 = arith.addi %iota3A, %add3A_964 : vector<16xi32>
        %and3A_966 = arith.constant 63 : i32
        %and3A_967 = vector.broadcast %and3A_966 : i32 to vector<16xi32>
        %and3A_968 = arith.andi %add3A_965, %and3A_967 : vector<16xi32>
        %add3A_969 = arith.constant 54 : i32
        %add3A_970 = vector.broadcast %add3A_969 : i32 to vector<16xi32>
        %add3A_971 = arith.addi %iota3A, %add3A_970 : vector<16xi32>
        %and3A_972 = arith.constant 63 : i32
        %and3A_973 = vector.broadcast %and3A_972 : i32 to vector<16xi32>
        %and3A_974 = arith.andi %add3A_971, %and3A_973 : vector<16xi32>
        %add3A_975 = arith.constant 55 : i32
        %add3A_976 = vector.broadcast %add3A_975 : i32 to vector<16xi32>
        %add3A_977 = arith.addi %iota3A, %add3A_976 : vector<16xi32>
        %and3A_978 = arith.constant 63 : i32
        %and3A_979 = vector.broadcast %and3A_978 : i32 to vector<16xi32>
        %and3A_980 = arith.andi %add3A_977, %and3A_979 : vector<16xi32>
        %add3A_981 = arith.addi %mul3A_354, %and3A_938 : vector<16xi32>
        %gather3A_982 = tpu.vector_load_idx %arg10[%add3A_981] : memref<13520xf32, #tpu.memory_space<vmem>>[vector<16xi32>], vector<16xf32>,
        %add3A_983 = arith.addi %mul3A_354, %and3A_944 : vector<16xi32>
        %gather3A_984 = tpu.vector_load_idx %arg10[%add3A_983] : memref<13520xf32, #tpu.memory_space<vmem>>[vector<16xi32>], vector<16xf32>,
        %add3A_985 = arith.addi %mul3A_354, %and3A_950 : vector<16xi32>
        %gather3A_986 = tpu.vector_load_idx %arg10[%add3A_985] : memref<13520xf32, #tpu.memory_space<vmem>>[vector<16xi32>], vector<16xf32>,
        %add3A_987 = arith.addi %mul3A_354, %and3A_956 : vector<16xi32>
        %gather3A_988 = tpu.vector_load_idx %arg10[%add3A_987] : memref<13520xf32, #tpu.memory_space<vmem>>[vector<16xi32>], vector<16xf32>,
        %add3A_989 = arith.addi %mul3A_354, %and3A_962 : vector<16xi32>
        %gather3A_990 = tpu.vector_load_idx %arg10[%add3A_989] : memref<13520xf32, #tpu.memory_space<vmem>>[vector<16xi32>], vector<16xf32>,
        %add3A_991 = arith.addi %mul3A_354, %and3A_968 : vector<16xi32>
        %gather3A_992 = tpu.vector_load_idx %arg10[%add3A_991] : memref<13520xf32, #tpu.memory_space<vmem>>[vector<16xi32>], vector<16xf32>,
        %add3A_993 = arith.addi %mul3A_354, %and3A_974 : vector<16xi32>
        %gather3A_994 = tpu.vector_load_idx %arg10[%add3A_993] : memref<13520xf32, #tpu.memory_space<vmem>>[vector<16xi32>], vector<16xf32>,
        %add3A_995 = arith.addi %mul3A_354, %and3A_980 : vector<16xi32>
        %gather3A_996 = tpu.vector_load_idx %arg10[%add3A_995] : memref<13520xf32, #tpu.memory_space<vmem>>[vector<16xi32>], vector<16xf32>,
        %scatter3A_997 = arith.constant 0 : i32
        %scatter3A_998 = arith.constant 0 : i32
        %scatter3A_999 = tpu.memref_slice %arg13[%scan3A_299, %scatter3A_997, %scatter3A_998] : memref<2x512x64xf32, #tpu.memory_space<vmem>> -> memref<1x512x64xf32, #tpu.memory_space<vmem>>
        %scatter3A_1000 = tpu.memref_squeeze %scatter3A_999 : memref<1x512x64xf32, #tpu.memory_space<vmem>> -> memref<512x64xf32, #tpu.memory_space<vmem>>
        tpu.vector_store_idx %scatter3A_1000[%add3A_358, %and3A_938], %gather3A_982 {add = true} : memref<512x64xf32, #tpu.memory_space<vmem>>[vector<16xi32>, vector<16xi32>], vector<16xf32>,
        %scatter3A_1001 = arith.constant 0 : i32
        %scatter3A_1002 = arith.constant 0 : i32
        %scatter3A_1003 = tpu.memref_slice %arg13[%scan3A_299, %scatter3A_1001, %scatter3A_1002] : memref<2x512x64xf32, #tpu.memory_space<vmem>> -> memref<1x512x64xf32, #tpu.memory_space<vmem>>
        %scatter3A_1004 = tpu.memref_squeeze %scatter3A_1003 : memref<1x512x64xf32, #tpu.memory_space<vmem>> -> memref<512x64xf32, #tpu.memory_space<vmem>>
        tpu.vector_store_idx %scatter3A_1004[%add3A_358, %and3A_944], %gather3A_984 {add = true} : memref<512x64xf32, #tpu.memory_space<vmem>>[vector<16xi32>, vector<16xi32>], vector<16xf32>,
        %scatter3A_1005 = arith.constant 0 : i32
        %scatter3A_1006 = arith.constant 0 : i32
        %scatter3A_1007 = tpu.memref_slice %arg13[%scan3A_299, %scatter3A_1005, %scatter3A_1006] : memref<2x512x64xf32, #tpu.memory_space<vmem>> -> memref<1x512x64xf32, #tpu.memory_space<vmem>>
        %scatter3A_1008 = tpu.memref_squeeze %scatter3A_1007 : memref<1x512x64xf32, #tpu.memory_space<vmem>> -> memref<512x64xf32, #tpu.memory_space<vmem>>
        tpu.vector_store_idx %scatter3A_1008[%add3A_358, %and3A_950], %gather3A_986 {add = true} : memref<512x64xf32, #tpu.memory_space<vmem>>[vector<16xi32>, vector<16xi32>], vector<16xf32>,
        %scatter3A_1009 = arith.constant 0 : i32
        %scatter3A_1010 = arith.constant 0 : i32
        %scatter3A_1011 = tpu.memref_slice %arg13[%scan3A_299, %scatter3A_1009, %scatter3A_1010] : memref<2x512x64xf32, #tpu.memory_space<vmem>> -> memref<1x512x64xf32, #tpu.memory_space<vmem>>
        %scatter3A_1012 = tpu.memref_squeeze %scatter3A_1011 : memref<1x512x64xf32, #tpu.memory_space<vmem>> -> memref<512x64xf32, #tpu.memory_space<vmem>>
        tpu.vector_store_idx %scatter3A_1012[%add3A_358, %and3A_956], %gather3A_988 {add = true} : memref<512x64xf32, #tpu.memory_space<vmem>>[vector<16xi32>, vector<16xi32>], vector<16xf32>,
        %scatter3A_1013 = arith.constant 0 : i32
        %scatter3A_1014 = arith.constant 0 : i32
        %scatter3A_1015 = tpu.memref_slice %arg13[%scan3A_299, %scatter3A_1013, %scatter3A_1014] : memref<2x512x64xf32, #tpu.memory_space<vmem>> -> memref<1x512x64xf32, #tpu.memory_space<vmem>>
        %scatter3A_1016 = tpu.memref_squeeze %scatter3A_1015 : memref<1x512x64xf32, #tpu.memory_space<vmem>> -> memref<512x64xf32, #tpu.memory_space<vmem>>
        tpu.vector_store_idx %scatter3A_1016[%add3A_358, %and3A_962], %gather3A_990 {add = true} : memref<512x64xf32, #tpu.memory_space<vmem>>[vector<16xi32>, vector<16xi32>], vector<16xf32>,
        %scatter3A_1017 = arith.constant 0 : i32
        %scatter3A_1018 = arith.constant 0 : i32
        %scatter3A_1019 = tpu.memref_slice %arg13[%scan3A_299, %scatter3A_1017, %scatter3A_1018] : memref<2x512x64xf32, #tpu.memory_space<vmem>> -> memref<1x512x64xf32, #tpu.memory_space<vmem>>
        %scatter3A_1020 = tpu.memref_squeeze %scatter3A_1019 : memref<1x512x64xf32, #tpu.memory_space<vmem>> -> memref<512x64xf32, #tpu.memory_space<vmem>>
        tpu.vector_store_idx %scatter3A_1020[%add3A_358, %and3A_968], %gather3A_992 {add = true} : memref<512x64xf32, #tpu.memory_space<vmem>>[vector<16xi32>, vector<16xi32>], vector<16xf32>,
        %scatter3A_1021 = arith.constant 0 : i32
        %scatter3A_1022 = arith.constant 0 : i32
        %scatter3A_1023 = tpu.memref_slice %arg13[%scan3A_299, %scatter3A_1021, %scatter3A_1022] : memref<2x512x64xf32, #tpu.memory_space<vmem>> -> memref<1x512x64xf32, #tpu.memory_space<vmem>>
        %scatter3A_1024 = tpu.memref_squeeze %scatter3A_1023 : memref<1x512x64xf32, #tpu.memory_space<vmem>> -> memref<512x64xf32, #tpu.memory_space<vmem>>
        tpu.vector_store_idx %scatter3A_1024[%add3A_358, %and3A_974], %gather3A_994 {add = true} : memref<512x64xf32, #tpu.memory_space<vmem>>[vector<16xi32>, vector<16xi32>], vector<16xf32>,
        %scatter3A_1025 = arith.constant 0 : i32
        %scatter3A_1026 = arith.constant 0 : i32
        %scatter3A_1027 = tpu.memref_slice %arg13[%scan3A_299, %scatter3A_1025, %scatter3A_1026] : memref<2x512x64xf32, #tpu.memory_space<vmem>> -> memref<1x512x64xf32, #tpu.memory_space<vmem>>
        %scatter3A_1028 = tpu.memref_squeeze %scatter3A_1027 : memref<1x512x64xf32, #tpu.memory_space<vmem>> -> memref<512x64xf32, #tpu.memory_space<vmem>>
        tpu.vector_store_idx %scatter3A_1028[%add3A_358, %and3A_980], %gather3A_996 {add = true} : memref<512x64xf32, #tpu.memory_space<vmem>>[vector<16xi32>, vector<16xi32>], vector<16xf32>,
        %add3A_1029 = arith.constant 56 : i32
        %add3A_1030 = vector.broadcast %add3A_1029 : i32 to vector<16xi32>
        %add3A_1031 = arith.addi %iota3A, %add3A_1030 : vector<16xi32>
        %and3A_1032 = arith.constant 63 : i32
        %and3A_1033 = vector.broadcast %and3A_1032 : i32 to vector<16xi32>
        %and3A_1034 = arith.andi %add3A_1031, %and3A_1033 : vector<16xi32>
        %add3A_1035 = arith.constant 57 : i32
        %add3A_1036 = vector.broadcast %add3A_1035 : i32 to vector<16xi32>
        %add3A_1037 = arith.addi %iota3A, %add3A_1036 : vector<16xi32>
        %and3A_1038 = arith.constant 63 : i32
        %and3A_1039 = vector.broadcast %and3A_1038 : i32 to vector<16xi32>
        %and3A_1040 = arith.andi %add3A_1037, %and3A_1039 : vector<16xi32>
        %add3A_1041 = arith.constant 58 : i32
        %add3A_1042 = vector.broadcast %add3A_1041 : i32 to vector<16xi32>
        %add3A_1043 = arith.addi %iota3A, %add3A_1042 : vector<16xi32>
        %and3A_1044 = arith.constant 63 : i32
        %and3A_1045 = vector.broadcast %and3A_1044 : i32 to vector<16xi32>
        %and3A_1046 = arith.andi %add3A_1043, %and3A_1045 : vector<16xi32>
        %add3A_1047 = arith.constant 59 : i32
        %add3A_1048 = vector.broadcast %add3A_1047 : i32 to vector<16xi32>
        %add3A_1049 = arith.addi %iota3A, %add3A_1048 : vector<16xi32>
        %and3A_1050 = arith.constant 63 : i32
        %and3A_1051 = vector.broadcast %and3A_1050 : i32 to vector<16xi32>
        %and3A_1052 = arith.andi %add3A_1049, %and3A_1051 : vector<16xi32>
        %add3A_1053 = arith.constant 60 : i32
        %add3A_1054 = vector.broadcast %add3A_1053 : i32 to vector<16xi32>
        %add3A_1055 = arith.addi %iota3A, %add3A_1054 : vector<16xi32>
        %and3A_1056 = arith.constant 63 : i32
        %and3A_1057 = vector.broadcast %and3A_1056 : i32 to vector<16xi32>
        %and3A_1058 = arith.andi %add3A_1055, %and3A_1057 : vector<16xi32>
        %add3A_1059 = arith.constant 61 : i32
        %add3A_1060 = vector.broadcast %add3A_1059 : i32 to vector<16xi32>
        %add3A_1061 = arith.addi %iota3A, %add3A_1060 : vector<16xi32>
        %and3A_1062 = arith.constant 63 : i32
        %and3A_1063 = vector.broadcast %and3A_1062 : i32 to vector<16xi32>
        %and3A_1064 = arith.andi %add3A_1061, %and3A_1063 : vector<16xi32>
        %add3A_1065 = arith.constant 62 : i32
        %add3A_1066 = vector.broadcast %add3A_1065 : i32 to vector<16xi32>
        %add3A_1067 = arith.addi %iota3A, %add3A_1066 : vector<16xi32>
        %and3A_1068 = arith.constant 63 : i32
        %and3A_1069 = vector.broadcast %and3A_1068 : i32 to vector<16xi32>
        %and3A_1070 = arith.andi %add3A_1067, %and3A_1069 : vector<16xi32>
        %add3A_1071 = arith.constant 63 : i32
        %add3A_1072 = vector.broadcast %add3A_1071 : i32 to vector<16xi32>
        %add3A_1073 = arith.addi %iota3A, %add3A_1072 : vector<16xi32>
        %and3A_1074 = arith.constant 63 : i32
        %and3A_1075 = vector.broadcast %and3A_1074 : i32 to vector<16xi32>
        %and3A_1076 = arith.andi %add3A_1073, %and3A_1075 : vector<16xi32>
        %add3A_1077 = arith.addi %mul3A_354, %and3A_1034 : vector<16xi32>
        %gather3A_1078 = tpu.vector_load_idx %arg10[%add3A_1077] : memref<13520xf32, #tpu.memory_space<vmem>>[vector<16xi32>], vector<16xf32>,
        %add3A_1079 = arith.addi %mul3A_354, %and3A_1040 : vector<16xi32>
        %gather3A_1080 = tpu.vector_load_idx %arg10[%add3A_1079] : memref<13520xf32, #tpu.memory_space<vmem>>[vector<16xi32>], vector<16xf32>,
        %add3A_1081 = arith.addi %mul3A_354, %and3A_1046 : vector<16xi32>
        %gather3A_1082 = tpu.vector_load_idx %arg10[%add3A_1081] : memref<13520xf32, #tpu.memory_space<vmem>>[vector<16xi32>], vector<16xf32>,
        %add3A_1083 = arith.addi %mul3A_354, %and3A_1052 : vector<16xi32>
        %gather3A_1084 = tpu.vector_load_idx %arg10[%add3A_1083] : memref<13520xf32, #tpu.memory_space<vmem>>[vector<16xi32>], vector<16xf32>,
        %add3A_1085 = arith.addi %mul3A_354, %and3A_1058 : vector<16xi32>
        %gather3A_1086 = tpu.vector_load_idx %arg10[%add3A_1085] : memref<13520xf32, #tpu.memory_space<vmem>>[vector<16xi32>], vector<16xf32>,
        %add3A_1087 = arith.addi %mul3A_354, %and3A_1064 : vector<16xi32>
        %gather3A_1088 = tpu.vector_load_idx %arg10[%add3A_1087] : memref<13520xf32, #tpu.memory_space<vmem>>[vector<16xi32>], vector<16xf32>,
        %add3A_1089 = arith.addi %mul3A_354, %and3A_1070 : vector<16xi32>
        %gather3A_1090 = tpu.vector_load_idx %arg10[%add3A_1089] : memref<13520xf32, #tpu.memory_space<vmem>>[vector<16xi32>], vector<16xf32>,
        %add3A_1091 = arith.addi %mul3A_354, %and3A_1076 : vector<16xi32>
        %gather3A_1092 = tpu.vector_load_idx %arg10[%add3A_1091] : memref<13520xf32, #tpu.memory_space<vmem>>[vector<16xi32>], vector<16xf32>,
        %scatter3A_1093 = arith.constant 0 : i32
        %scatter3A_1094 = arith.constant 0 : i32
        %scatter3A_1095 = tpu.memref_slice %arg13[%scan3A_299, %scatter3A_1093, %scatter3A_1094] : memref<2x512x64xf32, #tpu.memory_space<vmem>> -> memref<1x512x64xf32, #tpu.memory_space<vmem>>
        %scatter3A_1096 = tpu.memref_squeeze %scatter3A_1095 : memref<1x512x64xf32, #tpu.memory_space<vmem>> -> memref<512x64xf32, #tpu.memory_space<vmem>>
        tpu.vector_store_idx %scatter3A_1096[%add3A_358, %and3A_1034], %gather3A_1078 {add = true} : memref<512x64xf32, #tpu.memory_space<vmem>>[vector<16xi32>, vector<16xi32>], vector<16xf32>,
        %scatter3A_1097 = arith.constant 0 : i32
        %scatter3A_1098 = arith.constant 0 : i32
        %scatter3A_1099 = tpu.memref_slice %arg13[%scan3A_299, %scatter3A_1097, %scatter3A_1098] : memref<2x512x64xf32, #tpu.memory_space<vmem>> -> memref<1x512x64xf32, #tpu.memory_space<vmem>>
        %scatter3A_1100 = tpu.memref_squeeze %scatter3A_1099 : memref<1x512x64xf32, #tpu.memory_space<vmem>> -> memref<512x64xf32, #tpu.memory_space<vmem>>
        tpu.vector_store_idx %scatter3A_1100[%add3A_358, %and3A_1040], %gather3A_1080 {add = true} : memref<512x64xf32, #tpu.memory_space<vmem>>[vector<16xi32>, vector<16xi32>], vector<16xf32>,
        %scatter3A_1101 = arith.constant 0 : i32
        %scatter3A_1102 = arith.constant 0 : i32
        %scatter3A_1103 = tpu.memref_slice %arg13[%scan3A_299, %scatter3A_1101, %scatter3A_1102] : memref<2x512x64xf32, #tpu.memory_space<vmem>> -> memref<1x512x64xf32, #tpu.memory_space<vmem>>
        %scatter3A_1104 = tpu.memref_squeeze %scatter3A_1103 : memref<1x512x64xf32, #tpu.memory_space<vmem>> -> memref<512x64xf32, #tpu.memory_space<vmem>>
        tpu.vector_store_idx %scatter3A_1104[%add3A_358, %and3A_1046], %gather3A_1082 {add = true} : memref<512x64xf32, #tpu.memory_space<vmem>>[vector<16xi32>, vector<16xi32>], vector<16xf32>,
        %scatter3A_1105 = arith.constant 0 : i32
        %scatter3A_1106 = arith.constant 0 : i32
        %scatter3A_1107 = tpu.memref_slice %arg13[%scan3A_299, %scatter3A_1105, %scatter3A_1106] : memref<2x512x64xf32, #tpu.memory_space<vmem>> -> memref<1x512x64xf32, #tpu.memory_space<vmem>>
        %scatter3A_1108 = tpu.memref_squeeze %scatter3A_1107 : memref<1x512x64xf32, #tpu.memory_space<vmem>> -> memref<512x64xf32, #tpu.memory_space<vmem>>
        tpu.vector_store_idx %scatter3A_1108[%add3A_358, %and3A_1052], %gather3A_1084 {add = true} : memref<512x64xf32, #tpu.memory_space<vmem>>[vector<16xi32>, vector<16xi32>], vector<16xf32>,
        %scatter3A_1109 = arith.constant 0 : i32
        %scatter3A_1110 = arith.constant 0 : i32
        %scatter3A_1111 = tpu.memref_slice %arg13[%scan3A_299, %scatter3A_1109, %scatter3A_1110] : memref<2x512x64xf32, #tpu.memory_space<vmem>> -> memref<1x512x64xf32, #tpu.memory_space<vmem>>
        %scatter3A_1112 = tpu.memref_squeeze %scatter3A_1111 : memref<1x512x64xf32, #tpu.memory_space<vmem>> -> memref<512x64xf32, #tpu.memory_space<vmem>>
        tpu.vector_store_idx %scatter3A_1112[%add3A_358, %and3A_1058], %gather3A_1086 {add = true} : memref<512x64xf32, #tpu.memory_space<vmem>>[vector<16xi32>, vector<16xi32>], vector<16xf32>,
        %scatter3A_1113 = arith.constant 0 : i32
        %scatter3A_1114 = arith.constant 0 : i32
        %scatter3A_1115 = tpu.memref_slice %arg13[%scan3A_299, %scatter3A_1113, %scatter3A_1114] : memref<2x512x64xf32, #tpu.memory_space<vmem>> -> memref<1x512x64xf32, #tpu.memory_space<vmem>>
        %scatter3A_1116 = tpu.memref_squeeze %scatter3A_1115 : memref<1x512x64xf32, #tpu.memory_space<vmem>> -> memref<512x64xf32, #tpu.memory_space<vmem>>
        tpu.vector_store_idx %scatter3A_1116[%add3A_358, %and3A_1064], %gather3A_1088 {add = true} : memref<512x64xf32, #tpu.memory_space<vmem>>[vector<16xi32>, vector<16xi32>], vector<16xf32>,
        %scatter3A_1117 = arith.constant 0 : i32
        %scatter3A_1118 = arith.constant 0 : i32
        %scatter3A_1119 = tpu.memref_slice %arg13[%scan3A_299, %scatter3A_1117, %scatter3A_1118] : memref<2x512x64xf32, #tpu.memory_space<vmem>> -> memref<1x512x64xf32, #tpu.memory_space<vmem>>
        %scatter3A_1120 = tpu.memref_squeeze %scatter3A_1119 : memref<1x512x64xf32, #tpu.memory_space<vmem>> -> memref<512x64xf32, #tpu.memory_space<vmem>>
        tpu.vector_store_idx %scatter3A_1120[%add3A_358, %and3A_1070], %gather3A_1090 {add = true} : memref<512x64xf32, #tpu.memory_space<vmem>>[vector<16xi32>, vector<16xi32>], vector<16xf32>,
        %scatter3A_1121 = arith.constant 0 : i32
        %scatter3A_1122 = arith.constant 0 : i32
        %scatter3A_1123 = tpu.memref_slice %arg13[%scan3A_299, %scatter3A_1121, %scatter3A_1122] : memref<2x512x64xf32, #tpu.memory_space<vmem>> -> memref<1x512x64xf32, #tpu.memory_space<vmem>>
        %scatter3A_1124 = tpu.memref_squeeze %scatter3A_1123 : memref<1x512x64xf32, #tpu.memory_space<vmem>> -> memref<512x64xf32, #tpu.memory_space<vmem>>
        tpu.vector_store_idx %scatter3A_1124[%add3A_358, %and3A_1076], %gather3A_1092 {add = true} : memref<512x64xf32, #tpu.memory_space<vmem>>[vector<16xi32>, vector<16xi32>], vector<16xf32>,
      }
      %scan3A_304 = arith.constant 32 : i32
      %add3A_305 = arith.constant 512 : i32
      %add3A_306 = arith.addi %multiple_of3A, %add3A_305 : i32
      %dma_start3A_307 = arith.constant 1 : i32
      %dma_start3A_308 = arith.constant 0 : i32
      %dma_start3A_309 = arith.constant 0 : i32
      %dma_start3A_310 = tpu.memref_slice %arg13[%dma_start3A_307, %dma_start3A_308, %dma_start3A_309] : memref<2x512x64xf32, #tpu.memory_space<vmem>> -> memref<1x512x64xf32, #tpu.memory_space<vmem>>
      %dma_start3A_311 = tpu.memref_squeeze %dma_start3A_310 : memref<1x512x64xf32, #tpu.memory_space<vmem>> -> memref<512x64xf32, #tpu.memory_space<vmem>>
      %dma_start3A_312 = arith.constant 0 : i32
      %dma_start3A_313 = tpu.memref_slice %arg7[%add3A_306, %dma_start3A_312] : memref<819200x64xf32, #tpu.memory_space<hbm>> -> memref<512x64xf32, #tpu.memory_space<hbm>>
      %dma_start3A_314 = arith.constant 0 : i32
      %dma_start3A_315 = tpu.memref_slice %arg7[%add3A_306, %dma_start3A_314] : memref<819200x64xf32, #tpu.memory_space<hbm>> -> memref<512x64xf32, #tpu.memory_space<hbm>>
      %dma_start3A_316 = arith.constant 0 : i32
      %dma_start3A_317 = arith.constant 0 : i32
      %dma_start3A_318 = tpu.memref_slice %arg13[%dma_start3A_307, %dma_start3A_316, %dma_start3A_317] : memref<2x512x64xf32, #tpu.memory_space<vmem>> -> memref<1x512x64xf32, #tpu.memory_space<vmem>>
      %dma_start3A_319 = tpu.memref_squeeze %dma_start3A_318 : memref<1x512x64xf32, #tpu.memory_space<vmem>> -> memref<512x64xf32, #tpu.memory_space<vmem>>
      tpu.enqueue_dma source(%dma_start3A_319 : memref<512x64xf32, #tpu.memory_space<vmem>>) target(%dma_start3A_315 : memref<512x64xf32, #tpu.memory_space<hbm>>) target_semaphore(%arg16 : memref<!tpu.dma_semaphore, #tpu.memory_space<semaphore_mem>>)
      %dma_wait3A_320 = arith.constant 0 : i32
      %dma_wait3A_321 = arith.constant 0 : i32
      %dma_wait3A_322 = arith.constant 0 : i32
      %dma_wait3A_323 = tpu.memref_slice %arg13[%dma_wait3A_320, %dma_wait3A_321, %dma_wait3A_322] : memref<2x512x64xf32, #tpu.memory_space<vmem>> -> memref<1x512x64xf32, #tpu.memory_space<vmem>>
      %dma_wait3A_324 = tpu.memref_squeeze %dma_wait3A_323 : memref<1x512x64xf32, #tpu.memory_space<vmem>> -> memref<512x64xf32, #tpu.memory_space<vmem>>
      %dma_wait3A_325 = arith.constant 0 : i32
      %dma_wait3A_326 = tpu.memref_slice %arg7[%add3A_224, %dma_wait3A_325] : memref<819200x64xf32, #tpu.memory_space<hbm>> -> memref<512x64xf32, #tpu.memory_space<hbm>>
      %dma_wait3A_327 = arith.constant 0 : i32
      %dma_wait3A_328 = tpu.memref_slice %arg7[%add3A_224, %dma_wait3A_327] : memref<819200x64xf32, #tpu.memory_space<hbm>> -> memref<512x64xf32, #tpu.memory_space<hbm>>
      %dma_wait3A_329 = arith.constant 0 : i32
      %dma_wait3A_330 = arith.constant 0 : i32
      %dma_wait3A_331 = tpu.memref_slice %arg13[%dma_wait3A_320, %dma_wait3A_329, %dma_wait3A_330] : memref<2x512x64xf32, #tpu.memory_space<vmem>> -> memref<1x512x64xf32, #tpu.memory_space<vmem>>
      %dma_wait3A_332 = tpu.memref_squeeze %dma_wait3A_331 : memref<1x512x64xf32, #tpu.memory_space<vmem>> -> memref<512x64xf32, #tpu.memory_space<vmem>>
      tpu.wait_dma2 semaphore(%arg16 : memref<!tpu.dma_semaphore, #tpu.memory_space<semaphore_mem>>) src(%dma_wait3A_332 : memref<512x64xf32, #tpu.memory_space<vmem>>) dst(%dma_wait3A_328 : memref<512x64xf32, #tpu.memory_space<hbm>>)
      %dma_wait3A_333 = arith.constant 1 : i32
      %dma_wait3A_334 = arith.constant 0 : i32
      %dma_wait3A_335 = arith.constant 0 : i32
      %dma_wait3A_336 = tpu.memref_slice %arg13[%dma_wait3A_333, %dma_wait3A_334, %dma_wait3A_335] : memref<2x512x64xf32, #tpu.memory_space<vmem>> -> memref<1x512x64xf32, #tpu.memory_space<vmem>>
      %dma_wait3A_337 = tpu.memref_squeeze %dma_wait3A_336 : memref<1x512x64xf32, #tpu.memory_space<vmem>> -> memref<512x64xf32, #tpu.memory_space<vmem>>
      %dma_wait3A_338 = arith.constant 0 : i32
      %dma_wait3A_339 = tpu.memref_slice %arg7[%add3A_306, %dma_wait3A_338] : memref<819200x64xf32, #tpu.memory_space<hbm>> -> memref<512x64xf32, #tpu.memory_space<hbm>>
      %dma_wait3A_340 = arith.constant 0 : i32
      %dma_wait3A_341 = tpu.memref_slice %arg7[%add3A_306, %dma_wait3A_340] : memref<819200x64xf32, #tpu.memory_space<hbm>> -> memref<512x64xf32, #tpu.memory_space<hbm>>
      %dma_wait3A_342 = arith.constant 0 : i32
      %dma_wait3A_343 = arith.constant 0 : i32
      %dma_wait3A_344 = tpu.memref_slice %arg13[%dma_wait3A_333, %dma_wait3A_342, %dma_wait3A_343] : memref<2x512x64xf32, #tpu.memory_space<vmem>> -> memref<1x512x64xf32, #tpu.memory_space<vmem>>
      %dma_wait3A_345 = tpu.memref_squeeze %dma_wait3A_344 : memref<1x512x64xf32, #tpu.memory_space<vmem>> -> memref<512x64xf32, #tpu.memory_space<vmem>>
      tpu.wait_dma2 semaphore(%arg16 : memref<!tpu.dma_semaphore, #tpu.memory_space<semaphore_mem>>) src(%dma_wait3A_345 : memref<512x64xf32, #tpu.memory_space<vmem>>) dst(%dma_wait3A_341 : memref<512x64xf32, #tpu.memory_space<hbm>>)
    }
    %scan3A_13 = arith.constant 25 : i32
    return
  }
}

</mosaic_0001>

<sc_bundles>
// kernel: _sc_embed.3.cloned.1.call-start
scs
__scs_entry_jumppad:
0x0: {  	(pc) =	sbr.rel $0x88, $3  }
0x1: {  	(tag) =	ssettag $0x0;
	lr =	simm.s32 $0x1  }
0x2: {  	[smem:$0x3F9C] =	sst lr;
	_ =	strace $0xD0000000  }
0x3: {  	_ = 	snop  }
0x4: {  	_ = 	snop  }
0x5: {  	_ = 	snop  }
0x6: {  	_ = 	snop  }
0x7: {  	_ = 	snop  }
__scs_overlays_trampoline_lowered:
0x8: {  	[smem:$0x3FAB] =	sst s0  }
0x9: {  	[smem:$0x3FAC] =	sst s1  }
0xa: {  	[smem:$0x3FAD] =	sst s2  }
0xb: {  	[smem:$0x3FAE] =	sst s3  }
0xc: {  	[smem:$0x3FAF] =	sst s4  }
0xd: {  	[smem:$0x3FB0] =	sst s5  }
0xe: {  	[smem:$0x3FB1] =	sst s6  }
0xf: {  	[smem:$0x3FB2] =	sst s7  }
0x10: {  	[smem:$0x3FB3] =	sst s8  }
0x11: {  	[smem:$0x3FB4] =	sst s9;
	s0 =	simm.s32 @!p0 $0x0  }
0x12: {  	s1 =	sld [smem:$0x3F9A];
	s0 =	simm.s32 @p0 $0x1  }
0x13: {  	[smem:$0x3FB5] =	sst s0;
	s0 =	simm.s32 @!p1 $0x0  }
0x14: {  	s2 =	sld [smem:$0x3F99];
	s0 =	simm.s32 @p1 $0x1  }
0x15: {  	[smem:$0x3FB6] =	sst s0;
	s0 =	simm.s32 @!p2 $0x0  }
0x16: {  	s3 =	sld [smem:$0x3FDB];
	s0 =	simm.s32 @p2 $0x1  }
0x17: {  	s4 =	simm.s32 $0x1BF5;
	[smem:$0x3FB8] =	sst s0  }
0x18: {  	s0 =	sld [smem:$0x3F9B];
	_ =	swait.ge [sflag:s4], $0x0  }
0x19: {  	s7 =	sld [smem:$0x3F9C]  }
0x1a: {  	s8 =	sadd.s32 $0xFFFFE003, lr  }
0x1b: {  	s9 =	sadd.s32 $0xFFFFFEF7, lr;
	s5 =	simm.s32 $0xFFFFFFFF;
	p2 =	slt.u32 s8, $0xFFFFF086  }
0x1c: {  	p1 =	slt.u32 s9, $0xF7A;
	s5 =	simm.s32 @!p2 $0x0  }
0x1d: {  	s5 =	simm.s32 @p1 $0x1;
	p0 =	seq.s32 s7, s2  }
0x1e: {  	s7 =	smul.u32 @!p0 $0xF7A, s2;
	p2 =	seq.s32 @!p0 s5, $0x0  }
0x1f: {  	s9 =	smul.u32 $0xF7A, s1;
	s8 =	simm.s32 @!p0 $0x1BF5;
	p2 =	por !p2, p0  }
0x20: {  	[sflag:s8] =	ssyncset.s32 @!p0 $0xFFFFF086;
	s6 =	sadd.s32 @!p0 s3, s7;
	s7 =	simm.s32 @!p0 $0x108  }
0x21: {  	s3 =	sadd.s32 s3, s9;
	s6 =	sadd.s32 @!p0 $0x88, s6;
	s7 =	simm.s32 @p2 $0x1082  }
0x22: {  	[simem:s7], [sflag:s8] =	dma.local @!p0 [hbm:s6], $0xF7A  }
0x23: {  	s9 =	sor.u32 $0xD0000000, s2;
	s6 =	simm.s32 $0x108;
	_ =	swait.ge @!p0 [sflag:s8], $0x0  }
0x24: {  	s3 =	sadd.s32 $0x88, s3;
	s6 =	simm.s32 @!p1 $0x1082;
	[sflag:s4] =	ssyncset.s32 $0xFFFFF086  }
0x25: {  	[simem:s6], [sflag:s4] =	dma.local [hbm:s3], $0xF7A  }
0x26: {  	[smem:$0x3F9C] =	sst s1;
	(tag) =	ssettag s2;
	_ =	strace s9  }
0x27: {  	s1 =	sld [smem:$0x3FAC]  }
0x28: {  	s2 =	sld [smem:$0x3FAD]  }
0x29: {  	s4 =	sld [smem:$0x3FAF]  }
0x2a: {  	p0 =	seq.s32 s5, $0x0;
	s5 =	sld [smem:$0x3FB0]  }
0x2b: {  	s6 =	sld [smem:$0x3FB1]  }
0x2c: {  	s7 =	sld [smem:$0x3FB2]  }
0x2d: {  	s3 =	simm.s32 $0x108;
	s8 =	sld [smem:$0x3FB3]  }
0x2e: {  	s3 =	simm.s32 @!p0 $0x1082;
	s9 =	sld [smem:$0x3FB4]  }
0x2f: {  	lr =	sadd.s32 s0, s3;
	s0 =	sld [smem:$0x3FAB]  }
0x30: {  	s3 =	sld [smem:$0x3FAE]  }
0x31: {  	[smem:$0x3FB7] =	sst s10  }
0x32: {  	s10 =	sld [smem:$0x3FB5];
	_ =	sdelay $0x3  }
0x33: {  	p0 =	seq.s32 s10, $0x1;
	s10 =	sld [smem:$0x3FB7];
	_ =	sdelay $0x3  }
0x34: {  	[smem:$0x3FB7] =	sst s10  }
0x35: {  	s10 =	sld [smem:$0x3FB6];
	_ =	sdelay $0x3  }
0x36: {  	p1 =	seq.s32 s10, $0x1;
	s10 =	sld [smem:$0x3FB7];
	_ =	sdelay $0x3  }
0x37: {  	[smem:$0x3FB7] =	sst s10  }
0x38: {  	s10 =	sld [smem:$0x3FB8]  }
0x39: {  	_ = 	snop;
	(pc) =	sbr.ind lr, $3  }
0x3a: {  	_ = 	snop  }
0x3b: {  	_ = 	snop  }
0x3c: {  	p2 =	seq.s32 s10, $0x1;
	s10 =	sld [smem:$0x3FB7]  }
0x3d: {  	_ =	shalt  }
0x3e: {  	_ =	shalt  }
0x3f: {  	_ =	shalt  }
0x40: {  	_ =	shalt  }
0x41: {  	_ =	shalt  }
0x42: {  	_ =	shalt  }
0x43: {  	_ =	shalt  }
0x44: {  	_ =	shalt  }
0x45: {  	_ =	shalt  }
0x46: {  	_ =	shalt  }
0x47: {  	_ =	shalt  }
0x48: {  	_ =	shalt  }
0x49: {  	_ =	shalt  }
0x4a: {  	_ =	shalt  }
0x4b: {  	_ =	shalt  }
0x4c: {  	_ =	shalt  }
0x4d: {  	_ =	shalt  }
0x4e: {  	_ =	shalt  }
0x4f: {  	_ =	shalt  }
0x50: {  	_ =	shalt  }
0x51: {  	_ =	shalt  }
0x52: {  	_ =	shalt  }
0x53: {  	_ =	shalt  }
0x54: {  	_ =	shalt  }
0x55: {  	_ =	shalt  }
0x56: {  	_ =	shalt  }
0x57: {  	_ =	shalt  }
0x58: {  	_ =	shalt  }
0x59: {  	_ =	shalt  }
0x5a: {  	_ =	shalt  }
0x5b: {  	_ =	shalt  }
0x5c: {  	_ =	shalt  }
0x5d: {  	_ =	shalt  }
0x5e: {  	_ =	shalt  }
0x5f: {  	_ =	shalt  }
0x60: {  	_ =	shalt  }
0x61: {  	_ =	shalt  }
0x62: {  	_ =	shalt  }
0x63: {  	_ =	shalt  }
0x64: {  	_ =	shalt  }
0x65: {  	_ =	shalt  }
0x66: {  	_ =	shalt  }
0x67: {  	_ =	shalt  }
0x68: {  	_ =	shalt  }
0x69: {  	_ =	shalt  }
0x6a: {  	_ =	shalt  }
0x6b: {  	_ =	shalt  }
0x6c: {  	_ =	shalt  }
0x6d: {  	_ =	shalt  }
0x6e: {  	_ =	shalt  }
0x6f: {  	_ =	shalt  }
0x70: {  	_ =	shalt  }
0x71: {  	_ =	shalt  }
0x72: {  	_ =	shalt  }
0x73: {  	_ =	shalt  }
0x74: {  	_ =	shalt  }
0x75: {  	_ =	shalt  }
0x76: {  	_ =	shalt  }
0x77: {  	_ =	shalt  }
0x78: {  	_ =	shalt  }
0x79: {  	_ =	shalt  }
0x7a: {  	_ =	shalt  }
0x7b: {  	_ =	shalt  }
0x7c: {  	_ =	shalt  }
0x7d: {  	_ =	shalt  }
0x7e: {  	_ =	shalt  }
0x7f: {  	_ =	shalt  }
0x80: {  	_ =	shalt  }
0x81: {  	_ =	shalt  }
0x82: {  	_ =	shalt  }
0x83: {  	_ =	shalt  }
0x84: {  	_ =	shalt  }
0x85: {  	_ =	shalt  }
0x86: {  	_ =	shalt  }
0x87: {  	_ =	shalt  }
.Lfunc_end0:
.L_simem_size_0:
called_computation.1_lowered:
.L_overlay_start_0:
0x88: {  	s2 =	sld [smem:$0x3FD9]  }
0x89: {  	s3 =	sld [smem:$0x3FFE];
	_ =	sdelay $0x1  }
0x8a: {  	s1 =	srdreg.scid  }
0x8b: {  	s0 =	sand.u32 $0x1, s1  }
0x8c: {  	s17 =	sshll.u32 s0, $0xA;
	s2 =	sadd.s32 s3, s2  }
0x8d: {  	s2 =	sadd.s32 s2, s17  }
0x8e: {  	[smem:$0x3FC3] =	sst s2  }
0x8f: {  	_ = 	snop  }
0x90: {  	s2 =	sld [smem:$0x3FC9]  }
0x91: {  	s18 =	sld [smem:$0x3FC8]  }
0x92: {  	s4 =	sld [smem:$0x3FD0];
	(tm) =	ssettm $0x1  }
0x93: {  	s5 =	sld [smem:$0x3FFB];
	_ =	sdelay $0x3  }
0x94: {  	_ =	strace s5  }
0x95: {  	s5 =	sld [smem:$0x3FFC];
	_ =	sdelay $0x3  }
0x96: {  	_ =	strace s5  }
0x97: {  	s5 =	sld [smem:$0x3FFD];
	_ =	sdelay $0x3  }
0x98: {  	_ =	strace s5  }
0x99: {  	_ =	strace $0x8FFFFFFF  }
0x9a: {  	s19 =	sld [smem:$0x3FDB];
	_ =	sdelay $0x1  }
0x9b: {  	s6 =	simm.s32 $_scs_section_size  }
0x9c: {  	s7 =	simm.s32 $_size__tile_overlayer_lowered;
	s8 =	simm.s32 $_tile_overlayer_lowered  }
0x9d: {  	s22 =	simm.s32 $0x1BFF;
	s21 =	sshll.u32 s8, $0x1;
	s5 =	sadd.s32 s6, s19  }
0x9e: {  	s9 =	simm.s32 $0x0;
	s20 =	sshll.u32 s7, $0x1;
	s7 =	sadd.s32 s21, s5  }
0x9f: {  	[timem:s9], [sflag:s22] =	dma.local [hbm:s7], s20  }
0xa0: {  	_ =	swait.ge [sflag:s22], s20  }
0xa1: {  	s6 =	ssub.s32 $0x0, s20;
	[sflag:s22] =	ssyncset.done $0x0  }
0xa2: {  	[sflag:s22] =	ssyncadd.s32 s6;
	_ =	sdelay $0x1  }
0xa3: {  	s23 =	simm.s32 $0x1B8B  }
0xa4: {  	_ =	swait.ge [sflag:s23], $0x1  }
0xa5: {  	[sflag:s23] =	ssyncset.done $0x0  }
0xa6: {  	s25 =	simm.s32 $0x1B8E;
	s24 =	sld [smem:$0x3FFE];
	[sflag:s23] =	ssyncadd.s32 $0xFFFFFFFF  }
0xa7: {  	s26 =	simm.s32 $execute0_lowered;
	[smem:$0x3FD2] =	sst s25  }
0xa8: {  	s7 =	sshll.u32 s26, $0x1;
	_ =	strace $0x80000046;
	[dreg:$0x1] =	wrdreg $0xFFFFFFFF  }
0xa9: {  	s28 =	simm.s32 $_size_execute0_lowered;
	s5 =	sadd.s32 s5, s7;
	[dreg:$0x0] =	wrdreg $0x0  }
0xaa: {  	s7 =	sshll.u32 s28, $0x1;
	[dreg:$0x2] =	wrdreg s5  }
0xab: {  	[dreg:$0x3] =	wrdreg s7  }
0xac: {  	[dreg:$0x4] =	wrdreg $0xC0  }
0xad: {  	_ =	task [dreg:s9], $0x5FFFF  }
0xae: {  	[dreg:$0x1] =	wrdreg $0xFFFFFFFF  }
0xaf: {  	[dreg:$0x0] =	wrdreg $0x60  }
0xb0: {  	[dreg:$0x2] =	wrdreg s2  }
0xb1: {  	[dreg:$0x3] =	wrdreg s18  }
0xb2: {  	[dreg:$0x4] =	wrdreg s24  }
0xb3: {  	[dreg:$0x5] =	wrdreg s4  }
0xb4: {  	[dreg:$0x6] =	wrdreg $0x9  }
0xb5: {  	_ =	task.clear_ibuf [dreg:s9], $0x7FFFF;
	_ =	strace $0x90000046  }
0xb6: {  	s29 =	simm.s32 $0x9;
	_ =	strace $0x80000048  }
0xb7: {  	_ =	swait.ge [sflag:s29], $0x1  }
0xb8: {  	[sflag:s29] =	ssyncadd.s32 $0xFFFFFFFF  }
0xb9: {  	_ =	strace $0x90000048  }
0xba: {  	_ =	sfence  }
0xbb: {  	s30 =	sld [smem:$0x0];
	_ =	sdelay $0x2  }
0xbc: {  	s31 =	sshll.u32 s1, $0xD;
	s1 =	sshrl.u32 s1, $0x2  }
0xbd: {  	s3 =	sand.u32 $0x4000, s31;
	s1 =	sadd.s32 s1, s30  }
0xbe: {  	s0 =	sor.u32 s3, s0;
	s1 =	sshll.u32 s1, $0x11  }
0xbf: {  	s0 =	sor.u32 s1, s0  }
0xc0: {  	s0 =	sadd.s32 $0x8F2B, s0  }
0xc1: {  	[sflag:s0] =	ssyncadd.remote.s32 $0x1  }
0xc2: {  	_ =	sfence.sel $0xFFFF  }
0xc3: {  	[dreg:$0x0] =	wrdreg $0xFFFFFFFF;
	(pc) =	sbr.abs _section_cstart, $3  }
0xc4: {  	[dreg:$0x1] =	wrdreg $0xFFFFFFFF  }
0xc5: {  	_ =	task.clear_ibuf [dreg:s9], $0x2FFFF;
	_ =	strace $0x9FFFFFFF  }
0xc6: {  	(tm) =	ssettm $0x7FFFFFFF  }
0xc7: {  	_ =	shalt  }
tec
execute0_lowered:
.L_overlay_start_1:
0x0: {  	(tag) =	ssettag $0x1  }
0x1: {  	v0 =	vimm.s32 $0x34333231;
	v1 =	vimm.s32 $0x38373635  }
0x2: {  	vm0 =	vcmask $0x1F10;
	v59 =	vimm.s32 $0x3C3B3A39;
	v60 =	vimm.s32 $0x3F3E3D  }
0x3: {  	v2 =	vimm.s32 $0x35343332;
	v3 =	vimm.s32 $0x39383736;
	v61 =	vimm.s32 $0x3D3C3B3A  }
0x4: {  	v4 =	vimm.s32 $0x1003F3E;
	v55 =	vimm.s32 $0x36353433;
	v6 =	vimm.s32 $0x3A393837  }
0x5: {  	v7 =	vimm.s32 $0x3020100;
	v34 =	vimm.s32 $0x3F3E3D3C;
	v56 =	vimm.s32 $0x37363534  }
0x6: {  	v38 =	vimm.s32 $0x3B3A3938;
	v40 =	vimm.s32 $0x87654321;
	v0 =	vunpack.c.0.s8.s32 v0  }
0x7: {  	v35 =	vunpack.c.0.s8.s32 v1;
	v37 =	vunpack.c.0.s8.s32 v59;
	v1 =	vunpack.c.0.s8.s32 v60  }
0x8: {  	v2 =	vunpack.c.0.s8.s32 v2;
	v41 =	vunpack.c.0.s8.s32 v3;
	v42 =	vunpack.c.0.s8.s32 v61  }
0x9: {  	v3 =	vunpack.c.0.s8.s32 v4;
	v4 =	vunpack.c.0.s8.s32 v55;
	v45 =	vunpack.c.0.s8.s32 v6  }
0xa: {  	v6 =	vimm.s32 $0x3E3D3C3B;
	v7 =	vunpack.c.0.s8.s32 v7;
	v44 =	vunpack.c.0.s8.s32 v34  }
0xb: {  	v59 =	vunpack.c.0.s8.s32 v56;
	v38 =	vunpack.c.0.s8.s32 v38;
	v61 =	vimm.s32 $0x4030201  }
0xc: {  	v40 =	vunpack.c.l.s4.s8 v40;
	v39 =	vunpack.c.0.s8.s32 v6;
	v6 =	vimm.s32 $0x201003F  }
0xd: {  	v56 =	vimm.s32 $0x98765432;
	v0 =	vsel vm0, v35, v0;
	v6 =	vunpack.c.0.s8.s32 v6  }
0xe: {  	v5 =	vsel vm0, v1, v37;
	v62 =	vsel vm0, v41, v2;
	v2 =	vsel vm0, v3, v42  }
0xf: {  	v4 =	vsel vm0, v45, v4;
	v7 =	vsel vm0, v7, v44;
	v34 =	vsel vm0, v6, v39  }
0x10: {  	[tilespmem:$0x1FDE0] =	vst v38;
	v60 =	vcombine.low v0, v5;
	v0 =	vsel vm0, v38, v59;
	v4 =	vcombine.low v4, v34  }
0x11: {  	v43 =	vcombine.low v62, v2;
	[tilespmem:$0x1FDD0] =	vst v39;
	v62 =	vimm.s32 $0x5040302;
	v0 =	vcombine.low v0, v7  }
0x12: {  	v38 =	vunpack.c.0.s8.s32 v61;
	v61 =	vimm.s32 $0x32107654;
	[tilespmem:$0x1FDF0] =	vst v4;
	v4 =	vunpack.c.l.s4.s8 v56  }
0x13: {  	v39 =	vunpack.c.0.s8.s32 v62;
	v7 =	vimm.s32 $0xA9876543;
	[tilespmem:$0x1FE00] =	vst v0;
	v0 =	vunpack.c.0.s8.s32 v40  }
0x14: {  	v47 =	vsel vm0, v38, v1;
	v7 =	vunpack.c.l.s4.s8 v7;
	v4 =	vunpack.c.0.s8.s32 v4  }
0x15: {  	v55 =	vsel vm0, v39, v3;
	v39 =	vunpack.c.l.s4.s8 v61;
	v0 =	vand.u32 $0xF, v0  }
0x16: {  	[tilespmem:$0x1FE10] =	vst v47;
	v62 =	vunpack.c.0.s8.s32 v7;
	v0 =	vcombine.low v5, v0;
	v4 =	vand.u32 $0xF, v4  }
0x17: {  	v15 =	vlaneseq.u32;
	[tilespmem:$0x1FE20] =	vst v55;
	v40 =	vunpack.c.0.s8.s32 v39;
	v2 =	vcombine.low v2, v4  }
0x18: {  	s0 =	rddreg [dreg:$0x2];
	s4 =	simm.s32 $0x0;
	vm1 =	vcmask $0x2F10;
	v56 =	vimm.s32 $0xB0A0908;
	[tilespmem:$0x1FE30] =	vst v0;
	v0 =	vand.u32 $0xF, v62  }
0x19: {  	[smem:$0x7FF] =	sst s4;
	v5 =	vunpack.c.0.s8.s32 v56;
	v55 =	vand.u32 $0xF, v40;
	v0 =	vcombine.low v34, v0;
	[tilespmem:$0x1FE40] =	vst v2  }
0x1a: {  	s7 =	rddreg [dreg:$0x3];
	vm2 =	vcmask $0x3F30;
	v59 =	vimm.s32 $0x6050403;
	v4 =	vsel vm1, v55, v44;
	_ =	strace $0x80000047;
	[tilespmem:$0x1FE50] =	vst v44  }
0x1b: {  	v46 =	vadd.s32 $0x1, v15;
	v38 =	vunpack.c.0.s8.s32 v59;
	v59 =	vsel vm2, v5, v4;
	[tilespmem:$0x1FE60] =	vst v0  }
0x1c: {  	v25 =	vadd.s32 $0x2, v15;
	v56 =	vadd.s32 $0x26, v15;
	v34 =	vmovc v43;
	v43 =	vimm.s32 $0xD0C0B0A;
	[tilespmem:$0x1FE70] =	vst v59  }
0x1d: {  	v14 =	vadd.s32 $0x3, v15;
	v5 =	vunpack.c.0.s8.s32 v43;
	v43 =	vadd.s32 $0x29, v15;
	[tilespmem:$0x1FEA0] =	vst v56  }
0x1e: {  	v19 =	vadd.s32 $0x4, v15;
	v12 =	vadd.s32 $0x5, v15;
	v13 =	vadd.s32 $0x6, v15;
	[tilespmem:$0x1FF00] =	vst v43  }
0x1f: {  	v48 =	vadd.s32 $0x7, v15;
	v16 =	vadd.s32 $0x8, v15;
	v17 =	vadd.s32 $0x9, v15;
	[tilespmem:$0x1FF80] =	vst v35  }
0x20: {  	v18 =	vadd.s32 $0xA, v15;
	v11 =	vadd.s32 $0xB, v15;
	v20 =	vadd.s32 $0xC, v15;
	[tilespmem:$0x1FF90] =	vst v37  }
0x21: {  	v21 =	vadd.s32 $0xD, v15;
	v22 =	vadd.s32 $0xE, v15;
	v23 =	vadd.s32 $0xF, v15;
	[tilespmem:$0x1FFA0] =	vst v41  }
0x22: {  	v24 =	vor.u32 $0x10, v15;
	v33 =	vadd.s32 $0x11, v15;
	v7 =	vimm.s32 $0x43218765;
	[tilespmem:$0x1FFB0] =	vst v42  }
0x23: {  	v26 =	vadd.s32 $0x12, v15;
	v58 =	vadd.s32 $0x25, v15;
	v47 =	vunpack.c.l.s4.s8 v7;
	[tilespmem:$0x1FFC0] =	vst v45  }
0x24: {  	v27 =	vadd.s32 $0x13, v15;
	v28 =	vadd.s32 $0x14, v15;
	v49 =	vadd.s32 $0x21, v15;
	[tilespmem:$0x1FFD0] =	vst v58  }
0x25: {  	v7 =	vimm.s32 $0x54329876;
	v39 =	vimm.s32 $0x6543A987;
	v2 =	vunpack.c.0.s8.s32 v47;
	[tilespmem:$0x1FFE0] =	vst v49  }
0x26: {  	v7 =	vunpack.c.l.s4.s8 v7;
	v40 =	vimm.s32 $0xC0B0A09;
	v56 =	vadd.s32 $0x2D, v15;
	[tilespmem:$0x1FFF0] =	vst v60  }
0x27: {  	s1 =	srdreg.scid;
	v61 =	vand.u32 $0xF, v2;
	v2 =	vunpack.c.l.s4.s8 v39;
	v39 =	vadd.s32 $0x28, v15;
	[tilespmem:$0x1FF40] =	vst v56  }
0x28: {  	s5 =	stileid.u32;
	s12 =	simm.s32 $0x4;
	s13 =	simm.s32 $0xBC0;
	v62 =	vunpack.c.0.s8.s32 v7;
	v0 =	vsel vm1, v61, v1;
	v61 =	vsel vm0, v38, v6;
	[tilespmem:$0x1FEE0] =	vst v39  }
0x29: {  	s14 =	simm.s32 $0xE80;
	s15 =	simm.s32 $0x4350;
	s16 =	simm.s32 $0x80;
	v4 =	vunpack.c.0.s8.s32 v40;
	v44 =	vimm.s32 $0x76543210;
	v38 =	vadd.s32 $0x27, v15;
	[tilespmem:$0x1FEB0] =	vst v61  }
0x2a: {  	s17 =	simm.s32 $0x4B50;
	s20 =	simm.s32 $0x4450;
	s21 =	simm.s32 $0x8B50;
	v1 =	vand.u32 $0xF, v62;
	v62 =	vunpack.c.l.s4.s8 v44;
	v44 =	vadd.s32 $0x2A, v15;
	[tilespmem:$0x1FEC0] =	vst v38  }
0x2b: {  	s22 =	simm.s32 $0x44D0;
	s23 =	simm.s32 $0xAB50;
	s24 =	simm.s32 $0x4550;
	v29 =	vadd.s32 $0x15, v15;
	v30 =	vadd.s32 $0x16, v15;
	v0 =	vsel vm2, v4, v0;
	[tilespmem:$0x1FF10] =	vst v44  }
0x2c: {  	s28 =	simm.s32 $0xEB50;
	s29 =	simm.s32 $0x4650;
	s30 =	simm.s32 $0x10B50;
	v31 =	vadd.s32 $0x17, v15;
	v1 =	vsel vm1, v1, v3;
	v61 =	vadd.s32 $0x2F, v15;
	[tilespmem:$0x1FE80] =	vst v0  }
0x2d: {  	s31 =	simm.s32 $0x46D0;
	s8 =	simm.s32 $0x3;
	s11 =	simm.s32 $0x0;
	v32 =	vadd.s32 $0x18, v15;
	v55 =	vimm.s32 $0xE0D0C0B;
	v47 =	vsel vm2, v5, v1;
	[tilespmem:$0x1FF60] =	vst v61  }
0x2e: {  	v9 =	vadd.s32 $0x19, v15;
	s1 =	sand.u32 $0x1, s1;
	s6 =	sadd.s32 $0xC00, s0;
	s3 =	sadd.s32 $0xA00, s0;
	v0 =	vunpack.c.0.s8.s32 v55;
	v55 =	vadd.s32 $0x2C, v15;
	[tilespmem:$0x1FE90] =	vst v47  }
0x2f: {  	s5 =	sshll.u32 s5, $0x1;
	s0 =	sadd.s32 $0x800, s0;
	s10 =	sadd.s32 $0x1000, s7;
	v2 =	vunpack.c.0.s8.s32 v2;
	v40 =	vunpack.c.0.s8.s32 v62;
	v62 =	vor.u32 $0x30, v15;
	[tilespmem:$0x1FF30] =	vst v55  }
0x30: {  	v50 =	vadd.s32 $0x1A, v15;
	v36 =	vadd.s32 $0x1B, v15;
	v51 =	vadd.s32 $0x1C, v15;
	s7 =	simm.s32 $0x2;
	s2 =	ssub.s32 $0x2, s1;
	s1 =	sor.u32 s1, s5;
	[tilespmem:$0x1FF70] =	vst v62  }
0x31: {  	v63 =	vadd.s32 $0x1D, v15;
	s5 =	simm.s32 $0x1;
	s25 =	sshrl.u32 s2, $0x1;
	s9 =	smul.u32 $0x6400, s1;
	v59 =	vand.u32 $0xF, v2;
	v47 =	vadd.s32 $0x2B, v15;
	[tilespmem:$0x1FEF0] =	vst v40  }
0x32: {  	v57 =	vadd.s32 $0x1E, v15;
	s1 =	simm.s32 $0x0;
	s26 =	ssub.s32 s2, s25;
	[dreg:$0x5] =	wrdreg s3;
	v1 =	vsel vm1, v59, v6;
	[tilespmem:$0x1FF20] =	vst v47;
	v59 =	vadd.s32 $0x2E, v15  }
0x33: {  	v8 =	vadd.s32 $0x1F, v15;
	v10 =	vor.u32 $0x20, v15;
	s25 =	simm.s32 $0xCB50;
	[dreg:$0x6] =	wrdreg s0;
	s0 =	smax.u32 s26, $0x1;
	v0 =	vsel vm2, v0, v1;
	[tilespmem:$0x1FF50] =	vst v59  }
0x34: {  	v52 =	vadd.s32 $0x22, v15;
	v53 =	vadd.s32 $0x23, v15;
	v54 =	vadd.s32 $0x24, v15;
	s2 =	simm.s32 $0x12B50;
	s26 =	simm.s32 $0x45D0;
	[dreg:$0x7] =	wrdreg s0;
	[tilespmem:$0x1FED0] =	vst v0  }
.LBB2_1:
0x35: {  	[dreg:$0x8] =	wrdreg s1  }
0x36: {  	s0 =	rddreg [dreg:$0x5]  }
0x37: {  	[tilespmem:s4], [sflag:$0x4] =	stream.linear.gather [hbm4b:s0+s4], $0xBC0, $0x38;
	[tilespmem:$0x14B50] =	vst v63  }
0x38: {  	_ =	swait.ge [sflag:s12], $0xBC0  }
0x39: {  	[sflag:s12] =	ssyncset.done $0x0  }
0x3a: {  	s19 =	rddreg [dreg:$0x6];
	[sflag:s12] =	ssyncadd.s32 $0xFFFFF440  }
0x3b: {  	[tilespmem:s13], [sflag:$0x4] =	stream.linear.gather [hbm4b:s19+s4], $0x2C0, $0x38;
	[tilespmem:$0x14B50] =	vst v63  }
0x3c: {  	_ =	swait.ge [sflag:s12], $0x2C0  }
0x3d: {  	v59 =	vld [tilespmem:$0x1FEC0]  }
0x3e: {  	v41 =	vld [tilespmem:$0x1FED0]  }
0x3f: {  	v62 =	vld [tilespmem:$0x1FEE0]  }
0x40: {  	v38 =	vld [tilespmem:$0x1FF00]  }
0x41: {  	v39 =	vld [tilespmem:$0x1FF10]  }
0x42: {  	v55 =	vld [tilespmem:$0x1FF20]  }
0x43: {  	v56 =	vld [tilespmem:$0x1FF30]  }
0x44: {  	v7 =	vld [tilespmem:$0x1FF40]  }
0x45: {  	v40 =	vld [tilespmem:$0x1FF50]  }
0x46: {  	[sflag:s12] =	ssyncset.done $0x0;
	v43 =	vld [tilespmem:$0x1FF60]  }
0x47: {  	s0 =	simm.s32 $0x0;
	v42 =	vld [tilespmem:$0x1FF70];
	[sflag:s12] =	ssyncadd.s32 $0xFFFFFD40  }
.LBB2_2:
0x48: {  	v2 =	vor.u32 s0, v15  }
0x49: {  	v0 =	vmulhi.u32 $0xAE4C415D, v2  }
0x4a: {  	v1 =	vmulhi.u32 $0xBA2E8BA3, v2  }
0x4b: {  	v0 =	vshrl.u32 v0, $0x5  }
0x4c: {  	v1 =	vshrl.u32 v1, $0x3;
	v0 =	vmul.u32 $0x2F, v0  }
0x4d: {  	v1 =	vmul.u32 $0xB, v1  }
0x4e: {  	v0 =	vsub.s32 v2, v0  }
0x4f: {  	v3 =	vsub.s32 v2, v1;
	v1 =	vshll.u32 v0, $0x6  }
0x50: {  	v0 =	vshll.u32 v3, $0x6;
	v4 =	vor.u32 v15, v1  }
0x51: {  	v3 =	vor.u32 v15, v0;
	_ =	sdelay $0x3  }
0x52: {  	v4 =	vld.idx.msk [tilespmem:v4+s11+$0x0], $0xffff  }
0x53: {  	v37 =	vmul.u32 $0x41, v2;
	v35 =	vld.idx.msk [tilespmem:v3+s13+$0x0], $0xffff;
	_ =	sdelay $0x1  }
0x54: {  	v44 =	vadd.s32 v15, v37  }
0x55: {  	v5 =	vor.u32 v46, v1  }
0x56: {  	v6 =	vor.u32 v46, v0  }
0x57: {  	v2 =	vadd.f32 v35, v4;
	_ =	sdelay $0x1  }
0x58: {  	[tilespmem:v44+s14+$0x0] =	vst.idx.msk $0xffff, v2  }
0x59: {  	v2 =	vld.idx.msk [tilespmem:v5+s11+$0x0], $0xffff  }
0x5a: {  	v3 =	vld.idx.msk [tilespmem:v6+s13+$0x0], $0xffff;
	_ =	sdelay $0x1  }
0x5b: {  	v4 =	vadd.s32 v46, v37  }
0x5c: {  	v5 =	vor.u32 v25, v1  }
0x5d: {  	v6 =	vor.u32 v25, v0  }
0x5e: {  	v2 =	vadd.f32 v3, v2;
	_ =	sdelay $0x1  }
0x5f: {  	[tilespmem:v4+s14+$0x0] =	vst.idx.msk $0xffff, v2  }
0x60: {  	v2 =	vld.idx.msk [tilespmem:v5+s11+$0x0], $0xffff  }
0x61: {  	v45 =	vld.idx.msk [tilespmem:v6+s13+$0x0], $0xffff;
	_ =	sdelay $0x1  }
0x62: {  	v4 =	vadd.s32 v25, v37  }
0x63: {  	v5 =	vor.u32 v14, v1  }
0x64: {  	v6 =	vor.u32 v14, v0  }
0x65: {  	v2 =	vadd.f32 v45, v2;
	_ =	sdelay $0x1  }
0x66: {  	[tilespmem:v4+s14+$0x0] =	vst.idx.msk $0xffff, v2  }
0x67: {  	v2 =	vld.idx.msk [tilespmem:v5+s11+$0x0], $0xffff  }
0x68: {  	v47 =	vld.idx.msk [tilespmem:v6+s13+$0x0], $0xffff;
	_ =	sdelay $0x1  }
0x69: {  	v4 =	vadd.s32 v14, v37  }
0x6a: {  	v5 =	vor.u32 v19, v1  }
0x6b: {  	v6 =	vor.u32 v19, v0  }
0x6c: {  	v2 =	vadd.f32 v47, v2;
	_ =	sdelay $0x1  }
0x6d: {  	[tilespmem:v4+s14+$0x0] =	vst.idx.msk $0xffff, v2  }
0x6e: {  	v2 =	vld.idx.msk [tilespmem:v5+s11+$0x0], $0xffff  }
0x6f: {  	v61 =	vld.idx.msk [tilespmem:v6+s13+$0x0], $0xffff;
	_ =	sdelay $0x1  }
0x70: {  	v4 =	vadd.s32 v19, v37  }
0x71: {  	v5 =	vor.u32 v12, v1  }
0x72: {  	v6 =	vor.u32 v12, v0  }
0x73: {  	v2 =	vadd.f32 v61, v2;
	_ =	sdelay $0x1  }
0x74: {  	[tilespmem:v4+s14+$0x0] =	vst.idx.msk $0xffff, v2  }
0x75: {  	v2 =	vld.idx.msk [tilespmem:v5+s11+$0x0], $0xffff  }
0x76: {  	v35 =	vld.idx.msk [tilespmem:v6+s13+$0x0], $0xffff;
	_ =	sdelay $0x1  }
0x77: {  	v4 =	vadd.s32 v12, v37  }
0x78: {  	v5 =	vor.u32 v13, v1  }
0x79: {  	v6 =	vor.u32 v13, v0  }
0x7a: {  	v2 =	vadd.f32 v35, v2;
	_ =	sdelay $0x1  }
0x7b: {  	[tilespmem:v4+s14+$0x0] =	vst.idx.msk $0xffff, v2  }
0x7c: {  	v2 =	vld.idx.msk [tilespmem:v5+s11+$0x0], $0xffff  }
0x7d: {  	v44 =	vld.idx.msk [tilespmem:v6+s13+$0x0], $0xffff;
	_ =	sdelay $0x1  }
0x7e: {  	v4 =	vadd.s32 v13, v37  }
0x7f: {  	v5 =	vor.u32 v48, v1  }
0x80: {  	v6 =	vor.u32 v48, v0  }
0x81: {  	v2 =	vadd.f32 v44, v2;
	_ =	sdelay $0x1  }
0x82: {  	[tilespmem:v4+s14+$0x0] =	vst.idx.msk $0xffff, v2  }
0x83: {  	v2 =	vld.idx.msk [tilespmem:v5+s11+$0x0], $0xffff  }
0x84: {  	v45 =	vld.idx.msk [tilespmem:v6+s13+$0x0], $0xffff;
	_ =	sdelay $0x1  }
0x85: {  	v4 =	vadd.s32 v48, v37  }
0x86: {  	v5 =	vor.u32 v16, v1  }
0x87: {  	v6 =	vor.u32 v16, v0  }
0x88: {  	v2 =	vadd.f32 v45, v2;
	_ =	sdelay $0x1  }
0x89: {  	[tilespmem:v4+s14+$0x0] =	vst.idx.msk $0xffff, v2  }
0x8a: {  	v2 =	vld.idx.msk [tilespmem:v5+s11+$0x0], $0xffff  }
0x8b: {  	v47 =	vld.idx.msk [tilespmem:v6+s13+$0x0], $0xffff;
	_ =	sdelay $0x1  }
0x8c: {  	v4 =	vadd.s32 v16, v37  }
0x8d: {  	v5 =	vor.u32 v17, v1  }
0x8e: {  	v6 =	vor.u32 v17, v0  }
0x8f: {  	v2 =	vadd.f32 v47, v2;
	_ =	sdelay $0x1  }
0x90: {  	[tilespmem:v4+s14+$0x0] =	vst.idx.msk $0xffff, v2  }
0x91: {  	v2 =	vld.idx.msk [tilespmem:v5+s11+$0x0], $0xffff  }
0x92: {  	v61 =	vld.idx.msk [tilespmem:v6+s13+$0x0], $0xffff;
	_ =	sdelay $0x1  }
0x93: {  	v4 =	vadd.s32 v17, v37  }
0x94: {  	v5 =	vor.u32 v18, v1  }
0x95: {  	v6 =	vor.u32 v18, v0  }
0x96: {  	v2 =	vadd.f32 v61, v2;
	_ =	sdelay $0x1  }
0x97: {  	[tilespmem:v4+s14+$0x0] =	vst.idx.msk $0xffff, v2  }
0x98: {  	v2 =	vld.idx.msk [tilespmem:v5+s11+$0x0], $0xffff  }
0x99: {  	v35 =	vld.idx.msk [tilespmem:v6+s13+$0x0], $0xffff;
	_ =	sdelay $0x1  }
0x9a: {  	v4 =	vadd.s32 v18, v37  }
0x9b: {  	v5 =	vor.u32 v11, v1  }
0x9c: {  	v6 =	vor.u32 v11, v0  }
0x9d: {  	v2 =	vadd.f32 v35, v2;
	_ =	sdelay $0x1  }
0x9e: {  	[tilespmem:v4+s14+$0x0] =	vst.idx.msk $0xffff, v2  }
0x9f: {  	v2 =	vld.idx.msk [tilespmem:v5+s11+$0x0], $0xffff  }
0xa0: {  	v44 =	vld.idx.msk [tilespmem:v6+s13+$0x0], $0xffff;
	_ =	sdelay $0x1  }
0xa1: {  	v4 =	vadd.s32 v11, v37  }
0xa2: {  	v5 =	vor.u32 v20, v1  }
0xa3: {  	v6 =	vor.u32 v20, v0  }
0xa4: {  	v2 =	vadd.f32 v44, v2;
	_ =	sdelay $0x1  }
0xa5: {  	[tilespmem:v4+s14+$0x0] =	vst.idx.msk $0xffff, v2  }
0xa6: {  	v2 =	vld.idx.msk [tilespmem:v5+s11+$0x0], $0xffff  }
0xa7: {  	v45 =	vld.idx.msk [tilespmem:v6+s13+$0x0], $0xffff;
	_ =	sdelay $0x1  }
0xa8: {  	v4 =	vadd.s32 v20, v37  }
0xa9: {  	v5 =	vor.u32 v21, v1  }
0xaa: {  	v6 =	vor.u32 v21, v0  }
0xab: {  	v2 =	vadd.f32 v45, v2;
	_ =	sdelay $0x1  }
0xac: {  	[tilespmem:v4+s14+$0x0] =	vst.idx.msk $0xffff, v2  }
0xad: {  	v2 =	vld.idx.msk [tilespmem:v5+s11+$0x0], $0xffff  }
0xae: {  	v47 =	vld.idx.msk [tilespmem:v6+s13+$0x0], $0xffff;
	_ =	sdelay $0x1  }
0xaf: {  	v4 =	vadd.s32 v21, v37  }
0xb0: {  	v5 =	vor.u32 v22, v1  }
0xb1: {  	v6 =	vor.u32 v22, v0  }
0xb2: {  	v2 =	vadd.f32 v47, v2;
	_ =	sdelay $0x1  }
0xb3: {  	[tilespmem:v4+s14+$0x0] =	vst.idx.msk $0xffff, v2  }
0xb4: {  	v2 =	vld.idx.msk [tilespmem:v5+s11+$0x0], $0xffff  }
0xb5: {  	v61 =	vld.idx.msk [tilespmem:v6+s13+$0x0], $0xffff;
	_ =	sdelay $0x1  }
0xb6: {  	v4 =	vadd.s32 v22, v37  }
0xb7: {  	v5 =	vor.u32 v23, v1  }
0xb8: {  	v6 =	vor.u32 v23, v0  }
0xb9: {  	v2 =	vadd.f32 v61, v2;
	_ =	sdelay $0x1  }
0xba: {  	[tilespmem:v4+s14+$0x0] =	vst.idx.msk $0xffff, v2  }
0xbb: {  	v2 =	vld.idx.msk [tilespmem:v5+s11+$0x0], $0xffff  }
0xbc: {  	v35 =	vld.idx.msk [tilespmem:v6+s13+$0x0], $0xffff;
	_ =	sdelay $0x1  }
0xbd: {  	v4 =	vadd.s32 v23, v37  }
0xbe: {  	v5 =	vor.u32 v24, v1  }
0xbf: {  	v6 =	vor.u32 v24, v0  }
0xc0: {  	v2 =	vadd.f32 v35, v2;
	_ =	sdelay $0x1  }
0xc1: {  	[tilespmem:v4+s14+$0x0] =	vst.idx.msk $0xffff, v2  }
0xc2: {  	v2 =	vld.idx.msk [tilespmem:v5+s11+$0x0], $0xffff  }
0xc3: {  	v44 =	vld.idx.msk [tilespmem:v6+s13+$0x0], $0xffff;
	_ =	sdelay $0x1  }
0xc4: {  	v4 =	vadd.s32 v24, v37  }
0xc5: {  	v5 =	vor.u32 v33, v1  }
0xc6: {  	v6 =	vor.u32 v33, v0  }
0xc7: {  	v2 =	vadd.f32 v44, v2;
	_ =	sdelay $0x1  }
0xc8: {  	[tilespmem:v4+s14+$0x0] =	vst.idx.msk $0xffff, v2  }
0xc9: {  	v2 =	vld.idx.msk [tilespmem:v5+s11+$0x0], $0xffff  }
0xca: {  	v45 =	vld.idx.msk [tilespmem:v6+s13+$0x0], $0xffff;
	_ =	sdelay $0x1  }
0xcb: {  	v4 =	vadd.s32 v33, v37  }
0xcc: {  	v5 =	vor.u32 v26, v1  }
0xcd: {  	v6 =	vor.u32 v26, v0  }
0xce: {  	v2 =	vadd.f32 v45, v2;
	_ =	sdelay $0x1  }
0xcf: {  	[tilespmem:v4+s14+$0x0] =	vst.idx.msk $0xffff, v2  }
0xd0: {  	v2 =	vld.idx.msk [tilespmem:v5+s11+$0x0], $0xffff  }
0xd1: {  	v47 =	vld.idx.msk [tilespmem:v6+s13+$0x0], $0xffff;
	_ =	sdelay $0x1  }
0xd2: {  	v4 =	vadd.s32 v26, v37  }
0xd3: {  	v5 =	vor.u32 v27, v1  }
0xd4: {  	v6 =	vor.u32 v27, v0  }
0xd5: {  	v2 =	vadd.f32 v47, v2;
	_ =	sdelay $0x1  }
0xd6: {  	[tilespmem:v4+s14+$0x0] =	vst.idx.msk $0xffff, v2  }
0xd7: {  	v2 =	vld.idx.msk [tilespmem:v5+s11+$0x0], $0xffff  }
0xd8: {  	v61 =	vld.idx.msk [tilespmem:v6+s13+$0x0], $0xffff;
	_ =	sdelay $0x1  }
0xd9: {  	v4 =	vadd.s32 v27, v37  }
0xda: {  	v5 =	vor.u32 v28, v1  }
0xdb: {  	v6 =	vor.u32 v28, v0  }
0xdc: {  	v2 =	vadd.f32 v61, v2;
	_ =	sdelay $0x1  }
0xdd: {  	[tilespmem:v4+s14+$0x0] =	vst.idx.msk $0xffff, v2  }
0xde: {  	v2 =	vld.idx.msk [tilespmem:v5+s11+$0x0], $0xffff  }
0xdf: {  	v35 =	vld.idx.msk [tilespmem:v6+s13+$0x0], $0xffff;
	_ =	sdelay $0x1  }
0xe0: {  	v4 =	vadd.s32 v28, v37  }
0xe1: {  	v5 =	vor.u32 v29, v1  }
0xe2: {  	v6 =	vor.u32 v29, v0  }
0xe3: {  	v2 =	vadd.f32 v35, v2;
	_ =	sdelay $0x1  }
0xe4: {  	[tilespmem:v4+s14+$0x0] =	vst.idx.msk $0xffff, v2  }
0xe5: {  	v2 =	vld.idx.msk [tilespmem:v5+s11+$0x0], $0xffff  }
0xe6: {  	v44 =	vld.idx.msk [tilespmem:v6+s13+$0x0], $0xffff;
	_ =	sdelay $0x1  }
0xe7: {  	v4 =	vadd.s32 v29, v37  }
0xe8: {  	v5 =	vor.u32 v30, v1  }
0xe9: {  	v6 =	vor.u32 v30, v0  }
0xea: {  	v2 =	vadd.f32 v44, v2;
	_ =	sdelay $0x1  }
0xeb: {  	[tilespmem:v4+s14+$0x0] =	vst.idx.msk $0xffff, v2  }
0xec: {  	v2 =	vld.idx.msk [tilespmem:v5+s11+$0x0], $0xffff  }
0xed: {  	v45 =	vld.idx.msk [tilespmem:v6+s13+$0x0], $0xffff;
	_ =	sdelay $0x1  }
0xee: {  	v4 =	vadd.s32 v30, v37  }
0xef: {  	v5 =	vor.u32 v31, v1  }
0xf0: {  	v6 =	vor.u32 v31, v0  }
0xf1: {  	v2 =	vadd.f32 v45, v2;
	_ =	sdelay $0x1  }
0xf2: {  	[tilespmem:v4+s14+$0x0] =	vst.idx.msk $0xffff, v2  }
0xf3: {  	v2 =	vld.idx.msk [tilespmem:v5+s11+$0x0], $0xffff  }
0xf4: {  	v47 =	vld.idx.msk [tilespmem:v6+s13+$0x0], $0xffff;
	_ =	sdelay $0x1  }
0xf5: {  	v4 =	vadd.s32 v31, v37  }
0xf6: {  	v5 =	vor.u32 v32, v1  }
0xf7: {  	v6 =	vor.u32 v32, v0  }
0xf8: {  	v2 =	vadd.f32 v47, v2;
	_ =	sdelay $0x1  }
0xf9: {  	[tilespmem:v4+s14+$0x0] =	vst.idx.msk $0xffff, v2  }
0xfa: {  	v2 =	vld.idx.msk [tilespmem:v5+s11+$0x0], $0xffff  }
0xfb: {  	v61 =	vld.idx.msk [tilespmem:v6+s13+$0x0], $0xffff;
	_ =	sdelay $0x1  }
0xfc: {  	v4 =	vadd.s32 v32, v37  }
0xfd: {  	v5 =	vor.u32 v9, v1  }
0xfe: {  	v6 =	vor.u32 v9, v0  }
0xff: {  	v2 =	vadd.f32 v61, v2;
	_ =	sdelay $0x1  }
0x100: {  	[tilespmem:v4+s14+$0x0] =	vst.idx.msk $0xffff, v2  }
0x101: {  	v2 =	vld.idx.msk [tilespmem:v5+s11+$0x0], $0xffff  }
0x102: {  	v35 =	vld.idx.msk [tilespmem:v6+s13+$0x0], $0xffff;
	_ =	sdelay $0x1  }
0x103: {  	v4 =	vadd.s32 v9, v37  }
0x104: {  	v5 =	vor.u32 v50, v1  }
0x105: {  	v6 =	vor.u32 v50, v0  }
0x106: {  	v2 =	vadd.f32 v35, v2;
	_ =	sdelay $0x1  }
0x107: {  	[tilespmem:v4+s14+$0x0] =	vst.idx.msk $0xffff, v2  }
0x108: {  	v2 =	vld.idx.msk [tilespmem:v5+s11+$0x0], $0xffff  }
0x109: {  	v44 =	vld.idx.msk [tilespmem:v6+s13+$0x0], $0xffff;
	_ =	sdelay $0x1  }
0x10a: {  	v4 =	vadd.s32 v50, v37  }
0x10b: {  	v5 =	vor.u32 v36, v1  }
0x10c: {  	v6 =	vor.u32 v36, v0  }
0x10d: {  	v2 =	vadd.f32 v44, v2;
	_ =	sdelay $0x1  }
0x10e: {  	[tilespmem:v4+s14+$0x0] =	vst.idx.msk $0xffff, v2  }
0x10f: {  	v2 =	vld.idx.msk [tilespmem:v5+s11+$0x0], $0xffff  }
0x110: {  	v45 =	vld.idx.msk [tilespmem:v6+s13+$0x0], $0xffff;
	_ =	sdelay $0x1  }
0x111: {  	v4 =	vadd.s32 v36, v37  }
0x112: {  	v5 =	vor.u32 v51, v1  }
0x113: {  	v6 =	vor.u32 v51, v0  }
0x114: {  	v2 =	vadd.f32 v45, v2;
	_ =	sdelay $0x1  }
0x115: {  	[tilespmem:v4+s14+$0x0] =	vst.idx.msk $0xffff, v2  }
0x116: {  	v2 =	vld.idx.msk [tilespmem:v5+s11+$0x0], $0xffff  }
0x117: {  	v47 =	vld.idx.msk [tilespmem:v6+s13+$0x0], $0xffff;
	_ =	sdelay $0x1  }
0x118: {  	v4 =	vadd.s32 v51, v37  }
0x119: {  	v5 =	vor.u32 v63, v1  }
0x11a: {  	v6 =	vor.u32 v63, v0  }
0x11b: {  	v2 =	vadd.f32 v47, v2;
	_ =	sdelay $0x1  }
0x11c: {  	[tilespmem:v4+s14+$0x0] =	vst.idx.msk $0xffff, v2  }
0x11d: {  	v2 =	vld.idx.msk [tilespmem:v5+s11+$0x0], $0xffff  }
0x11e: {  	v61 =	vld.idx.msk [tilespmem:v6+s13+$0x0], $0xffff;
	_ =	sdelay $0x1  }
0x11f: {  	v4 =	vadd.s32 v63, v37  }
0x120: {  	v5 =	vor.u32 v57, v1  }
0x121: {  	v6 =	vor.u32 v57, v0  }
0x122: {  	v2 =	vadd.f32 v61, v2;
	_ =	sdelay $0x1  }
0x123: {  	[tilespmem:v4+s14+$0x0] =	vst.idx.msk $0xffff, v2  }
0x124: {  	v2 =	vld.idx.msk [tilespmem:v5+s11+$0x0], $0xffff  }
0x125: {  	v35 =	vld.idx.msk [tilespmem:v6+s13+$0x0], $0xffff;
	_ =	sdelay $0x1  }
0x126: {  	v4 =	vadd.s32 v57, v37  }
0x127: {  	v5 =	vor.u32 v8, v1  }
0x128: {  	v6 =	vor.u32 v8, v0  }
0x129: {  	v2 =	vadd.f32 v35, v2;
	_ =	sdelay $0x1  }
0x12a: {  	[tilespmem:v4+s14+$0x0] =	vst.idx.msk $0xffff, v2  }
0x12b: {  	v2 =	vld.idx.msk [tilespmem:v5+s11+$0x0], $0xffff  }
0x12c: {  	v44 =	vld.idx.msk [tilespmem:v6+s13+$0x0], $0xffff;
	_ =	sdelay $0x1  }
0x12d: {  	v4 =	vadd.s32 v8, v37  }
0x12e: {  	v5 =	vor.u32 v10, v1  }
0x12f: {  	v6 =	vor.u32 v10, v0  }
0x130: {  	v2 =	vadd.f32 v44, v2;
	_ =	sdelay $0x1  }
0x131: {  	[tilespmem:v4+s14+$0x0] =	vst.idx.msk $0xffff, v2  }
0x132: {  	v2 =	vld.idx.msk [tilespmem:v5+s11+$0x0], $0xffff  }
0x133: {  	v45 =	vld.idx.msk [tilespmem:v6+s13+$0x0], $0xffff;
	_ =	sdelay $0x1  }
0x134: {  	v4 =	vadd.s32 v10, v37  }
0x135: {  	v5 =	vor.u32 v49, v1  }
0x136: {  	v6 =	vor.u32 v49, v0  }
0x137: {  	v2 =	vadd.f32 v45, v2;
	_ =	sdelay $0x1  }
0x138: {  	[tilespmem:v4+s14+$0x0] =	vst.idx.msk $0xffff, v2  }
0x139: {  	v2 =	vld.idx.msk [tilespmem:v5+s11+$0x0], $0xffff  }
0x13a: {  	v47 =	vld.idx.msk [tilespmem:v6+s13+$0x0], $0xffff;
	_ =	sdelay $0x1  }
0x13b: {  	v4 =	vadd.s32 v49, v37  }
0x13c: {  	v5 =	vor.u32 v52, v1  }
0x13d: {  	v6 =	vor.u32 v52, v0  }
0x13e: {  	v2 =	vadd.f32 v47, v2;
	_ =	sdelay $0x1  }
0x13f: {  	[tilespmem:v4+s14+$0x0] =	vst.idx.msk $0xffff, v2  }
0x140: {  	v2 =	vld.idx.msk [tilespmem:v5+s11+$0x0], $0xffff  }
0x141: {  	v61 =	vld.idx.msk [tilespmem:v6+s13+$0x0], $0xffff;
	_ =	sdelay $0x1  }
0x142: {  	v4 =	vadd.s32 v52, v37  }
0x143: {  	v5 =	vor.u32 v53, v1  }
0x144: {  	v6 =	vor.u32 v53, v0  }
0x145: {  	v2 =	vadd.f32 v61, v2;
	_ =	sdelay $0x1  }
0x146: {  	[tilespmem:v4+s14+$0x0] =	vst.idx.msk $0xffff, v2  }
0x147: {  	v2 =	vld.idx.msk [tilespmem:v5+s11+$0x0], $0xffff  }
0x148: {  	v35 =	vld.idx.msk [tilespmem:v6+s13+$0x0], $0xffff;
	_ =	sdelay $0x1  }
0x149: {  	v4 =	vadd.s32 v53, v37  }
0x14a: {  	v5 =	vor.u32 v54, v1  }
0x14b: {  	v6 =	vor.u32 v54, v0  }
0x14c: {  	v2 =	vadd.f32 v35, v2;
	_ =	sdelay $0x1  }
0x14d: {  	[tilespmem:v4+s14+$0x0] =	vst.idx.msk $0xffff, v2  }
0x14e: {  	v2 =	vld.idx.msk [tilespmem:v5+s11+$0x0], $0xffff  }
0x14f: {  	v44 =	vld.idx.msk [tilespmem:v6+s13+$0x0], $0xffff;
	_ =	sdelay $0x1  }
0x150: {  	v4 =	vadd.s32 v54, v37  }
0x151: {  	v5 =	vor.u32 v58, v1  }
0x152: {  	v6 =	vor.u32 v58, v0  }
0x153: {  	v2 =	vadd.f32 v44, v2;
	_ =	sdelay $0x1  }
0x154: {  	v35 =	vld [tilespmem:$0x1FEA0];
	[tilespmem:v4+s14+$0x0] =	vst.idx.msk $0xffff, v2  }
0x155: {  	v2 =	vld.idx.msk [tilespmem:v5+s11+$0x0], $0xffff  }
0x156: {  	v45 =	vld.idx.msk [tilespmem:v6+s13+$0x0], $0xffff;
	_ =	sdelay $0x1  }
0x157: {  	v4 =	vadd.s32 v58, v37  }
0x158: {  	v5 =	vor.u32 v35, v1  }
0x159: {  	v6 =	vor.u32 v35, v0  }
0x15a: {  	v2 =	vadd.f32 v45, v2;
	_ =	sdelay $0x1  }
0x15b: {  	[tilespmem:v4+s14+$0x0] =	vst.idx.msk $0xffff, v2  }
0x15c: {  	v2 =	vld.idx.msk [tilespmem:v5+s11+$0x0], $0xffff  }
0x15d: {  	v47 =	vld.idx.msk [tilespmem:v6+s13+$0x0], $0xffff;
	_ =	sdelay $0x1  }
0x15e: {  	v4 =	vadd.s32 v35, v37  }
0x15f: {  	v5 =	vor.u32 v59, v1  }
0x160: {  	v6 =	vor.u32 v59, v0  }
0x161: {  	v2 =	vadd.f32 v47, v2;
	_ =	sdelay $0x1  }
0x162: {  	[tilespmem:v4+s14+$0x0] =	vst.idx.msk $0xffff, v2  }
0x163: {  	v2 =	vld.idx.msk [tilespmem:v5+s11+$0x0], $0xffff  }
0x164: {  	v61 =	vld.idx.msk [tilespmem:v6+s13+$0x0], $0xffff;
	_ =	sdelay $0x1  }
0x165: {  	v4 =	vadd.s32 v59, v37  }
0x166: {  	v5 =	vor.u32 v62, v1  }
0x167: {  	v6 =	vor.u32 v62, v0  }
0x168: {  	v2 =	vadd.f32 v61, v2;
	_ =	sdelay $0x1  }
0x169: {  	[tilespmem:v4+s14+$0x0] =	vst.idx.msk $0xffff, v2  }
0x16a: {  	v2 =	vld.idx.msk [tilespmem:v5+s11+$0x0], $0xffff  }
0x16b: {  	v35 =	vld.idx.msk [tilespmem:v6+s13+$0x0], $0xffff;
	_ =	sdelay $0x1  }
0x16c: {  	v4 =	vadd.s32 v62, v37  }
0x16d: {  	v5 =	vor.u32 v38, v1  }
0x16e: {  	v6 =	vor.u32 v38, v0  }
0x16f: {  	v2 =	vadd.f32 v35, v2;
	_ =	sdelay $0x1  }
0x170: {  	[tilespmem:v4+s14+$0x0] =	vst.idx.msk $0xffff, v2  }
0x171: {  	v2 =	vld.idx.msk [tilespmem:v5+s11+$0x0], $0xffff  }
0x172: {  	v44 =	vld.idx.msk [tilespmem:v6+s13+$0x0], $0xffff;
	_ =	sdelay $0x1  }
0x173: {  	v4 =	vadd.s32 v38, v37  }
0x174: {  	v5 =	vor.u32 v39, v1  }
0x175: {  	v6 =	vor.u32 v39, v0  }
0x176: {  	v2 =	vadd.f32 v44, v2;
	_ =	sdelay $0x1  }
0x177: {  	[tilespmem:v4+s14+$0x0] =	vst.idx.msk $0xffff, v2  }
0x178: {  	v2 =	vld.idx.msk [tilespmem:v5+s11+$0x0], $0xffff  }
0x179: {  	v45 =	vld.idx.msk [tilespmem:v6+s13+$0x0], $0xffff;
	_ =	sdelay $0x1  }
0x17a: {  	v4 =	vadd.s32 v39, v37  }
0x17b: {  	v5 =	vor.u32 v55, v1  }
0x17c: {  	v6 =	vor.u32 v55, v0  }
0x17d: {  	v2 =	vadd.f32 v45, v2;
	_ =	sdelay $0x1  }
0x17e: {  	[tilespmem:v4+s14+$0x0] =	vst.idx.msk $0xffff, v2  }
0x17f: {  	v2 =	vld.idx.msk [tilespmem:v5+s11+$0x0], $0xffff  }
0x180: {  	v47 =	vld.idx.msk [tilespmem:v6+s13+$0x0], $0xffff;
	_ =	sdelay $0x1  }
0x181: {  	v4 =	vadd.s32 v55, v37  }
0x182: {  	v5 =	vor.u32 v56, v1  }
0x183: {  	v6 =	vor.u32 v56, v0  }
0x184: {  	v2 =	vadd.f32 v47, v2;
	_ =	sdelay $0x1  }
0x185: {  	[tilespmem:v4+s14+$0x0] =	vst.idx.msk $0xffff, v2  }
0x186: {  	v2 =	vld.idx.msk [tilespmem:v5+s11+$0x0], $0xffff  }
0x187: {  	v61 =	vld.idx.msk [tilespmem:v6+s13+$0x0], $0xffff;
	_ =	sdelay $0x1  }
0x188: {  	v4 =	vadd.s32 v56, v37  }
0x189: {  	v5 =	vor.u32 v7, v1  }
0x18a: {  	v6 =	vor.u32 v7, v0  }
0x18b: {  	v2 =	vadd.f32 v61, v2;
	_ =	sdelay $0x1  }
0x18c: {  	[tilespmem:v4+s14+$0x0] =	vst.idx.msk $0xffff, v2  }
0x18d: {  	v2 =	vld.idx.msk [tilespmem:v5+s11+$0x0], $0xffff  }
0x18e: {  	v35 =	vld.idx.msk [tilespmem:v6+s13+$0x0], $0xffff;
	_ =	sdelay $0x1  }
0x18f: {  	v4 =	vadd.s32 v7, v37  }
0x190: {  	v5 =	vor.u32 v40, v1  }
0x191: {  	v6 =	vor.u32 v40, v0  }
0x192: {  	v2 =	vadd.f32 v35, v2;
	_ =	sdelay $0x1  }
0x193: {  	[tilespmem:v4+s14+$0x0] =	vst.idx.msk $0xffff, v2  }
0x194: {  	v2 =	vld.idx.msk [tilespmem:v5+s11+$0x0], $0xffff  }
0x195: {  	v44 =	vld.idx.msk [tilespmem:v6+s13+$0x0], $0xffff;
	_ =	sdelay $0x1  }
0x196: {  	v4 =	vadd.s32 v40, v37  }
0x197: {  	v5 =	vor.u32 v43, v1  }
0x198: {  	v6 =	vor.u32 v43, v0  }
0x199: {  	v2 =	vadd.f32 v44, v2;
	_ =	sdelay $0x1  }
0x19a: {  	[tilespmem:v4+s14+$0x0] =	vst.idx.msk $0xffff, v2  }
0x19b: {  	v2 =	vld.idx.msk [tilespmem:v5+s11+$0x0], $0xffff  }
0x19c: {  	v45 =	vld.idx.msk [tilespmem:v6+s13+$0x0], $0xffff;
	_ =	sdelay $0x1  }
0x19d: {  	v4 =	vadd.s32 v43, v37  }
0x19e: {  	v5 =	vor.u32 v42, v1  }
0x19f: {  	v6 =	vor.u32 v42, v0  }
0x1a0: {  	v2 =	vadd.f32 v45, v2;
	_ =	sdelay $0x1  }
0x1a1: {  	[tilespmem:v4+s14+$0x0] =	vst.idx.msk $0xffff, v2  }
0x1a2: {  	v2 =	vld.idx.msk [tilespmem:v5+s11+$0x0], $0xffff  }
0x1a3: {  	v47 =	vld.idx.msk [tilespmem:v6+s13+$0x0], $0xffff;
	_ =	sdelay $0x1  }
0x1a4: {  	v4 =	vadd.s32 v42, v37  }
0x1a5: {  	v5 =	vor.u32 v60, v1  }
0x1a6: {  	v6 =	vor.u32 v60, v0  }
0x1a7: {  	v2 =	vadd.f32 v47, v2;
	_ =	sdelay $0x1  }
0x1a8: {  	[tilespmem:v4+s14+$0x0] =	vst.idx.msk $0xffff, v2  }
0x1a9: {  	v2 =	vld.idx.msk [tilespmem:v5+s11+$0x0], $0xffff  }
0x1aa: {  	v61 =	vld.idx.msk [tilespmem:v6+s13+$0x0], $0xffff;
	_ =	sdelay $0x1  }
0x1ab: {  	v4 =	vadd.s32 v60, v37  }
0x1ac: {  	v5 =	vor.u32 v34, v1  }
0x1ad: {  	v6 =	vor.u32 v34, v0  }
0x1ae: {  	v2 =	vadd.f32 v61, v2;
	_ =	sdelay $0x1  }
0x1af: {  	v44 =	vld [tilespmem:$0x1FDF0];
	[tilespmem:v4+s14+$0x0] =	vst.idx.msk $0xffff, v2  }
0x1b0: {  	v2 =	vld.idx.msk [tilespmem:v5+s11+$0x0], $0xffff  }
0x1b1: {  	v35 =	vld.idx.msk [tilespmem:v6+s13+$0x0], $0xffff;
	_ =	sdelay $0x1  }
0x1b2: {  	v4 =	vadd.s32 v34, v37  }
0x1b3: {  	v5 =	vor.u32 v44, v1  }
0x1b4: {  	v6 =	vor.u32 v44, v0  }
0x1b5: {  	v2 =	vadd.f32 v35, v2;
	_ =	sdelay $0x1  }
0x1b6: {  	v35 =	vld [tilespmem:$0x1FE00];
	[tilespmem:v4+s14+$0x0] =	vst.idx.msk $0xffff, v2  }
0x1b7: {  	v2 =	vld.idx.msk [tilespmem:v5+s11+$0x0], $0xffff  }
0x1b8: {  	v61 =	vld.idx.msk [tilespmem:v6+s13+$0x0], $0xffff;
	_ =	sdelay $0x1  }
0x1b9: {  	v4 =	vadd.s32 v44, v37  }
0x1ba: {  	v5 =	vor.u32 v35, v1;
	_ =	sdelay $0x1  }
0x1bb: {  	v2 =	vadd.f32 v61, v2;
	_ =	sdelay $0x1  }
0x1bc: {  	[tilespmem:v4+s14+$0x0] =	vst.idx.msk $0xffff, v2;
	v4 =	vld [tilespmem:$0x1FF80]  }
0x1bd: {  	v2 =	vld.idx.msk [tilespmem:v5+s11+$0x0], $0xffff  }
0x1be: {  	v5 =	vld [tilespmem:$0x1FF90];
	_ =	sdelay $0x3  }
0x1bf: {  	v6 =	vor.u32 v35, v0  }
0x1c0: {  	v4 =	vsel vm0, v5, v4;
	v5 =	vld [tilespmem:$0x1FE10];
	_ =	sdelay $0x3  }
0x1c1: {  	v47 =	vld.idx.msk [tilespmem:v6+s13+$0x0], $0xffff  }
0x1c2: {  	v61 =	vcombine.low v4, v5  }
0x1c3: {  	v4 =	vadd.s32 v35, v37  }
0x1c4: {  	v5 =	vor.u32 v61, v1;
	_ =	sdelay $0x1  }
0x1c5: {  	v2 =	vadd.f32 v47, v2;
	_ =	sdelay $0x1  }
0x1c6: {  	[tilespmem:v4+s14+$0x0] =	vst.idx.msk $0xffff, v2;
	v4 =	vld [tilespmem:$0x1FFA0]  }
0x1c7: {  	v2 =	vld.idx.msk [tilespmem:v5+s11+$0x0], $0xffff  }
0x1c8: {  	v5 =	vld [tilespmem:$0x1FFB0];
	_ =	sdelay $0x3  }
0x1c9: {  	v6 =	vor.u32 v61, v0  }
0x1ca: {  	v4 =	vsel vm0, v5, v4;
	v5 =	vld [tilespmem:$0x1FE20];
	_ =	sdelay $0x3  }
0x1cb: {  	v35 =	vld.idx.msk [tilespmem:v6+s13+$0x0], $0xffff  }
0x1cc: {  	v44 =	vcombine.low v4, v5  }
0x1cd: {  	v4 =	vadd.s32 v61, v37  }
0x1ce: {  	v5 =	vor.u32 v44, v1;
	_ =	sdelay $0x1  }
0x1cf: {  	v2 =	vadd.f32 v35, v2;
	_ =	sdelay $0x1  }
0x1d0: {  	[tilespmem:v4+s14+$0x0] =	vst.idx.msk $0xffff, v2;
	v4 =	vld [tilespmem:$0x1FFC0]  }
0x1d1: {  	v2 =	vld.idx.msk [tilespmem:v5+s11+$0x0], $0xffff  }
0x1d2: {  	v5 =	vld [tilespmem:$0x1FDD0];
	_ =	sdelay $0x3  }
0x1d3: {  	v6 =	vor.u32 v44, v0  }
0x1d4: {  	v4 =	vsel vm0, v5, v4;
	v5 =	vld [tilespmem:$0x1FEB0];
	_ =	sdelay $0x3  }
0x1d5: {  	v35 =	vld.idx.msk [tilespmem:v6+s13+$0x0], $0xffff  }
0x1d6: {  	v45 =	vcombine.low v4, v5  }
0x1d7: {  	v4 =	vadd.s32 v44, v37  }
0x1d8: {  	v5 =	vor.u32 v45, v1;
	_ =	sdelay $0x1  }
0x1d9: {  	v2 =	vadd.f32 v35, v2;
	_ =	sdelay $0x1  }
0x1da: {  	[tilespmem:v4+s14+$0x0] =	vst.idx.msk $0xffff, v2;
	v4 =	vld [tilespmem:$0x1FE50]  }
0x1db: {  	v2 =	vld.idx.msk [tilespmem:v5+s11+$0x0], $0xffff  }
0x1dc: {  	v5 =	vld [tilespmem:$0x1FDE0];
	_ =	sdelay $0x3  }
0x1dd: {  	v6 =	vor.u32 v45, v0  }
0x1de: {  	v4 =	vsel vm0, v4, v5;
	v5 =	vld [tilespmem:$0x1FEF0];
	_ =	sdelay $0x3  }
0x1df: {  	v35 =	vld.idx.msk [tilespmem:v6+s13+$0x0], $0xffff  }
0x1e0: {  	v47 =	vcombine.low v4, v5  }
0x1e1: {  	v4 =	vadd.s32 v45, v37  }
0x1e2: {  	v5 =	vor.u32 v47, v1  }
0x1e3: {  	v6 =	vor.u32 v47, v0  }
0x1e4: {  	v2 =	vadd.f32 v35, v2;
	_ =	sdelay $0x1  }
0x1e5: {  	v35 =	vld [tilespmem:$0x1FE30];
	[tilespmem:v4+s14+$0x0] =	vst.idx.msk $0xffff, v2  }
0x1e6: {  	v2 =	vld.idx.msk [tilespmem:v5+s11+$0x0], $0xffff  }
0x1e7: {  	v3 =	vld.idx.msk [tilespmem:v6+s13+$0x0], $0xffff;
	_ =	sdelay $0x1  }
0x1e8: {  	v4 =	vadd.s32 v47, v37  }
0x1e9: {  	v5 =	vor.u32 v35, v1  }
0x1ea: {  	v6 =	vor.u32 v35, v0  }
0x1eb: {  	v2 =	vadd.f32 v3, v2;
	_ =	sdelay $0x1  }
0x1ec: {  	[tilespmem:v4+s14+$0x0] =	vst.idx.msk $0xffff, v2;
	v4 =	vadd.s32 v35, v37;
	v35 =	vld [tilespmem:$0x1FE40]  }
0x1ed: {  	v2 =	vld.idx.msk [tilespmem:v5+s11+$0x0], $0xffff  }
0x1ee: {  	v3 =	vld.idx.msk [tilespmem:v6+s13+$0x0], $0xffff;
	_ =	sdelay $0x2  }
0x1ef: {  	v5 =	vor.u32 v35, v1  }
0x1f0: {  	v6 =	vor.u32 v35, v0  }
0x1f1: {  	v2 =	vadd.f32 v3, v2;
	_ =	sdelay $0x1  }
0x1f2: {  	[tilespmem:v4+s14+$0x0] =	vst.idx.msk $0xffff, v2;
	v4 =	vadd.s32 v35, v37;
	v35 =	vld [tilespmem:$0x1FE60]  }
0x1f3: {  	v2 =	vld.idx.msk [tilespmem:v5+s11+$0x0], $0xffff  }
0x1f4: {  	v3 =	vld.idx.msk [tilespmem:v6+s13+$0x0], $0xffff;
	_ =	sdelay $0x2  }
0x1f5: {  	v5 =	vor.u32 v35, v1  }
0x1f6: {  	v6 =	vor.u32 v35, v0  }
0x1f7: {  	v2 =	vadd.f32 v3, v2;
	_ =	sdelay $0x1  }
0x1f8: {  	[tilespmem:v4+s14+$0x0] =	vst.idx.msk $0xffff, v2;
	v4 =	vadd.s32 v35, v37;
	v35 =	vld [tilespmem:$0x1FE70]  }
0x1f9: {  	v2 =	vld.idx.msk [tilespmem:v5+s11+$0x0], $0xffff  }
0x1fa: {  	v3 =	vld.idx.msk [tilespmem:v6+s13+$0x0], $0xffff;
	_ =	sdelay $0x2  }
0x1fb: {  	v5 =	vor.u32 v35, v1  }
0x1fc: {  	v6 =	vor.u32 v35, v0  }
0x1fd: {  	v2 =	vadd.f32 v3, v2;
	_ =	sdelay $0x1  }
0x1fe: {  	[tilespmem:v4+s14+$0x0] =	vst.idx.msk $0xffff, v2;
	v4 =	vadd.s32 v35, v37;
	v35 =	vld [tilespmem:$0x1FE80]  }
0x1ff: {  	v2 =	vld.idx.msk [tilespmem:v5+s11+$0x0], $0xffff  }
0x200: {  	v3 =	vld.idx.msk [tilespmem:v6+s13+$0x0], $0xffff;
	_ =	sdelay $0x2  }
0x201: {  	v5 =	vor.u32 v35, v1  }
0x202: {  	v6 =	vor.u32 v35, v0  }
0x203: {  	v2 =	vadd.f32 v3, v2;
	_ =	sdelay $0x1  }
0x204: {  	[tilespmem:v4+s14+$0x0] =	vst.idx.msk $0xffff, v2;
	v4 =	vadd.s32 v35, v37;
	v35 =	vld [tilespmem:$0x1FE90]  }
0x205: {  	v2 =	vld.idx.msk [tilespmem:v5+s11+$0x0], $0xffff  }
0x206: {  	v3 =	vld.idx.msk [tilespmem:v6+s13+$0x0], $0xffff;
	_ =	sdelay $0x2  }
0x207: {  	v5 =	vor.u32 v35, v1  }
0x208: {  	v6 =	vor.u32 v35, v0  }
0x209: {  	v2 =	vadd.f32 v3, v2;
	_ =	sdelay $0x1  }
0x20a: {  	[tilespmem:v4+s14+$0x0] =	vst.idx.msk $0xffff, v2  }
0x20b: {  	v2 =	vld.idx.msk [tilespmem:v5+s11+$0x0], $0xffff  }
0x20c: {  	v3 =	vld.idx.msk [tilespmem:v6+s13+$0x0], $0xffff;
	_ =	sdelay $0x1  }
0x20d: {  	v4 =	vadd.s32 v35, v37  }
0x20e: {  	v1 =	vor.u32 v41, v1  }
0x20f: {  	v0 =	vor.u32 v41, v0  }
0x210: {  	v2 =	vadd.f32 v3, v2;
	_ =	sdelay $0x1  }
0x211: {  	[tilespmem:v4+s14+$0x0] =	vst.idx.msk $0xffff, v2  }
0x212: {  	v1 =	vld.idx.msk [tilespmem:v1+s11+$0x0], $0xffff  }
0x213: {  	v0 =	vld.idx.msk [tilespmem:v0+s13+$0x0], $0xffff;
	_ =	sdelay $0x1  }
0x214: {  	p0 =	sne.s32 s0, $0xC0;
	v37 =	vadd.s32 v41, v37  }
.Ltmp0:
0x215: {  	_ = 	snop;
	(pc) =	sbr.rel @p0 .LBB2_2-.Ltmp0, $3  }
0x216: {  	_ = 	snop  }
0x217: {  	v0 =	vadd.f32 v0, v1;
	_ =	sdelay $0x1  }
0x218: {  	s0 =	sadd.s32 $0x10, s0;
	[tilespmem:v37+s14+$0x0] =	vst.idx.msk $0xffff, v0  }
0x219: {  	[tilespmem:$0x1FD90] =	vst v47  }
0x21a: {  	[tilespmem:$0x1FDA0] =	vst v45  }
0x21b: {  	[tilespmem:$0x1FDB0] =	vst v44  }
0x21c: {  	[tilespmem:$0x1FDC0] =	vst v61;
	s0 =	simm.s32 $0x0  }
.LBB2_4:
0x21d: {  	s1 =	sshll.u32 s0, $0xA  }
0x21e: {  	s1 =	sadd.s32 s9, s1  }
0x21f: {  	s18 =	rddreg [dreg:$0x0];
	s3 =	sshrl.u32 s1, $0x3  }
0x220: {  	s18 =	sadd.s32 s18, s3  }
0x221: {  	[tilespmem:s15], [sflag:$0x4] =	stream.linear.gather [hbm4b:s18+s11], $0x400, $0x38;
	[tilespmem:$0x14B50] =	vst v63  }
0x222: {  	_ =	swait.ge [sflag:s12], $0x400  }
0x223: {  	[sflag:s12] =	ssyncset.done $0x0  }
0x224: {  	[sflag:s12] =	ssyncadd.s32 $0xFFFFFC00  }
0x225: {  	[tilespmem:s17], [sflag:$0x1] =	stream.indirect.gather [hbm4b:s6+s16], $0x40, s15, s16, $0xb8;
	[tilespmem:$0x14B50] =	vst v63  }
0x226: {  	s19 =	simm.s32 $0x6B50;
	s18 =	simm.s32 $0x43D0  }
0x227: {  	[tilespmem:s19], [sflag:$0x1] =	stream.indirect.gather [hbm4b:s6+s16], $0x40, s18, s16, $0xb8;
	[tilespmem:$0x14B50] =	vst v63  }
0x228: {  	_ = 	snop  }
0x229: {  	[tilespmem:s21], [sflag:$0x1] =	stream.indirect.gather [hbm4b:s6+s16], $0x40, s20, s16, $0xb8;
	[tilespmem:$0x14B50] =	vst v63  }
0x22a: {  	_ = 	snop  }
0x22b: {  	[tilespmem:s23], [sflag:$0x1] =	stream.indirect.gather [hbm4b:s6+s16], $0x40, s22, s16, $0xb8;
	[tilespmem:$0x14B50] =	vst v63  }
0x22c: {  	_ = 	snop  }
0x22d: {  	[tilespmem:s25], [sflag:$0x2] =	stream.indirect.gather [hbm4b:s6+s16], $0x40, s24, s16, $0xb8;
	[tilespmem:$0x14B50] =	vst v63  }
0x22e: {  	_ = 	snop  }
0x22f: {  	[tilespmem:s28], [sflag:$0x2] =	stream.indirect.gather [hbm4b:s6+s16], $0x40, s26, s16, $0xb8;
	[tilespmem:$0x14B50] =	vst v63  }
0x230: {  	_ = 	snop  }
0x231: {  	[tilespmem:s30], [sflag:$0x2] =	stream.indirect.gather [hbm4b:s6+s16], $0x40, s29, s16, $0xb8;
	[tilespmem:$0x14B50] =	vst v63  }
0x232: {  	s19 =	rddreg [dreg:$0x1]  }
0x233: {  	[tilespmem:s2], [sflag:$0x2] =	stream.indirect.gather [hbm4b:s6+s16], $0x40, s31, s16, $0xb8;
	[tilespmem:$0x14B50] =	vst v63  }
0x234: {  	s18 =	sadd.s32 s19, s3;
	s3 =	simm.s32 $0x4750  }
0x235: {  	[tilespmem:s3], [sflag:$0x4] =	stream.linear.gather [hbm4b:s18+s11], $0x400, $0x38;
	[tilespmem:$0x14B50] =	vst v63  }
0x236: {  	_ =	swait.ge [sflag:s12], $0x400  }
0x237: {  	[sflag:s12] =	ssyncset.done $0x0  }
0x238: {  	[sflag:s12] =	ssyncadd.s32 $0xFFFFFC00  }
0x239: {  	_ =	swait.ge [sflag:s5], $0x2000  }
0x23a: {  	[sflag:s5] =	ssyncset.done $0x0  }
0x23b: {  	[sflag:s5] =	ssyncadd.s32 $0xFFFFE000  }
0x23c: {  	_ =	swait.ge [sflag:s5], $0x2000  }
0x23d: {  	[sflag:s5] =	ssyncset.done $0x0  }
0x23e: {  	[sflag:s5] =	ssyncadd.s32 $0xFFFFE000  }
0x23f: {  	_ =	swait.ge [sflag:s5], $0x2000  }
0x240: {  	[sflag:s5] =	ssyncset.done $0x0  }
0x241: {  	[sflag:s5] =	ssyncadd.s32 $0xFFFFE000  }
0x242: {  	_ =	swait.ge [sflag:s5], $0x2000  }
0x243: {  	[sflag:s5] =	ssyncset.done $0x0  }
0x244: {  	[sflag:s5] =	ssyncadd.s32 $0xFFFFE000  }
0x245: {  	v0 =	vld [tilespmem:s3+$0x0];
	_ =	sdelay $0x4  }
0x246: {  	v0 =	vmul.u32 $0x41, v0;
	_ =	sdelay $0x1  }
0x247: {  	v1 =	vadd.s32 v48, v0  }
0x248: {  	v61 =	vld [tilespmem:$0x1FEC0];
	v2 =	vadd.s32 v14, v0  }
0x249: {  	v62 =	vld [tilespmem:$0x1FEA0];
	v3 =	vadd.s32 v15, v0  }
0x24a: {  	v45 =	vld [tilespmem:$0x1FF40];
	v4 =	vadd.s32 v46, v0  }
0x24b: {  	v47 =	vld [tilespmem:$0x1FF60];
	v39 =	vadd.s32 v12, v0  }
0x24c: {  	v6 =	vmov s11;
	v7 =	vmul.u32 $0x40, v15;
	v38 =	vadd.s32 v25, v0;
	v35 =	vld.idx.msk [tilespmem:v1+s14+$0x0], $0xffff  }
0x24d: {  	v5 =	vadd.s32 v19, v0;
	v1 =	vshll.u32 v6, $0x6;
	v37 =	vld.idx.msk [tilespmem:v2+s14+$0x0], $0xffff  }
0x24e: {  	v6 =	vadd.s32 v13, v0;
	v40 =	vld.idx.msk [tilespmem:v3+s14+$0x0], $0xffff;
	v1 =	vor.u32 v7, v1  }
0x24f: {  	v41 =	vld.idx.msk [tilespmem:v4+s14+$0x0], $0xffff;
	v2 =	vor.u32 v15, v1  }
0x250: {  	v56 =	vld.idx.msk [tilespmem:v39+s14+$0x0], $0xffff;
	v3 =	vor.u32 v46, v1  }
0x251: {  	[tilespmem:$0x1FD80] =	vst v7;
	v7 =	vld.idx.msk [tilespmem:v38+s14+$0x0], $0xffff;
	v4 =	vor.u32 v25, v1  }
0x252: {  	v42 =	vld.idx.msk [tilespmem:v5+s14+$0x0], $0xffff;
	v5 =	vor.u32 v14, v1  }
0x253: {  	v59 =	vld.idx.msk [tilespmem:v6+s14+$0x0], $0xffff;
	v6 =	vor.u32 v19, v1  }
0x254: {  	[tilespmem:v2+s17+$0x0] =	vst.idx.add.f32.msk $0xffff, v40;
	v2 =	vor.u32 v12, v1  }
0x255: {  	[tilespmem:v3+s17+$0x0] =	vst.idx.add.f32.msk $0xffff, v41  }
0x256: {  	v3 =	vor.u32 v13, v1;
	[tilespmem:v4+s17+$0x0] =	vst.idx.add.f32.msk $0xffff, v7  }
0x257: {  	[tilespmem:v5+s17+$0x0] =	vst.idx.add.f32.msk $0xffff, v37  }
0x258: {  	v4 =	vor.u32 v48, v1;
	[tilespmem:v6+s17+$0x0] =	vst.idx.add.f32.msk $0xffff, v42  }
0x259: {  	v5 =	vadd.s32 v18, v0;
	[tilespmem:v2+s17+$0x0] =	vst.idx.add.f32.msk $0xffff, v56  }
0x25a: {  	v6 =	vadd.s32 v17, v0;
	v56 =	vld [tilespmem:$0x1FF70]  }
0x25b: {  	v2 =	vadd.s32 v16, v0;
	[tilespmem:v3+s17+$0x0] =	vst.idx.add.f32.msk $0xffff, v59  }
0x25c: {  	v3 =	vadd.s32 v11, v0;
	v59 =	vld [tilespmem:$0x1FF00]  }
0x25d: {  	[tilespmem:v4+s17+$0x0] =	vst.idx.add.f32.msk $0xffff, v35;
	v4 =	vadd.s32 v20, v0  }
0x25e: {  	v7 =	vadd.s32 v21, v0;
	v35 =	vld.idx.msk [tilespmem:v5+s14+$0x0], $0xffff  }
0x25f: {  	v5 =	vadd.s32 v23, v0;
	v38 =	vld.idx.msk [tilespmem:v6+s14+$0x0], $0xffff  }
0x260: {  	v42 =	vld.idx.msk [tilespmem:v2+s14+$0x0], $0xffff;
	v2 =	vadd.s32 v22, v0  }
0x261: {  	v39 =	vld.idx.msk [tilespmem:v3+s14+$0x0], $0xffff;
	v3 =	vor.u32 v16, v1  }
0x262: {  	v40 =	vld.idx.msk [tilespmem:v4+s14+$0x0], $0xffff;
	v4 =	vor.u32 v17, v1  }
0x263: {  	v41 =	vld.idx.msk [tilespmem:v7+s14+$0x0], $0xffff;
	v6 =	vor.u32 v18, v1  }
0x264: {  	v37 =	vld.idx.msk [tilespmem:v5+s14+$0x0], $0xffff;
	v5 =	vor.u32 v11, v1  }
0x265: {  	v7 =	vld.idx.msk [tilespmem:v2+s14+$0x0], $0xffff;
	v2 =	vor.u32 v20, v1  }
0x266: {  	[tilespmem:v3+s17+$0x0] =	vst.idx.add.f32.msk $0xffff, v42;
	v3 =	vor.u32 v21, v1  }
0x267: {  	[tilespmem:v4+s17+$0x0] =	vst.idx.add.f32.msk $0xffff, v38;
	v4 =	vor.u32 v22, v1  }
0x268: {  	[tilespmem:v6+s17+$0x0] =	vst.idx.add.f32.msk $0xffff, v35;
	v6 =	vor.u32 v23, v1  }
0x269: {  	[tilespmem:v5+s17+$0x0] =	vst.idx.add.f32.msk $0xffff, v39;
	v5 =	vadd.s32 v26, v0  }
0x26a: {  	[tilespmem:v2+s17+$0x0] =	vst.idx.add.f32.msk $0xffff, v40;
	v2 =	vadd.s32 v33, v0  }
0x26b: {  	[tilespmem:v3+s17+$0x0] =	vst.idx.add.f32.msk $0xffff, v41;
	v3 =	vadd.s32 v24, v0  }
0x26c: {  	[tilespmem:v4+s17+$0x0] =	vst.idx.add.f32.msk $0xffff, v7;
	v4 =	vadd.s32 v27, v0  }
0x26d: {  	v7 =	vadd.s32 v29, v0;
	[tilespmem:v6+s17+$0x0] =	vst.idx.add.f32.msk $0xffff, v37  }
0x26e: {  	v6 =	vadd.s32 v28, v0;
	v35 =	vld.idx.msk [tilespmem:v5+s14+$0x0], $0xffff  }
0x26f: {  	v37 =	vld.idx.msk [tilespmem:v2+s14+$0x0], $0xffff;
	v2 =	vadd.s32 v30, v0  }
0x270: {  	v42 =	vld.idx.msk [tilespmem:v3+s14+$0x0], $0xffff;
	v3 =	vadd.s32 v31, v0  }
0x271: {  	v38 =	vld.idx.msk [tilespmem:v4+s14+$0x0], $0xffff;
	v4 =	vor.u32 v24, v1  }
0x272: {  	v5 =	vor.u32 v33, v1;
	v7 =	vld.idx.msk [tilespmem:v7+s14+$0x0], $0xffff  }
0x273: {  	v39 =	vld.idx.msk [tilespmem:v6+s14+$0x0], $0xffff;
	v6 =	vor.u32 v26, v1  }
0x274: {  	v40 =	vld.idx.msk [tilespmem:v2+s14+$0x0], $0xffff;
	v2 =	vor.u32 v27, v1  }
0x275: {  	v41 =	vld.idx.msk [tilespmem:v3+s14+$0x0], $0xffff;
	v3 =	vor.u32 v28, v1  }
0x276: {  	[tilespmem:v4+s17+$0x0] =	vst.idx.add.f32.msk $0xffff, v42;
	v4 =	vor.u32 v29, v1  }
0x277: {  	[tilespmem:v5+s17+$0x0] =	vst.idx.add.f32.msk $0xffff, v37;
	v5 =	vor.u32 v30, v1  }
0x278: {  	[tilespmem:v6+s17+$0x0] =	vst.idx.add.f32.msk $0xffff, v35;
	v6 =	vor.u32 v31, v1  }
0x279: {  	[tilespmem:v2+s17+$0x0] =	vst.idx.add.f32.msk $0xffff, v38;
	v2 =	vadd.s32 v50, v0  }
0x27a: {  	[tilespmem:v3+s17+$0x0] =	vst.idx.add.f32.msk $0xffff, v39;
	v3 =	vadd.s32 v9, v0  }
0x27b: {  	[tilespmem:v4+s17+$0x0] =	vst.idx.add.f32.msk $0xffff, v7;
	v4 =	vadd.s32 v32, v0  }
0x27c: {  	v7 =	vadd.s32 v63, v0;
	[tilespmem:v5+s17+$0x0] =	vst.idx.add.f32.msk $0xffff, v40  }
0x27d: {  	v5 =	vadd.s32 v36, v0;
	[tilespmem:v6+s17+$0x0] =	vst.idx.add.f32.msk $0xffff, v41  }
0x27e: {  	v6 =	vadd.s32 v51, v0;
	v35 =	vld.idx.msk [tilespmem:v2+s14+$0x0], $0xffff  }
0x27f: {  	v2 =	vadd.s32 v8, v0;
	v38 =	vld.idx.msk [tilespmem:v3+s14+$0x0], $0xffff  }
0x280: {  	v3 =	vadd.s32 v57, v0;
	v42 =	vld.idx.msk [tilespmem:v4+s14+$0x0], $0xffff  }
0x281: {  	v4 =	vor.u32 v32, v1;
	v41 =	vld.idx.msk [tilespmem:v7+s14+$0x0], $0xffff  }
0x282: {  	v39 =	vld.idx.msk [tilespmem:v5+s14+$0x0], $0xffff;
	v5 =	vor.u32 v9, v1  }
0x283: {  	v40 =	vld.idx.msk [tilespmem:v6+s14+$0x0], $0xffff;
	v6 =	vor.u32 v50, v1  }
0x284: {  	v37 =	vld.idx.msk [tilespmem:v2+s14+$0x0], $0xffff;
	v2 =	vor.u32 v36, v1  }
0x285: {  	v7 =	vld.idx.msk [tilespmem:v3+s14+$0x0], $0xffff  }
0x286: {  	v3 =	vor.u32 v51, v1;
	[tilespmem:v4+s17+$0x0] =	vst.idx.add.f32.msk $0xffff, v42  }
0x287: {  	v4 =	vor.u32 v63, v1;
	[tilespmem:v5+s17+$0x0] =	vst.idx.add.f32.msk $0xffff, v38  }
0x288: {  	v5 =	vor.u32 v57, v1;
	[tilespmem:v6+s17+$0x0] =	vst.idx.add.f32.msk $0xffff, v35  }
0x289: {  	v6 =	vor.u32 v8, v1;
	[tilespmem:v2+s17+$0x0] =	vst.idx.add.f32.msk $0xffff, v39  }
0x28a: {  	v2 =	vadd.s32 v52, v0;
	v39 =	vld [tilespmem:$0x1FF50]  }
0x28b: {  	[tilespmem:v3+s17+$0x0] =	vst.idx.add.f32.msk $0xffff, v40;
	v3 =	vadd.s32 v49, v0  }
0x28c: {  	[tilespmem:v4+s17+$0x0] =	vst.idx.add.f32.msk $0xffff, v41;
	v4 =	vadd.s32 v10, v0  }
0x28d: {  	[tilespmem:v5+s17+$0x0] =	vst.idx.add.f32.msk $0xffff, v7;
	v5 =	vadd.s32 v53, v0  }
0x28e: {  	v7 =	vadd.s32 v58, v0;
	[tilespmem:v6+s17+$0x0] =	vst.idx.add.f32.msk $0xffff, v37  }
0x28f: {  	v35 =	vld.idx.msk [tilespmem:v2+s14+$0x0], $0xffff  }
0x290: {  	v6 =	vadd.s32 v54, v0;
	v40 =	vld.idx.msk [tilespmem:v3+s14+$0x0], $0xffff  }
0x291: {  	v2 =	vadd.s32 v61, v0;
	v43 =	vld.idx.msk [tilespmem:v4+s14+$0x0], $0xffff  }
0x292: {  	v3 =	vadd.s32 v62, v0;
	v41 =	vld.idx.msk [tilespmem:v5+s14+$0x0], $0xffff  }
0x293: {  	v4 =	vor.u32 v10, v1;
	v44 =	vld.idx.msk [tilespmem:v7+s14+$0x0], $0xffff  }
0x294: {  	v5 =	vor.u32 v49, v1;
	v49 =	vld [tilespmem:$0x1FEE0]  }
0x295: {  	v42 =	vld.idx.msk [tilespmem:v6+s14+$0x0], $0xffff  }
0x296: {  	v37 =	vld.idx.msk [tilespmem:v2+s14+$0x0], $0xffff  }
0x297: {  	v7 =	vld.idx.msk [tilespmem:v3+s14+$0x0], $0xffff  }
0x298: {  	v6 =	vor.u32 v52, v1;
	[tilespmem:v4+s17+$0x0] =	vst.idx.add.f32.msk $0xffff, v43  }
0x299: {  	v2 =	vor.u32 v53, v1;
	v43 =	vld [tilespmem:$0x1FF10]  }
0x29a: {  	v3 =	vor.u32 v54, v1;
	v4 =	vor.u32 v58, v1;
	v58 =	vld [tilespmem:$0x1FF30]  }
0x29b: {  	[tilespmem:v5+s17+$0x0] =	vst.idx.add.f32.msk $0xffff, v40  }
0x29c: {  	v40 =	vld [tilespmem:$0x1FF20]  }
0x29d: {  	v5 =	vor.u32 v62, v1;
	[tilespmem:v6+s17+$0x0] =	vst.idx.add.f32.msk $0xffff, v35  }
0x29e: {  	v6 =	vor.u32 v61, v1;
	[tilespmem:v2+s17+$0x0] =	vst.idx.add.f32.msk $0xffff, v41  }
0x29f: {  	[tilespmem:v3+s17+$0x0] =	vst.idx.add.f32.msk $0xffff, v42;
	v3 =	vadd.s32 v59, v0  }
0x2a0: {  	v2 =	vadd.s32 v43, v0;
	[tilespmem:v4+s17+$0x0] =	vst.idx.add.f32.msk $0xffff, v44  }
0x2a1: {  	v4 =	vadd.s32 v49, v0;
	v44 =	vld [tilespmem:$0x1FE00]  }
0x2a2: {  	[tilespmem:v5+s17+$0x0] =	vst.idx.add.f32.msk $0xffff, v7;
	v5 =	vadd.s32 v39, v0  }
0x2a3: {  	v7 =	vadd.s32 v58, v0;
	[tilespmem:v6+s17+$0x0] =	vst.idx.add.f32.msk $0xffff, v37  }
0x2a4: {  	v6 =	vadd.s32 v40, v0;
	v41 =	vld.idx.msk [tilespmem:v3+s14+$0x0], $0xffff  }
0x2a5: {  	v3 =	vadd.s32 v47, v0;
	v37 =	vld.idx.msk [tilespmem:v2+s14+$0x0], $0xffff  }
0x2a6: {  	v2 =	vadd.s32 v45, v0;
	v55 =	vld.idx.msk [tilespmem:v4+s14+$0x0], $0xffff  }
0x2a7: {  	v4 =	vor.u32 v49, v1;
	v35 =	vld.idx.msk [tilespmem:v5+s14+$0x0], $0xffff  }
0x2a8: {  	v7 =	vld.idx.msk [tilespmem:v7+s14+$0x0], $0xffff  }
0x2a9: {  	v5 =	vor.u32 v59, v1;
	v61 =	vld.idx.msk [tilespmem:v6+s14+$0x0], $0xffff  }
0x2aa: {  	v6 =	vor.u32 v43, v1;
	v42 =	vld.idx.msk [tilespmem:v3+s14+$0x0], $0xffff  }
0x2ab: {  	v62 =	vld.idx.msk [tilespmem:v2+s14+$0x0], $0xffff;
	v2 =	vor.u32 v40, v1  }
0x2ac: {  	v3 =	vor.u32 v58, v1;
	[tilespmem:v4+s17+$0x0] =	vst.idx.add.f32.msk $0xffff, v55  }
0x2ad: {  	v4 =	vor.u32 v45, v1;
	v40 =	vld [tilespmem:$0x1FDF0]  }
0x2ae: {  	[tilespmem:v5+s17+$0x0] =	vst.idx.add.f32.msk $0xffff, v41  }
0x2af: {  	v5 =	vor.u32 v39, v1;
	[tilespmem:v6+s17+$0x0] =	vst.idx.add.f32.msk $0xffff, v37  }
0x2b0: {  	[tilespmem:v2+s17+$0x0] =	vst.idx.add.f32.msk $0xffff, v61  }
0x2b1: {  	v6 =	vor.u32 v47, v1;
	[tilespmem:v3+s17+$0x0] =	vst.idx.add.f32.msk $0xffff, v7  }
0x2b2: {  	v2 =	vadd.s32 v34, v0;
	[tilespmem:v4+s17+$0x0] =	vst.idx.add.f32.msk $0xffff, v62  }
0x2b3: {  	v62 =	vld [tilespmem:$0x1FDA0]  }
0x2b4: {  	[tilespmem:v5+s17+$0x0] =	vst.idx.add.f32.msk $0xffff, v35  }
0x2b5: {  	v3 =	vadd.s32 v60, v0;
	v35 =	vld [tilespmem:$0x1FDB0]  }
0x2b6: {  	[tilespmem:v6+s17+$0x0] =	vst.idx.add.f32.msk $0xffff, v42  }
0x2b7: {  	v4 =	vadd.s32 v56, v0;
	v37 =	vld.idx.msk [tilespmem:v2+s14+$0x0], $0xffff  }
0x2b8: {  	v5 =	vadd.s32 v40, v0;
	v2 =	vld [tilespmem:$0x1FDC0]  }
0x2b9: {  	v6 =	vadd.s32 v44, v0  }
0x2ba: {  	v41 =	vld.idx.msk [tilespmem:v3+s14+$0x0], $0xffff;
	v3 =	vadd.s32 v35, v0  }
0x2bb: {  	v49 =	vadd.s32 v62, v0  }
0x2bc: {  	v4 =	vld.idx.msk [tilespmem:v4+s14+$0x0], $0xffff  }
0x2bd: {  	v42 =	vld.idx.msk [tilespmem:v5+s14+$0x0], $0xffff;
	v7 =	vadd.s32 v2, v0  }
0x2be: {  	v55 =	vor.u32 v56, v1;
	v45 =	vld.idx.msk [tilespmem:v6+s14+$0x0], $0xffff  }
0x2bf: {  	v56 =	vor.u32 v60, v1;
	v61 =	vld.idx.msk [tilespmem:v3+s14+$0x0], $0xffff  }
0x2c0: {  	v6 =	vor.u32 v34, v1;
	v3 =	vld.idx.msk [tilespmem:v49+s14+$0x0], $0xffff  }
0x2c1: {  	v5 =	vor.u32 v40, v1;
	v49 =	vld [tilespmem:$0x1FD90]  }
0x2c2: {  	v60 =	vmov v2;
	v2 =	vor.u32 v44, v1;
	v58 =	vld.idx.msk [tilespmem:v7+s14+$0x0], $0xffff  }
0x2c3: {  	[tilespmem:v55+s17+$0x0] =	vst.idx.add.f32.msk $0xffff, v4  }
0x2c4: {  	v4 =	vor.u32 v60, v1;
	[tilespmem:v56+s17+$0x0] =	vst.idx.add.f32.msk $0xffff, v41  }
0x2c5: {  	[tilespmem:v6+s17+$0x0] =	vst.idx.add.f32.msk $0xffff, v37  }
0x2c6: {  	v7 =	vor.u32 v35, v1;
	[tilespmem:v5+s17+$0x0] =	vst.idx.add.f32.msk $0xffff, v42  }
0x2c7: {  	[tilespmem:v2+s17+$0x0] =	vst.idx.add.f32.msk $0xffff, v45  }
0x2c8: {  	v2 =	vld [tilespmem:$0x1FE60]  }
0x2c9: {  	[tilespmem:v4+s17+$0x0] =	vst.idx.add.f32.msk $0xffff, v58  }
0x2ca: {  	v4 =	vld [tilespmem:$0x1FE40]  }
0x2cb: {  	v39 =	vmov v47;
	v47 =	vmov v14;
	[tilespmem:v7+s17+$0x0] =	vst.idx.add.f32.msk $0xffff, v61  }
0x2cc: {  	v44 =	vmovc v25;
	v25 =	vmovc v18;
	v18 =	vmov v10;
	v55 =	vmov v20;
	v20 =	vmov v48;
	v7 =	vld [tilespmem:$0x1FE30]  }
0x2cd: {  	v48 =	vmovc v46;
	v46 =	vmovc v31;
	v31 =	vmov v8;
	v56 =	vmov v12;
	v41 =	vmov v51  }
0x2ce: {  	v6 =	vor.u32 v62, v1;
	v37 =	vmovc v29;
	v29 =	vmovc v57;
	v57 =	vmov v24;
	v24 =	vmov v9  }
0x2cf: {  	v12 =	vmovc v49;
	v42 =	vmovc v13;
	v45 =	vmov v11;
	v61 =	vmov v50;
	v50 =	vmov v19  }
0x2d0: {  	v19 =	vmovc v26;
	v2 =	vadd.s32 v2, v0;
	v5 =	vadd.s32 v4, v0;
	v4 =	vadd.s32 v49, v0  }
0x2d1: {  	s18 =	simm.s32 $0x10;
	v49 =	vmovc v52;
	v52 =	vmovc v53;
	v53 =	vmov v54;
	v54 =	vmov v63;
	v63 =	vld [tilespmem:$0x1FED0];
	v7 =	vadd.s32 v7, v0  }
.LBB2_5:
0x2d2: {  	_ =	sdelay $0x2  }
0x2d3: {  	[tilespmem:v6+s17+$0x0] =	vst.idx.add.f32.msk $0xffff, v3  }
0x2d4: {  	v13 =	vld [tilespmem:$0x1FE70]  }
0x2d5: {  	v14 =	vld [tilespmem:$0x1FE80]  }
0x2d6: {  	v38 =	vld [tilespmem:$0x1FE90]  }
0x2d7: {  	v10 =	vld [tilespmem:$0x1FE30]  }
0x2d8: {  	v11 =	vld [tilespmem:$0x1FE40]  }
0x2d9: {  	v26 =	vld [tilespmem:$0x1FE60];
	v3 =	vadd.s32 v13, v0  }
0x2da: {  	v5 =	vld.idx.msk [tilespmem:v5+s14+$0x0], $0xffff;
	v6 =	vadd.s32 v14, v0  }
0x2db: {  	v7 =	vld.idx.msk [tilespmem:v7+s14+$0x0], $0xffff;
	v8 =	vadd.s32 v38, v0  }
0x2dc: {  	v4 =	vld.idx.msk [tilespmem:v4+s14+$0x0], $0xffff;
	v0 =	vadd.s32 v63, v0  }
0x2dd: {  	v9 =	vor.u32 v12, v1;
	v2 =	vld.idx.msk [tilespmem:v2+s14+$0x0], $0xffff  }
0x2de: {  	v10 =	vor.u32 v10, v1;
	v3 =	vld.idx.msk [tilespmem:v3+s14+$0x0], $0xffff  }
0x2df: {  	v11 =	vor.u32 v11, v1;
	v6 =	vld.idx.msk [tilespmem:v6+s14+$0x0], $0xffff  }
0x2e0: {  	v12 =	vor.u32 v26, v1;
	v8 =	vld.idx.msk [tilespmem:v8+s14+$0x0], $0xffff  }
0x2e1: {  	v13 =	vor.u32 v13, v1;
	v0 =	vld.idx.msk [tilespmem:v0+s14+$0x0], $0xffff  }
0x2e2: {  	v14 =	vor.u32 v14, v1;
	[tilespmem:v9+s17+$0x0] =	vst.idx.add.f32.msk $0xffff, v4  }
0x2e3: {  	v4 =	vor.u32 v38, v1;
	[tilespmem:v10+s17+$0x0] =	vst.idx.add.f32.msk $0xffff, v7  }
0x2e4: {  	v1 =	vor.u32 v63, v1;
	[tilespmem:v11+s17+$0x0] =	vst.idx.add.f32.msk $0xffff, v5  }
0x2e5: {  	[tilespmem:v12+s17+$0x0] =	vst.idx.add.f32.msk $0xffff, v2  }
0x2e6: {  	[tilespmem:v13+s17+$0x0] =	vst.idx.add.f32.msk $0xffff, v3  }
0x2e7: {  	[tilespmem:v14+s17+$0x0] =	vst.idx.add.f32.msk $0xffff, v6  }
0x2e8: {  	[tilespmem:v4+s17+$0x0] =	vst.idx.add.f32.msk $0xffff, v8  }
0x2e9: {  	s3 =	sadd.s32 $0x10, s3;
	[tilespmem:v1+s17+$0x0] =	vst.idx.add.f32.msk $0xffff, v0  }
0x2ea: {  	v0 =	vld [tilespmem:s3+$0x0];
	_ =	sdelay $0x4  }
0x2eb: {  	v0 =	vmul.u32 $0x41, v0;
	_ =	sdelay $0x1  }
0x2ec: {  	v1 =	vadd.s32 v15, v0;
	_ =	sdelay $0x3  }
0x2ed: {  	v51 =	vmov v43;
	v43 =	vld [tilespmem:$0x1FEC0]  }
0x2ee: {  	v4 =	vadd.s32 v20, v0;
	v11 =	vld.idx.msk [tilespmem:v1+s14+$0x0], $0xffff  }
0x2ef: {  	v6 =	vadd.s32 v47, v0;
	v1 =	vld [tilespmem:$0x1FD80]  }
0x2f0: {  	v40 =	vmov v59;
	v59 =	vld [tilespmem:$0x1FEA0];
	v5 =	vadd.s32 v48, v0  }
0x2f1: {  	s19 =	smov.u32 s18;
	v58 =	vmov v39;
	v39 =	vld [tilespmem:$0x1FF50];
	v7 =	vadd.s32 v44, v0  }
0x2f2: {  	v9 =	vmov s19;
	v38 =	vld [tilespmem:$0x1FFD0];
	v10 =	vadd.s32 v56, v0  }
0x2f3: {  	v9 =	vshll.u32 v9, $0x6;
	v8 =	vadd.s32 v50, v0;
	v4 =	vld.idx.msk [tilespmem:v4+s14+$0x0], $0xffff  }
0x2f4: {  	v3 =	vadd.s32 v42, v0;
	v6 =	vld.idx.msk [tilespmem:v6+s14+$0x0], $0xffff;
	v1 =	vor.u32 v1, v9  }
0x2f5: {  	v5 =	vld.idx.msk [tilespmem:v5+s14+$0x0], $0xffff;
	v9 =	vor.u32 v15, v1  }
0x2f6: {  	v7 =	vld.idx.msk [tilespmem:v7+s14+$0x0], $0xffff;
	v12 =	vor.u32 v48, v1  }
0x2f7: {  	v10 =	vld.idx.msk [tilespmem:v10+s14+$0x0], $0xffff;
	v13 =	vor.u32 v44, v1  }
0x2f8: {  	v8 =	vld.idx.msk [tilespmem:v8+s14+$0x0], $0xffff;
	v14 =	vor.u32 v47, v1  }
0x2f9: {  	v3 =	vld.idx.msk [tilespmem:v3+s14+$0x0], $0xffff;
	v15 =	vor.u32 v50, v1  }
0x2fa: {  	[tilespmem:v9+s17+$0x0] =	vst.idx.add.f32.msk $0xffff, v11;
	v9 =	vor.u32 v56, v1  }
0x2fb: {  	[tilespmem:v12+s17+$0x0] =	vst.idx.add.f32.msk $0xffff, v5;
	v5 =	vor.u32 v42, v1  }
0x2fc: {  	[tilespmem:v13+s17+$0x0] =	vst.idx.add.f32.msk $0xffff, v7;
	v7 =	vor.u32 v20, v1  }
0x2fd: {  	[tilespmem:v14+s17+$0x0] =	vst.idx.add.f32.msk $0xffff, v6;
	v6 =	vadd.s32 v25, v0  }
0x2fe: {  	[tilespmem:v15+s17+$0x0] =	vst.idx.add.f32.msk $0xffff, v8;
	v8 =	vadd.s32 v17, v0  }
0x2ff: {  	[tilespmem:v9+s17+$0x0] =	vst.idx.add.f32.msk $0xffff, v10;
	v9 =	vadd.s32 v16, v0  }
0x300: {  	v10 =	vadd.s32 v22, v0;
	[tilespmem:v5+s17+$0x0] =	vst.idx.add.f32.msk $0xffff, v3  }
0x301: {  	v3 =	vadd.s32 v45, v0;
	[tilespmem:v7+s17+$0x0] =	vst.idx.add.f32.msk $0xffff, v4  }
0x302: {  	v4 =	vadd.s32 v55, v0;
	v5 =	vld.idx.msk [tilespmem:v6+s14+$0x0], $0xffff  }
0x303: {  	v6 =	vadd.s32 v21, v0;
	v7 =	vld.idx.msk [tilespmem:v8+s14+$0x0], $0xffff  }
0x304: {  	v8 =	vadd.s32 v23, v0;
	v9 =	vld.idx.msk [tilespmem:v9+s14+$0x0], $0xffff  }
0x305: {  	v11 =	vor.u32 v16, v1;
	v10 =	vld.idx.msk [tilespmem:v10+s14+$0x0], $0xffff  }
0x306: {  	v12 =	vor.u32 v17, v1;
	v3 =	vld.idx.msk [tilespmem:v3+s14+$0x0], $0xffff  }
0x307: {  	v13 =	vor.u32 v25, v1;
	v4 =	vld.idx.msk [tilespmem:v4+s14+$0x0], $0xffff  }
0x308: {  	v14 =	vor.u32 v45, v1;
	v6 =	vld.idx.msk [tilespmem:v6+s14+$0x0], $0xffff  }
0x309: {  	v15 =	vor.u32 v55, v1;
	v8 =	vld.idx.msk [tilespmem:v8+s14+$0x0], $0xffff  }
0x30a: {  	[tilespmem:v11+s17+$0x0] =	vst.idx.add.f32.msk $0xffff, v9;
	v9 =	vor.u32 v21, v1  }
0x30b: {  	[tilespmem:v12+s17+$0x0] =	vst.idx.add.f32.msk $0xffff, v7;
	v7 =	vor.u32 v22, v1  }
0x30c: {  	[tilespmem:v13+s17+$0x0] =	vst.idx.add.f32.msk $0xffff, v5;
	v5 =	vor.u32 v23, v1  }
0x30d: {  	[tilespmem:v14+s17+$0x0] =	vst.idx.add.f32.msk $0xffff, v3;
	v3 =	vadd.s32 v19, v0  }
0x30e: {  	[tilespmem:v15+s17+$0x0] =	vst.idx.add.f32.msk $0xffff, v4;
	v4 =	vadd.s32 v33, v0  }
0x30f: {  	[tilespmem:v9+s17+$0x0] =	vst.idx.add.f32.msk $0xffff, v6;
	v6 =	vadd.s32 v57, v0  }
0x310: {  	v9 =	vadd.s32 v30, v0;
	[tilespmem:v7+s17+$0x0] =	vst.idx.add.f32.msk $0xffff, v10  }
0x311: {  	v7 =	vadd.s32 v27, v0;
	[tilespmem:v5+s17+$0x0] =	vst.idx.add.f32.msk $0xffff, v8  }
0x312: {  	v10 =	vadd.s32 v46, v0;
	v3 =	vld.idx.msk [tilespmem:v3+s14+$0x0], $0xffff  }
0x313: {  	v5 =	vadd.s32 v28, v0;
	v4 =	vld.idx.msk [tilespmem:v4+s14+$0x0], $0xffff  }
0x314: {  	v8 =	vadd.s32 v37, v0;
	v6 =	vld.idx.msk [tilespmem:v6+s14+$0x0], $0xffff  }
0x315: {  	v11 =	vor.u32 v57, v1;
	v9 =	vld.idx.msk [tilespmem:v9+s14+$0x0], $0xffff  }
0x316: {  	v12 =	vor.u32 v33, v1;
	v7 =	vld.idx.msk [tilespmem:v7+s14+$0x0], $0xffff  }
0x317: {  	v13 =	vor.u32 v19, v1;
	v10 =	vld.idx.msk [tilespmem:v10+s14+$0x0], $0xffff  }
0x318: {  	v14 =	vor.u32 v27, v1;
	v5 =	vld.idx.msk [tilespmem:v5+s14+$0x0], $0xffff  }
0x319: {  	v15 =	vor.u32 v28, v1;
	v8 =	vld.idx.msk [tilespmem:v8+s14+$0x0], $0xffff  }
0x31a: {  	[tilespmem:v11+s17+$0x0] =	vst.idx.add.f32.msk $0xffff, v6;
	v6 =	vor.u32 v37, v1  }
0x31b: {  	[tilespmem:v12+s17+$0x0] =	vst.idx.add.f32.msk $0xffff, v4;
	v4 =	vor.u32 v30, v1  }
0x31c: {  	[tilespmem:v13+s17+$0x0] =	vst.idx.add.f32.msk $0xffff, v3;
	v3 =	vor.u32 v46, v1  }
0x31d: {  	[tilespmem:v14+s17+$0x0] =	vst.idx.add.f32.msk $0xffff, v7;
	v7 =	vadd.s32 v61, v0  }
0x31e: {  	[tilespmem:v15+s17+$0x0] =	vst.idx.add.f32.msk $0xffff, v5;
	v5 =	vadd.s32 v24, v0  }
0x31f: {  	[tilespmem:v6+s17+$0x0] =	vst.idx.add.f32.msk $0xffff, v8;
	v6 =	vadd.s32 v32, v0  }
0x320: {  	v8 =	vadd.s32 v54, v0;
	[tilespmem:v4+s17+$0x0] =	vst.idx.add.f32.msk $0xffff, v9  }
0x321: {  	v4 =	vadd.s32 v36, v0;
	[tilespmem:v3+s17+$0x0] =	vst.idx.add.f32.msk $0xffff, v10  }
0x322: {  	v9 =	vadd.s32 v31, v0;
	v7 =	vld.idx.msk [tilespmem:v7+s14+$0x0], $0xffff  }
0x323: {  	v3 =	vadd.s32 v41, v0;
	v5 =	vld.idx.msk [tilespmem:v5+s14+$0x0], $0xffff  }
0x324: {  	v10 =	vadd.s32 v29, v0;
	v6 =	vld.idx.msk [tilespmem:v6+s14+$0x0], $0xffff  }
0x325: {  	v11 =	vor.u32 v32, v1;
	v8 =	vld.idx.msk [tilespmem:v8+s14+$0x0], $0xffff  }
0x326: {  	v12 =	vor.u32 v24, v1;
	v4 =	vld.idx.msk [tilespmem:v4+s14+$0x0], $0xffff  }
0x327: {  	v9 =	vld.idx.msk [tilespmem:v9+s14+$0x0], $0xffff  }
0x328: {  	v13 =	vor.u32 v61, v1;
	v3 =	vld.idx.msk [tilespmem:v3+s14+$0x0], $0xffff  }
0x329: {  	v14 =	vor.u32 v36, v1;
	v10 =	vld.idx.msk [tilespmem:v10+s14+$0x0], $0xffff  }
0x32a: {  	v15 =	vor.u32 v41, v1;
	[tilespmem:v11+s17+$0x0] =	vst.idx.add.f32.msk $0xffff, v6  }
0x32b: {  	v6 =	vor.u32 v54, v1;
	[tilespmem:v12+s17+$0x0] =	vst.idx.add.f32.msk $0xffff, v5  }
0x32c: {  	v2 =	vadd.s32 v26, v0;
	v26 =	vmov v24;
	v5 =	vor.u32 v29, v1;
	v12 =	vld [tilespmem:$0x1FFE0]  }
0x32d: {  	v24 =	vmovc v57;
	v57 =	vmov v42;
	v42 =	vmov v20;
	[tilespmem:v13+s17+$0x0] =	vst.idx.add.f32.msk $0xffff, v7;
	v7 =	vor.u32 v31, v1  }
0x32e: {  	v20 =	vmovc v32;
	v32 =	vmov v31;
	v13 =	vor.u32 v49, v1;
	v31 =	vmov v30;
	[tilespmem:v14+s17+$0x0] =	vst.idx.add.f32.msk $0xffff, v4  }
0x32f: {  	v30 =	vmovc v29;
	v29 =	vmov v37;
	v37 =	vmov v55;
	v4 =	vadd.s32 v49, v0;
	[tilespmem:v15+s17+$0x0] =	vst.idx.add.f32.msk $0xffff, v3  }
0x330: {  	v55 =	vmov v54;
	v14 =	vor.u32 v52, v1;
	[tilespmem:v6+s17+$0x0] =	vst.idx.add.f32.msk $0xffff, v8;
	v6 =	vadd.s32 v18, v0  }
0x331: {  	v54 =	vmov v36;
	v15 =	vor.u32 v53, v1;
	v8 =	vadd.s32 v38, v0;
	[tilespmem:v5+s17+$0x0] =	vst.idx.add.f32.msk $0xffff, v10  }
0x332: {  	v36 =	vmov v53;
	v3 =	vadd.s32 v12, v0;
	v5 =	vadd.s32 v52, v0;
	[tilespmem:v7+s17+$0x0] =	vst.idx.add.f32.msk $0xffff, v9  }
0x333: {  	v7 =	vadd.s32 v53, v0;
	v53 =	vmovc v52;
	v52 =	vmovc v61;
	v61 =	vmov v49;
	v49 =	vmov v60;
	v60 =	vld [tilespmem:$0x1FE00]  }
0x334: {  	v10 =	vadd.s32 v59, v0;
	v4 =	vld.idx.msk [tilespmem:v4+s14+$0x0], $0xffff  }
0x335: {  	v6 =	vld.idx.msk [tilespmem:v6+s14+$0x0], $0xffff  }
0x336: {  	v9 =	vadd.s32 v43, v0;
	v8 =	vld.idx.msk [tilespmem:v8+s14+$0x0], $0xffff  }
0x337: {  	v11 =	vor.u32 v18, v1;
	v3 =	vld.idx.msk [tilespmem:v3+s14+$0x0], $0xffff  }
0x338: {  	v5 =	vld.idx.msk [tilespmem:v5+s14+$0x0], $0xffff  }
0x339: {  	v10 =	vld.idx.msk [tilespmem:v10+s14+$0x0], $0xffff  }
0x33a: {  	v12 =	vor.u32 v12, v1;
	v7 =	vld.idx.msk [tilespmem:v7+s14+$0x0], $0xffff  }
0x33b: {  	v9 =	vld.idx.msk [tilespmem:v9+s14+$0x0], $0xffff  }
0x33c: {  	[tilespmem:v11+s17+$0x0] =	vst.idx.add.f32.msk $0xffff, v6  }
0x33d: {  	v11 =	vld [tilespmem:$0x1FEE0]  }
0x33e: {  	v6 =	vor.u32 v38, v1;
	v38 =	vmov v34;
	v34 =	vld [tilespmem:$0x1FF40]  }
0x33f: {  	[tilespmem:v12+s17+$0x0] =	vst.idx.add.f32.msk $0xffff, v3  }
0x340: {  	[tilespmem:v13+s17+$0x0] =	vst.idx.add.f32.msk $0xffff, v4  }
0x341: {  	v3 =	vor.u32 v59, v1;
	[tilespmem:v14+s17+$0x0] =	vst.idx.add.f32.msk $0xffff, v5  }
0x342: {  	v4 =	vor.u32 v43, v1;
	v14 =	vld [tilespmem:$0x1FF20]  }
0x343: {  	v5 =	vadd.s32 v51, v0;
	[tilespmem:v15+s17+$0x0] =	vst.idx.add.f32.msk $0xffff, v7  }
0x344: {  	v7 =	vadd.s32 v40, v0;
	v15 =	vld [tilespmem:$0x1FF30]  }
0x345: {  	[tilespmem:v6+s17+$0x0] =	vst.idx.add.f32.msk $0xffff, v8;
	v6 =	vadd.s32 v11, v0  }
0x346: {  	[tilespmem:v3+s17+$0x0] =	vst.idx.add.f32.msk $0xffff, v10;
	v3 =	vadd.s32 v39, v0  }
0x347: {  	v10 =	vadd.s32 v58, v0;
	[tilespmem:v4+s17+$0x0] =	vst.idx.add.f32.msk $0xffff, v9  }
0x348: {  	v9 =	vadd.s32 v34, v0;
	v5 =	vld.idx.msk [tilespmem:v5+s14+$0x0], $0xffff  }
0x349: {  	v4 =	vadd.s32 v14, v0;
	v7 =	vld.idx.msk [tilespmem:v7+s14+$0x0], $0xffff  }
0x34a: {  	v8 =	vadd.s32 v15, v0;
	v6 =	vld.idx.msk [tilespmem:v6+s14+$0x0], $0xffff  }
0x34b: {  	v11 =	vor.u32 v11, v1;
	v3 =	vld.idx.msk [tilespmem:v3+s14+$0x0], $0xffff  }
0x34c: {  	v12 =	vor.u32 v40, v1;
	v10 =	vld.idx.msk [tilespmem:v10+s14+$0x0], $0xffff  }
0x34d: {  	v9 =	vld.idx.msk [tilespmem:v9+s14+$0x0], $0xffff  }
0x34e: {  	v13 =	vor.u32 v51, v1;
	v4 =	vld.idx.msk [tilespmem:v4+s14+$0x0], $0xffff  }
0x34f: {  	v8 =	vld.idx.msk [tilespmem:v8+s14+$0x0], $0xffff  }
0x350: {  	v14 =	vor.u32 v14, v1;
	[tilespmem:v11+s17+$0x0] =	vst.idx.add.f32.msk $0xffff, v6  }
0x351: {  	v15 =	vor.u32 v15, v1;
	[tilespmem:v12+s17+$0x0] =	vst.idx.add.f32.msk $0xffff, v7  }
0x352: {  	v12 =	vld [tilespmem:$0x1FF70]  }
0x353: {  	v6 =	vor.u32 v34, v1;
	[tilespmem:v13+s17+$0x0] =	vst.idx.add.f32.msk $0xffff, v5  }
0x354: {  	v13 =	vld [tilespmem:$0x1FFF0]  }
0x355: {  	v7 =	vor.u32 v39, v1;
	[tilespmem:v14+s17+$0x0] =	vst.idx.add.f32.msk $0xffff, v4  }
0x356: {  	v5 =	vor.u32 v58, v1;
	[tilespmem:v15+s17+$0x0] =	vst.idx.add.f32.msk $0xffff, v8  }
0x357: {  	v4 =	vadd.s32 v38, v0;
	v15 =	vld [tilespmem:$0x1FDF0]  }
0x358: {  	[tilespmem:v6+s17+$0x0] =	vst.idx.add.f32.msk $0xffff, v9;
	v9 =	vadd.s32 v35, v0  }
0x359: {  	v6 =	vadd.s32 v12, v0  }
0x35a: {  	[tilespmem:v7+s17+$0x0] =	vst.idx.add.f32.msk $0xffff, v3;
	v7 =	vadd.s32 v49, v0  }
0x35b: {  	v8 =	vadd.s32 v13, v0;
	[tilespmem:v5+s17+$0x0] =	vst.idx.add.f32.msk $0xffff, v10  }
0x35c: {  	v5 =	vadd.s32 v60, v0;
	v4 =	vld.idx.msk [tilespmem:v4+s14+$0x0], $0xffff  }
0x35d: {  	v3 =	vadd.s32 v15, v0;
	v9 =	vld.idx.msk [tilespmem:v9+s14+$0x0], $0xffff  }
0x35e: {  	v10 =	vadd.s32 v62, v0;
	v6 =	vld.idx.msk [tilespmem:v6+s14+$0x0], $0xffff  }
0x35f: {  	v12 =	vor.u32 v12, v1;
	v7 =	vld.idx.msk [tilespmem:v7+s14+$0x0], $0xffff  }
0x360: {  	v13 =	vor.u32 v13, v1;
	v8 =	vld.idx.msk [tilespmem:v8+s14+$0x0], $0xffff  }
0x361: {  	v14 =	vor.u32 v38, v1;
	v5 =	vld.idx.msk [tilespmem:v5+s14+$0x0], $0xffff  }
0x362: {  	v15 =	vor.u32 v15, v1;
	v11 =	vld.idx.msk [tilespmem:v3+s14+$0x0], $0xffff  }
0x363: {  	v3 =	vld.idx.msk [tilespmem:v10+s14+$0x0], $0xffff  }
0x364: {  	v10 =	vor.u32 v60, v1;
	[tilespmem:v12+s17+$0x0] =	vst.idx.add.f32.msk $0xffff, v6  }
0x365: {  	v60 =	vmov v49;
	[tilespmem:v13+s17+$0x0] =	vst.idx.add.f32.msk $0xffff, v8  }
0x366: {  	v12 =	vor.u32 v60, v1;
	[tilespmem:v14+s17+$0x0] =	vst.idx.add.f32.msk $0xffff, v4  }
0x367: {  	[tilespmem:v15+s17+$0x0] =	vst.idx.add.f32.msk $0xffff, v11  }
0x368: {  	v11 =	vld [tilespmem:$0x1FE40]  }
0x369: {  	[tilespmem:v10+s17+$0x0] =	vst.idx.add.f32.msk $0xffff, v5  }
0x36a: {  	v10 =	vld [tilespmem:$0x1FE30]  }
0x36b: {  	v8 =	vor.u32 v35, v1;
	[tilespmem:v12+s17+$0x0] =	vst.idx.add.f32.msk $0xffff, v7  }
0x36c: {  	p0 =	sne.s32 s18, $0x1F0;
	v59 =	vmov v40;
	v12 =	vld [tilespmem:$0x1FD90]  }
.Ltmp1:
0x36d: {  	v43 =	vmovc v51;
	v34 =	vmovc v38;
	v39 =	vmov v58;
	v49 =	vmov v61;
	v61 =	vmov v52;
	(pc) =	sbr.rel @p0 .LBB2_5-.Ltmp1, $4  }
0x36e: {  	v52 =	vmovc v53;
	v53 =	vmovc v36;
	v36 =	vmov v54;
	v54 =	vmov v55;
	v55 =	vmov v37  }
0x36f: {  	v37 =	vmovc v29;
	v29 =	vmovc v30;
	v30 =	vmov v31;
	v31 =	vmov v32;
	v32 =	vmov v20  }
0x370: {  	v20 =	vmovc v42;
	v42 =	vmovc v57;
	v57 =	vmov v24;
	v6 =	vor.u32 v62, v1;
	v15 =	vlaneseq.u32;
	[tilespmem:v8+s17+$0x0] =	vst.idx.add.f32.msk $0xffff, v9  }
0x371: {  	s18 =	sadd.s32 $0x10, s18;
	v24 =	vmovc v26;
	v5 =	vadd.s32 v11, v0;
	v7 =	vadd.s32 v10, v0;
	v4 =	vadd.s32 v12, v0  }
0x372: {  	_ = 	snop  }
0x373: {  	v13 =	vld [tilespmem:$0x1FE70]  }
0x374: {  	v14 =	vld [tilespmem:$0x1FE80]  }
0x375: {  	v26 =	vld [tilespmem:$0x1FE90]  }
0x376: {  	[tilespmem:v6+s17+$0x0] =	vst.idx.add.f32.msk $0xffff, v3  }
0x377: {  	v59 =	vadd.s32 v63, v0;
	v9 =	vor.u32 v12, v1;
	v12 =	vld [tilespmem:$0x1FE60]  }
0x378: {  	v5 =	vld.idx.msk [tilespmem:v5+s14+$0x0], $0xffff;
	v3 =	vadd.s32 v13, v0  }
0x379: {  	v7 =	vld.idx.msk [tilespmem:v7+s14+$0x0], $0xffff;
	v43 =	vadd.s32 v14, v0  }
0x37a: {  	v4 =	vld.idx.msk [tilespmem:v4+s14+$0x0], $0xffff;
	v8 =	vadd.s32 v26, v0  }
0x37b: {  	v2 =	vld.idx.msk [tilespmem:v2+s14+$0x0], $0xffff  }
0x37c: {  	v39 =	vor.u32 v10, v1;
	v0 =	vld.idx.msk [tilespmem:v59+s14+$0x0], $0xffff  }
0x37d: {  	v11 =	vor.u32 v11, v1;
	v3 =	vld.idx.msk [tilespmem:v3+s14+$0x0], $0xffff  }
0x37e: {  	v12 =	vor.u32 v12, v1;
	v6 =	vld.idx.msk [tilespmem:v43+s14+$0x0], $0xffff  }
0x37f: {  	v13 =	vor.u32 v13, v1;
	v8 =	vld.idx.msk [tilespmem:v8+s14+$0x0], $0xffff  }
0x380: {  	v14 =	vor.u32 v14, v1;
	[tilespmem:v9+s17+$0x0] =	vst.idx.add.f32.msk $0xffff, v4  }
0x381: {  	v43 =	vor.u32 v26, v1;
	[tilespmem:v39+s17+$0x0] =	vst.idx.add.f32.msk $0xffff, v7  }
0x382: {  	v59 =	vor.u32 v63, v1;
	[tilespmem:v11+s17+$0x0] =	vst.idx.add.f32.msk $0xffff, v5  }
0x383: {  	[tilespmem:v12+s17+$0x0] =	vst.idx.add.f32.msk $0xffff, v2  }
0x384: {  	[tilespmem:v13+s17+$0x0] =	vst.idx.add.f32.msk $0xffff, v3  }
0x385: {  	[tilespmem:v14+s17+$0x0] =	vst.idx.add.f32.msk $0xffff, v6  }
0x386: {  	s1 =	sshll.u32 s1, $0x3;
	s3 =	rddreg [dreg:$0x3];
	[tilespmem:v43+s17+$0x0] =	vst.idx.add.f32.msk $0xffff, v8  }
0x387: {  	s18 =	sadd.s32 s3, s1;
	s3 =	simm.s32 $0x0;
	[tilespmem:v59+s17+$0x0] =	vst.idx.add.f32.msk $0xffff, v0  }
0x388: {  	[hbm4b:s18+s3] =	stream.linear.scatter [tilespmem:s17], [sflag:$0x3], $0x8000, $0x38;
	[tilespmem:$0x14B50] =	vst v63  }
0x389: {  	_ =	swait.ge [sflag:s7], $0x2000  }
0x38a: {  	[sflag:s7] =	ssyncset.done $0x0  }
0x38b: {  	[sflag:s7] =	ssyncadd.s32 $0xFFFFE000  }
0x38c: {  	_ =	swait.ge [sflag:s7], $0x2000  }
0x38d: {  	[sflag:s7] =	ssyncset.done $0x0  }
0x38e: {  	[sflag:s7] =	ssyncadd.s32 $0xFFFFE000  }
0x38f: {  	_ =	swait.ge [sflag:s7], $0x2000  }
0x390: {  	[sflag:s7] =	ssyncset.done $0x0  }
0x391: {  	[sflag:s7] =	ssyncadd.s32 $0xFFFFE000  }
0x392: {  	_ =	swait.ge [sflag:s7], $0x2000  }
0x393: {  	v34 =	vmov v10;
	[sflag:s7] =	ssyncset.done $0x0  }
0x394: {  	v26 =	vmovc v18;
	v18 =	vmov v25;
	v25 =	vmov v44;
	v44 =	vmov v34;
	s18 =	simm.s32 $0x4950;
	[sflag:s7] =	ssyncadd.s32 $0xFFFFE000  }
.LBB2_7:
0x395: {  	v0 =	vld [tilespmem:s18+$0x0];
	_ =	sdelay $0x4  }
0x396: {  	v1 =	vmul.u32 $0x41, v0;
	_ =	sdelay $0x1  }
0x397: {  	v0 =	vadd.s32 v15, v1  }
0x398: {  	v2 =	vadd.s32 v48, v1  }
0x399: {  	v10 =	vld [tilespmem:$0x1FD80];
	v3 =	vadd.s32 v25, v1  }
0x39a: {  	v4 =	vadd.s32 v47, v1  }
0x39b: {  	v5 =	vadd.s32 v50, v1  }
0x39c: {  	v6 =	vmov s3;
	v8 =	vadd.s32 v56, v1;
	v7 =	vld.idx.msk [tilespmem:v0+s14+$0x0], $0xffff  }
0x39d: {  	v43 =	vshll.u32 v6, $0x6;
	v59 =	vadd.s32 v42, v1;
	v2 =	vld.idx.msk [tilespmem:v2+s14+$0x0], $0xffff  }
0x39e: {  	v9 =	vadd.s32 v20, v1;
	v3 =	vld.idx.msk [tilespmem:v3+s14+$0x0], $0xffff;
	v0 =	vor.u32 v10, v43  }
0x39f: {  	v4 =	vld.idx.msk [tilespmem:v4+s14+$0x0], $0xffff;
	v10 =	vor.u32 v15, v0  }
0x3a0: {  	v5 =	vld.idx.msk [tilespmem:v5+s14+$0x0], $0xffff;
	v11 =	vor.u32 v48, v0  }
0x3a1: {  	v8 =	vld.idx.msk [tilespmem:v8+s14+$0x0], $0xffff;
	v12 =	vor.u32 v25, v0  }
0x3a2: {  	v6 =	vld.idx.msk [tilespmem:v59+s14+$0x0], $0xffff;
	v13 =	vor.u32 v47, v0  }
0x3a3: {  	v9 =	vld.idx.msk [tilespmem:v9+s14+$0x0], $0xffff;
	v14 =	vor.u32 v50, v0  }
0x3a4: {  	v34 =	vor.u32 v56, v0;
	[tilespmem:v10+s25+$0x0] =	vst.idx.add.f32.msk $0xffff, v7  }
0x3a5: {  	v39 =	vor.u32 v42, v0;
	[tilespmem:v11+s25+$0x0] =	vst.idx.add.f32.msk $0xffff, v2  }
0x3a6: {  	v10 =	vor.u32 v20, v0;
	[tilespmem:v12+s25+$0x0] =	vst.idx.add.f32.msk $0xffff, v3  }
0x3a7: {  	v11 =	vadd.s32 v16, v1;
	[tilespmem:v13+s25+$0x0] =	vst.idx.add.f32.msk $0xffff, v4  }
0x3a8: {  	v43 =	vadd.s32 v17, v1;
	[tilespmem:v14+s25+$0x0] =	vst.idx.add.f32.msk $0xffff, v5  }
0x3a9: {  	v59 =	vadd.s32 v18, v1;
	[tilespmem:v34+s25+$0x0] =	vst.idx.add.f32.msk $0xffff, v8  }
0x3aa: {  	v34 =	vadd.s32 v45, v1;
	[tilespmem:v39+s25+$0x0] =	vst.idx.add.f32.msk $0xffff, v6  }
0x3ab: {  	v39 =	vadd.s32 v55, v1;
	[tilespmem:v10+s25+$0x0] =	vst.idx.add.f32.msk $0xffff, v9  }
0x3ac: {  	v6 =	vadd.s32 v21, v1;
	v4 =	vld.idx.msk [tilespmem:v11+s14+$0x0], $0xffff  }
0x3ad: {  	v5 =	vld.idx.msk [tilespmem:v43+s14+$0x0], $0xffff;
	v43 =	vadd.s32 v22, v1  }
0x3ae: {  	v7 =	vld.idx.msk [tilespmem:v59+s14+$0x0], $0xffff;
	v59 =	vadd.s32 v23, v1  }
0x3af: {  	v2 =	vld.idx.msk [tilespmem:v34+s14+$0x0], $0xffff;
	v34 =	vor.u32 v16, v0  }
0x3b0: {  	v3 =	vld.idx.msk [tilespmem:v39+s14+$0x0], $0xffff;
	v39 =	vor.u32 v17, v0  }
0x3b1: {  	v12 =	vor.u32 v18, v0;
	v6 =	vld.idx.msk [tilespmem:v6+s14+$0x0], $0xffff  }
0x3b2: {  	v13 =	vor.u32 v45, v0;
	v8 =	vld.idx.msk [tilespmem:v43+s14+$0x0], $0xffff  }
0x3b3: {  	v14 =	vor.u32 v55, v0;
	v9 =	vld.idx.msk [tilespmem:v59+s14+$0x0], $0xffff  }
0x3b4: {  	v43 =	vor.u32 v21, v0;
	[tilespmem:v34+s25+$0x0] =	vst.idx.add.f32.msk $0xffff, v4  }
0x3b5: {  	v59 =	vor.u32 v22, v0;
	[tilespmem:v39+s25+$0x0] =	vst.idx.add.f32.msk $0xffff, v5  }
0x3b6: {  	v10 =	vor.u32 v23, v0;
	[tilespmem:v12+s25+$0x0] =	vst.idx.add.f32.msk $0xffff, v7  }
0x3b7: {  	v11 =	vadd.s32 v57, v1;
	[tilespmem:v13+s25+$0x0] =	vst.idx.add.f32.msk $0xffff, v2  }
0x3b8: {  	v34 =	vadd.s32 v33, v1;
	[tilespmem:v14+s25+$0x0] =	vst.idx.add.f32.msk $0xffff, v3  }
0x3b9: {  	v39 =	vadd.s32 v19, v1;
	[tilespmem:v43+s25+$0x0] =	vst.idx.add.f32.msk $0xffff, v6  }
0x3ba: {  	v43 =	vadd.s32 v27, v1;
	[tilespmem:v59+s25+$0x0] =	vst.idx.add.f32.msk $0xffff, v8  }
0x3bb: {  	v59 =	vadd.s32 v28, v1;
	[tilespmem:v10+s25+$0x0] =	vst.idx.add.f32.msk $0xffff, v9  }
0x3bc: {  	v7 =	vadd.s32 v37, v1;
	v2 =	vld.idx.msk [tilespmem:v11+s14+$0x0], $0xffff  }
0x3bd: {  	v3 =	vld.idx.msk [tilespmem:v34+s14+$0x0], $0xffff;
	v34 =	vadd.s32 v30, v1  }
0x3be: {  	v4 =	vld.idx.msk [tilespmem:v39+s14+$0x0], $0xffff;
	v39 =	vadd.s32 v46, v1  }
0x3bf: {  	v5 =	vld.idx.msk [tilespmem:v43+s14+$0x0], $0xffff;
	v43 =	vor.u32 v57, v0  }
0x3c0: {  	v6 =	vld.idx.msk [tilespmem:v59+s14+$0x0], $0xffff;
	v59 =	vor.u32 v33, v0  }
0x3c1: {  	v12 =	vor.u32 v19, v0;
	v7 =	vld.idx.msk [tilespmem:v7+s14+$0x0], $0xffff  }
0x3c2: {  	v13 =	vor.u32 v27, v0;
	v8 =	vld.idx.msk [tilespmem:v34+s14+$0x0], $0xffff  }
0x3c3: {  	v14 =	vor.u32 v28, v0;
	v9 =	vld.idx.msk [tilespmem:v39+s14+$0x0], $0xffff  }
0x3c4: {  	v34 =	vor.u32 v37, v0;
	[tilespmem:v43+s25+$0x0] =	vst.idx.add.f32.msk $0xffff, v2  }
0x3c5: {  	v39 =	vor.u32 v30, v0;
	[tilespmem:v59+s25+$0x0] =	vst.idx.add.f32.msk $0xffff, v3  }
0x3c6: {  	v10 =	vor.u32 v46, v0;
	[tilespmem:v12+s25+$0x0] =	vst.idx.add.f32.msk $0xffff, v4  }
0x3c7: {  	v11 =	vadd.s32 v32, v1;
	[tilespmem:v13+s25+$0x0] =	vst.idx.add.f32.msk $0xffff, v5  }
0x3c8: {  	v43 =	vadd.s32 v24, v1;
	[tilespmem:v14+s25+$0x0] =	vst.idx.add.f32.msk $0xffff, v6  }
0x3c9: {  	v59 =	vadd.s32 v61, v1;
	[tilespmem:v34+s25+$0x0] =	vst.idx.add.f32.msk $0xffff, v7  }
0x3ca: {  	[tilespmem:v39+s25+$0x0] =	vst.idx.add.f32.msk $0xffff, v8  }
0x3cb: {  	v34 =	vadd.s32 v36, v1;
	[tilespmem:v10+s25+$0x0] =	vst.idx.add.f32.msk $0xffff, v9  }
0x3cc: {  	v39 =	vadd.s32 v41, v1;
	v5 =	vld.idx.msk [tilespmem:v11+s14+$0x0], $0xffff  }
0x3cd: {  	v7 =	vadd.s32 v54, v1;
	v6 =	vld.idx.msk [tilespmem:v43+s14+$0x0], $0xffff  }
0x3ce: {  	v43 =	vadd.s32 v29, v1;
	v2 =	vld.idx.msk [tilespmem:v59+s14+$0x0], $0xffff  }
0x3cf: {  	v59 =	vadd.s32 v31, v1;
	v11 =	vld [tilespmem:$0x1FFE0]  }
0x3d0: {  	v3 =	vld.idx.msk [tilespmem:v34+s14+$0x0], $0xffff;
	v34 =	vor.u32 v32, v0  }
0x3d1: {  	v4 =	vld.idx.msk [tilespmem:v39+s14+$0x0], $0xffff;
	v39 =	vor.u32 v24, v0  }
0x3d2: {  	v12 =	vor.u32 v61, v0;
	v7 =	vld.idx.msk [tilespmem:v7+s14+$0x0], $0xffff  }
0x3d3: {  	v13 =	vor.u32 v36, v0;
	v8 =	vld.idx.msk [tilespmem:v43+s14+$0x0], $0xffff  }
0x3d4: {  	v14 =	vor.u32 v41, v0;
	v9 =	vld.idx.msk [tilespmem:v59+s14+$0x0], $0xffff  }
0x3d5: {  	v43 =	vor.u32 v54, v0;
	[tilespmem:v34+s25+$0x0] =	vst.idx.add.f32.msk $0xffff, v5  }
0x3d6: {  	[tilespmem:v39+s25+$0x0] =	vst.idx.add.f32.msk $0xffff, v6;
	v39 =	vor.u32 v29, v0  }
0x3d7: {  	v34 =	vor.u32 v31, v0;
	[tilespmem:v12+s25+$0x0] =	vst.idx.add.f32.msk $0xffff, v2  }
0x3d8: {  	[tilespmem:v13+s25+$0x0] =	vst.idx.add.f32.msk $0xffff, v3  }
0x3d9: {  	v59 =	vadd.s32 v26, v1;
	[tilespmem:v14+s25+$0x0] =	vst.idx.add.f32.msk $0xffff, v4  }
0x3da: {  	[tilespmem:v43+s25+$0x0] =	vst.idx.add.f32.msk $0xffff, v7  }
0x3db: {  	v43 =	vadd.s32 v49, v1;
	[tilespmem:v39+s25+$0x0] =	vst.idx.add.f32.msk $0xffff, v8  }
0x3dc: {  	[tilespmem:v34+s25+$0x0] =	vst.idx.add.f32.msk $0xffff, v9  }
0x3dd: {  	v34 =	vld [tilespmem:$0x1FFD0]  }
0x3de: {  	v3 =	vld.idx.msk [tilespmem:v59+s14+$0x0], $0xffff  }
0x3df: {  	v59 =	vld [tilespmem:$0x1FEA0]  }
0x3e0: {  	v10 =	vadd.s32 v11, v1;
	v5 =	vld.idx.msk [tilespmem:v43+s14+$0x0], $0xffff  }
0x3e1: {  	v2 =	vadd.s32 v53, v1;
	v43 =	vld [tilespmem:$0x1FEC0]  }
0x3e2: {  	v39 =	vadd.s32 v52, v1;
	_ =	sdelay $0x1  }
0x3e3: {  	v7 =	vadd.s32 v34, v1  }
0x3e4: {  	v4 =	vld.idx.msk [tilespmem:v10+s14+$0x0], $0xffff;
	v8 =	vadd.s32 v59, v1  }
0x3e5: {  	v2 =	vld.idx.msk [tilespmem:v2+s14+$0x0], $0xffff;
	v9 =	vadd.s32 v43, v1  }
0x3e6: {  	v6 =	vld.idx.msk [tilespmem:v39+s14+$0x0], $0xffff;
	v39 =	vor.u32 v26, v0  }
0x3e7: {  	v11 =	vor.u32 v11, v0;
	v10 =	vld [tilespmem:$0x1FEE0]  }
0x3e8: {  	v12 =	vor.u32 v49, v0;
	v7 =	vld.idx.msk [tilespmem:v7+s14+$0x0], $0xffff  }
0x3e9: {  	v13 =	vor.u32 v52, v0;
	v8 =	vld.idx.msk [tilespmem:v8+s14+$0x0], $0xffff  }
0x3ea: {  	v9 =	vld.idx.msk [tilespmem:v9+s14+$0x0], $0xffff  }
0x3eb: {  	v14 =	vor.u32 v53, v0;
	[tilespmem:v39+s25+$0x0] =	vst.idx.add.f32.msk $0xffff, v3  }
0x3ec: {  	[tilespmem:v11+s25+$0x0] =	vst.idx.add.f32.msk $0xffff, v4  }
0x3ed: {  	v3 =	vor.u32 v34, v0;
	[tilespmem:v12+s25+$0x0] =	vst.idx.add.f32.msk $0xffff, v5  }
0x3ee: {  	v4 =	vor.u32 v59, v0;
	[tilespmem:v13+s25+$0x0] =	vst.idx.add.f32.msk $0xffff, v6  }
0x3ef: {  	v59 =	vor.u32 v43, v0;
	v13 =	vld [tilespmem:$0x1FF20]  }
0x3f0: {  	v34 =	vadd.s32 v10, v1;
	[tilespmem:v14+s25+$0x0] =	vst.idx.add.f32.msk $0xffff, v2  }
0x3f1: {  	v14 =	vld [tilespmem:$0x1FF30]  }
0x3f2: {  	v39 =	vadd.s32 v40, v1;
	[tilespmem:v3+s25+$0x0] =	vst.idx.add.f32.msk $0xffff, v7  }
0x3f3: {  	[tilespmem:v4+s25+$0x0] =	vst.idx.add.f32.msk $0xffff, v8  }
0x3f4: {  	[tilespmem:v59+s25+$0x0] =	vst.idx.add.f32.msk $0xffff, v9  }
0x3f5: {  	v43 =	vadd.s32 v51, v1;
	v6 =	vld.idx.msk [tilespmem:v34+s14+$0x0], $0xffff  }
0x3f6: {  	v34 =	vld [tilespmem:$0x1FF40]  }
0x3f7: {  	v2 =	vld.idx.msk [tilespmem:v39+s14+$0x0], $0xffff  }
0x3f8: {  	v39 =	vld [tilespmem:$0x1FF50]  }
0x3f9: {  	v4 =	vadd.s32 v13, v1  }
0x3fa: {  	v3 =	vld.idx.msk [tilespmem:v43+s14+$0x0], $0xffff;
	v43 =	vadd.s32 v58, v1  }
0x3fb: {  	v59 =	vadd.s32 v14, v1  }
0x3fc: {  	v7 =	vadd.s32 v34, v1  }
0x3fd: {  	v11 =	vld [tilespmem:$0x1FFF0];
	v8 =	vadd.s32 v39, v1  }
0x3fe: {  	v10 =	vor.u32 v10, v0;
	v4 =	vld.idx.msk [tilespmem:v4+s14+$0x0], $0xffff  }
0x3ff: {  	v9 =	vld.idx.msk [tilespmem:v43+s14+$0x0], $0xffff  }
0x400: {  	v5 =	vld.idx.msk [tilespmem:v59+s14+$0x0], $0xffff;
	v59 =	vor.u32 v40, v0  }
0x401: {  	v12 =	vor.u32 v51, v0;
	v7 =	vld.idx.msk [tilespmem:v7+s14+$0x0], $0xffff  }
0x402: {  	v13 =	vor.u32 v13, v0;
	v8 =	vld.idx.msk [tilespmem:v8+s14+$0x0], $0xffff  }
0x403: {  	[tilespmem:v10+s25+$0x0] =	vst.idx.add.f32.msk $0xffff, v6  }
0x404: {  	v14 =	vor.u32 v14, v0;
	v10 =	vld [tilespmem:$0x1FF70]  }
0x405: {  	[tilespmem:v59+s25+$0x0] =	vst.idx.add.f32.msk $0xffff, v2  }
0x406: {  	v43 =	vor.u32 v34, v0;
	[tilespmem:v12+s25+$0x0] =	vst.idx.add.f32.msk $0xffff, v3  }
0x407: {  	v2 =	vor.u32 v39, v0;
	[tilespmem:v13+s25+$0x0] =	vst.idx.add.f32.msk $0xffff, v4  }
0x408: {  	v59 =	vor.u32 v58, v0;
	v13 =	vld [tilespmem:$0x1FDF0]  }
0x409: {  	v39 =	vadd.s32 v11, v1;
	[tilespmem:v14+s25+$0x0] =	vst.idx.add.f32.msk $0xffff, v5  }
0x40a: {  	v14 =	vld [tilespmem:$0x1FE00]  }
0x40b: {  	v34 =	vadd.s32 v10, v1;
	[tilespmem:v43+s25+$0x0] =	vst.idx.add.f32.msk $0xffff, v7  }
0x40c: {  	v43 =	vadd.s32 v38, v1;
	[tilespmem:v2+s25+$0x0] =	vst.idx.add.f32.msk $0xffff, v8  }
0x40d: {  	[tilespmem:v59+s25+$0x0] =	vst.idx.add.f32.msk $0xffff, v9;
	v2 =	vadd.s32 v13, v1  }
0x40e: {  	v5 =	vld.idx.msk [tilespmem:v39+s14+$0x0], $0xffff;
	v39 =	vadd.s32 v35, v1  }
0x40f: {  	v59 =	vadd.s32 v14, v1  }
0x410: {  	v4 =	vld.idx.msk [tilespmem:v34+s14+$0x0], $0xffff;
	v34 =	vadd.s32 v60, v1  }
0x411: {  	v6 =	vld.idx.msk [tilespmem:v43+s14+$0x0], $0xffff;
	v43 =	vadd.s32 v62, v1  }
0x412: {  	v10 =	vor.u32 v10, v0;
	v2 =	vld.idx.msk [tilespmem:v2+s14+$0x0], $0xffff  }
0x413: {  	v8 =	vld.idx.msk [tilespmem:v39+s14+$0x0], $0xffff  }
0x414: {  	v11 =	vor.u32 v11, v0;
	v3 =	vld.idx.msk [tilespmem:v59+s14+$0x0], $0xffff  }
0x415: {  	v7 =	vld.idx.msk [tilespmem:v34+s14+$0x0], $0xffff  }
0x416: {  	v12 =	vor.u32 v38, v0;
	v9 =	vld.idx.msk [tilespmem:v43+s14+$0x0], $0xffff  }
0x417: {  	[tilespmem:v10+s25+$0x0] =	vst.idx.add.f32.msk $0xffff, v4  }
0x418: {  	v13 =	vor.u32 v13, v0;
	v10 =	vld [tilespmem:$0x1FD90]  }
0x419: {  	[tilespmem:v11+s25+$0x0] =	vst.idx.add.f32.msk $0xffff, v5  }
0x41a: {  	v14 =	vor.u32 v14, v0;
	v11 =	vld [tilespmem:$0x1FE40]  }
0x41b: {  	[tilespmem:v12+s25+$0x0] =	vst.idx.add.f32.msk $0xffff, v6  }
0x41c: {  	v4 =	vor.u32 v60, v0;
	v12 =	vld [tilespmem:$0x1FE60]  }
0x41d: {  	v59 =	vor.u32 v35, v0;
	[tilespmem:v13+s25+$0x0] =	vst.idx.add.f32.msk $0xffff, v2  }
0x41e: {  	v34 =	vor.u32 v62, v0;
	v13 =	vld [tilespmem:$0x1FE70]  }
0x41f: {  	[tilespmem:v14+s25+$0x0] =	vst.idx.add.f32.msk $0xffff, v3;
	v39 =	vadd.s32 v10, v1  }
0x420: {  	v14 =	vld [tilespmem:$0x1FE80]  }
0x421: {  	[tilespmem:v4+s25+$0x0] =	vst.idx.add.f32.msk $0xffff, v7  }
0x422: {  	[tilespmem:v59+s25+$0x0] =	vst.idx.add.f32.msk $0xffff, v8  }
0x423: {  	[tilespmem:v34+s25+$0x0] =	vst.idx.add.f32.msk $0xffff, v9  }
0x424: {  	v2 =	vld.idx.msk [tilespmem:v39+s14+$0x0], $0xffff  }
0x425: {  	v43 =	vadd.s32 v44, v1;
	v39 =	vld [tilespmem:$0x1FE90]  }
0x426: {  	v4 =	vadd.s32 v11, v1  }
0x427: {  	v59 =	vadd.s32 v12, v1  }
0x428: {  	v34 =	vadd.s32 v13, v1  }
0x429: {  	v7 =	vadd.s32 v14, v1  }
0x42a: {  	v3 =	vld.idx.msk [tilespmem:v43+s14+$0x0], $0xffff;
	v43 =	vadd.s32 v39, v1  }
0x42b: {  	v4 =	vld.idx.msk [tilespmem:v4+s14+$0x0], $0xffff;
	v1 =	vadd.s32 v63, v1  }
0x42c: {  	v5 =	vld.idx.msk [tilespmem:v59+s14+$0x0], $0xffff;
	v59 =	vor.u32 v10, v0  }
0x42d: {  	v6 =	vld.idx.msk [tilespmem:v34+s14+$0x0], $0xffff;
	v34 =	vor.u32 v44, v0  }
0x42e: {  	v11 =	vor.u32 v11, v0;
	v7 =	vld.idx.msk [tilespmem:v7+s14+$0x0], $0xffff  }
0x42f: {  	v12 =	vor.u32 v12, v0;
	v8 =	vld.idx.msk [tilespmem:v43+s14+$0x0], $0xffff  }
0x430: {  	v13 =	vor.u32 v13, v0;
	v1 =	vld.idx.msk [tilespmem:v1+s14+$0x0], $0xffff  }
0x431: {  	[tilespmem:v59+s25+$0x0] =	vst.idx.add.f32.msk $0xffff, v2;
	v43 =	vor.u32 v14, v0  }
0x432: {  	v59 =	vor.u32 v39, v0;
	[tilespmem:v34+s25+$0x0] =	vst.idx.add.f32.msk $0xffff, v3  }
0x433: {  	p0 =	sne.s32 s3, $0x1F0;
	v0 =	vor.u32 v63, v0;
	[tilespmem:v11+s25+$0x0] =	vst.idx.add.f32.msk $0xffff, v4  }
.Ltmp2:
0x434: {  	[tilespmem:v12+s25+$0x0] =	vst.idx.add.f32.msk $0xffff, v5;
	(pc) =	sbr.rel @p0 .LBB2_7-.Ltmp2, $4  }
0x435: {  	[tilespmem:v13+s25+$0x0] =	vst.idx.add.f32.msk $0xffff, v6  }
0x436: {  	[tilespmem:v43+s25+$0x0] =	vst.idx.add.f32.msk $0xffff, v7  }
0x437: {  	[tilespmem:v59+s25+$0x0] =	vst.idx.add.f32.msk $0xffff, v8  }
0x438: {  	s18 =	sadd.s32 $0x10, s18;
	s3 =	sadd.s32 $0x10, s3;
	[tilespmem:v0+s25+$0x0] =	vst.idx.add.f32.msk $0xffff, v1  }
0x439: {  	s1 =	sadd.s32 s1, s10  }
0x43a: {  	[hbm4b:s1+s4] =	stream.linear.scatter [tilespmem:s25], [sflag:$0x3], $0x8000, $0x38;
	[tilespmem:$0x14B50] =	vst v63  }
0x43b: {  	s0 =	sadd.s32 $0x1, s0;
	_ =	swait.ge [sflag:s8], $0x8000  }
0x43c: {  	p0 =	sne.s32 s0, $0x19;
	[sflag:s8] =	ssyncset.done $0x0  }
.Ltmp3:
0x43d: {  	v34 =	vmovc v38;
	v2 =	vmovc v48;
	v14 =	vmov v47;
	v12 =	vmov v56;
	v13 =	vmov v42;
	[sflag:s8] =	ssyncadd.s32 $0xFFFF8000;
	(pc) =	sbr.rel @p0 .LBB2_4-.Ltmp3, $4  }
0x43e: {  	v48 =	vmovc v20;
	v0 =	vmovc v19;
	v19 =	vmov v50;
	v11 =	vmov v45;
	v20 =	vmov v55;
	_ =	swait.ge [sflag:s8], $0x8000  }
0x43f: {  	v9 =	vmovc v24;
	v63 =	vmovc v54;
	v54 =	vmov v53;
	v53 =	vmov v52;
	v52 =	vmov v49;
	v49 =	vld [tilespmem:$0x1FFE0]  }
0x440: {  	v24 =	vmovc v57;
	v10 =	vmovc v26;
	v57 =	vmov v29;
	v29 =	vmov v37;
	v8 =	vmov v31;
	[sflag:s8] =	ssyncset.done $0x0;
	v58 =	vld [tilespmem:$0x1FFD0]  }
0x441: {  	v31 =	vmovc v46;
	v50 =	vmovc v61;
	v51 =	vmov v41;
	v26 =	vmov v0;
	v46 =	vmov v2;
	v60 =	vld [tilespmem:$0x1FFF0];
	[sflag:s8] =	ssyncadd.s32 $0xFFFF8000  }
0x442: {  	s1 =	rddreg [dreg:$0x8]  }
0x443: {  	s0 =	rddreg [dreg:$0x7];
	s1 =	sadd.s32 $0x1, s1  }
0x444: {  	p0 =	sne.s32 s1, s0  }
.Ltmp4:
0x445: {  	_ = 	snop;
	(pc) =	sbr.rel @p0 .LBB2_1-.Ltmp4, $1  }
0x446: {  	_ =	sdelay $0x3  }
0x447: {  	_ =	sfence.sel $0x180000  }
0x448: {  	[bflag:$0x0] =	sbarrier.arrive $0xFFFF  }
0x449: {  	_ =	strace $0x90000047  }
0x44a: {  	s0 =	stileid.u32;
	[bflag:$0x2] =	sbarrier.arrive $0xFFFF  }
0x44b: {  	p0 =	sne.s32 s0, $0x0;
	s0 =	rddreg [dreg:$0x4]  }
0x44c: {  	s0 =	sadd.s32 @!p0 $0x100000, s0  }
0x44d: {  	[sflag:s0] =	ssyncadd.tile.s32 @!p0 $0x1;
	_ =	shalt  }
.Lfunc_end2:
_tile_overlayer_lowered:
.L_overlay_start_2:
0x44e: {  	(tag) =	ssettag $0x2  }
0x44f: {  	s0 =	rddreg [dreg:$0x0];
	s2 =	stileid.u32  }
0x450: {  	s1 =	rddreg [dreg:$0x1];
	p0 =	sne.s32 s2, $0x0  }
0x451: {  	s3 =	rddreg [dreg:$0x2];
	[bflag:$0x3] =	sbarrier.arrive $0xFFFF;
	s2 =	simm.s32 @!p0 $0x1C04  }
0x452: {  	[timem:s3], [sflag:s2] =	dma.local @!p0 [hbm:s0], s1  }
0x453: {  	s0 =	simm.s32 @!p0 $0x4  }
0x454: {  	_ =	swait.ge @!p0 [sflag:s0], s1  }
0x455: {  	s1 =	ssub.s32 @!p0 $0x0, s1;
	[sflag:s0] =	ssyncset.done @!p0 $0x0  }
0x456: {  	[sflag:s0] =	ssyncadd.s32 @!p0 s1  }
0x457: {  	[bflag:$0x3] =	sbarrier.arrive $0xFFFF  }
0x458: {  	_ =	shalt  }

// kernel: sparse-core-data-format-call.cloned.1.call-start
scs
called_computation_lowered:
.L_overlay_start_0:
0x0: {  	s2 =	sld [smem:$0x3FD9]  }
0x1: {  	s3 =	sld [smem:$0x3FFE];
	_ =	sdelay $0x1  }
0x2: {  	s1 =	srdreg.scid  }
0x3: {  	s0 =	sand.u32 $0x1, s1  }
0x4: {  	s18 =	sshll.u32 s0, $0xA;
	s2 =	sadd.s32 s3, s2  }
0x5: {  	s2 =	sadd.s32 s2, s18  }
0x6: {  	[smem:$0x3FC3] =	sst s2  }
0x7: {  	_ = 	snop  }
0x8: {  	s2 =	sld [smem:$0x3FD0];
	(tm) =	ssettm $0x1  }
0x9: {  	s19 =	sld [smem:$0x3FFB];
	_ =	sdelay $0x3  }
0xa: {  	_ =	strace s19  }
0xb: {  	s3 =	sld [smem:$0x3FFC];
	_ =	sdelay $0x3  }
0xc: {  	_ =	strace s3  }
0xd: {  	s3 =	sld [smem:$0x3FFD];
	_ =	sdelay $0x3  }
0xe: {  	_ =	strace s3  }
0xf: {  	_ =	strace $0x8FFFFFFF  }
0x10: {  	s20 =	sld [smem:$0x3FDB];
	_ =	sdelay $0x1  }
0x11: {  	s4 =	simm.s32 $_scs_section_size  }
0x12: {  	s5 =	simm.s32 $_size__tile_overlayer_lowered;
	s6 =	simm.s32 $_tile_overlayer_lowered  }
0x13: {  	s23 =	simm.s32 $0x1BFF;
	s22 =	sshll.u32 s6, $0x1;
	s3 =	sadd.s32 s4, s20  }
0x14: {  	s7 =	simm.s32 $0x0;
	s21 =	sshll.u32 s5, $0x1;
	s5 =	sadd.s32 s22, s3  }
0x15: {  	[timem:s7], [sflag:s23] =	dma.local [hbm:s5], s21  }
0x16: {  	_ =	swait.ge [sflag:s23], s21  }
0x17: {  	s4 =	ssub.s32 $0x0, s21;
	[sflag:s23] =	ssyncset.done $0x0  }
0x18: {  	[sflag:s23] =	ssyncadd.s32 s4;
	_ =	sdelay $0x1  }
0x19: {  	s24 =	simm.s32 $0x1B8B  }
0x1a: {  	_ =	swait.ge [sflag:s24], $0x1  }
0x1b: {  	[sflag:s24] =	ssyncset.done $0x0  }
0x1c: {  	s26 =	simm.s32 $0x1B8E;
	s25 =	sld [smem:$0x3FFE];
	[sflag:s24] =	ssyncadd.s32 $0xFFFFFFFF  }
0x1d: {  	s27 =	simm.s32 $execute0_lowered;
	[smem:$0x3FD2] =	sst s26  }
0x1e: {  	s5 =	sshll.u32 s27, $0x1;
	_ =	strace $0x80000049;
	[dreg:$0x1] =	wrdreg $0xFFFFFFFF  }
0x1f: {  	s28 =	simm.s32 $_size_execute0_lowered;
	s3 =	sadd.s32 s3, s5;
	[dreg:$0x0] =	wrdreg $0x0  }
0x20: {  	s5 =	sshll.u32 s28, $0x1;
	[dreg:$0x2] =	wrdreg s3  }
0x21: {  	[dreg:$0x3] =	wrdreg s5  }
0x22: {  	[dreg:$0x4] =	wrdreg $0xC0  }
0x23: {  	_ =	task [dreg:s7], $0x5FFFF  }
0x24: {  	[dreg:$0x1] =	wrdreg $0xFFFFFFFF  }
0x25: {  	[dreg:$0x0] =	wrdreg $0x60  }
0x26: {  	[dreg:$0x2] =	wrdreg s25  }
0x27: {  	[dreg:$0x3] =	wrdreg s2  }
0x28: {  	[dreg:$0x4] =	wrdreg $0x9  }
0x29: {  	_ =	task.clear_ibuf [dreg:s7], $0x5FFFF;
	_ =	strace $0x90000049  }
0x2a: {  	s29 =	simm.s32 $0x9;
	_ =	strace $0x8000004B  }
0x2b: {  	_ =	swait.ge [sflag:s29], $0x1  }
0x2c: {  	[sflag:s29] =	ssyncadd.s32 $0xFFFFFFFF  }
0x2d: {  	_ =	strace $0x9000004B  }
0x2e: {  	_ =	sfence  }
0x2f: {  	s30 =	sld [smem:$0x0];
	_ =	sdelay $0x2  }
0x30: {  	s31 =	sshll.u32 s1, $0xD;
	s1 =	sshrl.u32 s1, $0x2  }
0x31: {  	s3 =	sand.u32 $0x4000, s31;
	s1 =	sadd.s32 s1, s30  }
0x32: {  	s0 =	sor.u32 s3, s0;
	s1 =	sshll.u32 s1, $0x11  }
0x33: {  	s0 =	sor.u32 s1, s0  }
0x34: {  	s0 =	sadd.s32 $0x8F2B, s0  }
0x35: {  	[sflag:s0] =	ssyncadd.remote.s32 $0x1  }
0x36: {  	_ =	sfence.sel $0xFFFF  }
0x37: {  	[dreg:$0x0] =	wrdreg $0xFFFFFFFF;
	(pc) =	sbr.abs _section_cstart, $3  }
0x38: {  	[dreg:$0x1] =	wrdreg $0xFFFFFFFF  }
0x39: {  	_ =	task.clear_ibuf [dreg:s7], $0x2FFFF;
	_ =	strace $0x9FFFFFFF  }
0x3a: {  	(tm) =	ssettm $0x7FFFFFFF  }
0x3b: {  	_ =	shalt  }
tec
execute0_lowered:
.L_overlay_start_1:
0x0: {  	(tag) =	ssettag $0x1  }
0x1: {  	s0 =	srdreg.scid  }
0x2: {  	s1 =	sshll.u32 s0, $0x4  }
0x3: {  	s4 =	rddreg [dreg:$0x0];
	s0 =	stileid.u32;
	s1 =	sand.u32 $0x10, s1  }
0x4: {  	s2 =	rddreg [dreg:$0x1];
	s7 =	simm.s32 $0x1;
	s1 =	sor.u32 s0, s1  }
0x5: {  	s8 =	simm.s32 $0x2;
	s11 =	simm.s32 $0x0;
	s3 =	sshll.u32 s1, $0x7  }
0x6: {  	s10 =	simm.s32 $0x0;
	s4 =	sadd.s32 $0x800, s4;
	s6 =	ssub.s32 $0xC8000, s3  }
.Ltmp0:
0x7: {  	s1 =	rddreg [dreg:$0x2];
	s5 =	sand.u32 $0xF80, s6;
	(pc) =	sbr.rel .LBB1_1-.Ltmp0, $4  }
0x8: {  	_ =	strace $0x8000004A;
	s9 =	smov.u32 s3;
	p0 =	sne.s32 s5, $0x0  }
0x9: {  	s6 =	sshrl.u32 s6, $0xC;
	s5 =	simm.s32 $0x1;
	s7 =	simm.s32 @!p0 $0x0  }
0xa: {  	[sflag:s5] =	ssyncpa.u1 $0x0;
	p0 =	por $0x0, $0x0;
	s6 =	sadd.s32 s7, s6  }
0xb: {  	[sflag:s8] =	ssyncpa.u1 $0x0;
	s8 =	simm.s32 $0x640000;
	s7 =	sadd.s32 $0x1, s6  }
.LBB1_4:
0xc: {  	s14 =	sshll.u32 s11, $0x3  }
0xd: {  	s30 =	sand.u32 $0x7F, s11;
	s15 =	sand.u32 $0xFFFFFC00, s14  }
0xe: {  	s11 =	sor.u32 s30, s15  }
0xf: {  	s15 =	smulhi.u32 $0x51EB851F, s11  }
0x10: {  	s14 =	smulhi.u32 $0x51EB851F, s14  }
0x11: {  	s15 =	sshrl.u32 s15, $0x12  }
0x12: {  	s14 =	sshrl.u32 s14, $0x12;
	s15 =	smul.u32 $0xC8000, s15  }
0x13: {  	s14 =	sand.u32 $0x3F, s14  }
0x14: {  	s14 =	smul.u32 $0x19000, s14;
	s11 =	ssub.s32 s11, s15  }
0x15: {  	[tilespmem:s13+$0x810 ss:$0x81] =	vst.msk $0xffff, v2;
	s15 =	sand.u32 $0x7, s11  }
0x16: {  	[tilespmem:s13+$0x1020 ss:$0x81] =	vst.msk $0xffff, v0;
	s14 =	sadd.s32 s2, s14;
	s11 =	sshrl.u32 s11, $0x3;
	s15 =	sshll.u32 s15, $0x12  }
0x17: {  	[tilespmem:s13+$0x0 ss:$0x81] =	vst.msk $0xffff, v1;
	s11 =	sadd.s32 s11, s14;
	s31 =	sor.u32 $0x400, s15  }
0x18: {  	[hbm4b:s11+s31] =	stream.strided.scatter [tilespmem:s12], [sflag:$0x2], $0x2000, s8, s31, $0x20;
	[tilespmem:$0x8080] =	vst v63  }
.LBB1_5:
0x19: {  	s13 =	sadd.s32 $0x1000, s9  }
0x1a: {  	p2 =	sgt.s32 s13, $0xC7FFF  }
0x1b: {  	s13 =	smov.u32 @p2 s3;
	p2 =	sne.s32 s10, s7  }
.Ltmp1:
0x1c: {  	p1 =	slt.u32 s10, $0x2;
	(pc) =	sbr.rel @!p2 .LBB1_6-.Ltmp1, $4  }
0x1d: {  	s12 =	simm.s32 @!p1 $0x2  }
0x1e: {  	s14 =	sadd.s32 $0x1, s10;
	_ =	swait.ge @!p1 [sflag:s12], $0x2000  }
0x1f: {  	s11 =	smov.u32 s9;
	p0 =	por !p0, !p0;
	[sflag:s12] =	ssyncset.done @!p1 $0x0  }
0x20: {  	s10 =	smov.u32 s14;
	s9 =	smov.u32 s13;
	[sflag:s12] =	ssyncadd.s32 @!p1 $0xFFFFE000  }
.LBB1_1:
0x21: {  	p1 =	sge.u32 s10, s6  }
0x22: {  	s12 =	sand.u32 @!p1 $0x1FFFFFF, s9  }
0x23: {  	s13 =	smulhi.u32 @!p1 $0x147AE15, s12;
	_ =	sdelay $0x1  }
0x24: {  	s13 =	sshrl.u32 @!p1 s13, $0xC  }
0x25: {  	s13 =	smul.u32 @!p1 $0xC8000, s13;
	_ =	sdelay $0x1  }
0x26: {  	s31 =	sadd.s32 $0xFFFFFFFF, s10;
	s14 =	sxor.u32 @!p1 $0xFFFFFFFF, s10;
	s12 =	ssub.s32 @!p1 s12, s13  }
0x27: {  	s15 =	simm.s32 @!p1 $0x80;
	s14 =	sshll.u32 @!p1 s14, $0xD;
	s12 =	sshll.u32 @!p1 s12, $0x4  }
0x28: {  	s13 =	sand.u32 @!p1 $0x2000, s14;
	s14 =	simm.s32 @!p1 $0x40;
	s12 =	sadd.s32 @!p1 s4, s12  }
0x29: {  	[tilespmem:s13], [sflag:$0x1] =	stream.strided.gather @!p1 [hbm4b:s12+s14], $0x2000, s15, s14, $0x38;
	[tilespmem:$0x8080] =	vst v63  }
0x2a: {  	p1 =	sge.u32 s31, s6  }
.Ltmp2:
0x2b: {  	_ = 	snop;
	(pc) =	sbr.rel @p1 .LBB1_5-.Ltmp2, $1  }
0x2c: {  	_ =	sdelay $0x3  }
0x2d: {  	s12 =	simm.s32 $0x1  }
0x2e: {  	_ =	swait.ge [sflag:s5], $0x2000;
	s12 =	simm.s32 @!p0 $0x0  }
0x2f: {  	[sflag:s5] =	ssyncset.done $0x0;
	s13 =	sshll.u32 s12, $0xD  }
0x30: {  	[sflag:s5] =	ssyncadd.s32 $0xFFFFE000;
	s16 =	sor.u32 $0x20, s13  }
0x31: {  	s12 =	smul.u32 $0x8100, s12;
	v3 =	vld [tilespmem:s16+$0x10]  }
0x32: {  	s30 =	sand.u32 $0x1, s10;
	v2 =	vld [tilespmem:s16+$0xFFFFFFF0]  }
0x33: {  	s13 =	smul.u32 $0x8100, s30;
	s12 =	sshrl.u32 s12, $0x2;
	v0 =	vld [tilespmem:s16+$0x0]  }
0x34: {  	v1 =	vld [tilespmem:s16+$0xFFFFFFE0];
	s14 =	sor.u32 $0x4000, s12  }
0x35: {  	s31 =	sshrl.u32 s13, $0x2;
	s13 =	sadd.s32 $0x0, s14  }
0x36: {  	s15 =	simm.s32 $0x4;
	s16 =	sadd.s32 $0x40, s16;
	s12 =	sor.u32 $0x4000, s31;
	[tilespmem:s13+$0x1830 ss:$0x81] =	vst.msk $0xffff, v3  }
.LBB1_3:
0x37: {  	v3 =	vld [tilespmem:s16+$0x10];
	p1 =	sne.s32 s15, $0x1FC;
	[tilespmem:s13+$0x810 ss:$0x81] =	vst.msk $0xffff, v2;
	s17 =	smov.u32 s15;
	s15 =	sadd.s32 $0x4, s15  }
.Ltmp3:
0x38: {  	v2 =	vld [tilespmem:s16+$0xFFFFFFF0];
	[tilespmem:s13+$0x1020 ss:$0x81] =	vst.msk $0xffff, v0;
	(pc) =	sbr.rel @p1 .LBB1_3-.Ltmp3, $4  }
0x39: {  	v0 =	vld [tilespmem:s16+$0x0];
	[tilespmem:s13+$0x0 ss:$0x81] =	vst.msk $0xffff, v1  }
0x3a: {  	s13 =	sshra.s32 s17, $0x2;
	v1 =	vld [tilespmem:s16+$0xFFFFFFE0]  }
0x3b: {  	s13 =	sadd.s32 s13, s14  }
0x3c: {  	s16 =	sadd.s32 $0x40, s16;
	[tilespmem:s13+$0x1830 ss:$0x81] =	vst.msk $0xffff, v3  }
.Ltmp4:
0x3d: {  	_ = 	snop;
	(pc) =	sbr.rel .LBB1_4-.Ltmp4, $1  }
0x3e: {  	_ =	sdelay $0x3  }
.LBB1_6:
0x3f: {  	_ =	sfence.sel $0x180000  }
0x40: {  	s2 =	simm.s32 $0x1;
	[bflag:$0x0] =	sbarrier.arrive $0xFFFF  }
0x41: {  	s31 =	simm.s32 $0x2;
	[sflag:s2] =	ssyncpa.u1 $0x1  }
0x42: {  	[sflag:s31] =	ssyncpa.u1 $0x1  }
0x43: {  	p0 =	sne.s32 s0, $0x0;
	_ =	strace $0x9000004A  }
0x44: {  	s0 =	sadd.s32 @!p0 $0x100000, s1;
	[bflag:$0x2] =	sbarrier.arrive $0xFFFF  }
0x45: {  	[sflag:s0] =	ssyncadd.tile.s32 @!p0 $0x1;
	_ =	shalt  }
.Lfunc_end1:
_tile_overlayer_lowered:
.L_overlay_start_2:
0x46: {  	(tag) =	ssettag $0x2  }
0x47: {  	s0 =	rddreg [dreg:$0x0];
	s2 =	stileid.u32  }
0x48: {  	s1 =	rddreg [dreg:$0x1];
	p0 =	sne.s32 s2, $0x0  }
0x49: {  	s3 =	rddreg [dreg:$0x2];
	[bflag:$0x3] =	sbarrier.arrive $0xFFFF;
	s2 =	simm.s32 @!p0 $0x1C01  }
0x4a: {  	[timem:s3], [sflag:s2] =	dma.local @!p0 [hbm:s0], s1  }
0x4b: {  	s0 =	simm.s32 @!p0 $0x1  }
0x4c: {  	_ =	swait.ge @!p0 [sflag:s0], s1  }
0x4d: {  	s1 =	ssub.s32 @!p0 $0x0, s1;
	[sflag:s0] =	ssyncset.done @!p0 $0x0  }
0x4e: {  	[sflag:s0] =	ssyncadd.s32 @!p0 s1  }
0x4f: {  	[bflag:$0x3] =	sbarrier.arrive $0xFFFF  }
0x50: {  	_ =	shalt  }

</sc_bundles>
